<compile_context>
chip_gen: v7x
topology: tpu7x:2x2x1
jax: 0.10.2.dev20260603
libtpu: 0.0.44.dev20260713+nightly
codegen_flags: <defaults>
</compile_context>

<pallas_src>
import functools
import jax
import jax.numpy as jnp
from jax import lax
from jax.experimental import pallas as pl
from jax.experimental.pallas import tpu as pltpu
from jax.experimental.pallas import tpu_sc as plsc

N, M, D = 10000, 32, 128
L = 16
NW = 32
NDC = D // L

S_SC = 4000
K = 8
ROWS = K * M
CH = S_SC // K
CH_Q, CH_R = CH // NW, CH % NW

NB = 400
TC_OFF = S_SC // NB


def _sc_body(x_hbm, o_hbm, buf0, buf1, ob, sem0, sem1):
    c = lax.axis_index("c")
    s = lax.axis_index("s")
    wid = s * 2 + c
    ncw = CH_Q + jnp.where(wid < CH_R, 1, 0)

    def copy_in(g, buf, sem):
        row = (wid + g * NW) * ROWS
        return pltpu.make_async_copy(x_hbm.at[pl.ds(row, ROWS)], buf, sem)

    sls = [pl.ds(dc * L, L) for dc in range(NDC)]

    def reduce_group(buf, k0, nk):
        def mstep(m, accs):
            return tuple(
                accs[j * NDC + dc] + buf[(k0 + j) * M + m, sls[dc]]
                for j in range(nk) for dc in range(NDC))

        init = tuple(
            buf[(k0 + j) * M, sls[dc]]
            for j in range(nk) for dc in range(NDC))
        accs = lax.fori_loop(1, M, mstep, init)
        for j in range(nk):
            for dc in range(NDC):
                ob[k0 + j, sls[dc]] = accs[j * NDC + dc]

    def reduce_chunk(buf, g):
        for k0 in range(0, K, 4):
            reduce_group(buf, k0, min(4, K - k0))
        pltpu.sync_copy(ob, o_hbm.at[pl.ds((wid + g * NW) * K, K)])

    copy_in(0, buf0, sem0).start()
    copy_in(1, buf1, sem1).start()

    def step(i, carry):
        for b, (buf, sem) in enumerate(((buf0, sem0), (buf1, sem1))):
            g = i * 2 + b

            @pl.when(g < ncw)
            def _(buf=buf, sem=sem, g=g):
                copy_in(g, buf, sem).wait()
                reduce_chunk(buf, g)

                @pl.when(g + 2 < ncw)
                def _():
                    copy_in(g + 2, buf, sem).start()
        return carry

    lax.fori_loop(0, (ncw + 1) // 2, step, 0)


_sc_call = functools.partial(
    pl.kernel,
    out_type=jax.ShapeDtypeStruct((S_SC, D), jnp.float32),
    mesh=plsc.VectorSubcoreMesh(core_axis_name="c", subcore_axis_name="s"),
    scratch_types=[
        pltpu.VMEM((ROWS, D), jnp.float32),
        pltpu.VMEM((ROWS, D), jnp.float32),
        pltpu.VMEM((K, D), jnp.float32),
        pltpu.SemaphoreType.DMA,
        pltpu.SemaphoreType.DMA,
    ],
)(_sc_body)


def _tc_body(x_ref, o_ref):
    o_ref[...] = jnp.sum(x_ref[...], axis=1)


def _tc_call(x3):
    return pl.pallas_call(
        _tc_body,
        grid=((N - S_SC) // NB,),
        in_specs=[pl.BlockSpec((NB, M, D), lambda i: (i + TC_OFF, 0, 0))],
        out_specs=pl.BlockSpec((NB, D), lambda i: (i + TC_OFF, 0)),
        out_shape=jax.ShapeDtypeStruct((N, D), jnp.float32),
    )(x3)


def kernel(messages):
    x3 = messages.reshape(N, M, D)
    sc_out = _sc_call(x3.reshape(N * M, D))
    tc_full = _tc_call(x3)
    out = lax.dynamic_update_slice(tc_full, sc_out, (0, 0))
    return out.reshape(1, N, D)

# --- scband reference (transcript-rebuilt; emitter-appended) ---
"""Pipeline reference for scband-message-agg-16406775071588 (READ-ONLY COPY).

The authoritative reference and input builder live on the scoring server;
editing this copy changes nothing except your own understanding.
"""

import jax, jax.numpy as jnp
import numpy as np

def setup_inputs(seed: int = 0) -> dict:
    key = jax.random.key(seed)
    messages = jax.random.normal(key, (1, 10000, 32, 128), dtype=jnp.float32)
    return {"messages": messages}

def reference(messages):
    # Faithful translation of tf.math.reduce_sum(messages, 2)
    return jnp.sum(messages, axis=2)

if __name__ == "__main__":
    import jax
    _d = setup_inputs()
    print(jax.jit(kernel)(*tuple(_d.values())))

</pallas_src>

<mosaic_0001>
#map = affine_map<(d0, d1) -> (0, 0)>
module attributes {stable_mosaic.version = 14 : i64} {
  func.func @_sc_body(%arg0: i32, %arg1: i32, %arg2: memref<320000x128xf32, #tpu.memory_space<hbm>>, %arg3: memref<4000x128xf32, #tpu.memory_space<hbm>>, %arg4: memref<256x128xf32, #tpu.memory_space<vmem>>, %arg5: memref<256x128xf32, #tpu.memory_space<vmem>>, %arg6: memref<8x128xf32, #tpu.memory_space<vmem>>, %arg7: memref<!tpu.dma_semaphore, #tpu.memory_space<semaphore_mem>>, %arg8: memref<!tpu.dma_semaphore, #tpu.memory_space<semaphore_mem>>) attributes {dimension_semantics = [#tpu.dimension_semantics<core_parallel>, #tpu.dimension_semantics<subcore_parallel>], iteration_bounds = array<i64: 2, 16>, scalar_prefetch = 0 : i64, scratch_operands = 5 : i64, tpu.core_type = #tpu.core_type<sc_vector_subcore>, window_params = [{transform_indices = #map}, {transform_indices = #map}]} {
    %mul3A = arith.constant 2 : i32
    %mul3A_0 = arith.muli %arg1, %mul3A : i32
    %add3A = arith.addi %mul3A_0, %arg0 : i32
    %lt3A = arith.constant 20 : i32
    %lt3A_1 = arith.cmpi slt, %add3A, %lt3A : i32
    %jit3A = arith.constant 1 : i32
    %jit3A_2 = arith.constant 0 : i32
    %select_n3A = arith.select %lt3A_1, %jit3A, %jit3A_2 : i32
    %add3A_3 = arith.constant 15 : i32
    %add3A_4 = arith.addi %add3A_3, %select_n3A : i32
    %add3A_5 = arith.constant 0 : i32
    %add3A_6 = arith.addi %add3A, %add3A_5 : i32
    %mul3A_7 = arith.constant 256 : i32
    %mul3A_8 = arith.muli %add3A_6, %mul3A_7 : i32
    %dma_start3A = arith.constant 0 : i32
    %dma_start3A_9 = tpu.memref_slice %arg2[%mul3A_8, %dma_start3A] : memref<320000x128xf32, #tpu.memory_space<hbm>> -> memref<256x128xf32, #tpu.memory_space<hbm>>
    %dma_start3A_10 = arith.constant 0 : i32
    %dma_start3A_11 = tpu.memref_slice %arg2[%mul3A_8, %dma_start3A_10] : memref<320000x128xf32, #tpu.memory_space<hbm>> -> memref<256x128xf32, #tpu.memory_space<hbm>>
    tpu.enqueue_dma source(%dma_start3A_11 : memref<256x128xf32, #tpu.memory_space<hbm>>) target(%arg4 : memref<256x128xf32, #tpu.memory_space<vmem>>) target_semaphore(%arg7 : memref<!tpu.dma_semaphore, #tpu.memory_space<semaphore_mem>>)
    %add3A_12 = arith.constant 32 : i32
    %add3A_13 = arith.addi %add3A, %add3A_12 : i32
    %mul3A_14 = arith.constant 256 : i32
    %mul3A_15 = arith.muli %add3A_13, %mul3A_14 : i32
    %dma_start3A_16 = arith.constant 0 : i32
    %dma_start3A_17 = tpu.memref_slice %arg2[%mul3A_15, %dma_start3A_16] : memref<320000x128xf32, #tpu.memory_space<hbm>> -> memref<256x128xf32, #tpu.memory_space<hbm>>
    %dma_start3A_18 = arith.constant 0 : i32
    %dma_start3A_19 = tpu.memref_slice %arg2[%mul3A_15, %dma_start3A_18] : memref<320000x128xf32, #tpu.memory_space<hbm>> -> memref<256x128xf32, #tpu.memory_space<hbm>>
    tpu.enqueue_dma source(%dma_start3A_19 : memref<256x128xf32, #tpu.memory_space<hbm>>) target(%arg5 : memref<256x128xf32, #tpu.memory_space<vmem>>) target_semaphore(%arg8 : memref<!tpu.dma_semaphore, #tpu.memory_space<semaphore_mem>>)
    %add3A_20 = arith.constant 1 : i32
    %add3A_21 = arith.addi %add3A_4, %add3A_20 : i32
    %jit3A_22 = arith.constant 2 : i32
    %div3A = arith.divsi %add3A_21, %jit3A_22 : i32
    %sign3A = arith.constant 0 : i32
    %sign3A_23 = arith.cmpi sgt, %add3A_21, %sign3A : i32
    %sign3A_24 = arith.extui %sign3A_23 : i1 to i32
    %sign3A_25 = arith.constant 0 : i32
    %sign3A_26 = arith.cmpi slt, %add3A_21, %sign3A_25 : i32
    %sign3A_27 = arith.extui %sign3A_26 : i1 to i32
    %sign3A_28 = arith.subi %sign3A_24, %sign3A_27 : i32
    %sign3A_29 = arith.constant 0 : i32
    %sign3A_30 = arith.cmpi sgt, %jit3A_22, %sign3A_29 : i32
    %sign3A_31 = arith.extui %sign3A_30 : i1 to i32
    %sign3A_32 = arith.constant 0 : i32
    %sign3A_33 = arith.cmpi slt, %jit3A_22, %sign3A_32 : i32
    %sign3A_34 = arith.extui %sign3A_33 : i1 to i32
    %sign3A_35 = arith.subi %sign3A_31, %sign3A_34 : i32
    %ne3A = arith.cmpi ne, %sign3A_28, %sign3A_35 : i32
    %rem3A = arith.remsi %add3A_21, %jit3A_22 : i32
    %ne3A_36 = arith.constant 0 : i32
    %ne3A_37 = arith.cmpi ne, %rem3A, %ne3A_36 : i32
    %and3A = arith.andi %ne3A, %ne3A_37 : i1
    %sub3A = arith.constant 1 : i32
    %sub3A_38 = arith.subi %div3A, %sub3A : i32
    %select_n3A_39 = arith.select %and3A, %sub3A_38, %div3A : i32
    %while3A = arith.constant 0 : i32
    %while3A_40 = arith.constant 0 : i32
    %while3A_41 = arith.subi %select_n3A_39, %while3A_40 : i32
    %while3A_42 = arith.addi %while3A_40, %while3A_41 : i32
    %while3A_43 = arith.constant 1 : i32
    %while3A_44 = arith.divsi %while3A_41, %while3A_43 : i32
    %while3A_45 = arith.muli %while3A_44, %while3A_43 : i32
    %while3A_46 = arith.addi %while3A_40, %while3A_45 : i32
    %while3A_47 = arith.constant 1 : i32
    scf.for %while3A_49 = %while3A_40 to %while3A_46 step %while3A_47  : i32 {
      %mul3A_50 = arith.constant 2 : i32
      %mul3A_51 = arith.muli %while3A_49, %mul3A_50 : i32
      %add3A_52 = arith.constant 0 : i32
      %add3A_53 = arith.addi %mul3A_51, %add3A_52 : i32
      %lt3A_54 = arith.cmpi slt, %add3A_53, %add3A_4 : i32
      %convert_element_type3A = arith.extui %lt3A_54 : i1 to i32
      %cond3A = arith.constant 0 : i32
      %cond3A_55 = arith.cmpi ne, %convert_element_type3A, %cond3A : i32
      scf.if %cond3A_55 {
        %mul3A_64 = arith.constant 32 : i32
        %mul3A_65 = arith.muli %add3A_53, %mul3A_64 : i32
        %add3A_66 = arith.addi %add3A, %mul3A_65 : i32
        %mul3A_67 = arith.constant 256 : i32
        %mul3A_68 = arith.muli %add3A_66, %mul3A_67 : i32
        %dma_wait3A = arith.constant 0 : i32
        %dma_wait3A_69 = tpu.memref_slice %arg2[%mul3A_68, %dma_wait3A] : memref<320000x128xf32, #tpu.memory_space<hbm>> -> memref<256x128xf32, #tpu.memory_space<hbm>>
        %dma_wait3A_70 = arith.constant 0 : i32
        %dma_wait3A_71 = tpu.memref_slice %arg2[%mul3A_68, %dma_wait3A_70] : memref<320000x128xf32, #tpu.memory_space<hbm>> -> memref<256x128xf32, #tpu.memory_space<hbm>>
        tpu.wait_dma2 semaphore(%arg7 : memref<!tpu.dma_semaphore, #tpu.memory_space<semaphore_mem>>) src(%dma_wait3A_71 : memref<256x128xf32, #tpu.memory_space<hbm>>) dst(%arg4 : memref<256x128xf32, #tpu.memory_space<vmem>>)
        %get3A = arith.constant 0 : i32
        %get3A_72 = arith.index_cast %get3A : i32 to index
        %get3A_73 = arith.constant 0 : index
        %get3A_74 = tpu.vector_load %arg4[%get3A_72, %get3A_73] {strides = array<i32>} : memref<256x128xf32, #tpu.memory_space<vmem>>, vector<1x16xf32>,
        %get3A_75 = vector.shape_cast %get3A_74 : vector<1x16xf32> to vector<16xf32>
        %get3A_76 = arith.constant 0 : i32
        %get3A_77 = arith.index_cast %get3A_76 : i32 to index
        %get3A_78 = arith.constant 16 : index
        %get3A_79 = tpu.vector_load %arg4[%get3A_77, %get3A_78] {strides = array<i32>} : memref<256x128xf32, #tpu.memory_space<vmem>>, vector<1x16xf32>,
        %get3A_80 = vector.shape_cast %get3A_79 : vector<1x16xf32> to vector<16xf32>
        %get3A_81 = arith.constant 0 : i32
        %get3A_82 = arith.index_cast %get3A_81 : i32 to index
        %get3A_83 = arith.constant 32 : index
        %get3A_84 = tpu.vector_load %arg4[%get3A_82, %get3A_83] {strides = array<i32>} : memref<256x128xf32, #tpu.memory_space<vmem>>, vector<1x16xf32>,
        %get3A_85 = vector.shape_cast %get3A_84 : vector<1x16xf32> to vector<16xf32>
        %get3A_86 = arith.constant 0 : i32
        %get3A_87 = arith.index_cast %get3A_86 : i32 to index
        %get3A_88 = arith.constant 48 : index
        %get3A_89 = tpu.vector_load %arg4[%get3A_87, %get3A_88] {strides = array<i32>} : memref<256x128xf32, #tpu.memory_space<vmem>>, vector<1x16xf32>,
        %get3A_90 = vector.shape_cast %get3A_89 : vector<1x16xf32> to vector<16xf32>
        %get3A_91 = arith.constant 0 : i32
        %get3A_92 = arith.index_cast %get3A_91 : i32 to index
        %get3A_93 = arith.constant 64 : index
        %get3A_94 = tpu.vector_load %arg4[%get3A_92, %get3A_93] {strides = array<i32>} : memref<256x128xf32, #tpu.memory_space<vmem>>, vector<1x16xf32>,
        %get3A_95 = vector.shape_cast %get3A_94 : vector<1x16xf32> to vector<16xf32>
        %get3A_96 = arith.constant 0 : i32
        %get3A_97 = arith.index_cast %get3A_96 : i32 to index
        %get3A_98 = arith.constant 80 : index
        %get3A_99 = tpu.vector_load %arg4[%get3A_97, %get3A_98] {strides = array<i32>} : memref<256x128xf32, #tpu.memory_space<vmem>>, vector<1x16xf32>,
        %get3A_100 = vector.shape_cast %get3A_99 : vector<1x16xf32> to vector<16xf32>
        %get3A_101 = arith.constant 0 : i32
        %get3A_102 = arith.index_cast %get3A_101 : i32 to index
        %get3A_103 = arith.constant 96 : index
        %get3A_104 = tpu.vector_load %arg4[%get3A_102, %get3A_103] {strides = array<i32>} : memref<256x128xf32, #tpu.memory_space<vmem>>, vector<1x16xf32>,
        %get3A_105 = vector.shape_cast %get3A_104 : vector<1x16xf32> to vector<16xf32>
        %get3A_106 = arith.constant 0 : i32
        %get3A_107 = arith.index_cast %get3A_106 : i32 to index
        %get3A_108 = arith.constant 112 : index
        %get3A_109 = tpu.vector_load %arg4[%get3A_107, %get3A_108] {strides = array<i32>} : memref<256x128xf32, #tpu.memory_space<vmem>>, vector<1x16xf32>,
        %get3A_110 = vector.shape_cast %get3A_109 : vector<1x16xf32> to vector<16xf32>
        %get3A_111 = arith.constant 32 : i32
        %get3A_112 = arith.index_cast %get3A_111 : i32 to index
        %get3A_113 = arith.constant 0 : index
        %get3A_114 = tpu.vector_load %arg4[%get3A_112, %get3A_113] {strides = array<i32>} : memref<256x128xf32, #tpu.memory_space<vmem>>, vector<1x16xf32>,
        %get3A_115 = vector.shape_cast %get3A_114 : vector<1x16xf32> to vector<16xf32>
        %get3A_116 = arith.constant 32 : i32
        %get3A_117 = arith.index_cast %get3A_116 : i32 to index
        %get3A_118 = arith.constant 16 : index
        %get3A_119 = tpu.vector_load %arg4[%get3A_117, %get3A_118] {strides = array<i32>} : memref<256x128xf32, #tpu.memory_space<vmem>>, vector<1x16xf32>,
        %get3A_120 = vector.shape_cast %get3A_119 : vector<1x16xf32> to vector<16xf32>
        %get3A_121 = arith.constant 32 : i32
        %get3A_122 = arith.index_cast %get3A_121 : i32 to index
        %get3A_123 = arith.constant 32 : index
        %get3A_124 = tpu.vector_load %arg4[%get3A_122, %get3A_123] {strides = array<i32>} : memref<256x128xf32, #tpu.memory_space<vmem>>, vector<1x16xf32>,
        %get3A_125 = vector.shape_cast %get3A_124 : vector<1x16xf32> to vector<16xf32>
        %get3A_126 = arith.constant 32 : i32
        %get3A_127 = arith.index_cast %get3A_126 : i32 to index
        %get3A_128 = arith.constant 48 : index
        %get3A_129 = tpu.vector_load %arg4[%get3A_127, %get3A_128] {strides = array<i32>} : memref<256x128xf32, #tpu.memory_space<vmem>>, vector<1x16xf32>,
        %get3A_130 = vector.shape_cast %get3A_129 : vector<1x16xf32> to vector<16xf32>
        %get3A_131 = arith.constant 32 : i32
        %get3A_132 = arith.index_cast %get3A_131 : i32 to index
        %get3A_133 = arith.constant 64 : index
        %get3A_134 = tpu.vector_load %arg4[%get3A_132, %get3A_133] {strides = array<i32>} : memref<256x128xf32, #tpu.memory_space<vmem>>, vector<1x16xf32>,
        %get3A_135 = vector.shape_cast %get3A_134 : vector<1x16xf32> to vector<16xf32>
        %get3A_136 = arith.constant 32 : i32
        %get3A_137 = arith.index_cast %get3A_136 : i32 to index
        %get3A_138 = arith.constant 80 : index
        %get3A_139 = tpu.vector_load %arg4[%get3A_137, %get3A_138] {strides = array<i32>} : memref<256x128xf32, #tpu.memory_space<vmem>>, vector<1x16xf32>,
        %get3A_140 = vector.shape_cast %get3A_139 : vector<1x16xf32> to vector<16xf32>
        %get3A_141 = arith.constant 32 : i32
        %get3A_142 = arith.index_cast %get3A_141 : i32 to index
        %get3A_143 = arith.constant 96 : index
        %get3A_144 = tpu.vector_load %arg4[%get3A_142, %get3A_143] {strides = array<i32>} : memref<256x128xf32, #tpu.memory_space<vmem>>, vector<1x16xf32>,
        %get3A_145 = vector.shape_cast %get3A_144 : vector<1x16xf32> to vector<16xf32>
        %get3A_146 = arith.constant 32 : i32
        %get3A_147 = arith.index_cast %get3A_146 : i32 to index
        %get3A_148 = arith.constant 112 : index
        %get3A_149 = tpu.vector_load %arg4[%get3A_147, %get3A_148] {strides = array<i32>} : memref<256x128xf32, #tpu.memory_space<vmem>>, vector<1x16xf32>,
        %get3A_150 = vector.shape_cast %get3A_149 : vector<1x16xf32> to vector<16xf32>
        %get3A_151 = arith.constant 64 : i32
        %get3A_152 = arith.index_cast %get3A_151 : i32 to index
        %get3A_153 = arith.constant 0 : index
        %get3A_154 = tpu.vector_load %arg4[%get3A_152, %get3A_153] {strides = array<i32>} : memref<256x128xf32, #tpu.memory_space<vmem>>, vector<1x16xf32>,
        %get3A_155 = vector.shape_cast %get3A_154 : vector<1x16xf32> to vector<16xf32>
        %get3A_156 = arith.constant 64 : i32
        %get3A_157 = arith.index_cast %get3A_156 : i32 to index
        %get3A_158 = arith.constant 16 : index
        %get3A_159 = tpu.vector_load %arg4[%get3A_157, %get3A_158] {strides = array<i32>} : memref<256x128xf32, #tpu.memory_space<vmem>>, vector<1x16xf32>,
        %get3A_160 = vector.shape_cast %get3A_159 : vector<1x16xf32> to vector<16xf32>
        %get3A_161 = arith.constant 64 : i32
        %get3A_162 = arith.index_cast %get3A_161 : i32 to index
        %get3A_163 = arith.constant 32 : index
        %get3A_164 = tpu.vector_load %arg4[%get3A_162, %get3A_163] {strides = array<i32>} : memref<256x128xf32, #tpu.memory_space<vmem>>, vector<1x16xf32>,
        %get3A_165 = vector.shape_cast %get3A_164 : vector<1x16xf32> to vector<16xf32>
        %get3A_166 = arith.constant 64 : i32
        %get3A_167 = arith.index_cast %get3A_166 : i32 to index
        %get3A_168 = arith.constant 48 : index
        %get3A_169 = tpu.vector_load %arg4[%get3A_167, %get3A_168] {strides = array<i32>} : memref<256x128xf32, #tpu.memory_space<vmem>>, vector<1x16xf32>,
        %get3A_170 = vector.shape_cast %get3A_169 : vector<1x16xf32> to vector<16xf32>
        %get3A_171 = arith.constant 64 : i32
        %get3A_172 = arith.index_cast %get3A_171 : i32 to index
        %get3A_173 = arith.constant 64 : index
        %get3A_174 = tpu.vector_load %arg4[%get3A_172, %get3A_173] {strides = array<i32>} : memref<256x128xf32, #tpu.memory_space<vmem>>, vector<1x16xf32>,
        %get3A_175 = vector.shape_cast %get3A_174 : vector<1x16xf32> to vector<16xf32>
        %get3A_176 = arith.constant 64 : i32
        %get3A_177 = arith.index_cast %get3A_176 : i32 to index
        %get3A_178 = arith.constant 80 : index
        %get3A_179 = tpu.vector_load %arg4[%get3A_177, %get3A_178] {strides = array<i32>} : memref<256x128xf32, #tpu.memory_space<vmem>>, vector<1x16xf32>,
        %get3A_180 = vector.shape_cast %get3A_179 : vector<1x16xf32> to vector<16xf32>
        %get3A_181 = arith.constant 64 : i32
        %get3A_182 = arith.index_cast %get3A_181 : i32 to index
        %get3A_183 = arith.constant 96 : index
        %get3A_184 = tpu.vector_load %arg4[%get3A_182, %get3A_183] {strides = array<i32>} : memref<256x128xf32, #tpu.memory_space<vmem>>, vector<1x16xf32>,
        %get3A_185 = vector.shape_cast %get3A_184 : vector<1x16xf32> to vector<16xf32>
        %get3A_186 = arith.constant 64 : i32
        %get3A_187 = arith.index_cast %get3A_186 : i32 to index
        %get3A_188 = arith.constant 112 : index
        %get3A_189 = tpu.vector_load %arg4[%get3A_187, %get3A_188] {strides = array<i32>} : memref<256x128xf32, #tpu.memory_space<vmem>>, vector<1x16xf32>,
        %get3A_190 = vector.shape_cast %get3A_189 : vector<1x16xf32> to vector<16xf32>
        %get3A_191 = arith.constant 96 : i32
        %get3A_192 = arith.index_cast %get3A_191 : i32 to index
        %get3A_193 = arith.constant 0 : index
        %get3A_194 = tpu.vector_load %arg4[%get3A_192, %get3A_193] {strides = array<i32>} : memref<256x128xf32, #tpu.memory_space<vmem>>, vector<1x16xf32>,
        %get3A_195 = vector.shape_cast %get3A_194 : vector<1x16xf32> to vector<16xf32>
        %get3A_196 = arith.constant 96 : i32
        %get3A_197 = arith.index_cast %get3A_196 : i32 to index
        %get3A_198 = arith.constant 16 : index
        %get3A_199 = tpu.vector_load %arg4[%get3A_197, %get3A_198] {strides = array<i32>} : memref<256x128xf32, #tpu.memory_space<vmem>>, vector<1x16xf32>,
        %get3A_200 = vector.shape_cast %get3A_199 : vector<1x16xf32> to vector<16xf32>
        %get3A_201 = arith.constant 96 : i32
        %get3A_202 = arith.index_cast %get3A_201 : i32 to index
        %get3A_203 = arith.constant 32 : index
        %get3A_204 = tpu.vector_load %arg4[%get3A_202, %get3A_203] {strides = array<i32>} : memref<256x128xf32, #tpu.memory_space<vmem>>, vector<1x16xf32>,
        %get3A_205 = vector.shape_cast %get3A_204 : vector<1x16xf32> to vector<16xf32>
        %get3A_206 = arith.constant 96 : i32
        %get3A_207 = arith.index_cast %get3A_206 : i32 to index
        %get3A_208 = arith.constant 48 : index
        %get3A_209 = tpu.vector_load %arg4[%get3A_207, %get3A_208] {strides = array<i32>} : memref<256x128xf32, #tpu.memory_space<vmem>>, vector<1x16xf32>,
        %get3A_210 = vector.shape_cast %get3A_209 : vector<1x16xf32> to vector<16xf32>
        %get3A_211 = arith.constant 96 : i32
        %get3A_212 = arith.index_cast %get3A_211 : i32 to index
        %get3A_213 = arith.constant 64 : index
        %get3A_214 = tpu.vector_load %arg4[%get3A_212, %get3A_213] {strides = array<i32>} : memref<256x128xf32, #tpu.memory_space<vmem>>, vector<1x16xf32>,
        %get3A_215 = vector.shape_cast %get3A_214 : vector<1x16xf32> to vector<16xf32>
        %get3A_216 = arith.constant 96 : i32
        %get3A_217 = arith.index_cast %get3A_216 : i32 to index
        %get3A_218 = arith.constant 80 : index
        %get3A_219 = tpu.vector_load %arg4[%get3A_217, %get3A_218] {strides = array<i32>} : memref<256x128xf32, #tpu.memory_space<vmem>>, vector<1x16xf32>,
        %get3A_220 = vector.shape_cast %get3A_219 : vector<1x16xf32> to vector<16xf32>
        %get3A_221 = arith.constant 96 : i32
        %get3A_222 = arith.index_cast %get3A_221 : i32 to index
        %get3A_223 = arith.constant 96 : index
        %get3A_224 = tpu.vector_load %arg4[%get3A_222, %get3A_223] {strides = array<i32>} : memref<256x128xf32, #tpu.memory_space<vmem>>, vector<1x16xf32>,
        %get3A_225 = vector.shape_cast %get3A_224 : vector<1x16xf32> to vector<16xf32>
        %get3A_226 = arith.constant 96 : i32
        %get3A_227 = arith.index_cast %get3A_226 : i32 to index
        %get3A_228 = arith.constant 112 : index
        %get3A_229 = tpu.vector_load %arg4[%get3A_227, %get3A_228] {strides = array<i32>} : memref<256x128xf32, #tpu.memory_space<vmem>>, vector<1x16xf32>,
        %get3A_230 = vector.shape_cast %get3A_229 : vector<1x16xf32> to vector<16xf32>
        %scan3A = arith.constant 1 : i32
        %scan3A_231 = arith.constant 31 : i32
        %scan3A_232 = arith.addi %scan3A, %scan3A_231 : i32
        %scan3A_233 = arith.constant 1 : i32
        %scan3A_234:32 = scf.for %scan3A_796 = %scan3A to %scan3A_232 step %scan3A_233 iter_args(%scan3A_797 = %get3A_75, %scan3A_798 = %get3A_80, %scan3A_799 = %get3A_85, %scan3A_800 = %get3A_90, %scan3A_801 = %get3A_95, %scan3A_802 = %get3A_100, %scan3A_803 = %get3A_105, %scan3A_804 = %get3A_110, %scan3A_805 = %get3A_115, %scan3A_806 = %get3A_120, %scan3A_807 = %get3A_125, %scan3A_808 = %get3A_130, %scan3A_809 = %get3A_135, %scan3A_810 = %get3A_140, %scan3A_811 = %get3A_145, %scan3A_812 = %get3A_150, %scan3A_813 = %get3A_155, %scan3A_814 = %get3A_160, %scan3A_815 = %get3A_165, %scan3A_816 = %get3A_170, %scan3A_817 = %get3A_175, %scan3A_818 = %get3A_180, %scan3A_819 = %get3A_185, %scan3A_820 = %get3A_190, %scan3A_821 = %get3A_195, %scan3A_822 = %get3A_200, %scan3A_823 = %get3A_205, %scan3A_824 = %get3A_210, %scan3A_825 = %get3A_215, %scan3A_826 = %get3A_220, %scan3A_827 = %get3A_225, %scan3A_828 = %get3A_230) -> (vector<16xf32>, vector<16xf32>, vector<16xf32>, vector<16xf32>, vector<16xf32>, vector<16xf32>, vector<16xf32>, vector<16xf32>, vector<16xf32>, vector<16xf32>, vector<16xf32>, vector<16xf32>, vector<16xf32>, vector<16xf32>, vector<16xf32>, vector<16xf32>, vector<16xf32>, vector<16xf32>, vector<16xf32>, vector<16xf32>, vector<16xf32>, vector<16xf32>, vector<16xf32>, vector<16xf32>, vector<16xf32>, vector<16xf32>, vector<16xf32>, vector<16xf32>, vector<16xf32>, vector<16xf32>, vector<16xf32>, vector<16xf32>)  : i32 {
          %add3A_829 = arith.constant 0 : i32
          %add3A_830 = arith.addi %add3A_829, %scan3A_796 : i32
          %get3A_831 = arith.index_cast %add3A_830 : i32 to index
          %get3A_832 = arith.constant 0 : index
          %get3A_833 = tpu.vector_load %arg4[%get3A_831, %get3A_832] {strides = array<i32>} : memref<256x128xf32, #tpu.memory_space<vmem>>, vector<1x16xf32>,
          %get3A_834 = vector.shape_cast %get3A_833 : vector<1x16xf32> to vector<16xf32>
          %add3A_835 = arith.addf %scan3A_797, %get3A_834 : vector<16xf32>
          %add3A_836 = arith.constant 0 : i32
          %add3A_837 = arith.addi %add3A_836, %scan3A_796 : i32
          %get3A_838 = arith.index_cast %add3A_837 : i32 to index
          %get3A_839 = arith.constant 16 : index
          %get3A_840 = tpu.vector_load %arg4[%get3A_838, %get3A_839] {strides = array<i32>} : memref<256x128xf32, #tpu.memory_space<vmem>>, vector<1x16xf32>,
          %get3A_841 = vector.shape_cast %get3A_840 : vector<1x16xf32> to vector<16xf32>
          %add3A_842 = arith.addf %scan3A_798, %get3A_841 : vector<16xf32>
          %add3A_843 = arith.constant 0 : i32
          %add3A_844 = arith.addi %add3A_843, %scan3A_796 : i32
          %get3A_845 = arith.index_cast %add3A_844 : i32 to index
          %get3A_846 = arith.constant 32 : index
          %get3A_847 = tpu.vector_load %arg4[%get3A_845, %get3A_846] {strides = array<i32>} : memref<256x128xf32, #tpu.memory_space<vmem>>, vector<1x16xf32>,
          %get3A_848 = vector.shape_cast %get3A_847 : vector<1x16xf32> to vector<16xf32>
          %add3A_849 = arith.addf %scan3A_799, %get3A_848 : vector<16xf32>
          %add3A_850 = arith.constant 0 : i32
          %add3A_851 = arith.addi %add3A_850, %scan3A_796 : i32
          %get3A_852 = arith.index_cast %add3A_851 : i32 to index
          %get3A_853 = arith.constant 48 : index
          %get3A_854 = tpu.vector_load %arg4[%get3A_852, %get3A_853] {strides = array<i32>} : memref<256x128xf32, #tpu.memory_space<vmem>>, vector<1x16xf32>,
          %get3A_855 = vector.shape_cast %get3A_854 : vector<1x16xf32> to vector<16xf32>
          %add3A_856 = arith.addf %scan3A_800, %get3A_855 : vector<16xf32>
          %add3A_857 = arith.constant 0 : i32
          %add3A_858 = arith.addi %add3A_857, %scan3A_796 : i32
          %get3A_859 = arith.index_cast %add3A_858 : i32 to index
          %get3A_860 = arith.constant 64 : index
          %get3A_861 = tpu.vector_load %arg4[%get3A_859, %get3A_860] {strides = array<i32>} : memref<256x128xf32, #tpu.memory_space<vmem>>, vector<1x16xf32>,
          %get3A_862 = vector.shape_cast %get3A_861 : vector<1x16xf32> to vector<16xf32>
          %add3A_863 = arith.addf %scan3A_801, %get3A_862 : vector<16xf32>
          %add3A_864 = arith.constant 0 : i32
          %add3A_865 = arith.addi %add3A_864, %scan3A_796 : i32
          %get3A_866 = arith.index_cast %add3A_865 : i32 to index
          %get3A_867 = arith.constant 80 : index
          %get3A_868 = tpu.vector_load %arg4[%get3A_866, %get3A_867] {strides = array<i32>} : memref<256x128xf32, #tpu.memory_space<vmem>>, vector<1x16xf32>,
          %get3A_869 = vector.shape_cast %get3A_868 : vector<1x16xf32> to vector<16xf32>
          %add3A_870 = arith.addf %scan3A_802, %get3A_869 : vector<16xf32>
          %add3A_871 = arith.constant 0 : i32
          %add3A_872 = arith.addi %add3A_871, %scan3A_796 : i32
          %get3A_873 = arith.index_cast %add3A_872 : i32 to index
          %get3A_874 = arith.constant 96 : index
          %get3A_875 = tpu.vector_load %arg4[%get3A_873, %get3A_874] {strides = array<i32>} : memref<256x128xf32, #tpu.memory_space<vmem>>, vector<1x16xf32>,
          %get3A_876 = vector.shape_cast %get3A_875 : vector<1x16xf32> to vector<16xf32>
          %add3A_877 = arith.addf %scan3A_803, %get3A_876 : vector<16xf32>
          %add3A_878 = arith.constant 0 : i32
          %add3A_879 = arith.addi %add3A_878, %scan3A_796 : i32
          %get3A_880 = arith.index_cast %add3A_879 : i32 to index
          %get3A_881 = arith.constant 112 : index
          %get3A_882 = tpu.vector_load %arg4[%get3A_880, %get3A_881] {strides = array<i32>} : memref<256x128xf32, #tpu.memory_space<vmem>>, vector<1x16xf32>,
          %get3A_883 = vector.shape_cast %get3A_882 : vector<1x16xf32> to vector<16xf32>
          %add3A_884 = arith.addf %scan3A_804, %get3A_883 : vector<16xf32>
          %add3A_885 = arith.constant 32 : i32
          %add3A_886 = arith.addi %add3A_885, %scan3A_796 : i32
          %get3A_887 = arith.index_cast %add3A_886 : i32 to index
          %get3A_888 = arith.constant 0 : index
          %get3A_889 = tpu.vector_load %arg4[%get3A_887, %get3A_888] {strides = array<i32>} : memref<256x128xf32, #tpu.memory_space<vmem>>, vector<1x16xf32>,
          %get3A_890 = vector.shape_cast %get3A_889 : vector<1x16xf32> to vector<16xf32>
          %add3A_891 = arith.addf %scan3A_805, %get3A_890 : vector<16xf32>
          %add3A_892 = arith.constant 32 : i32
          %add3A_893 = arith.addi %add3A_892, %scan3A_796 : i32
          %get3A_894 = arith.index_cast %add3A_893 : i32 to index
          %get3A_895 = arith.constant 16 : index
          %get3A_896 = tpu.vector_load %arg4[%get3A_894, %get3A_895] {strides = array<i32>} : memref<256x128xf32, #tpu.memory_space<vmem>>, vector<1x16xf32>,
          %get3A_897 = vector.shape_cast %get3A_896 : vector<1x16xf32> to vector<16xf32>
          %add3A_898 = arith.addf %scan3A_806, %get3A_897 : vector<16xf32>
          %add3A_899 = arith.constant 32 : i32
          %add3A_900 = arith.addi %add3A_899, %scan3A_796 : i32
          %get3A_901 = arith.index_cast %add3A_900 : i32 to index
          %get3A_902 = arith.constant 32 : index
          %get3A_903 = tpu.vector_load %arg4[%get3A_901, %get3A_902] {strides = array<i32>} : memref<256x128xf32, #tpu.memory_space<vmem>>, vector<1x16xf32>,
          %get3A_904 = vector.shape_cast %get3A_903 : vector<1x16xf32> to vector<16xf32>
          %add3A_905 = arith.addf %scan3A_807, %get3A_904 : vector<16xf32>
          %add3A_906 = arith.constant 32 : i32
          %add3A_907 = arith.addi %add3A_906, %scan3A_796 : i32
          %get3A_908 = arith.index_cast %add3A_907 : i32 to index
          %get3A_909 = arith.constant 48 : index
          %get3A_910 = tpu.vector_load %arg4[%get3A_908, %get3A_909] {strides = array<i32>} : memref<256x128xf32, #tpu.memory_space<vmem>>, vector<1x16xf32>,
          %get3A_911 = vector.shape_cast %get3A_910 : vector<1x16xf32> to vector<16xf32>
          %add3A_912 = arith.addf %scan3A_808, %get3A_911 : vector<16xf32>
          %add3A_913 = arith.constant 32 : i32
          %add3A_914 = arith.addi %add3A_913, %scan3A_796 : i32
          %get3A_915 = arith.index_cast %add3A_914 : i32 to index
          %get3A_916 = arith.constant 64 : index
          %get3A_917 = tpu.vector_load %arg4[%get3A_915, %get3A_916] {strides = array<i32>} : memref<256x128xf32, #tpu.memory_space<vmem>>, vector<1x16xf32>,
          %get3A_918 = vector.shape_cast %get3A_917 : vector<1x16xf32> to vector<16xf32>
          %add3A_919 = arith.addf %scan3A_809, %get3A_918 : vector<16xf32>
          %add3A_920 = arith.constant 32 : i32
          %add3A_921 = arith.addi %add3A_920, %scan3A_796 : i32
          %get3A_922 = arith.index_cast %add3A_921 : i32 to index
          %get3A_923 = arith.constant 80 : index
          %get3A_924 = tpu.vector_load %arg4[%get3A_922, %get3A_923] {strides = array<i32>} : memref<256x128xf32, #tpu.memory_space<vmem>>, vector<1x16xf32>,
          %get3A_925 = vector.shape_cast %get3A_924 : vector<1x16xf32> to vector<16xf32>
          %add3A_926 = arith.addf %scan3A_810, %get3A_925 : vector<16xf32>
          %add3A_927 = arith.constant 32 : i32
          %add3A_928 = arith.addi %add3A_927, %scan3A_796 : i32
          %get3A_929 = arith.index_cast %add3A_928 : i32 to index
          %get3A_930 = arith.constant 96 : index
          %get3A_931 = tpu.vector_load %arg4[%get3A_929, %get3A_930] {strides = array<i32>} : memref<256x128xf32, #tpu.memory_space<vmem>>, vector<1x16xf32>,
          %get3A_932 = vector.shape_cast %get3A_931 : vector<1x16xf32> to vector<16xf32>
          %add3A_933 = arith.addf %scan3A_811, %get3A_932 : vector<16xf32>
          %add3A_934 = arith.constant 32 : i32
          %add3A_935 = arith.addi %add3A_934, %scan3A_796 : i32
          %get3A_936 = arith.index_cast %add3A_935 : i32 to index
          %get3A_937 = arith.constant 112 : index
          %get3A_938 = tpu.vector_load %arg4[%get3A_936, %get3A_937] {strides = array<i32>} : memref<256x128xf32, #tpu.memory_space<vmem>>, vector<1x16xf32>,
          %get3A_939 = vector.shape_cast %get3A_938 : vector<1x16xf32> to vector<16xf32>
          %add3A_940 = arith.addf %scan3A_812, %get3A_939 : vector<16xf32>
          %add3A_941 = arith.constant 64 : i32
          %add3A_942 = arith.addi %add3A_941, %scan3A_796 : i32
          %get3A_943 = arith.index_cast %add3A_942 : i32 to index
          %get3A_944 = arith.constant 0 : index
          %get3A_945 = tpu.vector_load %arg4[%get3A_943, %get3A_944] {strides = array<i32>} : memref<256x128xf32, #tpu.memory_space<vmem>>, vector<1x16xf32>,
          %get3A_946 = vector.shape_cast %get3A_945 : vector<1x16xf32> to vector<16xf32>
          %add3A_947 = arith.addf %scan3A_813, %get3A_946 : vector<16xf32>
          %add3A_948 = arith.constant 64 : i32
          %add3A_949 = arith.addi %add3A_948, %scan3A_796 : i32
          %get3A_950 = arith.index_cast %add3A_949 : i32 to index
          %get3A_951 = arith.constant 16 : index
          %get3A_952 = tpu.vector_load %arg4[%get3A_950, %get3A_951] {strides = array<i32>} : memref<256x128xf32, #tpu.memory_space<vmem>>, vector<1x16xf32>,
          %get3A_953 = vector.shape_cast %get3A_952 : vector<1x16xf32> to vector<16xf32>
          %add3A_954 = arith.addf %scan3A_814, %get3A_953 : vector<16xf32>
          %add3A_955 = arith.constant 64 : i32
          %add3A_956 = arith.addi %add3A_955, %scan3A_796 : i32
          %get3A_957 = arith.index_cast %add3A_956 : i32 to index
          %get3A_958 = arith.constant 32 : index
          %get3A_959 = tpu.vector_load %arg4[%get3A_957, %get3A_958] {strides = array<i32>} : memref<256x128xf32, #tpu.memory_space<vmem>>, vector<1x16xf32>,
          %get3A_960 = vector.shape_cast %get3A_959 : vector<1x16xf32> to vector<16xf32>
          %add3A_961 = arith.addf %scan3A_815, %get3A_960 : vector<16xf32>
          %add3A_962 = arith.constant 64 : i32
          %add3A_963 = arith.addi %add3A_962, %scan3A_796 : i32
          %get3A_964 = arith.index_cast %add3A_963 : i32 to index
          %get3A_965 = arith.constant 48 : index
          %get3A_966 = tpu.vector_load %arg4[%get3A_964, %get3A_965] {strides = array<i32>} : memref<256x128xf32, #tpu.memory_space<vmem>>, vector<1x16xf32>,
          %get3A_967 = vector.shape_cast %get3A_966 : vector<1x16xf32> to vector<16xf32>
          %add3A_968 = arith.addf %scan3A_816, %get3A_967 : vector<16xf32>
          %add3A_969 = arith.constant 64 : i32
          %add3A_970 = arith.addi %add3A_969, %scan3A_796 : i32
          %get3A_971 = arith.index_cast %add3A_970 : i32 to index
          %get3A_972 = arith.constant 64 : index
          %get3A_973 = tpu.vector_load %arg4[%get3A_971, %get3A_972] {strides = array<i32>} : memref<256x128xf32, #tpu.memory_space<vmem>>, vector<1x16xf32>,
          %get3A_974 = vector.shape_cast %get3A_973 : vector<1x16xf32> to vector<16xf32>
          %add3A_975 = arith.addf %scan3A_817, %get3A_974 : vector<16xf32>
          %add3A_976 = arith.constant 64 : i32
          %add3A_977 = arith.addi %add3A_976, %scan3A_796 : i32
          %get3A_978 = arith.index_cast %add3A_977 : i32 to index
          %get3A_979 = arith.constant 80 : index
          %get3A_980 = tpu.vector_load %arg4[%get3A_978, %get3A_979] {strides = array<i32>} : memref<256x128xf32, #tpu.memory_space<vmem>>, vector<1x16xf32>,
          %get3A_981 = vector.shape_cast %get3A_980 : vector<1x16xf32> to vector<16xf32>
          %add3A_982 = arith.addf %scan3A_818, %get3A_981 : vector<16xf32>
          %add3A_983 = arith.constant 64 : i32
          %add3A_984 = arith.addi %add3A_983, %scan3A_796 : i32
          %get3A_985 = arith.index_cast %add3A_984 : i32 to index
          %get3A_986 = arith.constant 96 : index
          %get3A_987 = tpu.vector_load %arg4[%get3A_985, %get3A_986] {strides = array<i32>} : memref<256x128xf32, #tpu.memory_space<vmem>>, vector<1x16xf32>,
          %get3A_988 = vector.shape_cast %get3A_987 : vector<1x16xf32> to vector<16xf32>
          %add3A_989 = arith.addf %scan3A_819, %get3A_988 : vector<16xf32>
          %add3A_990 = arith.constant 64 : i32
          %add3A_991 = arith.addi %add3A_990, %scan3A_796 : i32
          %get3A_992 = arith.index_cast %add3A_991 : i32 to index
          %get3A_993 = arith.constant 112 : index
          %get3A_994 = tpu.vector_load %arg4[%get3A_992, %get3A_993] {strides = array<i32>} : memref<256x128xf32, #tpu.memory_space<vmem>>, vector<1x16xf32>,
          %get3A_995 = vector.shape_cast %get3A_994 : vector<1x16xf32> to vector<16xf32>
          %add3A_996 = arith.addf %scan3A_820, %get3A_995 : vector<16xf32>
          %add3A_997 = arith.constant 96 : i32
          %add3A_998 = arith.addi %add3A_997, %scan3A_796 : i32
          %get3A_999 = arith.index_cast %add3A_998 : i32 to index
          %get3A_1000 = arith.constant 0 : index
          %get3A_1001 = tpu.vector_load %arg4[%get3A_999, %get3A_1000] {strides = array<i32>} : memref<256x128xf32, #tpu.memory_space<vmem>>, vector<1x16xf32>,
          %get3A_1002 = vector.shape_cast %get3A_1001 : vector<1x16xf32> to vector<16xf32>
          %add3A_1003 = arith.addf %scan3A_821, %get3A_1002 : vector<16xf32>
          %add3A_1004 = arith.constant 96 : i32
          %add3A_1005 = arith.addi %add3A_1004, %scan3A_796 : i32
          %get3A_1006 = arith.index_cast %add3A_1005 : i32 to index
          %get3A_1007 = arith.constant 16 : index
          %get3A_1008 = tpu.vector_load %arg4[%get3A_1006, %get3A_1007] {strides = array<i32>} : memref<256x128xf32, #tpu.memory_space<vmem>>, vector<1x16xf32>,
          %get3A_1009 = vector.shape_cast %get3A_1008 : vector<1x16xf32> to vector<16xf32>
          %add3A_1010 = arith.addf %scan3A_822, %get3A_1009 : vector<16xf32>
          %add3A_1011 = arith.constant 96 : i32
          %add3A_1012 = arith.addi %add3A_1011, %scan3A_796 : i32
          %get3A_1013 = arith.index_cast %add3A_1012 : i32 to index
          %get3A_1014 = arith.constant 32 : index
          %get3A_1015 = tpu.vector_load %arg4[%get3A_1013, %get3A_1014] {strides = array<i32>} : memref<256x128xf32, #tpu.memory_space<vmem>>, vector<1x16xf32>,
          %get3A_1016 = vector.shape_cast %get3A_1015 : vector<1x16xf32> to vector<16xf32>
          %add3A_1017 = arith.addf %scan3A_823, %get3A_1016 : vector<16xf32>
          %add3A_1018 = arith.constant 96 : i32
          %add3A_1019 = arith.addi %add3A_1018, %scan3A_796 : i32
          %get3A_1020 = arith.index_cast %add3A_1019 : i32 to index
          %get3A_1021 = arith.constant 48 : index
          %get3A_1022 = tpu.vector_load %arg4[%get3A_1020, %get3A_1021] {strides = array<i32>} : memref<256x128xf32, #tpu.memory_space<vmem>>, vector<1x16xf32>,
          %get3A_1023 = vector.shape_cast %get3A_1022 : vector<1x16xf32> to vector<16xf32>
          %add3A_1024 = arith.addf %scan3A_824, %get3A_1023 : vector<16xf32>
          %add3A_1025 = arith.constant 96 : i32
          %add3A_1026 = arith.addi %add3A_1025, %scan3A_796 : i32
          %get3A_1027 = arith.index_cast %add3A_1026 : i32 to index
          %get3A_1028 = arith.constant 64 : index
          %get3A_1029 = tpu.vector_load %arg4[%get3A_1027, %get3A_1028] {strides = array<i32>} : memref<256x128xf32, #tpu.memory_space<vmem>>, vector<1x16xf32>,
          %get3A_1030 = vector.shape_cast %get3A_1029 : vector<1x16xf32> to vector<16xf32>
          %add3A_1031 = arith.addf %scan3A_825, %get3A_1030 : vector<16xf32>
          %add3A_1032 = arith.constant 96 : i32
          %add3A_1033 = arith.addi %add3A_1032, %scan3A_796 : i32
          %get3A_1034 = arith.index_cast %add3A_1033 : i32 to index
          %get3A_1035 = arith.constant 80 : index
          %get3A_1036 = tpu.vector_load %arg4[%get3A_1034, %get3A_1035] {strides = array<i32>} : memref<256x128xf32, #tpu.memory_space<vmem>>, vector<1x16xf32>,
          %get3A_1037 = vector.shape_cast %get3A_1036 : vector<1x16xf32> to vector<16xf32>
          %add3A_1038 = arith.addf %scan3A_826, %get3A_1037 : vector<16xf32>
          %add3A_1039 = arith.constant 96 : i32
          %add3A_1040 = arith.addi %add3A_1039, %scan3A_796 : i32
          %get3A_1041 = arith.index_cast %add3A_1040 : i32 to index
          %get3A_1042 = arith.constant 96 : index
          %get3A_1043 = tpu.vector_load %arg4[%get3A_1041, %get3A_1042] {strides = array<i32>} : memref<256x128xf32, #tpu.memory_space<vmem>>, vector<1x16xf32>,
          %get3A_1044 = vector.shape_cast %get3A_1043 : vector<1x16xf32> to vector<16xf32>
          %add3A_1045 = arith.addf %scan3A_827, %get3A_1044 : vector<16xf32>
          %add3A_1046 = arith.constant 96 : i32
          %add3A_1047 = arith.addi %add3A_1046, %scan3A_796 : i32
          %get3A_1048 = arith.index_cast %add3A_1047 : i32 to index
          %get3A_1049 = arith.constant 112 : index
          %get3A_1050 = tpu.vector_load %arg4[%get3A_1048, %get3A_1049] {strides = array<i32>} : memref<256x128xf32, #tpu.memory_space<vmem>>, vector<1x16xf32>,
          %get3A_1051 = vector.shape_cast %get3A_1050 : vector<1x16xf32> to vector<16xf32>
          %add3A_1052 = arith.addf %scan3A_828, %get3A_1051 : vector<16xf32>
          scf.yield %add3A_835, %add3A_842, %add3A_849, %add3A_856, %add3A_863, %add3A_870, %add3A_877, %add3A_884, %add3A_891, %add3A_898, %add3A_905, %add3A_912, %add3A_919, %add3A_926, %add3A_933, %add3A_940, %add3A_947, %add3A_954, %add3A_961, %add3A_968, %add3A_975, %add3A_982, %add3A_989, %add3A_996, %add3A_1003, %add3A_1010, %add3A_1017, %add3A_1024, %add3A_1031, %add3A_1038, %add3A_1045, %add3A_1052 : vector<16xf32>, vector<16xf32>, vector<16xf32>, vector<16xf32>, vector<16xf32>, vector<16xf32>, vector<16xf32>, vector<16xf32>, vector<16xf32>, vector<16xf32>, vector<16xf32>, vector<16xf32>, vector<16xf32>, vector<16xf32>, vector<16xf32>, vector<16xf32>, vector<16xf32>, vector<16xf32>, vector<16xf32>, vector<16xf32>, vector<16xf32>, vector<16xf32>, vector<16xf32>, vector<16xf32>, vector<16xf32>, vector<16xf32>, vector<16xf32>, vector<16xf32>, vector<16xf32>, vector<16xf32>, vector<16xf32>, vector<16xf32>
        }
        %scan3A_235 = arith.constant 31 : i32
        %swap3A = arith.constant 0 : i32
        %swap3A_236 = arith.index_cast %swap3A : i32 to index
        %swap3A_237 = arith.constant 0 : index
        %swap3A_238 = tpu.vector_load %arg6[%swap3A_236, %swap3A_237] {strides = array<i32>} : memref<8x128xf32, #tpu.memory_space<vmem>>, vector<1x16xf32>,
        %swap3A_239 = vector.shape_cast %swap3A_238 : vector<1x16xf32> to vector<16xf32>
        %swap3A_240 = vector.shape_cast %scan3A_234#0 : vector<16xf32> to vector<1x16xf32>
        tpu.vector_store %arg6[%swap3A_236, %swap3A_237], %swap3A_240 {strides = array<i32>} : memref<8x128xf32, #tpu.memory_space<vmem>>, vector<1x16xf32>,
        %swap3A_241 = arith.constant 0 : i32
        %swap3A_242 = arith.index_cast %swap3A_241 : i32 to index
        %swap3A_243 = arith.constant 16 : index
        %swap3A_244 = tpu.vector_load %arg6[%swap3A_242, %swap3A_243] {strides = array<i32>} : memref<8x128xf32, #tpu.memory_space<vmem>>, vector<1x16xf32>,
        %swap3A_245 = vector.shape_cast %swap3A_244 : vector<1x16xf32> to vector<16xf32>
        %swap3A_246 = vector.shape_cast %scan3A_234#1 : vector<16xf32> to vector<1x16xf32>
        tpu.vector_store %arg6[%swap3A_242, %swap3A_243], %swap3A_246 {strides = array<i32>} : memref<8x128xf32, #tpu.memory_space<vmem>>, vector<1x16xf32>,
        %swap3A_247 = arith.constant 0 : i32
        %swap3A_248 = arith.index_cast %swap3A_247 : i32 to index
        %swap3A_249 = arith.constant 32 : index
        %swap3A_250 = tpu.vector_load %arg6[%swap3A_248, %swap3A_249] {strides = array<i32>} : memref<8x128xf32, #tpu.memory_space<vmem>>, vector<1x16xf32>,
        %swap3A_251 = vector.shape_cast %swap3A_250 : vector<1x16xf32> to vector<16xf32>
        %swap3A_252 = vector.shape_cast %scan3A_234#2 : vector<16xf32> to vector<1x16xf32>
        tpu.vector_store %arg6[%swap3A_248, %swap3A_249], %swap3A_252 {strides = array<i32>} : memref<8x128xf32, #tpu.memory_space<vmem>>, vector<1x16xf32>,
        %swap3A_253 = arith.constant 0 : i32
        %swap3A_254 = arith.index_cast %swap3A_253 : i32 to index
        %swap3A_255 = arith.constant 48 : index
        %swap3A_256 = tpu.vector_load %arg6[%swap3A_254, %swap3A_255] {strides = array<i32>} : memref<8x128xf32, #tpu.memory_space<vmem>>, vector<1x16xf32>,
        %swap3A_257 = vector.shape_cast %swap3A_256 : vector<1x16xf32> to vector<16xf32>
        %swap3A_258 = vector.shape_cast %scan3A_234#3 : vector<16xf32> to vector<1x16xf32>
        tpu.vector_store %arg6[%swap3A_254, %swap3A_255], %swap3A_258 {strides = array<i32>} : memref<8x128xf32, #tpu.memory_space<vmem>>, vector<1x16xf32>,
        %swap3A_259 = arith.constant 0 : i32
        %swap3A_260 = arith.index_cast %swap3A_259 : i32 to index
        %swap3A_261 = arith.constant 64 : index
        %swap3A_262 = tpu.vector_load %arg6[%swap3A_260, %swap3A_261] {strides = array<i32>} : memref<8x128xf32, #tpu.memory_space<vmem>>, vector<1x16xf32>,
        %swap3A_263 = vector.shape_cast %swap3A_262 : vector<1x16xf32> to vector<16xf32>
        %swap3A_264 = vector.shape_cast %scan3A_234#4 : vector<16xf32> to vector<1x16xf32>
        tpu.vector_store %arg6[%swap3A_260, %swap3A_261], %swap3A_264 {strides = array<i32>} : memref<8x128xf32, #tpu.memory_space<vmem>>, vector<1x16xf32>,
        %swap3A_265 = arith.constant 0 : i32
        %swap3A_266 = arith.index_cast %swap3A_265 : i32 to index
        %swap3A_267 = arith.constant 80 : index
        %swap3A_268 = tpu.vector_load %arg6[%swap3A_266, %swap3A_267] {strides = array<i32>} : memref<8x128xf32, #tpu.memory_space<vmem>>, vector<1x16xf32>,
        %swap3A_269 = vector.shape_cast %swap3A_268 : vector<1x16xf32> to vector<16xf32>
        %swap3A_270 = vector.shape_cast %scan3A_234#5 : vector<16xf32> to vector<1x16xf32>
        tpu.vector_store %arg6[%swap3A_266, %swap3A_267], %swap3A_270 {strides = array<i32>} : memref<8x128xf32, #tpu.memory_space<vmem>>, vector<1x16xf32>,
        %swap3A_271 = arith.constant 0 : i32
        %swap3A_272 = arith.index_cast %swap3A_271 : i32 to index
        %swap3A_273 = arith.constant 96 : index
        %swap3A_274 = tpu.vector_load %arg6[%swap3A_272, %swap3A_273] {strides = array<i32>} : memref<8x128xf32, #tpu.memory_space<vmem>>, vector<1x16xf32>,
        %swap3A_275 = vector.shape_cast %swap3A_274 : vector<1x16xf32> to vector<16xf32>
        %swap3A_276 = vector.shape_cast %scan3A_234#6 : vector<16xf32> to vector<1x16xf32>
        tpu.vector_store %arg6[%swap3A_272, %swap3A_273], %swap3A_276 {strides = array<i32>} : memref<8x128xf32, #tpu.memory_space<vmem>>, vector<1x16xf32>,
        %swap3A_277 = arith.constant 0 : i32
        %swap3A_278 = arith.index_cast %swap3A_277 : i32 to index
        %swap3A_279 = arith.constant 112 : index
        %swap3A_280 = tpu.vector_load %arg6[%swap3A_278, %swap3A_279] {strides = array<i32>} : memref<8x128xf32, #tpu.memory_space<vmem>>, vector<1x16xf32>,
        %swap3A_281 = vector.shape_cast %swap3A_280 : vector<1x16xf32> to vector<16xf32>
        %swap3A_282 = vector.shape_cast %scan3A_234#7 : vector<16xf32> to vector<1x16xf32>
        tpu.vector_store %arg6[%swap3A_278, %swap3A_279], %swap3A_282 {strides = array<i32>} : memref<8x128xf32, #tpu.memory_space<vmem>>, vector<1x16xf32>,
        %swap3A_283 = arith.constant 1 : i32
        %swap3A_284 = arith.index_cast %swap3A_283 : i32 to index
        %swap3A_285 = arith.constant 0 : index
        %swap3A_286 = tpu.vector_load %arg6[%swap3A_284, %swap3A_285] {strides = array<i32>} : memref<8x128xf32, #tpu.memory_space<vmem>>, vector<1x16xf32>,
        %swap3A_287 = vector.shape_cast %swap3A_286 : vector<1x16xf32> to vector<16xf32>
        %swap3A_288 = vector.shape_cast %scan3A_234#8 : vector<16xf32> to vector<1x16xf32>
        tpu.vector_store %arg6[%swap3A_284, %swap3A_285], %swap3A_288 {strides = array<i32>} : memref<8x128xf32, #tpu.memory_space<vmem>>, vector<1x16xf32>,
        %swap3A_289 = arith.constant 1 : i32
        %swap3A_290 = arith.index_cast %swap3A_289 : i32 to index
        %swap3A_291 = arith.constant 16 : index
        %swap3A_292 = tpu.vector_load %arg6[%swap3A_290, %swap3A_291] {strides = array<i32>} : memref<8x128xf32, #tpu.memory_space<vmem>>, vector<1x16xf32>,
        %swap3A_293 = vector.shape_cast %swap3A_292 : vector<1x16xf32> to vector<16xf32>
        %swap3A_294 = vector.shape_cast %scan3A_234#9 : vector<16xf32> to vector<1x16xf32>
        tpu.vector_store %arg6[%swap3A_290, %swap3A_291], %swap3A_294 {strides = array<i32>} : memref<8x128xf32, #tpu.memory_space<vmem>>, vector<1x16xf32>,
        %swap3A_295 = arith.constant 1 : i32
        %swap3A_296 = arith.index_cast %swap3A_295 : i32 to index
        %swap3A_297 = arith.constant 32 : index
        %swap3A_298 = tpu.vector_load %arg6[%swap3A_296, %swap3A_297] {strides = array<i32>} : memref<8x128xf32, #tpu.memory_space<vmem>>, vector<1x16xf32>,
        %swap3A_299 = vector.shape_cast %swap3A_298 : vector<1x16xf32> to vector<16xf32>
        %swap3A_300 = vector.shape_cast %scan3A_234#10 : vector<16xf32> to vector<1x16xf32>
        tpu.vector_store %arg6[%swap3A_296, %swap3A_297], %swap3A_300 {strides = array<i32>} : memref<8x128xf32, #tpu.memory_space<vmem>>, vector<1x16xf32>,
        %swap3A_301 = arith.constant 1 : i32
        %swap3A_302 = arith.index_cast %swap3A_301 : i32 to index
        %swap3A_303 = arith.constant 48 : index
        %swap3A_304 = tpu.vector_load %arg6[%swap3A_302, %swap3A_303] {strides = array<i32>} : memref<8x128xf32, #tpu.memory_space<vmem>>, vector<1x16xf32>,
        %swap3A_305 = vector.shape_cast %swap3A_304 : vector<1x16xf32> to vector<16xf32>
        %swap3A_306 = vector.shape_cast %scan3A_234#11 : vector<16xf32> to vector<1x16xf32>
        tpu.vector_store %arg6[%swap3A_302, %swap3A_303], %swap3A_306 {strides = array<i32>} : memref<8x128xf32, #tpu.memory_space<vmem>>, vector<1x16xf32>,
        %swap3A_307 = arith.constant 1 : i32
        %swap3A_308 = arith.index_cast %swap3A_307 : i32 to index
        %swap3A_309 = arith.constant 64 : index
        %swap3A_310 = tpu.vector_load %arg6[%swap3A_308, %swap3A_309] {strides = array<i32>} : memref<8x128xf32, #tpu.memory_space<vmem>>, vector<1x16xf32>,
        %swap3A_311 = vector.shape_cast %swap3A_310 : vector<1x16xf32> to vector<16xf32>
        %swap3A_312 = vector.shape_cast %scan3A_234#12 : vector<16xf32> to vector<1x16xf32>
        tpu.vector_store %arg6[%swap3A_308, %swap3A_309], %swap3A_312 {strides = array<i32>} : memref<8x128xf32, #tpu.memory_space<vmem>>, vector<1x16xf32>,
        %swap3A_313 = arith.constant 1 : i32
        %swap3A_314 = arith.index_cast %swap3A_313 : i32 to index
        %swap3A_315 = arith.constant 80 : index
        %swap3A_316 = tpu.vector_load %arg6[%swap3A_314, %swap3A_315] {strides = array<i32>} : memref<8x128xf32, #tpu.memory_space<vmem>>, vector<1x16xf32>,
        %swap3A_317 = vector.shape_cast %swap3A_316 : vector<1x16xf32> to vector<16xf32>
        %swap3A_318 = vector.shape_cast %scan3A_234#13 : vector<16xf32> to vector<1x16xf32>
        tpu.vector_store %arg6[%swap3A_314, %swap3A_315], %swap3A_318 {strides = array<i32>} : memref<8x128xf32, #tpu.memory_space<vmem>>, vector<1x16xf32>,
        %swap3A_319 = arith.constant 1 : i32
        %swap3A_320 = arith.index_cast %swap3A_319 : i32 to index
        %swap3A_321 = arith.constant 96 : index
        %swap3A_322 = tpu.vector_load %arg6[%swap3A_320, %swap3A_321] {strides = array<i32>} : memref<8x128xf32, #tpu.memory_space<vmem>>, vector<1x16xf32>,
        %swap3A_323 = vector.shape_cast %swap3A_322 : vector<1x16xf32> to vector<16xf32>
        %swap3A_324 = vector.shape_cast %scan3A_234#14 : vector<16xf32> to vector<1x16xf32>
        tpu.vector_store %arg6[%swap3A_320, %swap3A_321], %swap3A_324 {strides = array<i32>} : memref<8x128xf32, #tpu.memory_space<vmem>>, vector<1x16xf32>,
        %swap3A_325 = arith.constant 1 : i32
        %swap3A_326 = arith.index_cast %swap3A_325 : i32 to index
        %swap3A_327 = arith.constant 112 : index
        %swap3A_328 = tpu.vector_load %arg6[%swap3A_326, %swap3A_327] {strides = array<i32>} : memref<8x128xf32, #tpu.memory_space<vmem>>, vector<1x16xf32>,
        %swap3A_329 = vector.shape_cast %swap3A_328 : vector<1x16xf32> to vector<16xf32>
        %swap3A_330 = vector.shape_cast %scan3A_234#15 : vector<16xf32> to vector<1x16xf32>
        tpu.vector_store %arg6[%swap3A_326, %swap3A_327], %swap3A_330 {strides = array<i32>} : memref<8x128xf32, #tpu.memory_space<vmem>>, vector<1x16xf32>,
        %swap3A_331 = arith.constant 2 : i32
        %swap3A_332 = arith.index_cast %swap3A_331 : i32 to index
        %swap3A_333 = arith.constant 0 : index
        %swap3A_334 = tpu.vector_load %arg6[%swap3A_332, %swap3A_333] {strides = array<i32>} : memref<8x128xf32, #tpu.memory_space<vmem>>, vector<1x16xf32>,
        %swap3A_335 = vector.shape_cast %swap3A_334 : vector<1x16xf32> to vector<16xf32>
        %swap3A_336 = vector.shape_cast %scan3A_234#16 : vector<16xf32> to vector<1x16xf32>
        tpu.vector_store %arg6[%swap3A_332, %swap3A_333], %swap3A_336 {strides = array<i32>} : memref<8x128xf32, #tpu.memory_space<vmem>>, vector<1x16xf32>,
        %swap3A_337 = arith.constant 2 : i32
        %swap3A_338 = arith.index_cast %swap3A_337 : i32 to index
        %swap3A_339 = arith.constant 16 : index
        %swap3A_340 = tpu.vector_load %arg6[%swap3A_338, %swap3A_339] {strides = array<i32>} : memref<8x128xf32, #tpu.memory_space<vmem>>, vector<1x16xf32>,
        %swap3A_341 = vector.shape_cast %swap3A_340 : vector<1x16xf32> to vector<16xf32>
        %swap3A_342 = vector.shape_cast %scan3A_234#17 : vector<16xf32> to vector<1x16xf32>
        tpu.vector_store %arg6[%swap3A_338, %swap3A_339], %swap3A_342 {strides = array<i32>} : memref<8x128xf32, #tpu.memory_space<vmem>>, vector<1x16xf32>,
        %swap3A_343 = arith.constant 2 : i32
        %swap3A_344 = arith.index_cast %swap3A_343 : i32 to index
        %swap3A_345 = arith.constant 32 : index
        %swap3A_346 = tpu.vector_load %arg6[%swap3A_344, %swap3A_345] {strides = array<i32>} : memref<8x128xf32, #tpu.memory_space<vmem>>, vector<1x16xf32>,
        %swap3A_347 = vector.shape_cast %swap3A_346 : vector<1x16xf32> to vector<16xf32>
        %swap3A_348 = vector.shape_cast %scan3A_234#18 : vector<16xf32> to vector<1x16xf32>
        tpu.vector_store %arg6[%swap3A_344, %swap3A_345], %swap3A_348 {strides = array<i32>} : memref<8x128xf32, #tpu.memory_space<vmem>>, vector<1x16xf32>,
        %swap3A_349 = arith.constant 2 : i32
        %swap3A_350 = arith.index_cast %swap3A_349 : i32 to index
        %swap3A_351 = arith.constant 48 : index
        %swap3A_352 = tpu.vector_load %arg6[%swap3A_350, %swap3A_351] {strides = array<i32>} : memref<8x128xf32, #tpu.memory_space<vmem>>, vector<1x16xf32>,
        %swap3A_353 = vector.shape_cast %swap3A_352 : vector<1x16xf32> to vector<16xf32>
        %swap3A_354 = vector.shape_cast %scan3A_234#19 : vector<16xf32> to vector<1x16xf32>
        tpu.vector_store %arg6[%swap3A_350, %swap3A_351], %swap3A_354 {strides = array<i32>} : memref<8x128xf32, #tpu.memory_space<vmem>>, vector<1x16xf32>,
        %swap3A_355 = arith.constant 2 : i32
        %swap3A_356 = arith.index_cast %swap3A_355 : i32 to index
        %swap3A_357 = arith.constant 64 : index
        %swap3A_358 = tpu.vector_load %arg6[%swap3A_356, %swap3A_357] {strides = array<i32>} : memref<8x128xf32, #tpu.memory_space<vmem>>, vector<1x16xf32>,
        %swap3A_359 = vector.shape_cast %swap3A_358 : vector<1x16xf32> to vector<16xf32>
        %swap3A_360 = vector.shape_cast %scan3A_234#20 : vector<16xf32> to vector<1x16xf32>
        tpu.vector_store %arg6[%swap3A_356, %swap3A_357], %swap3A_360 {strides = array<i32>} : memref<8x128xf32, #tpu.memory_space<vmem>>, vector<1x16xf32>,
        %swap3A_361 = arith.constant 2 : i32
        %swap3A_362 = arith.index_cast %swap3A_361 : i32 to index
        %swap3A_363 = arith.constant 80 : index
        %swap3A_364 = tpu.vector_load %arg6[%swap3A_362, %swap3A_363] {strides = array<i32>} : memref<8x128xf32, #tpu.memory_space<vmem>>, vector<1x16xf32>,
        %swap3A_365 = vector.shape_cast %swap3A_364 : vector<1x16xf32> to vector<16xf32>
        %swap3A_366 = vector.shape_cast %scan3A_234#21 : vector<16xf32> to vector<1x16xf32>
        tpu.vector_store %arg6[%swap3A_362, %swap3A_363], %swap3A_366 {strides = array<i32>} : memref<8x128xf32, #tpu.memory_space<vmem>>, vector<1x16xf32>,
        %swap3A_367 = arith.constant 2 : i32
        %swap3A_368 = arith.index_cast %swap3A_367 : i32 to index
        %swap3A_369 = arith.constant 96 : index
        %swap3A_370 = tpu.vector_load %arg6[%swap3A_368, %swap3A_369] {strides = array<i32>} : memref<8x128xf32, #tpu.memory_space<vmem>>, vector<1x16xf32>,
        %swap3A_371 = vector.shape_cast %swap3A_370 : vector<1x16xf32> to vector<16xf32>
        %swap3A_372 = vector.shape_cast %scan3A_234#22 : vector<16xf32> to vector<1x16xf32>
        tpu.vector_store %arg6[%swap3A_368, %swap3A_369], %swap3A_372 {strides = array<i32>} : memref<8x128xf32, #tpu.memory_space<vmem>>, vector<1x16xf32>,
        %swap3A_373 = arith.constant 2 : i32
        %swap3A_374 = arith.index_cast %swap3A_373 : i32 to index
        %swap3A_375 = arith.constant 112 : index
        %swap3A_376 = tpu.vector_load %arg6[%swap3A_374, %swap3A_375] {strides = array<i32>} : memref<8x128xf32, #tpu.memory_space<vmem>>, vector<1x16xf32>,
        %swap3A_377 = vector.shape_cast %swap3A_376 : vector<1x16xf32> to vector<16xf32>
        %swap3A_378 = vector.shape_cast %scan3A_234#23 : vector<16xf32> to vector<1x16xf32>
        tpu.vector_store %arg6[%swap3A_374, %swap3A_375], %swap3A_378 {strides = array<i32>} : memref<8x128xf32, #tpu.memory_space<vmem>>, vector<1x16xf32>,
        %swap3A_379 = arith.constant 3 : i32
        %swap3A_380 = arith.index_cast %swap3A_379 : i32 to index
        %swap3A_381 = arith.constant 0 : index
        %swap3A_382 = tpu.vector_load %arg6[%swap3A_380, %swap3A_381] {strides = array<i32>} : memref<8x128xf32, #tpu.memory_space<vmem>>, vector<1x16xf32>,
        %swap3A_383 = vector.shape_cast %swap3A_382 : vector<1x16xf32> to vector<16xf32>
        %swap3A_384 = vector.shape_cast %scan3A_234#24 : vector<16xf32> to vector<1x16xf32>
        tpu.vector_store %arg6[%swap3A_380, %swap3A_381], %swap3A_384 {strides = array<i32>} : memref<8x128xf32, #tpu.memory_space<vmem>>, vector<1x16xf32>,
        %swap3A_385 = arith.constant 3 : i32
        %swap3A_386 = arith.index_cast %swap3A_385 : i32 to index
        %swap3A_387 = arith.constant 16 : index
        %swap3A_388 = tpu.vector_load %arg6[%swap3A_386, %swap3A_387] {strides = array<i32>} : memref<8x128xf32, #tpu.memory_space<vmem>>, vector<1x16xf32>,
        %swap3A_389 = vector.shape_cast %swap3A_388 : vector<1x16xf32> to vector<16xf32>
        %swap3A_390 = vector.shape_cast %scan3A_234#25 : vector<16xf32> to vector<1x16xf32>
        tpu.vector_store %arg6[%swap3A_386, %swap3A_387], %swap3A_390 {strides = array<i32>} : memref<8x128xf32, #tpu.memory_space<vmem>>, vector<1x16xf32>,
        %swap3A_391 = arith.constant 3 : i32
        %swap3A_392 = arith.index_cast %swap3A_391 : i32 to index
        %swap3A_393 = arith.constant 32 : index
        %swap3A_394 = tpu.vector_load %arg6[%swap3A_392, %swap3A_393] {strides = array<i32>} : memref<8x128xf32, #tpu.memory_space<vmem>>, vector<1x16xf32>,
        %swap3A_395 = vector.shape_cast %swap3A_394 : vector<1x16xf32> to vector<16xf32>
        %swap3A_396 = vector.shape_cast %scan3A_234#26 : vector<16xf32> to vector<1x16xf32>
        tpu.vector_store %arg6[%swap3A_392, %swap3A_393], %swap3A_396 {strides = array<i32>} : memref<8x128xf32, #tpu.memory_space<vmem>>, vector<1x16xf32>,
        %swap3A_397 = arith.constant 3 : i32
        %swap3A_398 = arith.index_cast %swap3A_397 : i32 to index
        %swap3A_399 = arith.constant 48 : index
        %swap3A_400 = tpu.vector_load %arg6[%swap3A_398, %swap3A_399] {strides = array<i32>} : memref<8x128xf32, #tpu.memory_space<vmem>>, vector<1x16xf32>,
        %swap3A_401 = vector.shape_cast %swap3A_400 : vector<1x16xf32> to vector<16xf32>
        %swap3A_402 = vector.shape_cast %scan3A_234#27 : vector<16xf32> to vector<1x16xf32>
        tpu.vector_store %arg6[%swap3A_398, %swap3A_399], %swap3A_402 {strides = array<i32>} : memref<8x128xf32, #tpu.memory_space<vmem>>, vector<1x16xf32>,
        %swap3A_403 = arith.constant 3 : i32
        %swap3A_404 = arith.index_cast %swap3A_403 : i32 to index
        %swap3A_405 = arith.constant 64 : index
        %swap3A_406 = tpu.vector_load %arg6[%swap3A_404, %swap3A_405] {strides = array<i32>} : memref<8x128xf32, #tpu.memory_space<vmem>>, vector<1x16xf32>,
        %swap3A_407 = vector.shape_cast %swap3A_406 : vector<1x16xf32> to vector<16xf32>
        %swap3A_408 = vector.shape_cast %scan3A_234#28 : vector<16xf32> to vector<1x16xf32>
        tpu.vector_store %arg6[%swap3A_404, %swap3A_405], %swap3A_408 {strides = array<i32>} : memref<8x128xf32, #tpu.memory_space<vmem>>, vector<1x16xf32>,
        %swap3A_409 = arith.constant 3 : i32
        %swap3A_410 = arith.index_cast %swap3A_409 : i32 to index
        %swap3A_411 = arith.constant 80 : index
        %swap3A_412 = tpu.vector_load %arg6[%swap3A_410, %swap3A_411] {strides = array<i32>} : memref<8x128xf32, #tpu.memory_space<vmem>>, vector<1x16xf32>,
        %swap3A_413 = vector.shape_cast %swap3A_412 : vector<1x16xf32> to vector<16xf32>
        %swap3A_414 = vector.shape_cast %scan3A_234#29 : vector<16xf32> to vector<1x16xf32>
        tpu.vector_store %arg6[%swap3A_410, %swap3A_411], %swap3A_414 {strides = array<i32>} : memref<8x128xf32, #tpu.memory_space<vmem>>, vector<1x16xf32>,
        %swap3A_415 = arith.constant 3 : i32
        %swap3A_416 = arith.index_cast %swap3A_415 : i32 to index
        %swap3A_417 = arith.constant 96 : index
        %swap3A_418 = tpu.vector_load %arg6[%swap3A_416, %swap3A_417] {strides = array<i32>} : memref<8x128xf32, #tpu.memory_space<vmem>>, vector<1x16xf32>,
        %swap3A_419 = vector.shape_cast %swap3A_418 : vector<1x16xf32> to vector<16xf32>
        %swap3A_420 = vector.shape_cast %scan3A_234#30 : vector<16xf32> to vector<1x16xf32>
        tpu.vector_store %arg6[%swap3A_416, %swap3A_417], %swap3A_420 {strides = array<i32>} : memref<8x128xf32, #tpu.memory_space<vmem>>, vector<1x16xf32>,
        %swap3A_421 = arith.constant 3 : i32
        %swap3A_422 = arith.index_cast %swap3A_421 : i32 to index
        %swap3A_423 = arith.constant 112 : index
        %swap3A_424 = tpu.vector_load %arg6[%swap3A_422, %swap3A_423] {strides = array<i32>} : memref<8x128xf32, #tpu.memory_space<vmem>>, vector<1x16xf32>,
        %swap3A_425 = vector.shape_cast %swap3A_424 : vector<1x16xf32> to vector<16xf32>
        %swap3A_426 = vector.shape_cast %scan3A_234#31 : vector<16xf32> to vector<1x16xf32>
        tpu.vector_store %arg6[%swap3A_422, %swap3A_423], %swap3A_426 {strides = array<i32>} : memref<8x128xf32, #tpu.memory_space<vmem>>, vector<1x16xf32>,
        %get3A_427 = arith.constant 128 : i32
        %get3A_428 = arith.index_cast %get3A_427 : i32 to index
        %get3A_429 = arith.constant 0 : index
        %get3A_430 = tpu.vector_load %arg4[%get3A_428, %get3A_429] {strides = array<i32>} : memref<256x128xf32, #tpu.memory_space<vmem>>, vector<1x16xf32>,
        %get3A_431 = vector.shape_cast %get3A_430 : vector<1x16xf32> to vector<16xf32>
        %get3A_432 = arith.constant 128 : i32
        %get3A_433 = arith.index_cast %get3A_432 : i32 to index
        %get3A_434 = arith.constant 16 : index
        %get3A_435 = tpu.vector_load %arg4[%get3A_433, %get3A_434] {strides = array<i32>} : memref<256x128xf32, #tpu.memory_space<vmem>>, vector<1x16xf32>,
        %get3A_436 = vector.shape_cast %get3A_435 : vector<1x16xf32> to vector<16xf32>
        %get3A_437 = arith.constant 128 : i32
        %get3A_438 = arith.index_cast %get3A_437 : i32 to index
        %get3A_439 = arith.constant 32 : index
        %get3A_440 = tpu.vector_load %arg4[%get3A_438, %get3A_439] {strides = array<i32>} : memref<256x128xf32, #tpu.memory_space<vmem>>, vector<1x16xf32>,
        %get3A_441 = vector.shape_cast %get3A_440 : vector<1x16xf32> to vector<16xf32>
        %get3A_442 = arith.constant 128 : i32
        %get3A_443 = arith.index_cast %get3A_442 : i32 to index
        %get3A_444 = arith.constant 48 : index
        %get3A_445 = tpu.vector_load %arg4[%get3A_443, %get3A_444] {strides = array<i32>} : memref<256x128xf32, #tpu.memory_space<vmem>>, vector<1x16xf32>,
        %get3A_446 = vector.shape_cast %get3A_445 : vector<1x16xf32> to vector<16xf32>
        %get3A_447 = arith.constant 128 : i32
        %get3A_448 = arith.index_cast %get3A_447 : i32 to index
        %get3A_449 = arith.constant 64 : index
        %get3A_450 = tpu.vector_load %arg4[%get3A_448, %get3A_449] {strides = array<i32>} : memref<256x128xf32, #tpu.memory_space<vmem>>, vector<1x16xf32>,
        %get3A_451 = vector.shape_cast %get3A_450 : vector<1x16xf32> to vector<16xf32>
        %get3A_452 = arith.constant 128 : i32
        %get3A_453 = arith.index_cast %get3A_452 : i32 to index
        %get3A_454 = arith.constant 80 : index
        %get3A_455 = tpu.vector_load %arg4[%get3A_453, %get3A_454] {strides = array<i32>} : memref<256x128xf32, #tpu.memory_space<vmem>>, vector<1x16xf32>,
        %get3A_456 = vector.shape_cast %get3A_455 : vector<1x16xf32> to vector<16xf32>
        %get3A_457 = arith.constant 128 : i32
        %get3A_458 = arith.index_cast %get3A_457 : i32 to index
        %get3A_459 = arith.constant 96 : index
        %get3A_460 = tpu.vector_load %arg4[%get3A_458, %get3A_459] {strides = array<i32>} : memref<256x128xf32, #tpu.memory_space<vmem>>, vector<1x16xf32>,
        %get3A_461 = vector.shape_cast %get3A_460 : vector<1x16xf32> to vector<16xf32>
        %get3A_462 = arith.constant 128 : i32
        %get3A_463 = arith.index_cast %get3A_462 : i32 to index
        %get3A_464 = arith.constant 112 : index
        %get3A_465 = tpu.vector_load %arg4[%get3A_463, %get3A_464] {strides = array<i32>} : memref<256x128xf32, #tpu.memory_space<vmem>>, vector<1x16xf32>,
        %get3A_466 = vector.shape_cast %get3A_465 : vector<1x16xf32> to vector<16xf32>
        %get3A_467 = arith.constant 160 : i32
        %get3A_468 = arith.index_cast %get3A_467 : i32 to index
        %get3A_469 = arith.constant 0 : index
        %get3A_470 = tpu.vector_load %arg4[%get3A_468, %get3A_469] {strides = array<i32>} : memref<256x128xf32, #tpu.memory_space<vmem>>, vector<1x16xf32>,
        %get3A_471 = vector.shape_cast %get3A_470 : vector<1x16xf32> to vector<16xf32>
        %get3A_472 = arith.constant 160 : i32
        %get3A_473 = arith.index_cast %get3A_472 : i32 to index
        %get3A_474 = arith.constant 16 : index
        %get3A_475 = tpu.vector_load %arg4[%get3A_473, %get3A_474] {strides = array<i32>} : memref<256x128xf32, #tpu.memory_space<vmem>>, vector<1x16xf32>,
        %get3A_476 = vector.shape_cast %get3A_475 : vector<1x16xf32> to vector<16xf32>
        %get3A_477 = arith.constant 160 : i32
        %get3A_478 = arith.index_cast %get3A_477 : i32 to index
        %get3A_479 = arith.constant 32 : index
        %get3A_480 = tpu.vector_load %arg4[%get3A_478, %get3A_479] {strides = array<i32>} : memref<256x128xf32, #tpu.memory_space<vmem>>, vector<1x16xf32>,
        %get3A_481 = vector.shape_cast %get3A_480 : vector<1x16xf32> to vector<16xf32>
        %get3A_482 = arith.constant 160 : i32
        %get3A_483 = arith.index_cast %get3A_482 : i32 to index
        %get3A_484 = arith.constant 48 : index
        %get3A_485 = tpu.vector_load %arg4[%get3A_483, %get3A_484] {strides = array<i32>} : memref<256x128xf32, #tpu.memory_space<vmem>>, vector<1x16xf32>,
        %get3A_486 = vector.shape_cast %get3A_485 : vector<1x16xf32> to vector<16xf32>
        %get3A_487 = arith.constant 160 : i32
        %get3A_488 = arith.index_cast %get3A_487 : i32 to index
        %get3A_489 = arith.constant 64 : index
        %get3A_490 = tpu.vector_load %arg4[%get3A_488, %get3A_489] {strides = array<i32>} : memref<256x128xf32, #tpu.memory_space<vmem>>, vector<1x16xf32>,
        %get3A_491 = vector.shape_cast %get3A_490 : vector<1x16xf32> to vector<16xf32>
        %get3A_492 = arith.constant 160 : i32
        %get3A_493 = arith.index_cast %get3A_492 : i32 to index
        %get3A_494 = arith.constant 80 : index
        %get3A_495 = tpu.vector_load %arg4[%get3A_493, %get3A_494] {strides = array<i32>} : memref<256x128xf32, #tpu.memory_space<vmem>>, vector<1x16xf32>,
        %get3A_496 = vector.shape_cast %get3A_495 : vector<1x16xf32> to vector<16xf32>
        %get3A_497 = arith.constant 160 : i32
        %get3A_498 = arith.index_cast %get3A_497 : i32 to index
        %get3A_499 = arith.constant 96 : index
        %get3A_500 = tpu.vector_load %arg4[%get3A_498, %get3A_499] {strides = array<i32>} : memref<256x128xf32, #tpu.memory_space<vmem>>, vector<1x16xf32>,
        %get3A_501 = vector.shape_cast %get3A_500 : vector<1x16xf32> to vector<16xf32>
        %get3A_502 = arith.constant 160 : i32
        %get3A_503 = arith.index_cast %get3A_502 : i32 to index
        %get3A_504 = arith.constant 112 : index
        %get3A_505 = tpu.vector_load %arg4[%get3A_503, %get3A_504] {strides = array<i32>} : memref<256x128xf32, #tpu.memory_space<vmem>>, vector<1x16xf32>,
        %get3A_506 = vector.shape_cast %get3A_505 : vector<1x16xf32> to vector<16xf32>
        %get3A_507 = arith.constant 192 : i32
        %get3A_508 = arith.index_cast %get3A_507 : i32 to index
        %get3A_509 = arith.constant 0 : index
        %get3A_510 = tpu.vector_load %arg4[%get3A_508, %get3A_509] {strides = array<i32>} : memref<256x128xf32, #tpu.memory_space<vmem>>, vector<1x16xf32>,
        %get3A_511 = vector.shape_cast %get3A_510 : vector<1x16xf32> to vector<16xf32>
        %get3A_512 = arith.constant 192 : i32
        %get3A_513 = arith.index_cast %get3A_512 : i32 to index
        %get3A_514 = arith.constant 16 : index
        %get3A_515 = tpu.vector_load %arg4[%get3A_513, %get3A_514] {strides = array<i32>} : memref<256x128xf32, #tpu.memory_space<vmem>>, vector<1x16xf32>,
        %get3A_516 = vector.shape_cast %get3A_515 : vector<1x16xf32> to vector<16xf32>
        %get3A_517 = arith.constant 192 : i32
        %get3A_518 = arith.index_cast %get3A_517 : i32 to index
        %get3A_519 = arith.constant 32 : index
        %get3A_520 = tpu.vector_load %arg4[%get3A_518, %get3A_519] {strides = array<i32>} : memref<256x128xf32, #tpu.memory_space<vmem>>, vector<1x16xf32>,
        %get3A_521 = vector.shape_cast %get3A_520 : vector<1x16xf32> to vector<16xf32>
        %get3A_522 = arith.constant 192 : i32
        %get3A_523 = arith.index_cast %get3A_522 : i32 to index
        %get3A_524 = arith.constant 48 : index
        %get3A_525 = tpu.vector_load %arg4[%get3A_523, %get3A_524] {strides = array<i32>} : memref<256x128xf32, #tpu.memory_space<vmem>>, vector<1x16xf32>,
        %get3A_526 = vector.shape_cast %get3A_525 : vector<1x16xf32> to vector<16xf32>
        %get3A_527 = arith.constant 192 : i32
        %get3A_528 = arith.index_cast %get3A_527 : i32 to index
        %get3A_529 = arith.constant 64 : index
        %get3A_530 = tpu.vector_load %arg4[%get3A_528, %get3A_529] {strides = array<i32>} : memref<256x128xf32, #tpu.memory_space<vmem>>, vector<1x16xf32>,
        %get3A_531 = vector.shape_cast %get3A_530 : vector<1x16xf32> to vector<16xf32>
        %get3A_532 = arith.constant 192 : i32
        %get3A_533 = arith.index_cast %get3A_532 : i32 to index
        %get3A_534 = arith.constant 80 : index
        %get3A_535 = tpu.vector_load %arg4[%get3A_533, %get3A_534] {strides = array<i32>} : memref<256x128xf32, #tpu.memory_space<vmem>>, vector<1x16xf32>,
        %get3A_536 = vector.shape_cast %get3A_535 : vector<1x16xf32> to vector<16xf32>
        %get3A_537 = arith.constant 192 : i32
        %get3A_538 = arith.index_cast %get3A_537 : i32 to index
        %get3A_539 = arith.constant 96 : index
        %get3A_540 = tpu.vector_load %arg4[%get3A_538, %get3A_539] {strides = array<i32>} : memref<256x128xf32, #tpu.memory_space<vmem>>, vector<1x16xf32>,
        %get3A_541 = vector.shape_cast %get3A_540 : vector<1x16xf32> to vector<16xf32>
        %get3A_542 = arith.constant 192 : i32
        %get3A_543 = arith.index_cast %get3A_542 : i32 to index
        %get3A_544 = arith.constant 112 : index
        %get3A_545 = tpu.vector_load %arg4[%get3A_543, %get3A_544] {strides = array<i32>} : memref<256x128xf32, #tpu.memory_space<vmem>>, vector<1x16xf32>,
        %get3A_546 = vector.shape_cast %get3A_545 : vector<1x16xf32> to vector<16xf32>
        %get3A_547 = arith.constant 224 : i32
        %get3A_548 = arith.index_cast %get3A_547 : i32 to index
        %get3A_549 = arith.constant 0 : index
        %get3A_550 = tpu.vector_load %arg4[%get3A_548, %get3A_549] {strides = array<i32>} : memref<256x128xf32, #tpu.memory_space<vmem>>, vector<1x16xf32>,
        %get3A_551 = vector.shape_cast %get3A_550 : vector<1x16xf32> to vector<16xf32>
        %get3A_552 = arith.constant 224 : i32
        %get3A_553 = arith.index_cast %get3A_552 : i32 to index
        %get3A_554 = arith.constant 16 : index
        %get3A_555 = tpu.vector_load %arg4[%get3A_553, %get3A_554] {strides = array<i32>} : memref<256x128xf32, #tpu.memory_space<vmem>>, vector<1x16xf32>,
        %get3A_556 = vector.shape_cast %get3A_555 : vector<1x16xf32> to vector<16xf32>
        %get3A_557 = arith.constant 224 : i32
        %get3A_558 = arith.index_cast %get3A_557 : i32 to index
        %get3A_559 = arith.constant 32 : index
        %get3A_560 = tpu.vector_load %arg4[%get3A_558, %get3A_559] {strides = array<i32>} : memref<256x128xf32, #tpu.memory_space<vmem>>, vector<1x16xf32>,
        %get3A_561 = vector.shape_cast %get3A_560 : vector<1x16xf32> to vector<16xf32>
        %get3A_562 = arith.constant 224 : i32
        %get3A_563 = arith.index_cast %get3A_562 : i32 to index
        %get3A_564 = arith.constant 48 : index
        %get3A_565 = tpu.vector_load %arg4[%get3A_563, %get3A_564] {strides = array<i32>} : memref<256x128xf32, #tpu.memory_space<vmem>>, vector<1x16xf32>,
        %get3A_566 = vector.shape_cast %get3A_565 : vector<1x16xf32> to vector<16xf32>
        %get3A_567 = arith.constant 224 : i32
        %get3A_568 = arith.index_cast %get3A_567 : i32 to index
        %get3A_569 = arith.constant 64 : index
        %get3A_570 = tpu.vector_load %arg4[%get3A_568, %get3A_569] {strides = array<i32>} : memref<256x128xf32, #tpu.memory_space<vmem>>, vector<1x16xf32>,
        %get3A_571 = vector.shape_cast %get3A_570 : vector<1x16xf32> to vector<16xf32>
        %get3A_572 = arith.constant 224 : i32
        %get3A_573 = arith.index_cast %get3A_572 : i32 to index
        %get3A_574 = arith.constant 80 : index
        %get3A_575 = tpu.vector_load %arg4[%get3A_573, %get3A_574] {strides = array<i32>} : memref<256x128xf32, #tpu.memory_space<vmem>>, vector<1x16xf32>,
        %get3A_576 = vector.shape_cast %get3A_575 : vector<1x16xf32> to vector<16xf32>
        %get3A_577 = arith.constant 224 : i32
        %get3A_578 = arith.index_cast %get3A_577 : i32 to index
        %get3A_579 = arith.constant 96 : index
        %get3A_580 = tpu.vector_load %arg4[%get3A_578, %get3A_579] {strides = array<i32>} : memref<256x128xf32, #tpu.memory_space<vmem>>, vector<1x16xf32>,
        %get3A_581 = vector.shape_cast %get3A_580 : vector<1x16xf32> to vector<16xf32>
        %get3A_582 = arith.constant 224 : i32
        %get3A_583 = arith.index_cast %get3A_582 : i32 to index
        %get3A_584 = arith.constant 112 : index
        %get3A_585 = tpu.vector_load %arg4[%get3A_583, %get3A_584] {strides = array<i32>} : memref<256x128xf32, #tpu.memory_space<vmem>>, vector<1x16xf32>,
        %get3A_586 = vector.shape_cast %get3A_585 : vector<1x16xf32> to vector<16xf32>
        %scan3A_587 = arith.constant 1 : i32
        %scan3A_588 = arith.constant 31 : i32
        %scan3A_589 = arith.addi %scan3A_587, %scan3A_588 : i32
        %scan3A_590 = arith.constant 1 : i32
        %scan3A_591:32 = scf.for %scan3A_796 = %scan3A_587 to %scan3A_589 step %scan3A_590 iter_args(%scan3A_797 = %get3A_431, %scan3A_798 = %get3A_436, %scan3A_799 = %get3A_441, %scan3A_800 = %get3A_446, %scan3A_801 = %get3A_451, %scan3A_802 = %get3A_456, %scan3A_803 = %get3A_461, %scan3A_804 = %get3A_466, %scan3A_805 = %get3A_471, %scan3A_806 = %get3A_476, %scan3A_807 = %get3A_481, %scan3A_808 = %get3A_486, %scan3A_809 = %get3A_491, %scan3A_810 = %get3A_496, %scan3A_811 = %get3A_501, %scan3A_812 = %get3A_506, %scan3A_813 = %get3A_511, %scan3A_814 = %get3A_516, %scan3A_815 = %get3A_521, %scan3A_816 = %get3A_526, %scan3A_817 = %get3A_531, %scan3A_818 = %get3A_536, %scan3A_819 = %get3A_541, %scan3A_820 = %get3A_546, %scan3A_821 = %get3A_551, %scan3A_822 = %get3A_556, %scan3A_823 = %get3A_561, %scan3A_824 = %get3A_566, %scan3A_825 = %get3A_571, %scan3A_826 = %get3A_576, %scan3A_827 = %get3A_581, %scan3A_828 = %get3A_586) -> (vector<16xf32>, vector<16xf32>, vector<16xf32>, vector<16xf32>, vector<16xf32>, vector<16xf32>, vector<16xf32>, vector<16xf32>, vector<16xf32>, vector<16xf32>, vector<16xf32>, vector<16xf32>, vector<16xf32>, vector<16xf32>, vector<16xf32>, vector<16xf32>, vector<16xf32>, vector<16xf32>, vector<16xf32>, vector<16xf32>, vector<16xf32>, vector<16xf32>, vector<16xf32>, vector<16xf32>, vector<16xf32>, vector<16xf32>, vector<16xf32>, vector<16xf32>, vector<16xf32>, vector<16xf32>, vector<16xf32>, vector<16xf32>)  : i32 {
          %add3A_829 = arith.constant 128 : i32
          %add3A_830 = arith.addi %add3A_829, %scan3A_796 : i32
          %get3A_831 = arith.index_cast %add3A_830 : i32 to index
          %get3A_832 = arith.constant 0 : index
          %get3A_833 = tpu.vector_load %arg4[%get3A_831, %get3A_832] {strides = array<i32>} : memref<256x128xf32, #tpu.memory_space<vmem>>, vector<1x16xf32>,
          %get3A_834 = vector.shape_cast %get3A_833 : vector<1x16xf32> to vector<16xf32>
          %add3A_835 = arith.addf %scan3A_797, %get3A_834 : vector<16xf32>
          %add3A_836 = arith.constant 128 : i32
          %add3A_837 = arith.addi %add3A_836, %scan3A_796 : i32
          %get3A_838 = arith.index_cast %add3A_837 : i32 to index
          %get3A_839 = arith.constant 16 : index
          %get3A_840 = tpu.vector_load %arg4[%get3A_838, %get3A_839] {strides = array<i32>} : memref<256x128xf32, #tpu.memory_space<vmem>>, vector<1x16xf32>,
          %get3A_841 = vector.shape_cast %get3A_840 : vector<1x16xf32> to vector<16xf32>
          %add3A_842 = arith.addf %scan3A_798, %get3A_841 : vector<16xf32>
          %add3A_843 = arith.constant 128 : i32
          %add3A_844 = arith.addi %add3A_843, %scan3A_796 : i32
          %get3A_845 = arith.index_cast %add3A_844 : i32 to index
          %get3A_846 = arith.constant 32 : index
          %get3A_847 = tpu.vector_load %arg4[%get3A_845, %get3A_846] {strides = array<i32>} : memref<256x128xf32, #tpu.memory_space<vmem>>, vector<1x16xf32>,
          %get3A_848 = vector.shape_cast %get3A_847 : vector<1x16xf32> to vector<16xf32>
          %add3A_849 = arith.addf %scan3A_799, %get3A_848 : vector<16xf32>
          %add3A_850 = arith.constant 128 : i32
          %add3A_851 = arith.addi %add3A_850, %scan3A_796 : i32
          %get3A_852 = arith.index_cast %add3A_851 : i32 to index
          %get3A_853 = arith.constant 48 : index
          %get3A_854 = tpu.vector_load %arg4[%get3A_852, %get3A_853] {strides = array<i32>} : memref<256x128xf32, #tpu.memory_space<vmem>>, vector<1x16xf32>,
          %get3A_855 = vector.shape_cast %get3A_854 : vector<1x16xf32> to vector<16xf32>
          %add3A_856 = arith.addf %scan3A_800, %get3A_855 : vector<16xf32>
          %add3A_857 = arith.constant 128 : i32
          %add3A_858 = arith.addi %add3A_857, %scan3A_796 : i32
          %get3A_859 = arith.index_cast %add3A_858 : i32 to index
          %get3A_860 = arith.constant 64 : index
          %get3A_861 = tpu.vector_load %arg4[%get3A_859, %get3A_860] {strides = array<i32>} : memref<256x128xf32, #tpu.memory_space<vmem>>, vector<1x16xf32>,
          %get3A_862 = vector.shape_cast %get3A_861 : vector<1x16xf32> to vector<16xf32>
          %add3A_863 = arith.addf %scan3A_801, %get3A_862 : vector<16xf32>
          %add3A_864 = arith.constant 128 : i32
          %add3A_865 = arith.addi %add3A_864, %scan3A_796 : i32
          %get3A_866 = arith.index_cast %add3A_865 : i32 to index
          %get3A_867 = arith.constant 80 : index
          %get3A_868 = tpu.vector_load %arg4[%get3A_866, %get3A_867] {strides = array<i32>} : memref<256x128xf32, #tpu.memory_space<vmem>>, vector<1x16xf32>,
          %get3A_869 = vector.shape_cast %get3A_868 : vector<1x16xf32> to vector<16xf32>
          %add3A_870 = arith.addf %scan3A_802, %get3A_869 : vector<16xf32>
          %add3A_871 = arith.constant 128 : i32
          %add3A_872 = arith.addi %add3A_871, %scan3A_796 : i32
          %get3A_873 = arith.index_cast %add3A_872 : i32 to index
          %get3A_874 = arith.constant 96 : index
          %get3A_875 = tpu.vector_load %arg4[%get3A_873, %get3A_874] {strides = array<i32>} : memref<256x128xf32, #tpu.memory_space<vmem>>, vector<1x16xf32>,
          %get3A_876 = vector.shape_cast %get3A_875 : vector<1x16xf32> to vector<16xf32>
          %add3A_877 = arith.addf %scan3A_803, %get3A_876 : vector<16xf32>
          %add3A_878 = arith.constant 128 : i32
          %add3A_879 = arith.addi %add3A_878, %scan3A_796 : i32
          %get3A_880 = arith.index_cast %add3A_879 : i32 to index
          %get3A_881 = arith.constant 112 : index
          %get3A_882 = tpu.vector_load %arg4[%get3A_880, %get3A_881] {strides = array<i32>} : memref<256x128xf32, #tpu.memory_space<vmem>>, vector<1x16xf32>,
          %get3A_883 = vector.shape_cast %get3A_882 : vector<1x16xf32> to vector<16xf32>
          %add3A_884 = arith.addf %scan3A_804, %get3A_883 : vector<16xf32>
          %add3A_885 = arith.constant 160 : i32
          %add3A_886 = arith.addi %add3A_885, %scan3A_796 : i32
          %get3A_887 = arith.index_cast %add3A_886 : i32 to index
          %get3A_888 = arith.constant 0 : index
          %get3A_889 = tpu.vector_load %arg4[%get3A_887, %get3A_888] {strides = array<i32>} : memref<256x128xf32, #tpu.memory_space<vmem>>, vector<1x16xf32>,
          %get3A_890 = vector.shape_cast %get3A_889 : vector<1x16xf32> to vector<16xf32>
          %add3A_891 = arith.addf %scan3A_805, %get3A_890 : vector<16xf32>
          %add3A_892 = arith.constant 160 : i32
          %add3A_893 = arith.addi %add3A_892, %scan3A_796 : i32
          %get3A_894 = arith.index_cast %add3A_893 : i32 to index
          %get3A_895 = arith.constant 16 : index
          %get3A_896 = tpu.vector_load %arg4[%get3A_894, %get3A_895] {strides = array<i32>} : memref<256x128xf32, #tpu.memory_space<vmem>>, vector<1x16xf32>,
          %get3A_897 = vector.shape_cast %get3A_896 : vector<1x16xf32> to vector<16xf32>
          %add3A_898 = arith.addf %scan3A_806, %get3A_897 : vector<16xf32>
          %add3A_899 = arith.constant 160 : i32
          %add3A_900 = arith.addi %add3A_899, %scan3A_796 : i32
          %get3A_901 = arith.index_cast %add3A_900 : i32 to index
          %get3A_902 = arith.constant 32 : index
          %get3A_903 = tpu.vector_load %arg4[%get3A_901, %get3A_902] {strides = array<i32>} : memref<256x128xf32, #tpu.memory_space<vmem>>, vector<1x16xf32>,
          %get3A_904 = vector.shape_cast %get3A_903 : vector<1x16xf32> to vector<16xf32>
          %add3A_905 = arith.addf %scan3A_807, %get3A_904 : vector<16xf32>
          %add3A_906 = arith.constant 160 : i32
          %add3A_907 = arith.addi %add3A_906, %scan3A_796 : i32
          %get3A_908 = arith.index_cast %add3A_907 : i32 to index
          %get3A_909 = arith.constant 48 : index
          %get3A_910 = tpu.vector_load %arg4[%get3A_908, %get3A_909] {strides = array<i32>} : memref<256x128xf32, #tpu.memory_space<vmem>>, vector<1x16xf32>,
          %get3A_911 = vector.shape_cast %get3A_910 : vector<1x16xf32> to vector<16xf32>
          %add3A_912 = arith.addf %scan3A_808, %get3A_911 : vector<16xf32>
          %add3A_913 = arith.constant 160 : i32
          %add3A_914 = arith.addi %add3A_913, %scan3A_796 : i32
          %get3A_915 = arith.index_cast %add3A_914 : i32 to index
          %get3A_916 = arith.constant 64 : index
          %get3A_917 = tpu.vector_load %arg4[%get3A_915, %get3A_916] {strides = array<i32>} : memref<256x128xf32, #tpu.memory_space<vmem>>, vector<1x16xf32>,
          %get3A_918 = vector.shape_cast %get3A_917 : vector<1x16xf32> to vector<16xf32>
          %add3A_919 = arith.addf %scan3A_809, %get3A_918 : vector<16xf32>
          %add3A_920 = arith.constant 160 : i32
          %add3A_921 = arith.addi %add3A_920, %scan3A_796 : i32
          %get3A_922 = arith.index_cast %add3A_921 : i32 to index
          %get3A_923 = arith.constant 80 : index
          %get3A_924 = tpu.vector_load %arg4[%get3A_922, %get3A_923] {strides = array<i32>} : memref<256x128xf32, #tpu.memory_space<vmem>>, vector<1x16xf32>,
          %get3A_925 = vector.shape_cast %get3A_924 : vector<1x16xf32> to vector<16xf32>
          %add3A_926 = arith.addf %scan3A_810, %get3A_925 : vector<16xf32>
          %add3A_927 = arith.constant 160 : i32
          %add3A_928 = arith.addi %add3A_927, %scan3A_796 : i32
          %get3A_929 = arith.index_cast %add3A_928 : i32 to index
          %get3A_930 = arith.constant 96 : index
          %get3A_931 = tpu.vector_load %arg4[%get3A_929, %get3A_930] {strides = array<i32>} : memref<256x128xf32, #tpu.memory_space<vmem>>, vector<1x16xf32>,
          %get3A_932 = vector.shape_cast %get3A_931 : vector<1x16xf32> to vector<16xf32>
          %add3A_933 = arith.addf %scan3A_811, %get3A_932 : vector<16xf32>
          %add3A_934 = arith.constant 160 : i32
          %add3A_935 = arith.addi %add3A_934, %scan3A_796 : i32
          %get3A_936 = arith.index_cast %add3A_935 : i32 to index
          %get3A_937 = arith.constant 112 : index
          %get3A_938 = tpu.vector_load %arg4[%get3A_936, %get3A_937] {strides = array<i32>} : memref<256x128xf32, #tpu.memory_space<vmem>>, vector<1x16xf32>,
          %get3A_939 = vector.shape_cast %get3A_938 : vector<1x16xf32> to vector<16xf32>
          %add3A_940 = arith.addf %scan3A_812, %get3A_939 : vector<16xf32>
          %add3A_941 = arith.constant 192 : i32
          %add3A_942 = arith.addi %add3A_941, %scan3A_796 : i32
          %get3A_943 = arith.index_cast %add3A_942 : i32 to index
          %get3A_944 = arith.constant 0 : index
          %get3A_945 = tpu.vector_load %arg4[%get3A_943, %get3A_944] {strides = array<i32>} : memref<256x128xf32, #tpu.memory_space<vmem>>, vector<1x16xf32>,
          %get3A_946 = vector.shape_cast %get3A_945 : vector<1x16xf32> to vector<16xf32>
          %add3A_947 = arith.addf %scan3A_813, %get3A_946 : vector<16xf32>
          %add3A_948 = arith.constant 192 : i32
          %add3A_949 = arith.addi %add3A_948, %scan3A_796 : i32
          %get3A_950 = arith.index_cast %add3A_949 : i32 to index
          %get3A_951 = arith.constant 16 : index
          %get3A_952 = tpu.vector_load %arg4[%get3A_950, %get3A_951] {strides = array<i32>} : memref<256x128xf32, #tpu.memory_space<vmem>>, vector<1x16xf32>,
          %get3A_953 = vector.shape_cast %get3A_952 : vector<1x16xf32> to vector<16xf32>
          %add3A_954 = arith.addf %scan3A_814, %get3A_953 : vector<16xf32>
          %add3A_955 = arith.constant 192 : i32
          %add3A_956 = arith.addi %add3A_955, %scan3A_796 : i32
          %get3A_957 = arith.index_cast %add3A_956 : i32 to index
          %get3A_958 = arith.constant 32 : index
          %get3A_959 = tpu.vector_load %arg4[%get3A_957, %get3A_958] {strides = array<i32>} : memref<256x128xf32, #tpu.memory_space<vmem>>, vector<1x16xf32>,
          %get3A_960 = vector.shape_cast %get3A_959 : vector<1x16xf32> to vector<16xf32>
          %add3A_961 = arith.addf %scan3A_815, %get3A_960 : vector<16xf32>
          %add3A_962 = arith.constant 192 : i32
          %add3A_963 = arith.addi %add3A_962, %scan3A_796 : i32
          %get3A_964 = arith.index_cast %add3A_963 : i32 to index
          %get3A_965 = arith.constant 48 : index
          %get3A_966 = tpu.vector_load %arg4[%get3A_964, %get3A_965] {strides = array<i32>} : memref<256x128xf32, #tpu.memory_space<vmem>>, vector<1x16xf32>,
          %get3A_967 = vector.shape_cast %get3A_966 : vector<1x16xf32> to vector<16xf32>
          %add3A_968 = arith.addf %scan3A_816, %get3A_967 : vector<16xf32>
          %add3A_969 = arith.constant 192 : i32
          %add3A_970 = arith.addi %add3A_969, %scan3A_796 : i32
          %get3A_971 = arith.index_cast %add3A_970 : i32 to index
          %get3A_972 = arith.constant 64 : index
          %get3A_973 = tpu.vector_load %arg4[%get3A_971, %get3A_972] {strides = array<i32>} : memref<256x128xf32, #tpu.memory_space<vmem>>, vector<1x16xf32>,
          %get3A_974 = vector.shape_cast %get3A_973 : vector<1x16xf32> to vector<16xf32>
          %add3A_975 = arith.addf %scan3A_817, %get3A_974 : vector<16xf32>
          %add3A_976 = arith.constant 192 : i32
          %add3A_977 = arith.addi %add3A_976, %scan3A_796 : i32
          %get3A_978 = arith.index_cast %add3A_977 : i32 to index
          %get3A_979 = arith.constant 80 : index
          %get3A_980 = tpu.vector_load %arg4[%get3A_978, %get3A_979] {strides = array<i32>} : memref<256x128xf32, #tpu.memory_space<vmem>>, vector<1x16xf32>,
          %get3A_981 = vector.shape_cast %get3A_980 : vector<1x16xf32> to vector<16xf32>
          %add3A_982 = arith.addf %scan3A_818, %get3A_981 : vector<16xf32>
          %add3A_983 = arith.constant 192 : i32
          %add3A_984 = arith.addi %add3A_983, %scan3A_796 : i32
          %get3A_985 = arith.index_cast %add3A_984 : i32 to index
          %get3A_986 = arith.constant 96 : index
          %get3A_987 = tpu.vector_load %arg4[%get3A_985, %get3A_986] {strides = array<i32>} : memref<256x128xf32, #tpu.memory_space<vmem>>, vector<1x16xf32>,
          %get3A_988 = vector.shape_cast %get3A_987 : vector<1x16xf32> to vector<16xf32>
          %add3A_989 = arith.addf %scan3A_819, %get3A_988 : vector<16xf32>
          %add3A_990 = arith.constant 192 : i32
          %add3A_991 = arith.addi %add3A_990, %scan3A_796 : i32
          %get3A_992 = arith.index_cast %add3A_991 : i32 to index
          %get3A_993 = arith.constant 112 : index
          %get3A_994 = tpu.vector_load %arg4[%get3A_992, %get3A_993] {strides = array<i32>} : memref<256x128xf32, #tpu.memory_space<vmem>>, vector<1x16xf32>,
          %get3A_995 = vector.shape_cast %get3A_994 : vector<1x16xf32> to vector<16xf32>
          %add3A_996 = arith.addf %scan3A_820, %get3A_995 : vector<16xf32>
          %add3A_997 = arith.constant 224 : i32
          %add3A_998 = arith.addi %add3A_997, %scan3A_796 : i32
          %get3A_999 = arith.index_cast %add3A_998 : i32 to index
          %get3A_1000 = arith.constant 0 : index
          %get3A_1001 = tpu.vector_load %arg4[%get3A_999, %get3A_1000] {strides = array<i32>} : memref<256x128xf32, #tpu.memory_space<vmem>>, vector<1x16xf32>,
          %get3A_1002 = vector.shape_cast %get3A_1001 : vector<1x16xf32> to vector<16xf32>
          %add3A_1003 = arith.addf %scan3A_821, %get3A_1002 : vector<16xf32>
          %add3A_1004 = arith.constant 224 : i32
          %add3A_1005 = arith.addi %add3A_1004, %scan3A_796 : i32
          %get3A_1006 = arith.index_cast %add3A_1005 : i32 to index
          %get3A_1007 = arith.constant 16 : index
          %get3A_1008 = tpu.vector_load %arg4[%get3A_1006, %get3A_1007] {strides = array<i32>} : memref<256x128xf32, #tpu.memory_space<vmem>>, vector<1x16xf32>,
          %get3A_1009 = vector.shape_cast %get3A_1008 : vector<1x16xf32> to vector<16xf32>
          %add3A_1010 = arith.addf %scan3A_822, %get3A_1009 : vector<16xf32>
          %add3A_1011 = arith.constant 224 : i32
          %add3A_1012 = arith.addi %add3A_1011, %scan3A_796 : i32
          %get3A_1013 = arith.index_cast %add3A_1012 : i32 to index
          %get3A_1014 = arith.constant 32 : index
          %get3A_1015 = tpu.vector_load %arg4[%get3A_1013, %get3A_1014] {strides = array<i32>} : memref<256x128xf32, #tpu.memory_space<vmem>>, vector<1x16xf32>,
          %get3A_1016 = vector.shape_cast %get3A_1015 : vector<1x16xf32> to vector<16xf32>
          %add3A_1017 = arith.addf %scan3A_823, %get3A_1016 : vector<16xf32>
          %add3A_1018 = arith.constant 224 : i32
          %add3A_1019 = arith.addi %add3A_1018, %scan3A_796 : i32
          %get3A_1020 = arith.index_cast %add3A_1019 : i32 to index
          %get3A_1021 = arith.constant 48 : index
          %get3A_1022 = tpu.vector_load %arg4[%get3A_1020, %get3A_1021] {strides = array<i32>} : memref<256x128xf32, #tpu.memory_space<vmem>>, vector<1x16xf32>,
          %get3A_1023 = vector.shape_cast %get3A_1022 : vector<1x16xf32> to vector<16xf32>
          %add3A_1024 = arith.addf %scan3A_824, %get3A_1023 : vector<16xf32>
          %add3A_1025 = arith.constant 224 : i32
          %add3A_1026 = arith.addi %add3A_1025, %scan3A_796 : i32
          %get3A_1027 = arith.index_cast %add3A_1026 : i32 to index
          %get3A_1028 = arith.constant 64 : index
          %get3A_1029 = tpu.vector_load %arg4[%get3A_1027, %get3A_1028] {strides = array<i32>} : memref<256x128xf32, #tpu.memory_space<vmem>>, vector<1x16xf32>,
          %get3A_1030 = vector.shape_cast %get3A_1029 : vector<1x16xf32> to vector<16xf32>
          %add3A_1031 = arith.addf %scan3A_825, %get3A_1030 : vector<16xf32>
          %add3A_1032 = arith.constant 224 : i32
          %add3A_1033 = arith.addi %add3A_1032, %scan3A_796 : i32
          %get3A_1034 = arith.index_cast %add3A_1033 : i32 to index
          %get3A_1035 = arith.constant 80 : index
          %get3A_1036 = tpu.vector_load %arg4[%get3A_1034, %get3A_1035] {strides = array<i32>} : memref<256x128xf32, #tpu.memory_space<vmem>>, vector<1x16xf32>,
          %get3A_1037 = vector.shape_cast %get3A_1036 : vector<1x16xf32> to vector<16xf32>
          %add3A_1038 = arith.addf %scan3A_826, %get3A_1037 : vector<16xf32>
          %add3A_1039 = arith.constant 224 : i32
          %add3A_1040 = arith.addi %add3A_1039, %scan3A_796 : i32
          %get3A_1041 = arith.index_cast %add3A_1040 : i32 to index
          %get3A_1042 = arith.constant 96 : index
          %get3A_1043 = tpu.vector_load %arg4[%get3A_1041, %get3A_1042] {strides = array<i32>} : memref<256x128xf32, #tpu.memory_space<vmem>>, vector<1x16xf32>,
          %get3A_1044 = vector.shape_cast %get3A_1043 : vector<1x16xf32> to vector<16xf32>
          %add3A_1045 = arith.addf %scan3A_827, %get3A_1044 : vector<16xf32>
          %add3A_1046 = arith.constant 224 : i32
          %add3A_1047 = arith.addi %add3A_1046, %scan3A_796 : i32
          %get3A_1048 = arith.index_cast %add3A_1047 : i32 to index
          %get3A_1049 = arith.constant 112 : index
          %get3A_1050 = tpu.vector_load %arg4[%get3A_1048, %get3A_1049] {strides = array<i32>} : memref<256x128xf32, #tpu.memory_space<vmem>>, vector<1x16xf32>,
          %get3A_1051 = vector.shape_cast %get3A_1050 : vector<1x16xf32> to vector<16xf32>
          %add3A_1052 = arith.addf %scan3A_828, %get3A_1051 : vector<16xf32>
          scf.yield %add3A_835, %add3A_842, %add3A_849, %add3A_856, %add3A_863, %add3A_870, %add3A_877, %add3A_884, %add3A_891, %add3A_898, %add3A_905, %add3A_912, %add3A_919, %add3A_926, %add3A_933, %add3A_940, %add3A_947, %add3A_954, %add3A_961, %add3A_968, %add3A_975, %add3A_982, %add3A_989, %add3A_996, %add3A_1003, %add3A_1010, %add3A_1017, %add3A_1024, %add3A_1031, %add3A_1038, %add3A_1045, %add3A_1052 : vector<16xf32>, vector<16xf32>, vector<16xf32>, vector<16xf32>, vector<16xf32>, vector<16xf32>, vector<16xf32>, vector<16xf32>, vector<16xf32>, vector<16xf32>, vector<16xf32>, vector<16xf32>, vector<16xf32>, vector<16xf32>, vector<16xf32>, vector<16xf32>, vector<16xf32>, vector<16xf32>, vector<16xf32>, vector<16xf32>, vector<16xf32>, vector<16xf32>, vector<16xf32>, vector<16xf32>, vector<16xf32>, vector<16xf32>, vector<16xf32>, vector<16xf32>, vector<16xf32>, vector<16xf32>, vector<16xf32>, vector<16xf32>
        }
        %scan3A_592 = arith.constant 31 : i32
        %swap3A_593 = arith.constant 4 : i32
        %swap3A_594 = arith.index_cast %swap3A_593 : i32 to index
        %swap3A_595 = arith.constant 0 : index
        %swap3A_596 = tpu.vector_load %arg6[%swap3A_594, %swap3A_595] {strides = array<i32>} : memref<8x128xf32, #tpu.memory_space<vmem>>, vector<1x16xf32>,
        %swap3A_597 = vector.shape_cast %swap3A_596 : vector<1x16xf32> to vector<16xf32>
        %swap3A_598 = vector.shape_cast %scan3A_591#0 : vector<16xf32> to vector<1x16xf32>
        tpu.vector_store %arg6[%swap3A_594, %swap3A_595], %swap3A_598 {strides = array<i32>} : memref<8x128xf32, #tpu.memory_space<vmem>>, vector<1x16xf32>,
        %swap3A_599 = arith.constant 4 : i32
        %swap3A_600 = arith.index_cast %swap3A_599 : i32 to index
        %swap3A_601 = arith.constant 16 : index
        %swap3A_602 = tpu.vector_load %arg6[%swap3A_600, %swap3A_601] {strides = array<i32>} : memref<8x128xf32, #tpu.memory_space<vmem>>, vector<1x16xf32>,
        %swap3A_603 = vector.shape_cast %swap3A_602 : vector<1x16xf32> to vector<16xf32>
        %swap3A_604 = vector.shape_cast %scan3A_591#1 : vector<16xf32> to vector<1x16xf32>
        tpu.vector_store %arg6[%swap3A_600, %swap3A_601], %swap3A_604 {strides = array<i32>} : memref<8x128xf32, #tpu.memory_space<vmem>>, vector<1x16xf32>,
        %swap3A_605 = arith.constant 4 : i32
        %swap3A_606 = arith.index_cast %swap3A_605 : i32 to index
        %swap3A_607 = arith.constant 32 : index
        %swap3A_608 = tpu.vector_load %arg6[%swap3A_606, %swap3A_607] {strides = array<i32>} : memref<8x128xf32, #tpu.memory_space<vmem>>, vector<1x16xf32>,
        %swap3A_609 = vector.shape_cast %swap3A_608 : vector<1x16xf32> to vector<16xf32>
        %swap3A_610 = vector.shape_cast %scan3A_591#2 : vector<16xf32> to vector<1x16xf32>
        tpu.vector_store %arg6[%swap3A_606, %swap3A_607], %swap3A_610 {strides = array<i32>} : memref<8x128xf32, #tpu.memory_space<vmem>>, vector<1x16xf32>,
        %swap3A_611 = arith.constant 4 : i32
        %swap3A_612 = arith.index_cast %swap3A_611 : i32 to index
        %swap3A_613 = arith.constant 48 : index
        %swap3A_614 = tpu.vector_load %arg6[%swap3A_612, %swap3A_613] {strides = array<i32>} : memref<8x128xf32, #tpu.memory_space<vmem>>, vector<1x16xf32>,
        %swap3A_615 = vector.shape_cast %swap3A_614 : vector<1x16xf32> to vector<16xf32>
        %swap3A_616 = vector.shape_cast %scan3A_591#3 : vector<16xf32> to vector<1x16xf32>
        tpu.vector_store %arg6[%swap3A_612, %swap3A_613], %swap3A_616 {strides = array<i32>} : memref<8x128xf32, #tpu.memory_space<vmem>>, vector<1x16xf32>,
        %swap3A_617 = arith.constant 4 : i32
        %swap3A_618 = arith.index_cast %swap3A_617 : i32 to index
        %swap3A_619 = arith.constant 64 : index
        %swap3A_620 = tpu.vector_load %arg6[%swap3A_618, %swap3A_619] {strides = array<i32>} : memref<8x128xf32, #tpu.memory_space<vmem>>, vector<1x16xf32>,
        %swap3A_621 = vector.shape_cast %swap3A_620 : vector<1x16xf32> to vector<16xf32>
        %swap3A_622 = vector.shape_cast %scan3A_591#4 : vector<16xf32> to vector<1x16xf32>
        tpu.vector_store %arg6[%swap3A_618, %swap3A_619], %swap3A_622 {strides = array<i32>} : memref<8x128xf32, #tpu.memory_space<vmem>>, vector<1x16xf32>,
        %swap3A_623 = arith.constant 4 : i32
        %swap3A_624 = arith.index_cast %swap3A_623 : i32 to index
        %swap3A_625 = arith.constant 80 : index
        %swap3A_626 = tpu.vector_load %arg6[%swap3A_624, %swap3A_625] {strides = array<i32>} : memref<8x128xf32, #tpu.memory_space<vmem>>, vector<1x16xf32>,
        %swap3A_627 = vector.shape_cast %swap3A_626 : vector<1x16xf32> to vector<16xf32>
        %swap3A_628 = vector.shape_cast %scan3A_591#5 : vector<16xf32> to vector<1x16xf32>
        tpu.vector_store %arg6[%swap3A_624, %swap3A_625], %swap3A_628 {strides = array<i32>} : memref<8x128xf32, #tpu.memory_space<vmem>>, vector<1x16xf32>,
        %swap3A_629 = arith.constant 4 : i32
        %swap3A_630 = arith.index_cast %swap3A_629 : i32 to index
        %swap3A_631 = arith.constant 96 : index
        %swap3A_632 = tpu.vector_load %arg6[%swap3A_630, %swap3A_631] {strides = array<i32>} : memref<8x128xf32, #tpu.memory_space<vmem>>, vector<1x16xf32>,
        %swap3A_633 = vector.shape_cast %swap3A_632 : vector<1x16xf32> to vector<16xf32>
        %swap3A_634 = vector.shape_cast %scan3A_591#6 : vector<16xf32> to vector<1x16xf32>
        tpu.vector_store %arg6[%swap3A_630, %swap3A_631], %swap3A_634 {strides = array<i32>} : memref<8x128xf32, #tpu.memory_space<vmem>>, vector<1x16xf32>,
        %swap3A_635 = arith.constant 4 : i32
        %swap3A_636 = arith.index_cast %swap3A_635 : i32 to index
        %swap3A_637 = arith.constant 112 : index
        %swap3A_638 = tpu.vector_load %arg6[%swap3A_636, %swap3A_637] {strides = array<i32>} : memref<8x128xf32, #tpu.memory_space<vmem>>, vector<1x16xf32>,
        %swap3A_639 = vector.shape_cast %swap3A_638 : vector<1x16xf32> to vector<16xf32>
        %swap3A_640 = vector.shape_cast %scan3A_591#7 : vector<16xf32> to vector<1x16xf32>
        tpu.vector_store %arg6[%swap3A_636, %swap3A_637], %swap3A_640 {strides = array<i32>} : memref<8x128xf32, #tpu.memory_space<vmem>>, vector<1x16xf32>,
        %swap3A_641 = arith.constant 5 : i32
        %swap3A_642 = arith.index_cast %swap3A_641 : i32 to index
        %swap3A_643 = arith.constant 0 : index
        %swap3A_644 = tpu.vector_load %arg6[%swap3A_642, %swap3A_643] {strides = array<i32>} : memref<8x128xf32, #tpu.memory_space<vmem>>, vector<1x16xf32>,
        %swap3A_645 = vector.shape_cast %swap3A_644 : vector<1x16xf32> to vector<16xf32>
        %swap3A_646 = vector.shape_cast %scan3A_591#8 : vector<16xf32> to vector<1x16xf32>
        tpu.vector_store %arg6[%swap3A_642, %swap3A_643], %swap3A_646 {strides = array<i32>} : memref<8x128xf32, #tpu.memory_space<vmem>>, vector<1x16xf32>,
        %swap3A_647 = arith.constant 5 : i32
        %swap3A_648 = arith.index_cast %swap3A_647 : i32 to index
        %swap3A_649 = arith.constant 16 : index
        %swap3A_650 = tpu.vector_load %arg6[%swap3A_648, %swap3A_649] {strides = array<i32>} : memref<8x128xf32, #tpu.memory_space<vmem>>, vector<1x16xf32>,
        %swap3A_651 = vector.shape_cast %swap3A_650 : vector<1x16xf32> to vector<16xf32>
        %swap3A_652 = vector.shape_cast %scan3A_591#9 : vector<16xf32> to vector<1x16xf32>
        tpu.vector_store %arg6[%swap3A_648, %swap3A_649], %swap3A_652 {strides = array<i32>} : memref<8x128xf32, #tpu.memory_space<vmem>>, vector<1x16xf32>,
        %swap3A_653 = arith.constant 5 : i32
        %swap3A_654 = arith.index_cast %swap3A_653 : i32 to index
        %swap3A_655 = arith.constant 32 : index
        %swap3A_656 = tpu.vector_load %arg6[%swap3A_654, %swap3A_655] {strides = array<i32>} : memref<8x128xf32, #tpu.memory_space<vmem>>, vector<1x16xf32>,
        %swap3A_657 = vector.shape_cast %swap3A_656 : vector<1x16xf32> to vector<16xf32>
        %swap3A_658 = vector.shape_cast %scan3A_591#10 : vector<16xf32> to vector<1x16xf32>
        tpu.vector_store %arg6[%swap3A_654, %swap3A_655], %swap3A_658 {strides = array<i32>} : memref<8x128xf32, #tpu.memory_space<vmem>>, vector<1x16xf32>,
        %swap3A_659 = arith.constant 5 : i32
        %swap3A_660 = arith.index_cast %swap3A_659 : i32 to index
        %swap3A_661 = arith.constant 48 : index
        %swap3A_662 = tpu.vector_load %arg6[%swap3A_660, %swap3A_661] {strides = array<i32>} : memref<8x128xf32, #tpu.memory_space<vmem>>, vector<1x16xf32>,
        %swap3A_663 = vector.shape_cast %swap3A_662 : vector<1x16xf32> to vector<16xf32>
        %swap3A_664 = vector.shape_cast %scan3A_591#11 : vector<16xf32> to vector<1x16xf32>
        tpu.vector_store %arg6[%swap3A_660, %swap3A_661], %swap3A_664 {strides = array<i32>} : memref<8x128xf32, #tpu.memory_space<vmem>>, vector<1x16xf32>,
        %swap3A_665 = arith.constant 5 : i32
        %swap3A_666 = arith.index_cast %swap3A_665 : i32 to index
        %swap3A_667 = arith.constant 64 : index
        %swap3A_668 = tpu.vector_load %arg6[%swap3A_666, %swap3A_667] {strides = array<i32>} : memref<8x128xf32, #tpu.memory_space<vmem>>, vector<1x16xf32>,
        %swap3A_669 = vector.shape_cast %swap3A_668 : vector<1x16xf32> to vector<16xf32>
        %swap3A_670 = vector.shape_cast %scan3A_591#12 : vector<16xf32> to vector<1x16xf32>
        tpu.vector_store %arg6[%swap3A_666, %swap3A_667], %swap3A_670 {strides = array<i32>} : memref<8x128xf32, #tpu.memory_space<vmem>>, vector<1x16xf32>,
        %swap3A_671 = arith.constant 5 : i32
        %swap3A_672 = arith.index_cast %swap3A_671 : i32 to index
        %swap3A_673 = arith.constant 80 : index
        %swap3A_674 = tpu.vector_load %arg6[%swap3A_672, %swap3A_673] {strides = array<i32>} : memref<8x128xf32, #tpu.memory_space<vmem>>, vector<1x16xf32>,
        %swap3A_675 = vector.shape_cast %swap3A_674 : vector<1x16xf32> to vector<16xf32>
        %swap3A_676 = vector.shape_cast %scan3A_591#13 : vector<16xf32> to vector<1x16xf32>
        tpu.vector_store %arg6[%swap3A_672, %swap3A_673], %swap3A_676 {strides = array<i32>} : memref<8x128xf32, #tpu.memory_space<vmem>>, vector<1x16xf32>,
        %swap3A_677 = arith.constant 5 : i32
        %swap3A_678 = arith.index_cast %swap3A_677 : i32 to index
        %swap3A_679 = arith.constant 96 : index
        %swap3A_680 = tpu.vector_load %arg6[%swap3A_678, %swap3A_679] {strides = array<i32>} : memref<8x128xf32, #tpu.memory_space<vmem>>, vector<1x16xf32>,
        %swap3A_681 = vector.shape_cast %swap3A_680 : vector<1x16xf32> to vector<16xf32>
        %swap3A_682 = vector.shape_cast %scan3A_591#14 : vector<16xf32> to vector<1x16xf32>
        tpu.vector_store %arg6[%swap3A_678, %swap3A_679], %swap3A_682 {strides = array<i32>} : memref<8x128xf32, #tpu.memory_space<vmem>>, vector<1x16xf32>,
        %swap3A_683 = arith.constant 5 : i32
        %swap3A_684 = arith.index_cast %swap3A_683 : i32 to index
        %swap3A_685 = arith.constant 112 : index
        %swap3A_686 = tpu.vector_load %arg6[%swap3A_684, %swap3A_685] {strides = array<i32>} : memref<8x128xf32, #tpu.memory_space<vmem>>, vector<1x16xf32>,
        %swap3A_687 = vector.shape_cast %swap3A_686 : vector<1x16xf32> to vector<16xf32>
        %swap3A_688 = vector.shape_cast %scan3A_591#15 : vector<16xf32> to vector<1x16xf32>
        tpu.vector_store %arg6[%swap3A_684, %swap3A_685], %swap3A_688 {strides = array<i32>} : memref<8x128xf32, #tpu.memory_space<vmem>>, vector<1x16xf32>,
        %swap3A_689 = arith.constant 6 : i32
        %swap3A_690 = arith.index_cast %swap3A_689 : i32 to index
        %swap3A_691 = arith.constant 0 : index
        %swap3A_692 = tpu.vector_load %arg6[%swap3A_690, %swap3A_691] {strides = array<i32>} : memref<8x128xf32, #tpu.memory_space<vmem>>, vector<1x16xf32>,
        %swap3A_693 = vector.shape_cast %swap3A_692 : vector<1x16xf32> to vector<16xf32>
        %swap3A_694 = vector.shape_cast %scan3A_591#16 : vector<16xf32> to vector<1x16xf32>
        tpu.vector_store %arg6[%swap3A_690, %swap3A_691], %swap3A_694 {strides = array<i32>} : memref<8x128xf32, #tpu.memory_space<vmem>>, vector<1x16xf32>,
        %swap3A_695 = arith.constant 6 : i32
        %swap3A_696 = arith.index_cast %swap3A_695 : i32 to index
        %swap3A_697 = arith.constant 16 : index
        %swap3A_698 = tpu.vector_load %arg6[%swap3A_696, %swap3A_697] {strides = array<i32>} : memref<8x128xf32, #tpu.memory_space<vmem>>, vector<1x16xf32>,
        %swap3A_699 = vector.shape_cast %swap3A_698 : vector<1x16xf32> to vector<16xf32>
        %swap3A_700 = vector.shape_cast %scan3A_591#17 : vector<16xf32> to vector<1x16xf32>
        tpu.vector_store %arg6[%swap3A_696, %swap3A_697], %swap3A_700 {strides = array<i32>} : memref<8x128xf32, #tpu.memory_space<vmem>>, vector<1x16xf32>,
        %swap3A_701 = arith.constant 6 : i32
        %swap3A_702 = arith.index_cast %swap3A_701 : i32 to index
        %swap3A_703 = arith.constant 32 : index
        %swap3A_704 = tpu.vector_load %arg6[%swap3A_702, %swap3A_703] {strides = array<i32>} : memref<8x128xf32, #tpu.memory_space<vmem>>, vector<1x16xf32>,
        %swap3A_705 = vector.shape_cast %swap3A_704 : vector<1x16xf32> to vector<16xf32>
        %swap3A_706 = vector.shape_cast %scan3A_591#18 : vector<16xf32> to vector<1x16xf32>
        tpu.vector_store %arg6[%swap3A_702, %swap3A_703], %swap3A_706 {strides = array<i32>} : memref<8x128xf32, #tpu.memory_space<vmem>>, vector<1x16xf32>,
        %swap3A_707 = arith.constant 6 : i32
        %swap3A_708 = arith.index_cast %swap3A_707 : i32 to index
        %swap3A_709 = arith.constant 48 : index
        %swap3A_710 = tpu.vector_load %arg6[%swap3A_708, %swap3A_709] {strides = array<i32>} : memref<8x128xf32, #tpu.memory_space<vmem>>, vector<1x16xf32>,
        %swap3A_711 = vector.shape_cast %swap3A_710 : vector<1x16xf32> to vector<16xf32>
        %swap3A_712 = vector.shape_cast %scan3A_591#19 : vector<16xf32> to vector<1x16xf32>
        tpu.vector_store %arg6[%swap3A_708, %swap3A_709], %swap3A_712 {strides = array<i32>} : memref<8x128xf32, #tpu.memory_space<vmem>>, vector<1x16xf32>,
        %swap3A_713 = arith.constant 6 : i32
        %swap3A_714 = arith.index_cast %swap3A_713 : i32 to index
        %swap3A_715 = arith.constant 64 : index
        %swap3A_716 = tpu.vector_load %arg6[%swap3A_714, %swap3A_715] {strides = array<i32>} : memref<8x128xf32, #tpu.memory_space<vmem>>, vector<1x16xf32>,
        %swap3A_717 = vector.shape_cast %swap3A_716 : vector<1x16xf32> to vector<16xf32>
        %swap3A_718 = vector.shape_cast %scan3A_591#20 : vector<16xf32> to vector<1x16xf32>
        tpu.vector_store %arg6[%swap3A_714, %swap3A_715], %swap3A_718 {strides = array<i32>} : memref<8x128xf32, #tpu.memory_space<vmem>>, vector<1x16xf32>,
        %swap3A_719 = arith.constant 6 : i32
        %swap3A_720 = arith.index_cast %swap3A_719 : i32 to index
        %swap3A_721 = arith.constant 80 : index
        %swap3A_722 = tpu.vector_load %arg6[%swap3A_720, %swap3A_721] {strides = array<i32>} : memref<8x128xf32, #tpu.memory_space<vmem>>, vector<1x16xf32>,
        %swap3A_723 = vector.shape_cast %swap3A_722 : vector<1x16xf32> to vector<16xf32>
        %swap3A_724 = vector.shape_cast %scan3A_591#21 : vector<16xf32> to vector<1x16xf32>
        tpu.vector_store %arg6[%swap3A_720, %swap3A_721], %swap3A_724 {strides = array<i32>} : memref<8x128xf32, #tpu.memory_space<vmem>>, vector<1x16xf32>,
        %swap3A_725 = arith.constant 6 : i32
        %swap3A_726 = arith.index_cast %swap3A_725 : i32 to index
        %swap3A_727 = arith.constant 96 : index
        %swap3A_728 = tpu.vector_load %arg6[%swap3A_726, %swap3A_727] {strides = array<i32>} : memref<8x128xf32, #tpu.memory_space<vmem>>, vector<1x16xf32>,
        %swap3A_729 = vector.shape_cast %swap3A_728 : vector<1x16xf32> to vector<16xf32>
        %swap3A_730 = vector.shape_cast %scan3A_591#22 : vector<16xf32> to vector<1x16xf32>
        tpu.vector_store %arg6[%swap3A_726, %swap3A_727], %swap3A_730 {strides = array<i32>} : memref<8x128xf32, #tpu.memory_space<vmem>>, vector<1x16xf32>,
        %swap3A_731 = arith.constant 6 : i32
        %swap3A_732 = arith.index_cast %swap3A_731 : i32 to index
        %swap3A_733 = arith.constant 112 : index
        %swap3A_734 = tpu.vector_load %arg6[%swap3A_732, %swap3A_733] {strides = array<i32>} : memref<8x128xf32, #tpu.memory_space<vmem>>, vector<1x16xf32>,
        %swap3A_735 = vector.shape_cast %swap3A_734 : vector<1x16xf32> to vector<16xf32>
        %swap3A_736 = vector.shape_cast %scan3A_591#23 : vector<16xf32> to vector<1x16xf32>
        tpu.vector_store %arg6[%swap3A_732, %swap3A_733], %swap3A_736 {strides = array<i32>} : memref<8x128xf32, #tpu.memory_space<vmem>>, vector<1x16xf32>,
        %swap3A_737 = arith.constant 7 : i32
        %swap3A_738 = arith.index_cast %swap3A_737 : i32 to index
        %swap3A_739 = arith.constant 0 : index
        %swap3A_740 = tpu.vector_load %arg6[%swap3A_738, %swap3A_739] {strides = array<i32>} : memref<8x128xf32, #tpu.memory_space<vmem>>, vector<1x16xf32>,
        %swap3A_741 = vector.shape_cast %swap3A_740 : vector<1x16xf32> to vector<16xf32>
        %swap3A_742 = vector.shape_cast %scan3A_591#24 : vector<16xf32> to vector<1x16xf32>
        tpu.vector_store %arg6[%swap3A_738, %swap3A_739], %swap3A_742 {strides = array<i32>} : memref<8x128xf32, #tpu.memory_space<vmem>>, vector<1x16xf32>,
        %swap3A_743 = arith.constant 7 : i32
        %swap3A_744 = arith.index_cast %swap3A_743 : i32 to index
        %swap3A_745 = arith.constant 16 : index
        %swap3A_746 = tpu.vector_load %arg6[%swap3A_744, %swap3A_745] {strides = array<i32>} : memref<8x128xf32, #tpu.memory_space<vmem>>, vector<1x16xf32>,
        %swap3A_747 = vector.shape_cast %swap3A_746 : vector<1x16xf32> to vector<16xf32>
        %swap3A_748 = vector.shape_cast %scan3A_591#25 : vector<16xf32> to vector<1x16xf32>
        tpu.vector_store %arg6[%swap3A_744, %swap3A_745], %swap3A_748 {strides = array<i32>} : memref<8x128xf32, #tpu.memory_space<vmem>>, vector<1x16xf32>,
        %swap3A_749 = arith.constant 7 : i32
        %swap3A_750 = arith.index_cast %swap3A_749 : i32 to index
        %swap3A_751 = arith.constant 32 : index
        %swap3A_752 = tpu.vector_load %arg6[%swap3A_750, %swap3A_751] {strides = array<i32>} : memref<8x128xf32, #tpu.memory_space<vmem>>, vector<1x16xf32>,
        %swap3A_753 = vector.shape_cast %swap3A_752 : vector<1x16xf32> to vector<16xf32>
        %swap3A_754 = vector.shape_cast %scan3A_591#26 : vector<16xf32> to vector<1x16xf32>
        tpu.vector_store %arg6[%swap3A_750, %swap3A_751], %swap3A_754 {strides = array<i32>} : memref<8x128xf32, #tpu.memory_space<vmem>>, vector<1x16xf32>,
        %swap3A_755 = arith.constant 7 : i32
        %swap3A_756 = arith.index_cast %swap3A_755 : i32 to index
        %swap3A_757 = arith.constant 48 : index
        %swap3A_758 = tpu.vector_load %arg6[%swap3A_756, %swap3A_757] {strides = array<i32>} : memref<8x128xf32, #tpu.memory_space<vmem>>, vector<1x16xf32>,
        %swap3A_759 = vector.shape_cast %swap3A_758 : vector<1x16xf32> to vector<16xf32>
        %swap3A_760 = vector.shape_cast %scan3A_591#27 : vector<16xf32> to vector<1x16xf32>
        tpu.vector_store %arg6[%swap3A_756, %swap3A_757], %swap3A_760 {strides = array<i32>} : memref<8x128xf32, #tpu.memory_space<vmem>>, vector<1x16xf32>,
        %swap3A_761 = arith.constant 7 : i32
        %swap3A_762 = arith.index_cast %swap3A_761 : i32 to index
        %swap3A_763 = arith.constant 64 : index
        %swap3A_764 = tpu.vector_load %arg6[%swap3A_762, %swap3A_763] {strides = array<i32>} : memref<8x128xf32, #tpu.memory_space<vmem>>, vector<1x16xf32>,
        %swap3A_765 = vector.shape_cast %swap3A_764 : vector<1x16xf32> to vector<16xf32>
        %swap3A_766 = vector.shape_cast %scan3A_591#28 : vector<16xf32> to vector<1x16xf32>
        tpu.vector_store %arg6[%swap3A_762, %swap3A_763], %swap3A_766 {strides = array<i32>} : memref<8x128xf32, #tpu.memory_space<vmem>>, vector<1x16xf32>,
        %swap3A_767 = arith.constant 7 : i32
        %swap3A_768 = arith.index_cast %swap3A_767 : i32 to index
        %swap3A_769 = arith.constant 80 : index
        %swap3A_770 = tpu.vector_load %arg6[%swap3A_768, %swap3A_769] {strides = array<i32>} : memref<8x128xf32, #tpu.memory_space<vmem>>, vector<1x16xf32>,
        %swap3A_771 = vector.shape_cast %swap3A_770 : vector<1x16xf32> to vector<16xf32>
        %swap3A_772 = vector.shape_cast %scan3A_591#29 : vector<16xf32> to vector<1x16xf32>
        tpu.vector_store %arg6[%swap3A_768, %swap3A_769], %swap3A_772 {strides = array<i32>} : memref<8x128xf32, #tpu.memory_space<vmem>>, vector<1x16xf32>,
        %swap3A_773 = arith.constant 7 : i32
        %swap3A_774 = arith.index_cast %swap3A_773 : i32 to index
        %swap3A_775 = arith.constant 96 : index
        %swap3A_776 = tpu.vector_load %arg6[%swap3A_774, %swap3A_775] {strides = array<i32>} : memref<8x128xf32, #tpu.memory_space<vmem>>, vector<1x16xf32>,
        %swap3A_777 = vector.shape_cast %swap3A_776 : vector<1x16xf32> to vector<16xf32>
        %swap3A_778 = vector.shape_cast %scan3A_591#30 : vector<16xf32> to vector<1x16xf32>
        tpu.vector_store %arg6[%swap3A_774, %swap3A_775], %swap3A_778 {strides = array<i32>} : memref<8x128xf32, #tpu.memory_space<vmem>>, vector<1x16xf32>,
        %swap3A_779 = arith.constant 7 : i32
        %swap3A_780 = arith.index_cast %swap3A_779 : i32 to index
        %swap3A_781 = arith.constant 112 : index
        %swap3A_782 = tpu.vector_load %arg6[%swap3A_780, %swap3A_781] {strides = array<i32>} : memref<8x128xf32, #tpu.memory_space<vmem>>, vector<1x16xf32>,
        %swap3A_783 = vector.shape_cast %swap3A_782 : vector<1x16xf32> to vector<16xf32>
        %swap3A_784 = vector.shape_cast %scan3A_591#31 : vector<16xf32> to vector<1x16xf32>
        tpu.vector_store %arg6[%swap3A_780, %swap3A_781], %swap3A_784 {strides = array<i32>} : memref<8x128xf32, #tpu.memory_space<vmem>>, vector<1x16xf32>,
        %mul3A_785 = arith.constant 32 : i32
        %mul3A_786 = arith.muli %add3A_53, %mul3A_785 : i32
        %add3A_787 = arith.addi %add3A, %mul3A_786 : i32
        %mul3A_788 = arith.constant 8 : i32
        %mul3A_789 = arith.muli %add3A_787, %mul3A_788 : i32
        "tpu.region"() ({
          %run_scoped3A = tpu.sem_alloc : memref<!tpu.dma_semaphore, #tpu.memory_space<semaphore_mem>>
          %dma_start3A_796 = arith.constant 0 : i32
          %dma_start3A_797 = tpu.memref_slice %arg3[%mul3A_789, %dma_start3A_796] : memref<4000x128xf32, #tpu.memory_space<hbm>> -> memref<8x128xf32, #tpu.memory_space<hbm>>
          %dma_start3A_798 = arith.constant 0 : i32
          %dma_start3A_799 = tpu.memref_slice %arg3[%mul3A_789, %dma_start3A_798] : memref<4000x128xf32, #tpu.memory_space<hbm>> -> memref<8x128xf32, #tpu.memory_space<hbm>>
          tpu.enqueue_dma source(%arg6 : memref<8x128xf32, #tpu.memory_space<vmem>>) target(%dma_start3A_799 : memref<8x128xf32, #tpu.memory_space<hbm>>) target_semaphore(%run_scoped3A : memref<!tpu.dma_semaphore, #tpu.memory_space<semaphore_mem>>)
          %dma_wait3A_800 = arith.constant 0 : i32
          %dma_wait3A_801 = tpu.memref_slice %arg3[%mul3A_789, %dma_wait3A_800] : memref<4000x128xf32, #tpu.memory_space<hbm>> -> memref<8x128xf32, #tpu.memory_space<hbm>>
          %dma_wait3A_802 = arith.constant 0 : i32
          %dma_wait3A_803 = tpu.memref_slice %arg3[%mul3A_789, %dma_wait3A_802] : memref<4000x128xf32, #tpu.memory_space<hbm>> -> memref<8x128xf32, #tpu.memory_space<hbm>>
          tpu.wait_dma2 semaphore(%run_scoped3A : memref<!tpu.dma_semaphore, #tpu.memory_space<semaphore_mem>>) src(%arg6 : memref<8x128xf32, #tpu.memory_space<vmem>>) dst(%dma_wait3A_803 : memref<8x128xf32, #tpu.memory_space<hbm>>)
          tpu.yield
        }) : () -> ()
        %add3A_790 = arith.constant 2 : i32
        %add3A_791 = arith.addi %add3A_53, %add3A_790 : i32
        %lt3A_792 = arith.cmpi slt, %add3A_791, %add3A_4 : i32
        %convert_element_type3A_793 = arith.extui %lt3A_792 : i1 to i32
        %cond3A_794 = arith.constant 0 : i32
        %cond3A_795 = arith.cmpi ne, %convert_element_type3A_793, %cond3A_794 : i32
        scf.if %cond3A_795 {
          %add3A_796 = arith.constant 2 : i32
          %add3A_797 = arith.addi %add3A_53, %add3A_796 : i32
          %mul3A_798 = arith.constant 32 : i32
          %mul3A_799 = arith.muli %add3A_797, %mul3A_798 : i32
          %add3A_800 = arith.addi %add3A, %mul3A_799 : i32
          %mul3A_801 = arith.constant 256 : i32
          %mul3A_802 = arith.muli %add3A_800, %mul3A_801 : i32
          %dma_start3A_803 = arith.constant 0 : i32
          %dma_start3A_804 = tpu.memref_slice %arg2[%mul3A_802, %dma_start3A_803] : memref<320000x128xf32, #tpu.memory_space<hbm>> -> memref<256x128xf32, #tpu.memory_space<hbm>>
          %dma_start3A_805 = arith.constant 0 : i32
          %dma_start3A_806 = tpu.memref_slice %arg2[%mul3A_802, %dma_start3A_805] : memref<320000x128xf32, #tpu.memory_space<hbm>> -> memref<256x128xf32, #tpu.memory_space<hbm>>
          tpu.enqueue_dma source(%dma_start3A_806 : memref<256x128xf32, #tpu.memory_space<hbm>>) target(%arg4 : memref<256x128xf32, #tpu.memory_space<vmem>>) target_semaphore(%arg7 : memref<!tpu.dma_semaphore, #tpu.memory_space<semaphore_mem>>)
        } else {
        }
      } else {
      }
      %mul3A_56 = arith.constant 2 : i32
      %mul3A_57 = arith.muli %while3A_49, %mul3A_56 : i32
      %add3A_58 = arith.constant 1 : i32
      %add3A_59 = arith.addi %mul3A_57, %add3A_58 : i32
      %lt3A_60 = arith.cmpi slt, %add3A_59, %add3A_4 : i32
      %convert_element_type3A_61 = arith.extui %lt3A_60 : i1 to i32
      %cond3A_62 = arith.constant 0 : i32
      %cond3A_63 = arith.cmpi ne, %convert_element_type3A_61, %cond3A_62 : i32
      scf.if %cond3A_63 {
        %mul3A_64 = arith.constant 32 : i32
        %mul3A_65 = arith.muli %add3A_59, %mul3A_64 : i32
        %add3A_66 = arith.addi %add3A, %mul3A_65 : i32
        %mul3A_67 = arith.constant 256 : i32
        %mul3A_68 = arith.muli %add3A_66, %mul3A_67 : i32
        %dma_wait3A = arith.constant 0 : i32
        %dma_wait3A_69 = tpu.memref_slice %arg2[%mul3A_68, %dma_wait3A] : memref<320000x128xf32, #tpu.memory_space<hbm>> -> memref<256x128xf32, #tpu.memory_space<hbm>>
        %dma_wait3A_70 = arith.constant 0 : i32
        %dma_wait3A_71 = tpu.memref_slice %arg2[%mul3A_68, %dma_wait3A_70] : memref<320000x128xf32, #tpu.memory_space<hbm>> -> memref<256x128xf32, #tpu.memory_space<hbm>>
        tpu.wait_dma2 semaphore(%arg8 : memref<!tpu.dma_semaphore, #tpu.memory_space<semaphore_mem>>) src(%dma_wait3A_71 : memref<256x128xf32, #tpu.memory_space<hbm>>) dst(%arg5 : memref<256x128xf32, #tpu.memory_space<vmem>>)
        %get3A = arith.constant 0 : i32
        %get3A_72 = arith.index_cast %get3A : i32 to index
        %get3A_73 = arith.constant 0 : index
        %get3A_74 = tpu.vector_load %arg5[%get3A_72, %get3A_73] {strides = array<i32>} : memref<256x128xf32, #tpu.memory_space<vmem>>, vector<1x16xf32>,
        %get3A_75 = vector.shape_cast %get3A_74 : vector<1x16xf32> to vector<16xf32>
        %get3A_76 = arith.constant 0 : i32
        %get3A_77 = arith.index_cast %get3A_76 : i32 to index
        %get3A_78 = arith.constant 16 : index
        %get3A_79 = tpu.vector_load %arg5[%get3A_77, %get3A_78] {strides = array<i32>} : memref<256x128xf32, #tpu.memory_space<vmem>>, vector<1x16xf32>,
        %get3A_80 = vector.shape_cast %get3A_79 : vector<1x16xf32> to vector<16xf32>
        %get3A_81 = arith.constant 0 : i32
        %get3A_82 = arith.index_cast %get3A_81 : i32 to index
        %get3A_83 = arith.constant 32 : index
        %get3A_84 = tpu.vector_load %arg5[%get3A_82, %get3A_83] {strides = array<i32>} : memref<256x128xf32, #tpu.memory_space<vmem>>, vector<1x16xf32>,
        %get3A_85 = vector.shape_cast %get3A_84 : vector<1x16xf32> to vector<16xf32>
        %get3A_86 = arith.constant 0 : i32
        %get3A_87 = arith.index_cast %get3A_86 : i32 to index
        %get3A_88 = arith.constant 48 : index
        %get3A_89 = tpu.vector_load %arg5[%get3A_87, %get3A_88] {strides = array<i32>} : memref<256x128xf32, #tpu.memory_space<vmem>>, vector<1x16xf32>,
        %get3A_90 = vector.shape_cast %get3A_89 : vector<1x16xf32> to vector<16xf32>
        %get3A_91 = arith.constant 0 : i32
        %get3A_92 = arith.index_cast %get3A_91 : i32 to index
        %get3A_93 = arith.constant 64 : index
        %get3A_94 = tpu.vector_load %arg5[%get3A_92, %get3A_93] {strides = array<i32>} : memref<256x128xf32, #tpu.memory_space<vmem>>, vector<1x16xf32>,
        %get3A_95 = vector.shape_cast %get3A_94 : vector<1x16xf32> to vector<16xf32>
        %get3A_96 = arith.constant 0 : i32
        %get3A_97 = arith.index_cast %get3A_96 : i32 to index
        %get3A_98 = arith.constant 80 : index
        %get3A_99 = tpu.vector_load %arg5[%get3A_97, %get3A_98] {strides = array<i32>} : memref<256x128xf32, #tpu.memory_space<vmem>>, vector<1x16xf32>,
        %get3A_100 = vector.shape_cast %get3A_99 : vector<1x16xf32> to vector<16xf32>
        %get3A_101 = arith.constant 0 : i32
        %get3A_102 = arith.index_cast %get3A_101 : i32 to index
        %get3A_103 = arith.constant 96 : index
        %get3A_104 = tpu.vector_load %arg5[%get3A_102, %get3A_103] {strides = array<i32>} : memref<256x128xf32, #tpu.memory_space<vmem>>, vector<1x16xf32>,
        %get3A_105 = vector.shape_cast %get3A_104 : vector<1x16xf32> to vector<16xf32>
        %get3A_106 = arith.constant 0 : i32
        %get3A_107 = arith.index_cast %get3A_106 : i32 to index
        %get3A_108 = arith.constant 112 : index
        %get3A_109 = tpu.vector_load %arg5[%get3A_107, %get3A_108] {strides = array<i32>} : memref<256x128xf32, #tpu.memory_space<vmem>>, vector<1x16xf32>,
        %get3A_110 = vector.shape_cast %get3A_109 : vector<1x16xf32> to vector<16xf32>
        %get3A_111 = arith.constant 32 : i32
        %get3A_112 = arith.index_cast %get3A_111 : i32 to index
        %get3A_113 = arith.constant 0 : index
        %get3A_114 = tpu.vector_load %arg5[%get3A_112, %get3A_113] {strides = array<i32>} : memref<256x128xf32, #tpu.memory_space<vmem>>, vector<1x16xf32>,
        %get3A_115 = vector.shape_cast %get3A_114 : vector<1x16xf32> to vector<16xf32>
        %get3A_116 = arith.constant 32 : i32
        %get3A_117 = arith.index_cast %get3A_116 : i32 to index
        %get3A_118 = arith.constant 16 : index
        %get3A_119 = tpu.vector_load %arg5[%get3A_117, %get3A_118] {strides = array<i32>} : memref<256x128xf32, #tpu.memory_space<vmem>>, vector<1x16xf32>,
        %get3A_120 = vector.shape_cast %get3A_119 : vector<1x16xf32> to vector<16xf32>
        %get3A_121 = arith.constant 32 : i32
        %get3A_122 = arith.index_cast %get3A_121 : i32 to index
        %get3A_123 = arith.constant 32 : index
        %get3A_124 = tpu.vector_load %arg5[%get3A_122, %get3A_123] {strides = array<i32>} : memref<256x128xf32, #tpu.memory_space<vmem>>, vector<1x16xf32>,
        %get3A_125 = vector.shape_cast %get3A_124 : vector<1x16xf32> to vector<16xf32>
        %get3A_126 = arith.constant 32 : i32
        %get3A_127 = arith.index_cast %get3A_126 : i32 to index
        %get3A_128 = arith.constant 48 : index
        %get3A_129 = tpu.vector_load %arg5[%get3A_127, %get3A_128] {strides = array<i32>} : memref<256x128xf32, #tpu.memory_space<vmem>>, vector<1x16xf32>,
        %get3A_130 = vector.shape_cast %get3A_129 : vector<1x16xf32> to vector<16xf32>
        %get3A_131 = arith.constant 32 : i32
        %get3A_132 = arith.index_cast %get3A_131 : i32 to index
        %get3A_133 = arith.constant 64 : index
        %get3A_134 = tpu.vector_load %arg5[%get3A_132, %get3A_133] {strides = array<i32>} : memref<256x128xf32, #tpu.memory_space<vmem>>, vector<1x16xf32>,
        %get3A_135 = vector.shape_cast %get3A_134 : vector<1x16xf32> to vector<16xf32>
        %get3A_136 = arith.constant 32 : i32
        %get3A_137 = arith.index_cast %get3A_136 : i32 to index
        %get3A_138 = arith.constant 80 : index
        %get3A_139 = tpu.vector_load %arg5[%get3A_137, %get3A_138] {strides = array<i32>} : memref<256x128xf32, #tpu.memory_space<vmem>>, vector<1x16xf32>,
        %get3A_140 = vector.shape_cast %get3A_139 : vector<1x16xf32> to vector<16xf32>
        %get3A_141 = arith.constant 32 : i32
        %get3A_142 = arith.index_cast %get3A_141 : i32 to index
        %get3A_143 = arith.constant 96 : index
        %get3A_144 = tpu.vector_load %arg5[%get3A_142, %get3A_143] {strides = array<i32>} : memref<256x128xf32, #tpu.memory_space<vmem>>, vector<1x16xf32>,
        %get3A_145 = vector.shape_cast %get3A_144 : vector<1x16xf32> to vector<16xf32>
        %get3A_146 = arith.constant 32 : i32
        %get3A_147 = arith.index_cast %get3A_146 : i32 to index
        %get3A_148 = arith.constant 112 : index
        %get3A_149 = tpu.vector_load %arg5[%get3A_147, %get3A_148] {strides = array<i32>} : memref<256x128xf32, #tpu.memory_space<vmem>>, vector<1x16xf32>,
        %get3A_150 = vector.shape_cast %get3A_149 : vector<1x16xf32> to vector<16xf32>
        %get3A_151 = arith.constant 64 : i32
        %get3A_152 = arith.index_cast %get3A_151 : i32 to index
        %get3A_153 = arith.constant 0 : index
        %get3A_154 = tpu.vector_load %arg5[%get3A_152, %get3A_153] {strides = array<i32>} : memref<256x128xf32, #tpu.memory_space<vmem>>, vector<1x16xf32>,
        %get3A_155 = vector.shape_cast %get3A_154 : vector<1x16xf32> to vector<16xf32>
        %get3A_156 = arith.constant 64 : i32
        %get3A_157 = arith.index_cast %get3A_156 : i32 to index
        %get3A_158 = arith.constant 16 : index
        %get3A_159 = tpu.vector_load %arg5[%get3A_157, %get3A_158] {strides = array<i32>} : memref<256x128xf32, #tpu.memory_space<vmem>>, vector<1x16xf32>,
        %get3A_160 = vector.shape_cast %get3A_159 : vector<1x16xf32> to vector<16xf32>
        %get3A_161 = arith.constant 64 : i32
        %get3A_162 = arith.index_cast %get3A_161 : i32 to index
        %get3A_163 = arith.constant 32 : index
        %get3A_164 = tpu.vector_load %arg5[%get3A_162, %get3A_163] {strides = array<i32>} : memref<256x128xf32, #tpu.memory_space<vmem>>, vector<1x16xf32>,
        %get3A_165 = vector.shape_cast %get3A_164 : vector<1x16xf32> to vector<16xf32>
        %get3A_166 = arith.constant 64 : i32
        %get3A_167 = arith.index_cast %get3A_166 : i32 to index
        %get3A_168 = arith.constant 48 : index
        %get3A_169 = tpu.vector_load %arg5[%get3A_167, %get3A_168] {strides = array<i32>} : memref<256x128xf32, #tpu.memory_space<vmem>>, vector<1x16xf32>,
        %get3A_170 = vector.shape_cast %get3A_169 : vector<1x16xf32> to vector<16xf32>
        %get3A_171 = arith.constant 64 : i32
        %get3A_172 = arith.index_cast %get3A_171 : i32 to index
        %get3A_173 = arith.constant 64 : index
        %get3A_174 = tpu.vector_load %arg5[%get3A_172, %get3A_173] {strides = array<i32>} : memref<256x128xf32, #tpu.memory_space<vmem>>, vector<1x16xf32>,
        %get3A_175 = vector.shape_cast %get3A_174 : vector<1x16xf32> to vector<16xf32>
        %get3A_176 = arith.constant 64 : i32
        %get3A_177 = arith.index_cast %get3A_176 : i32 to index
        %get3A_178 = arith.constant 80 : index
        %get3A_179 = tpu.vector_load %arg5[%get3A_177, %get3A_178] {strides = array<i32>} : memref<256x128xf32, #tpu.memory_space<vmem>>, vector<1x16xf32>,
        %get3A_180 = vector.shape_cast %get3A_179 : vector<1x16xf32> to vector<16xf32>
        %get3A_181 = arith.constant 64 : i32
        %get3A_182 = arith.index_cast %get3A_181 : i32 to index
        %get3A_183 = arith.constant 96 : index
        %get3A_184 = tpu.vector_load %arg5[%get3A_182, %get3A_183] {strides = array<i32>} : memref<256x128xf32, #tpu.memory_space<vmem>>, vector<1x16xf32>,
        %get3A_185 = vector.shape_cast %get3A_184 : vector<1x16xf32> to vector<16xf32>
        %get3A_186 = arith.constant 64 : i32
        %get3A_187 = arith.index_cast %get3A_186 : i32 to index
        %get3A_188 = arith.constant 112 : index
        %get3A_189 = tpu.vector_load %arg5[%get3A_187, %get3A_188] {strides = array<i32>} : memref<256x128xf32, #tpu.memory_space<vmem>>, vector<1x16xf32>,
        %get3A_190 = vector.shape_cast %get3A_189 : vector<1x16xf32> to vector<16xf32>
        %get3A_191 = arith.constant 96 : i32
        %get3A_192 = arith.index_cast %get3A_191 : i32 to index
        %get3A_193 = arith.constant 0 : index
        %get3A_194 = tpu.vector_load %arg5[%get3A_192, %get3A_193] {strides = array<i32>} : memref<256x128xf32, #tpu.memory_space<vmem>>, vector<1x16xf32>,
        %get3A_195 = vector.shape_cast %get3A_194 : vector<1x16xf32> to vector<16xf32>
        %get3A_196 = arith.constant 96 : i32
        %get3A_197 = arith.index_cast %get3A_196 : i32 to index
        %get3A_198 = arith.constant 16 : index
        %get3A_199 = tpu.vector_load %arg5[%get3A_197, %get3A_198] {strides = array<i32>} : memref<256x128xf32, #tpu.memory_space<vmem>>, vector<1x16xf32>,
        %get3A_200 = vector.shape_cast %get3A_199 : vector<1x16xf32> to vector<16xf32>
        %get3A_201 = arith.constant 96 : i32
        %get3A_202 = arith.index_cast %get3A_201 : i32 to index
        %get3A_203 = arith.constant 32 : index
        %get3A_204 = tpu.vector_load %arg5[%get3A_202, %get3A_203] {strides = array<i32>} : memref<256x128xf32, #tpu.memory_space<vmem>>, vector<1x16xf32>,
        %get3A_205 = vector.shape_cast %get3A_204 : vector<1x16xf32> to vector<16xf32>
        %get3A_206 = arith.constant 96 : i32
        %get3A_207 = arith.index_cast %get3A_206 : i32 to index
        %get3A_208 = arith.constant 48 : index
        %get3A_209 = tpu.vector_load %arg5[%get3A_207, %get3A_208] {strides = array<i32>} : memref<256x128xf32, #tpu.memory_space<vmem>>, vector<1x16xf32>,
        %get3A_210 = vector.shape_cast %get3A_209 : vector<1x16xf32> to vector<16xf32>
        %get3A_211 = arith.constant 96 : i32
        %get3A_212 = arith.index_cast %get3A_211 : i32 to index
        %get3A_213 = arith.constant 64 : index
        %get3A_214 = tpu.vector_load %arg5[%get3A_212, %get3A_213] {strides = array<i32>} : memref<256x128xf32, #tpu.memory_space<vmem>>, vector<1x16xf32>,
        %get3A_215 = vector.shape_cast %get3A_214 : vector<1x16xf32> to vector<16xf32>
        %get3A_216 = arith.constant 96 : i32
        %get3A_217 = arith.index_cast %get3A_216 : i32 to index
        %get3A_218 = arith.constant 80 : index
        %get3A_219 = tpu.vector_load %arg5[%get3A_217, %get3A_218] {strides = array<i32>} : memref<256x128xf32, #tpu.memory_space<vmem>>, vector<1x16xf32>,
        %get3A_220 = vector.shape_cast %get3A_219 : vector<1x16xf32> to vector<16xf32>
        %get3A_221 = arith.constant 96 : i32
        %get3A_222 = arith.index_cast %get3A_221 : i32 to index
        %get3A_223 = arith.constant 96 : index
        %get3A_224 = tpu.vector_load %arg5[%get3A_222, %get3A_223] {strides = array<i32>} : memref<256x128xf32, #tpu.memory_space<vmem>>, vector<1x16xf32>,
        %get3A_225 = vector.shape_cast %get3A_224 : vector<1x16xf32> to vector<16xf32>
        %get3A_226 = arith.constant 96 : i32
        %get3A_227 = arith.index_cast %get3A_226 : i32 to index
        %get3A_228 = arith.constant 112 : index
        %get3A_229 = tpu.vector_load %arg5[%get3A_227, %get3A_228] {strides = array<i32>} : memref<256x128xf32, #tpu.memory_space<vmem>>, vector<1x16xf32>,
        %get3A_230 = vector.shape_cast %get3A_229 : vector<1x16xf32> to vector<16xf32>
        %scan3A = arith.constant 1 : i32
        %scan3A_231 = arith.constant 31 : i32
        %scan3A_232 = arith.addi %scan3A, %scan3A_231 : i32
        %scan3A_233 = arith.constant 1 : i32
        %scan3A_234:32 = scf.for %scan3A_796 = %scan3A to %scan3A_232 step %scan3A_233 iter_args(%scan3A_797 = %get3A_75, %scan3A_798 = %get3A_80, %scan3A_799 = %get3A_85, %scan3A_800 = %get3A_90, %scan3A_801 = %get3A_95, %scan3A_802 = %get3A_100, %scan3A_803 = %get3A_105, %scan3A_804 = %get3A_110, %scan3A_805 = %get3A_115, %scan3A_806 = %get3A_120, %scan3A_807 = %get3A_125, %scan3A_808 = %get3A_130, %scan3A_809 = %get3A_135, %scan3A_810 = %get3A_140, %scan3A_811 = %get3A_145, %scan3A_812 = %get3A_150, %scan3A_813 = %get3A_155, %scan3A_814 = %get3A_160, %scan3A_815 = %get3A_165, %scan3A_816 = %get3A_170, %scan3A_817 = %get3A_175, %scan3A_818 = %get3A_180, %scan3A_819 = %get3A_185, %scan3A_820 = %get3A_190, %scan3A_821 = %get3A_195, %scan3A_822 = %get3A_200, %scan3A_823 = %get3A_205, %scan3A_824 = %get3A_210, %scan3A_825 = %get3A_215, %scan3A_826 = %get3A_220, %scan3A_827 = %get3A_225, %scan3A_828 = %get3A_230) -> (vector<16xf32>, vector<16xf32>, vector<16xf32>, vector<16xf32>, vector<16xf32>, vector<16xf32>, vector<16xf32>, vector<16xf32>, vector<16xf32>, vector<16xf32>, vector<16xf32>, vector<16xf32>, vector<16xf32>, vector<16xf32>, vector<16xf32>, vector<16xf32>, vector<16xf32>, vector<16xf32>, vector<16xf32>, vector<16xf32>, vector<16xf32>, vector<16xf32>, vector<16xf32>, vector<16xf32>, vector<16xf32>, vector<16xf32>, vector<16xf32>, vector<16xf32>, vector<16xf32>, vector<16xf32>, vector<16xf32>, vector<16xf32>)  : i32 {
          %add3A_829 = arith.constant 0 : i32
          %add3A_830 = arith.addi %add3A_829, %scan3A_796 : i32
          %get3A_831 = arith.index_cast %add3A_830 : i32 to index
          %get3A_832 = arith.constant 0 : index
          %get3A_833 = tpu.vector_load %arg5[%get3A_831, %get3A_832] {strides = array<i32>} : memref<256x128xf32, #tpu.memory_space<vmem>>, vector<1x16xf32>,
          %get3A_834 = vector.shape_cast %get3A_833 : vector<1x16xf32> to vector<16xf32>
          %add3A_835 = arith.addf %scan3A_797, %get3A_834 : vector<16xf32>
          %add3A_836 = arith.constant 0 : i32
          %add3A_837 = arith.addi %add3A_836, %scan3A_796 : i32
          %get3A_838 = arith.index_cast %add3A_837 : i32 to index
          %get3A_839 = arith.constant 16 : index
          %get3A_840 = tpu.vector_load %arg5[%get3A_838, %get3A_839] {strides = array<i32>} : memref<256x128xf32, #tpu.memory_space<vmem>>, vector<1x16xf32>,
          %get3A_841 = vector.shape_cast %get3A_840 : vector<1x16xf32> to vector<16xf32>
          %add3A_842 = arith.addf %scan3A_798, %get3A_841 : vector<16xf32>
          %add3A_843 = arith.constant 0 : i32
          %add3A_844 = arith.addi %add3A_843, %scan3A_796 : i32
          %get3A_845 = arith.index_cast %add3A_844 : i32 to index
          %get3A_846 = arith.constant 32 : index
          %get3A_847 = tpu.vector_load %arg5[%get3A_845, %get3A_846] {strides = array<i32>} : memref<256x128xf32, #tpu.memory_space<vmem>>, vector<1x16xf32>,
          %get3A_848 = vector.shape_cast %get3A_847 : vector<1x16xf32> to vector<16xf32>
          %add3A_849 = arith.addf %scan3A_799, %get3A_848 : vector<16xf32>
          %add3A_850 = arith.constant 0 : i32
          %add3A_851 = arith.addi %add3A_850, %scan3A_796 : i32
          %get3A_852 = arith.index_cast %add3A_851 : i32 to index
          %get3A_853 = arith.constant 48 : index
          %get3A_854 = tpu.vector_load %arg5[%get3A_852, %get3A_853] {strides = array<i32>} : memref<256x128xf32, #tpu.memory_space<vmem>>, vector<1x16xf32>,
          %get3A_855 = vector.shape_cast %get3A_854 : vector<1x16xf32> to vector<16xf32>
          %add3A_856 = arith.addf %scan3A_800, %get3A_855 : vector<16xf32>
          %add3A_857 = arith.constant 0 : i32
          %add3A_858 = arith.addi %add3A_857, %scan3A_796 : i32
          %get3A_859 = arith.index_cast %add3A_858 : i32 to index
          %get3A_860 = arith.constant 64 : index
          %get3A_861 = tpu.vector_load %arg5[%get3A_859, %get3A_860] {strides = array<i32>} : memref<256x128xf32, #tpu.memory_space<vmem>>, vector<1x16xf32>,
          %get3A_862 = vector.shape_cast %get3A_861 : vector<1x16xf32> to vector<16xf32>
          %add3A_863 = arith.addf %scan3A_801, %get3A_862 : vector<16xf32>
          %add3A_864 = arith.constant 0 : i32
          %add3A_865 = arith.addi %add3A_864, %scan3A_796 : i32
          %get3A_866 = arith.index_cast %add3A_865 : i32 to index
          %get3A_867 = arith.constant 80 : index
          %get3A_868 = tpu.vector_load %arg5[%get3A_866, %get3A_867] {strides = array<i32>} : memref<256x128xf32, #tpu.memory_space<vmem>>, vector<1x16xf32>,
          %get3A_869 = vector.shape_cast %get3A_868 : vector<1x16xf32> to vector<16xf32>
          %add3A_870 = arith.addf %scan3A_802, %get3A_869 : vector<16xf32>
          %add3A_871 = arith.constant 0 : i32
          %add3A_872 = arith.addi %add3A_871, %scan3A_796 : i32
          %get3A_873 = arith.index_cast %add3A_872 : i32 to index
          %get3A_874 = arith.constant 96 : index
          %get3A_875 = tpu.vector_load %arg5[%get3A_873, %get3A_874] {strides = array<i32>} : memref<256x128xf32, #tpu.memory_space<vmem>>, vector<1x16xf32>,
          %get3A_876 = vector.shape_cast %get3A_875 : vector<1x16xf32> to vector<16xf32>
          %add3A_877 = arith.addf %scan3A_803, %get3A_876 : vector<16xf32>
          %add3A_878 = arith.constant 0 : i32
          %add3A_879 = arith.addi %add3A_878, %scan3A_796 : i32
          %get3A_880 = arith.index_cast %add3A_879 : i32 to index
          %get3A_881 = arith.constant 112 : index
          %get3A_882 = tpu.vector_load %arg5[%get3A_880, %get3A_881] {strides = array<i32>} : memref<256x128xf32, #tpu.memory_space<vmem>>, vector<1x16xf32>,
          %get3A_883 = vector.shape_cast %get3A_882 : vector<1x16xf32> to vector<16xf32>
          %add3A_884 = arith.addf %scan3A_804, %get3A_883 : vector<16xf32>
          %add3A_885 = arith.constant 32 : i32
          %add3A_886 = arith.addi %add3A_885, %scan3A_796 : i32
          %get3A_887 = arith.index_cast %add3A_886 : i32 to index
          %get3A_888 = arith.constant 0 : index
          %get3A_889 = tpu.vector_load %arg5[%get3A_887, %get3A_888] {strides = array<i32>} : memref<256x128xf32, #tpu.memory_space<vmem>>, vector<1x16xf32>,
          %get3A_890 = vector.shape_cast %get3A_889 : vector<1x16xf32> to vector<16xf32>
          %add3A_891 = arith.addf %scan3A_805, %get3A_890 : vector<16xf32>
          %add3A_892 = arith.constant 32 : i32
          %add3A_893 = arith.addi %add3A_892, %scan3A_796 : i32
          %get3A_894 = arith.index_cast %add3A_893 : i32 to index
          %get3A_895 = arith.constant 16 : index
          %get3A_896 = tpu.vector_load %arg5[%get3A_894, %get3A_895] {strides = array<i32>} : memref<256x128xf32, #tpu.memory_space<vmem>>, vector<1x16xf32>,
          %get3A_897 = vector.shape_cast %get3A_896 : vector<1x16xf32> to vector<16xf32>
          %add3A_898 = arith.addf %scan3A_806, %get3A_897 : vector<16xf32>
          %add3A_899 = arith.constant 32 : i32
          %add3A_900 = arith.addi %add3A_899, %scan3A_796 : i32
          %get3A_901 = arith.index_cast %add3A_900 : i32 to index
          %get3A_902 = arith.constant 32 : index
          %get3A_903 = tpu.vector_load %arg5[%get3A_901, %get3A_902] {strides = array<i32>} : memref<256x128xf32, #tpu.memory_space<vmem>>, vector<1x16xf32>,
          %get3A_904 = vector.shape_cast %get3A_903 : vector<1x16xf32> to vector<16xf32>
          %add3A_905 = arith.addf %scan3A_807, %get3A_904 : vector<16xf32>
          %add3A_906 = arith.constant 32 : i32
          %add3A_907 = arith.addi %add3A_906, %scan3A_796 : i32
          %get3A_908 = arith.index_cast %add3A_907 : i32 to index
          %get3A_909 = arith.constant 48 : index
          %get3A_910 = tpu.vector_load %arg5[%get3A_908, %get3A_909] {strides = array<i32>} : memref<256x128xf32, #tpu.memory_space<vmem>>, vector<1x16xf32>,
          %get3A_911 = vector.shape_cast %get3A_910 : vector<1x16xf32> to vector<16xf32>
          %add3A_912 = arith.addf %scan3A_808, %get3A_911 : vector<16xf32>
          %add3A_913 = arith.constant 32 : i32
          %add3A_914 = arith.addi %add3A_913, %scan3A_796 : i32
          %get3A_915 = arith.index_cast %add3A_914 : i32 to index
          %get3A_916 = arith.constant 64 : index
          %get3A_917 = tpu.vector_load %arg5[%get3A_915, %get3A_916] {strides = array<i32>} : memref<256x128xf32, #tpu.memory_space<vmem>>, vector<1x16xf32>,
          %get3A_918 = vector.shape_cast %get3A_917 : vector<1x16xf32> to vector<16xf32>
          %add3A_919 = arith.addf %scan3A_809, %get3A_918 : vector<16xf32>
          %add3A_920 = arith.constant 32 : i32
          %add3A_921 = arith.addi %add3A_920, %scan3A_796 : i32
          %get3A_922 = arith.index_cast %add3A_921 : i32 to index
          %get3A_923 = arith.constant 80 : index
          %get3A_924 = tpu.vector_load %arg5[%get3A_922, %get3A_923] {strides = array<i32>} : memref<256x128xf32, #tpu.memory_space<vmem>>, vector<1x16xf32>,
          %get3A_925 = vector.shape_cast %get3A_924 : vector<1x16xf32> to vector<16xf32>
          %add3A_926 = arith.addf %scan3A_810, %get3A_925 : vector<16xf32>
          %add3A_927 = arith.constant 32 : i32
          %add3A_928 = arith.addi %add3A_927, %scan3A_796 : i32
          %get3A_929 = arith.index_cast %add3A_928 : i32 to index
          %get3A_930 = arith.constant 96 : index
          %get3A_931 = tpu.vector_load %arg5[%get3A_929, %get3A_930] {strides = array<i32>} : memref<256x128xf32, #tpu.memory_space<vmem>>, vector<1x16xf32>,
          %get3A_932 = vector.shape_cast %get3A_931 : vector<1x16xf32> to vector<16xf32>
          %add3A_933 = arith.addf %scan3A_811, %get3A_932 : vector<16xf32>
          %add3A_934 = arith.constant 32 : i32
          %add3A_935 = arith.addi %add3A_934, %scan3A_796 : i32
          %get3A_936 = arith.index_cast %add3A_935 : i32 to index
          %get3A_937 = arith.constant 112 : index
          %get3A_938 = tpu.vector_load %arg5[%get3A_936, %get3A_937] {strides = array<i32>} : memref<256x128xf32, #tpu.memory_space<vmem>>, vector<1x16xf32>,
          %get3A_939 = vector.shape_cast %get3A_938 : vector<1x16xf32> to vector<16xf32>
          %add3A_940 = arith.addf %scan3A_812, %get3A_939 : vector<16xf32>
          %add3A_941 = arith.constant 64 : i32
          %add3A_942 = arith.addi %add3A_941, %scan3A_796 : i32
          %get3A_943 = arith.index_cast %add3A_942 : i32 to index
          %get3A_944 = arith.constant 0 : index
          %get3A_945 = tpu.vector_load %arg5[%get3A_943, %get3A_944] {strides = array<i32>} : memref<256x128xf32, #tpu.memory_space<vmem>>, vector<1x16xf32>,
          %get3A_946 = vector.shape_cast %get3A_945 : vector<1x16xf32> to vector<16xf32>
          %add3A_947 = arith.addf %scan3A_813, %get3A_946 : vector<16xf32>
          %add3A_948 = arith.constant 64 : i32
          %add3A_949 = arith.addi %add3A_948, %scan3A_796 : i32
          %get3A_950 = arith.index_cast %add3A_949 : i32 to index
          %get3A_951 = arith.constant 16 : index
          %get3A_952 = tpu.vector_load %arg5[%get3A_950, %get3A_951] {strides = array<i32>} : memref<256x128xf32, #tpu.memory_space<vmem>>, vector<1x16xf32>,
          %get3A_953 = vector.shape_cast %get3A_952 : vector<1x16xf32> to vector<16xf32>
          %add3A_954 = arith.addf %scan3A_814, %get3A_953 : vector<16xf32>
          %add3A_955 = arith.constant 64 : i32
          %add3A_956 = arith.addi %add3A_955, %scan3A_796 : i32
          %get3A_957 = arith.index_cast %add3A_956 : i32 to index
          %get3A_958 = arith.constant 32 : index
          %get3A_959 = tpu.vector_load %arg5[%get3A_957, %get3A_958] {strides = array<i32>} : memref<256x128xf32, #tpu.memory_space<vmem>>, vector<1x16xf32>,
          %get3A_960 = vector.shape_cast %get3A_959 : vector<1x16xf32> to vector<16xf32>
          %add3A_961 = arith.addf %scan3A_815, %get3A_960 : vector<16xf32>
          %add3A_962 = arith.constant 64 : i32
          %add3A_963 = arith.addi %add3A_962, %scan3A_796 : i32
          %get3A_964 = arith.index_cast %add3A_963 : i32 to index
          %get3A_965 = arith.constant 48 : index
          %get3A_966 = tpu.vector_load %arg5[%get3A_964, %get3A_965] {strides = array<i32>} : memref<256x128xf32, #tpu.memory_space<vmem>>, vector<1x16xf32>,
          %get3A_967 = vector.shape_cast %get3A_966 : vector<1x16xf32> to vector<16xf32>
          %add3A_968 = arith.addf %scan3A_816, %get3A_967 : vector<16xf32>
          %add3A_969 = arith.constant 64 : i32
          %add3A_970 = arith.addi %add3A_969, %scan3A_796 : i32
          %get3A_971 = arith.index_cast %add3A_970 : i32 to index
          %get3A_972 = arith.constant 64 : index
          %get3A_973 = tpu.vector_load %arg5[%get3A_971, %get3A_972] {strides = array<i32>} : memref<256x128xf32, #tpu.memory_space<vmem>>, vector<1x16xf32>,
          %get3A_974 = vector.shape_cast %get3A_973 : vector<1x16xf32> to vector<16xf32>
          %add3A_975 = arith.addf %scan3A_817, %get3A_974 : vector<16xf32>
          %add3A_976 = arith.constant 64 : i32
          %add3A_977 = arith.addi %add3A_976, %scan3A_796 : i32
          %get3A_978 = arith.index_cast %add3A_977 : i32 to index
          %get3A_979 = arith.constant 80 : index
          %get3A_980 = tpu.vector_load %arg5[%get3A_978, %get3A_979] {strides = array<i32>} : memref<256x128xf32, #tpu.memory_space<vmem>>, vector<1x16xf32>,
          %get3A_981 = vector.shape_cast %get3A_980 : vector<1x16xf32> to vector<16xf32>
          %add3A_982 = arith.addf %scan3A_818, %get3A_981 : vector<16xf32>
          %add3A_983 = arith.constant 64 : i32
          %add3A_984 = arith.addi %add3A_983, %scan3A_796 : i32
          %get3A_985 = arith.index_cast %add3A_984 : i32 to index
          %get3A_986 = arith.constant 96 : index
          %get3A_987 = tpu.vector_load %arg5[%get3A_985, %get3A_986] {strides = array<i32>} : memref<256x128xf32, #tpu.memory_space<vmem>>, vector<1x16xf32>,
          %get3A_988 = vector.shape_cast %get3A_987 : vector<1x16xf32> to vector<16xf32>
          %add3A_989 = arith.addf %scan3A_819, %get3A_988 : vector<16xf32>
          %add3A_990 = arith.constant 64 : i32
          %add3A_991 = arith.addi %add3A_990, %scan3A_796 : i32
          %get3A_992 = arith.index_cast %add3A_991 : i32 to index
          %get3A_993 = arith.constant 112 : index
          %get3A_994 = tpu.vector_load %arg5[%get3A_992, %get3A_993] {strides = array<i32>} : memref<256x128xf32, #tpu.memory_space<vmem>>, vector<1x16xf32>,
          %get3A_995 = vector.shape_cast %get3A_994 : vector<1x16xf32> to vector<16xf32>
          %add3A_996 = arith.addf %scan3A_820, %get3A_995 : vector<16xf32>
          %add3A_997 = arith.constant 96 : i32
          %add3A_998 = arith.addi %add3A_997, %scan3A_796 : i32
          %get3A_999 = arith.index_cast %add3A_998 : i32 to index
          %get3A_1000 = arith.constant 0 : index
          %get3A_1001 = tpu.vector_load %arg5[%get3A_999, %get3A_1000] {strides = array<i32>} : memref<256x128xf32, #tpu.memory_space<vmem>>, vector<1x16xf32>,
          %get3A_1002 = vector.shape_cast %get3A_1001 : vector<1x16xf32> to vector<16xf32>
          %add3A_1003 = arith.addf %scan3A_821, %get3A_1002 : vector<16xf32>
          %add3A_1004 = arith.constant 96 : i32
          %add3A_1005 = arith.addi %add3A_1004, %scan3A_796 : i32
          %get3A_1006 = arith.index_cast %add3A_1005 : i32 to index
          %get3A_1007 = arith.constant 16 : index
          %get3A_1008 = tpu.vector_load %arg5[%get3A_1006, %get3A_1007] {strides = array<i32>} : memref<256x128xf32, #tpu.memory_space<vmem>>, vector<1x16xf32>,
          %get3A_1009 = vector.shape_cast %get3A_1008 : vector<1x16xf32> to vector<16xf32>
          %add3A_1010 = arith.addf %scan3A_822, %get3A_1009 : vector<16xf32>
          %add3A_1011 = arith.constant 96 : i32
          %add3A_1012 = arith.addi %add3A_1011, %scan3A_796 : i32
          %get3A_1013 = arith.index_cast %add3A_1012 : i32 to index
          %get3A_1014 = arith.constant 32 : index
          %get3A_1015 = tpu.vector_load %arg5[%get3A_1013, %get3A_1014] {strides = array<i32>} : memref<256x128xf32, #tpu.memory_space<vmem>>, vector<1x16xf32>,
          %get3A_1016 = vector.shape_cast %get3A_1015 : vector<1x16xf32> to vector<16xf32>
          %add3A_1017 = arith.addf %scan3A_823, %get3A_1016 : vector<16xf32>
          %add3A_1018 = arith.constant 96 : i32
          %add3A_1019 = arith.addi %add3A_1018, %scan3A_796 : i32
          %get3A_1020 = arith.index_cast %add3A_1019 : i32 to index
          %get3A_1021 = arith.constant 48 : index
          %get3A_1022 = tpu.vector_load %arg5[%get3A_1020, %get3A_1021] {strides = array<i32>} : memref<256x128xf32, #tpu.memory_space<vmem>>, vector<1x16xf32>,
          %get3A_1023 = vector.shape_cast %get3A_1022 : vector<1x16xf32> to vector<16xf32>
          %add3A_1024 = arith.addf %scan3A_824, %get3A_1023 : vector<16xf32>
          %add3A_1025 = arith.constant 96 : i32
          %add3A_1026 = arith.addi %add3A_1025, %scan3A_796 : i32
          %get3A_1027 = arith.index_cast %add3A_1026 : i32 to index
          %get3A_1028 = arith.constant 64 : index
          %get3A_1029 = tpu.vector_load %arg5[%get3A_1027, %get3A_1028] {strides = array<i32>} : memref<256x128xf32, #tpu.memory_space<vmem>>, vector<1x16xf32>,
          %get3A_1030 = vector.shape_cast %get3A_1029 : vector<1x16xf32> to vector<16xf32>
          %add3A_1031 = arith.addf %scan3A_825, %get3A_1030 : vector<16xf32>
          %add3A_1032 = arith.constant 96 : i32
          %add3A_1033 = arith.addi %add3A_1032, %scan3A_796 : i32
          %get3A_1034 = arith.index_cast %add3A_1033 : i32 to index
          %get3A_1035 = arith.constant 80 : index
          %get3A_1036 = tpu.vector_load %arg5[%get3A_1034, %get3A_1035] {strides = array<i32>} : memref<256x128xf32, #tpu.memory_space<vmem>>, vector<1x16xf32>,
          %get3A_1037 = vector.shape_cast %get3A_1036 : vector<1x16xf32> to vector<16xf32>
          %add3A_1038 = arith.addf %scan3A_826, %get3A_1037 : vector<16xf32>
          %add3A_1039 = arith.constant 96 : i32
          %add3A_1040 = arith.addi %add3A_1039, %scan3A_796 : i32
          %get3A_1041 = arith.index_cast %add3A_1040 : i32 to index
          %get3A_1042 = arith.constant 96 : index
          %get3A_1043 = tpu.vector_load %arg5[%get3A_1041, %get3A_1042] {strides = array<i32>} : memref<256x128xf32, #tpu.memory_space<vmem>>, vector<1x16xf32>,
          %get3A_1044 = vector.shape_cast %get3A_1043 : vector<1x16xf32> to vector<16xf32>
          %add3A_1045 = arith.addf %scan3A_827, %get3A_1044 : vector<16xf32>
          %add3A_1046 = arith.constant 96 : i32
          %add3A_1047 = arith.addi %add3A_1046, %scan3A_796 : i32
          %get3A_1048 = arith.index_cast %add3A_1047 : i32 to index
          %get3A_1049 = arith.constant 112 : index
          %get3A_1050 = tpu.vector_load %arg5[%get3A_1048, %get3A_1049] {strides = array<i32>} : memref<256x128xf32, #tpu.memory_space<vmem>>, vector<1x16xf32>,
          %get3A_1051 = vector.shape_cast %get3A_1050 : vector<1x16xf32> to vector<16xf32>
          %add3A_1052 = arith.addf %scan3A_828, %get3A_1051 : vector<16xf32>
          scf.yield %add3A_835, %add3A_842, %add3A_849, %add3A_856, %add3A_863, %add3A_870, %add3A_877, %add3A_884, %add3A_891, %add3A_898, %add3A_905, %add3A_912, %add3A_919, %add3A_926, %add3A_933, %add3A_940, %add3A_947, %add3A_954, %add3A_961, %add3A_968, %add3A_975, %add3A_982, %add3A_989, %add3A_996, %add3A_1003, %add3A_1010, %add3A_1017, %add3A_1024, %add3A_1031, %add3A_1038, %add3A_1045, %add3A_1052 : vector<16xf32>, vector<16xf32>, vector<16xf32>, vector<16xf32>, vector<16xf32>, vector<16xf32>, vector<16xf32>, vector<16xf32>, vector<16xf32>, vector<16xf32>, vector<16xf32>, vector<16xf32>, vector<16xf32>, vector<16xf32>, vector<16xf32>, vector<16xf32>, vector<16xf32>, vector<16xf32>, vector<16xf32>, vector<16xf32>, vector<16xf32>, vector<16xf32>, vector<16xf32>, vector<16xf32>, vector<16xf32>, vector<16xf32>, vector<16xf32>, vector<16xf32>, vector<16xf32>, vector<16xf32>, vector<16xf32>, vector<16xf32>
        }
        %scan3A_235 = arith.constant 31 : i32
        %swap3A = arith.constant 0 : i32
        %swap3A_236 = arith.index_cast %swap3A : i32 to index
        %swap3A_237 = arith.constant 0 : index
        %swap3A_238 = tpu.vector_load %arg6[%swap3A_236, %swap3A_237] {strides = array<i32>} : memref<8x128xf32, #tpu.memory_space<vmem>>, vector<1x16xf32>,
        %swap3A_239 = vector.shape_cast %swap3A_238 : vector<1x16xf32> to vector<16xf32>
        %swap3A_240 = vector.shape_cast %scan3A_234#0 : vector<16xf32> to vector<1x16xf32>
        tpu.vector_store %arg6[%swap3A_236, %swap3A_237], %swap3A_240 {strides = array<i32>} : memref<8x128xf32, #tpu.memory_space<vmem>>, vector<1x16xf32>,
        %swap3A_241 = arith.constant 0 : i32
        %swap3A_242 = arith.index_cast %swap3A_241 : i32 to index
        %swap3A_243 = arith.constant 16 : index
        %swap3A_244 = tpu.vector_load %arg6[%swap3A_242, %swap3A_243] {strides = array<i32>} : memref<8x128xf32, #tpu.memory_space<vmem>>, vector<1x16xf32>,
        %swap3A_245 = vector.shape_cast %swap3A_244 : vector<1x16xf32> to vector<16xf32>
        %swap3A_246 = vector.shape_cast %scan3A_234#1 : vector<16xf32> to vector<1x16xf32>
        tpu.vector_store %arg6[%swap3A_242, %swap3A_243], %swap3A_246 {strides = array<i32>} : memref<8x128xf32, #tpu.memory_space<vmem>>, vector<1x16xf32>,
        %swap3A_247 = arith.constant 0 : i32
        %swap3A_248 = arith.index_cast %swap3A_247 : i32 to index
        %swap3A_249 = arith.constant 32 : index
        %swap3A_250 = tpu.vector_load %arg6[%swap3A_248, %swap3A_249] {strides = array<i32>} : memref<8x128xf32, #tpu.memory_space<vmem>>, vector<1x16xf32>,
        %swap3A_251 = vector.shape_cast %swap3A_250 : vector<1x16xf32> to vector<16xf32>
        %swap3A_252 = vector.shape_cast %scan3A_234#2 : vector<16xf32> to vector<1x16xf32>
        tpu.vector_store %arg6[%swap3A_248, %swap3A_249], %swap3A_252 {strides = array<i32>} : memref<8x128xf32, #tpu.memory_space<vmem>>, vector<1x16xf32>,
        %swap3A_253 = arith.constant 0 : i32
        %swap3A_254 = arith.index_cast %swap3A_253 : i32 to index
        %swap3A_255 = arith.constant 48 : index
        %swap3A_256 = tpu.vector_load %arg6[%swap3A_254, %swap3A_255] {strides = array<i32>} : memref<8x128xf32, #tpu.memory_space<vmem>>, vector<1x16xf32>,
        %swap3A_257 = vector.shape_cast %swap3A_256 : vector<1x16xf32> to vector<16xf32>
        %swap3A_258 = vector.shape_cast %scan3A_234#3 : vector<16xf32> to vector<1x16xf32>
        tpu.vector_store %arg6[%swap3A_254, %swap3A_255], %swap3A_258 {strides = array<i32>} : memref<8x128xf32, #tpu.memory_space<vmem>>, vector<1x16xf32>,
        %swap3A_259 = arith.constant 0 : i32
        %swap3A_260 = arith.index_cast %swap3A_259 : i32 to index
        %swap3A_261 = arith.constant 64 : index
        %swap3A_262 = tpu.vector_load %arg6[%swap3A_260, %swap3A_261] {strides = array<i32>} : memref<8x128xf32, #tpu.memory_space<vmem>>, vector<1x16xf32>,
        %swap3A_263 = vector.shape_cast %swap3A_262 : vector<1x16xf32> to vector<16xf32>
        %swap3A_264 = vector.shape_cast %scan3A_234#4 : vector<16xf32> to vector<1x16xf32>
        tpu.vector_store %arg6[%swap3A_260, %swap3A_261], %swap3A_264 {strides = array<i32>} : memref<8x128xf32, #tpu.memory_space<vmem>>, vector<1x16xf32>,
        %swap3A_265 = arith.constant 0 : i32
        %swap3A_266 = arith.index_cast %swap3A_265 : i32 to index
        %swap3A_267 = arith.constant 80 : index
        %swap3A_268 = tpu.vector_load %arg6[%swap3A_266, %swap3A_267] {strides = array<i32>} : memref<8x128xf32, #tpu.memory_space<vmem>>, vector<1x16xf32>,
        %swap3A_269 = vector.shape_cast %swap3A_268 : vector<1x16xf32> to vector<16xf32>
        %swap3A_270 = vector.shape_cast %scan3A_234#5 : vector<16xf32> to vector<1x16xf32>
        tpu.vector_store %arg6[%swap3A_266, %swap3A_267], %swap3A_270 {strides = array<i32>} : memref<8x128xf32, #tpu.memory_space<vmem>>, vector<1x16xf32>,
        %swap3A_271 = arith.constant 0 : i32
        %swap3A_272 = arith.index_cast %swap3A_271 : i32 to index
        %swap3A_273 = arith.constant 96 : index
        %swap3A_274 = tpu.vector_load %arg6[%swap3A_272, %swap3A_273] {strides = array<i32>} : memref<8x128xf32, #tpu.memory_space<vmem>>, vector<1x16xf32>,
        %swap3A_275 = vector.shape_cast %swap3A_274 : vector<1x16xf32> to vector<16xf32>
        %swap3A_276 = vector.shape_cast %scan3A_234#6 : vector<16xf32> to vector<1x16xf32>
        tpu.vector_store %arg6[%swap3A_272, %swap3A_273], %swap3A_276 {strides = array<i32>} : memref<8x128xf32, #tpu.memory_space<vmem>>, vector<1x16xf32>,
        %swap3A_277 = arith.constant 0 : i32
        %swap3A_278 = arith.index_cast %swap3A_277 : i32 to index
        %swap3A_279 = arith.constant 112 : index
        %swap3A_280 = tpu.vector_load %arg6[%swap3A_278, %swap3A_279] {strides = array<i32>} : memref<8x128xf32, #tpu.memory_space<vmem>>, vector<1x16xf32>,
        %swap3A_281 = vector.shape_cast %swap3A_280 : vector<1x16xf32> to vector<16xf32>
        %swap3A_282 = vector.shape_cast %scan3A_234#7 : vector<16xf32> to vector<1x16xf32>
        tpu.vector_store %arg6[%swap3A_278, %swap3A_279], %swap3A_282 {strides = array<i32>} : memref<8x128xf32, #tpu.memory_space<vmem>>, vector<1x16xf32>,
        %swap3A_283 = arith.constant 1 : i32
        %swap3A_284 = arith.index_cast %swap3A_283 : i32 to index
        %swap3A_285 = arith.constant 0 : index
        %swap3A_286 = tpu.vector_load %arg6[%swap3A_284, %swap3A_285] {strides = array<i32>} : memref<8x128xf32, #tpu.memory_space<vmem>>, vector<1x16xf32>,
        %swap3A_287 = vector.shape_cast %swap3A_286 : vector<1x16xf32> to vector<16xf32>
        %swap3A_288 = vector.shape_cast %scan3A_234#8 : vector<16xf32> to vector<1x16xf32>
        tpu.vector_store %arg6[%swap3A_284, %swap3A_285], %swap3A_288 {strides = array<i32>} : memref<8x128xf32, #tpu.memory_space<vmem>>, vector<1x16xf32>,
        %swap3A_289 = arith.constant 1 : i32
        %swap3A_290 = arith.index_cast %swap3A_289 : i32 to index
        %swap3A_291 = arith.constant 16 : index
        %swap3A_292 = tpu.vector_load %arg6[%swap3A_290, %swap3A_291] {strides = array<i32>} : memref<8x128xf32, #tpu.memory_space<vmem>>, vector<1x16xf32>,
        %swap3A_293 = vector.shape_cast %swap3A_292 : vector<1x16xf32> to vector<16xf32>
        %swap3A_294 = vector.shape_cast %scan3A_234#9 : vector<16xf32> to vector<1x16xf32>
        tpu.vector_store %arg6[%swap3A_290, %swap3A_291], %swap3A_294 {strides = array<i32>} : memref<8x128xf32, #tpu.memory_space<vmem>>, vector<1x16xf32>,
        %swap3A_295 = arith.constant 1 : i32
        %swap3A_296 = arith.index_cast %swap3A_295 : i32 to index
        %swap3A_297 = arith.constant 32 : index
        %swap3A_298 = tpu.vector_load %arg6[%swap3A_296, %swap3A_297] {strides = array<i32>} : memref<8x128xf32, #tpu.memory_space<vmem>>, vector<1x16xf32>,
        %swap3A_299 = vector.shape_cast %swap3A_298 : vector<1x16xf32> to vector<16xf32>
        %swap3A_300 = vector.shape_cast %scan3A_234#10 : vector<16xf32> to vector<1x16xf32>
        tpu.vector_store %arg6[%swap3A_296, %swap3A_297], %swap3A_300 {strides = array<i32>} : memref<8x128xf32, #tpu.memory_space<vmem>>, vector<1x16xf32>,
        %swap3A_301 = arith.constant 1 : i32
        %swap3A_302 = arith.index_cast %swap3A_301 : i32 to index
        %swap3A_303 = arith.constant 48 : index
        %swap3A_304 = tpu.vector_load %arg6[%swap3A_302, %swap3A_303] {strides = array<i32>} : memref<8x128xf32, #tpu.memory_space<vmem>>, vector<1x16xf32>,
        %swap3A_305 = vector.shape_cast %swap3A_304 : vector<1x16xf32> to vector<16xf32>
        %swap3A_306 = vector.shape_cast %scan3A_234#11 : vector<16xf32> to vector<1x16xf32>
        tpu.vector_store %arg6[%swap3A_302, %swap3A_303], %swap3A_306 {strides = array<i32>} : memref<8x128xf32, #tpu.memory_space<vmem>>, vector<1x16xf32>,
        %swap3A_307 = arith.constant 1 : i32
        %swap3A_308 = arith.index_cast %swap3A_307 : i32 to index
        %swap3A_309 = arith.constant 64 : index
        %swap3A_310 = tpu.vector_load %arg6[%swap3A_308, %swap3A_309] {strides = array<i32>} : memref<8x128xf32, #tpu.memory_space<vmem>>, vector<1x16xf32>,
        %swap3A_311 = vector.shape_cast %swap3A_310 : vector<1x16xf32> to vector<16xf32>
        %swap3A_312 = vector.shape_cast %scan3A_234#12 : vector<16xf32> to vector<1x16xf32>
        tpu.vector_store %arg6[%swap3A_308, %swap3A_309], %swap3A_312 {strides = array<i32>} : memref<8x128xf32, #tpu.memory_space<vmem>>, vector<1x16xf32>,
        %swap3A_313 = arith.constant 1 : i32
        %swap3A_314 = arith.index_cast %swap3A_313 : i32 to index
        %swap3A_315 = arith.constant 80 : index
        %swap3A_316 = tpu.vector_load %arg6[%swap3A_314, %swap3A_315] {strides = array<i32>} : memref<8x128xf32, #tpu.memory_space<vmem>>, vector<1x16xf32>,
        %swap3A_317 = vector.shape_cast %swap3A_316 : vector<1x16xf32> to vector<16xf32>
        %swap3A_318 = vector.shape_cast %scan3A_234#13 : vector<16xf32> to vector<1x16xf32>
        tpu.vector_store %arg6[%swap3A_314, %swap3A_315], %swap3A_318 {strides = array<i32>} : memref<8x128xf32, #tpu.memory_space<vmem>>, vector<1x16xf32>,
        %swap3A_319 = arith.constant 1 : i32
        %swap3A_320 = arith.index_cast %swap3A_319 : i32 to index
        %swap3A_321 = arith.constant 96 : index
        %swap3A_322 = tpu.vector_load %arg6[%swap3A_320, %swap3A_321] {strides = array<i32>} : memref<8x128xf32, #tpu.memory_space<vmem>>, vector<1x16xf32>,
        %swap3A_323 = vector.shape_cast %swap3A_322 : vector<1x16xf32> to vector<16xf32>
        %swap3A_324 = vector.shape_cast %scan3A_234#14 : vector<16xf32> to vector<1x16xf32>
        tpu.vector_store %arg6[%swap3A_320, %swap3A_321], %swap3A_324 {strides = array<i32>} : memref<8x128xf32, #tpu.memory_space<vmem>>, vector<1x16xf32>,
        %swap3A_325 = arith.constant 1 : i32
        %swap3A_326 = arith.index_cast %swap3A_325 : i32 to index
        %swap3A_327 = arith.constant 112 : index
        %swap3A_328 = tpu.vector_load %arg6[%swap3A_326, %swap3A_327] {strides = array<i32>} : memref<8x128xf32, #tpu.memory_space<vmem>>, vector<1x16xf32>,
        %swap3A_329 = vector.shape_cast %swap3A_328 : vector<1x16xf32> to vector<16xf32>
        %swap3A_330 = vector.shape_cast %scan3A_234#15 : vector<16xf32> to vector<1x16xf32>
        tpu.vector_store %arg6[%swap3A_326, %swap3A_327], %swap3A_330 {strides = array<i32>} : memref<8x128xf32, #tpu.memory_space<vmem>>, vector<1x16xf32>,
        %swap3A_331 = arith.constant 2 : i32
        %swap3A_332 = arith.index_cast %swap3A_331 : i32 to index
        %swap3A_333 = arith.constant 0 : index
        %swap3A_334 = tpu.vector_load %arg6[%swap3A_332, %swap3A_333] {strides = array<i32>} : memref<8x128xf32, #tpu.memory_space<vmem>>, vector<1x16xf32>,
        %swap3A_335 = vector.shape_cast %swap3A_334 : vector<1x16xf32> to vector<16xf32>
        %swap3A_336 = vector.shape_cast %scan3A_234#16 : vector<16xf32> to vector<1x16xf32>
        tpu.vector_store %arg6[%swap3A_332, %swap3A_333], %swap3A_336 {strides = array<i32>} : memref<8x128xf32, #tpu.memory_space<vmem>>, vector<1x16xf32>,
        %swap3A_337 = arith.constant 2 : i32
        %swap3A_338 = arith.index_cast %swap3A_337 : i32 to index
        %swap3A_339 = arith.constant 16 : index
        %swap3A_340 = tpu.vector_load %arg6[%swap3A_338, %swap3A_339] {strides = array<i32>} : memref<8x128xf32, #tpu.memory_space<vmem>>, vector<1x16xf32>,
        %swap3A_341 = vector.shape_cast %swap3A_340 : vector<1x16xf32> to vector<16xf32>
        %swap3A_342 = vector.shape_cast %scan3A_234#17 : vector<16xf32> to vector<1x16xf32>
        tpu.vector_store %arg6[%swap3A_338, %swap3A_339], %swap3A_342 {strides = array<i32>} : memref<8x128xf32, #tpu.memory_space<vmem>>, vector<1x16xf32>,
        %swap3A_343 = arith.constant 2 : i32
        %swap3A_344 = arith.index_cast %swap3A_343 : i32 to index
        %swap3A_345 = arith.constant 32 : index
        %swap3A_346 = tpu.vector_load %arg6[%swap3A_344, %swap3A_345] {strides = array<i32>} : memref<8x128xf32, #tpu.memory_space<vmem>>, vector<1x16xf32>,
        %swap3A_347 = vector.shape_cast %swap3A_346 : vector<1x16xf32> to vector<16xf32>
        %swap3A_348 = vector.shape_cast %scan3A_234#18 : vector<16xf32> to vector<1x16xf32>
        tpu.vector_store %arg6[%swap3A_344, %swap3A_345], %swap3A_348 {strides = array<i32>} : memref<8x128xf32, #tpu.memory_space<vmem>>, vector<1x16xf32>,
        %swap3A_349 = arith.constant 2 : i32
        %swap3A_350 = arith.index_cast %swap3A_349 : i32 to index
        %swap3A_351 = arith.constant 48 : index
        %swap3A_352 = tpu.vector_load %arg6[%swap3A_350, %swap3A_351] {strides = array<i32>} : memref<8x128xf32, #tpu.memory_space<vmem>>, vector<1x16xf32>,
        %swap3A_353 = vector.shape_cast %swap3A_352 : vector<1x16xf32> to vector<16xf32>
        %swap3A_354 = vector.shape_cast %scan3A_234#19 : vector<16xf32> to vector<1x16xf32>
        tpu.vector_store %arg6[%swap3A_350, %swap3A_351], %swap3A_354 {strides = array<i32>} : memref<8x128xf32, #tpu.memory_space<vmem>>, vector<1x16xf32>,
        %swap3A_355 = arith.constant 2 : i32
        %swap3A_356 = arith.index_cast %swap3A_355 : i32 to index
        %swap3A_357 = arith.constant 64 : index
        %swap3A_358 = tpu.vector_load %arg6[%swap3A_356, %swap3A_357] {strides = array<i32>} : memref<8x128xf32, #tpu.memory_space<vmem>>, vector<1x16xf32>,
        %swap3A_359 = vector.shape_cast %swap3A_358 : vector<1x16xf32> to vector<16xf32>
        %swap3A_360 = vector.shape_cast %scan3A_234#20 : vector<16xf32> to vector<1x16xf32>
        tpu.vector_store %arg6[%swap3A_356, %swap3A_357], %swap3A_360 {strides = array<i32>} : memref<8x128xf32, #tpu.memory_space<vmem>>, vector<1x16xf32>,
        %swap3A_361 = arith.constant 2 : i32
        %swap3A_362 = arith.index_cast %swap3A_361 : i32 to index
        %swap3A_363 = arith.constant 80 : index
        %swap3A_364 = tpu.vector_load %arg6[%swap3A_362, %swap3A_363] {strides = array<i32>} : memref<8x128xf32, #tpu.memory_space<vmem>>, vector<1x16xf32>,
        %swap3A_365 = vector.shape_cast %swap3A_364 : vector<1x16xf32> to vector<16xf32>
        %swap3A_366 = vector.shape_cast %scan3A_234#21 : vector<16xf32> to vector<1x16xf32>
        tpu.vector_store %arg6[%swap3A_362, %swap3A_363], %swap3A_366 {strides = array<i32>} : memref<8x128xf32, #tpu.memory_space<vmem>>, vector<1x16xf32>,
        %swap3A_367 = arith.constant 2 : i32
        %swap3A_368 = arith.index_cast %swap3A_367 : i32 to index
        %swap3A_369 = arith.constant 96 : index
        %swap3A_370 = tpu.vector_load %arg6[%swap3A_368, %swap3A_369] {strides = array<i32>} : memref<8x128xf32, #tpu.memory_space<vmem>>, vector<1x16xf32>,
        %swap3A_371 = vector.shape_cast %swap3A_370 : vector<1x16xf32> to vector<16xf32>
        %swap3A_372 = vector.shape_cast %scan3A_234#22 : vector<16xf32> to vector<1x16xf32>
        tpu.vector_store %arg6[%swap3A_368, %swap3A_369], %swap3A_372 {strides = array<i32>} : memref<8x128xf32, #tpu.memory_space<vmem>>, vector<1x16xf32>,
        %swap3A_373 = arith.constant 2 : i32
        %swap3A_374 = arith.index_cast %swap3A_373 : i32 to index
        %swap3A_375 = arith.constant 112 : index
        %swap3A_376 = tpu.vector_load %arg6[%swap3A_374, %swap3A_375] {strides = array<i32>} : memref<8x128xf32, #tpu.memory_space<vmem>>, vector<1x16xf32>,
        %swap3A_377 = vector.shape_cast %swap3A_376 : vector<1x16xf32> to vector<16xf32>
        %swap3A_378 = vector.shape_cast %scan3A_234#23 : vector<16xf32> to vector<1x16xf32>
        tpu.vector_store %arg6[%swap3A_374, %swap3A_375], %swap3A_378 {strides = array<i32>} : memref<8x128xf32, #tpu.memory_space<vmem>>, vector<1x16xf32>,
        %swap3A_379 = arith.constant 3 : i32
        %swap3A_380 = arith.index_cast %swap3A_379 : i32 to index
        %swap3A_381 = arith.constant 0 : index
        %swap3A_382 = tpu.vector_load %arg6[%swap3A_380, %swap3A_381] {strides = array<i32>} : memref<8x128xf32, #tpu.memory_space<vmem>>, vector<1x16xf32>,
        %swap3A_383 = vector.shape_cast %swap3A_382 : vector<1x16xf32> to vector<16xf32>
        %swap3A_384 = vector.shape_cast %scan3A_234#24 : vector<16xf32> to vector<1x16xf32>
        tpu.vector_store %arg6[%swap3A_380, %swap3A_381], %swap3A_384 {strides = array<i32>} : memref<8x128xf32, #tpu.memory_space<vmem>>, vector<1x16xf32>,
        %swap3A_385 = arith.constant 3 : i32
        %swap3A_386 = arith.index_cast %swap3A_385 : i32 to index
        %swap3A_387 = arith.constant 16 : index
        %swap3A_388 = tpu.vector_load %arg6[%swap3A_386, %swap3A_387] {strides = array<i32>} : memref<8x128xf32, #tpu.memory_space<vmem>>, vector<1x16xf32>,
        %swap3A_389 = vector.shape_cast %swap3A_388 : vector<1x16xf32> to vector<16xf32>
        %swap3A_390 = vector.shape_cast %scan3A_234#25 : vector<16xf32> to vector<1x16xf32>
        tpu.vector_store %arg6[%swap3A_386, %swap3A_387], %swap3A_390 {strides = array<i32>} : memref<8x128xf32, #tpu.memory_space<vmem>>, vector<1x16xf32>,
        %swap3A_391 = arith.constant 3 : i32
        %swap3A_392 = arith.index_cast %swap3A_391 : i32 to index
        %swap3A_393 = arith.constant 32 : index
        %swap3A_394 = tpu.vector_load %arg6[%swap3A_392, %swap3A_393] {strides = array<i32>} : memref<8x128xf32, #tpu.memory_space<vmem>>, vector<1x16xf32>,
        %swap3A_395 = vector.shape_cast %swap3A_394 : vector<1x16xf32> to vector<16xf32>
        %swap3A_396 = vector.shape_cast %scan3A_234#26 : vector<16xf32> to vector<1x16xf32>
        tpu.vector_store %arg6[%swap3A_392, %swap3A_393], %swap3A_396 {strides = array<i32>} : memref<8x128xf32, #tpu.memory_space<vmem>>, vector<1x16xf32>,
        %swap3A_397 = arith.constant 3 : i32
        %swap3A_398 = arith.index_cast %swap3A_397 : i32 to index
        %swap3A_399 = arith.constant 48 : index
        %swap3A_400 = tpu.vector_load %arg6[%swap3A_398, %swap3A_399] {strides = array<i32>} : memref<8x128xf32, #tpu.memory_space<vmem>>, vector<1x16xf32>,
        %swap3A_401 = vector.shape_cast %swap3A_400 : vector<1x16xf32> to vector<16xf32>
        %swap3A_402 = vector.shape_cast %scan3A_234#27 : vector<16xf32> to vector<1x16xf32>
        tpu.vector_store %arg6[%swap3A_398, %swap3A_399], %swap3A_402 {strides = array<i32>} : memref<8x128xf32, #tpu.memory_space<vmem>>, vector<1x16xf32>,
        %swap3A_403 = arith.constant 3 : i32
        %swap3A_404 = arith.index_cast %swap3A_403 : i32 to index
        %swap3A_405 = arith.constant 64 : index
        %swap3A_406 = tpu.vector_load %arg6[%swap3A_404, %swap3A_405] {strides = array<i32>} : memref<8x128xf32, #tpu.memory_space<vmem>>, vector<1x16xf32>,
        %swap3A_407 = vector.shape_cast %swap3A_406 : vector<1x16xf32> to vector<16xf32>
        %swap3A_408 = vector.shape_cast %scan3A_234#28 : vector<16xf32> to vector<1x16xf32>
        tpu.vector_store %arg6[%swap3A_404, %swap3A_405], %swap3A_408 {strides = array<i32>} : memref<8x128xf32, #tpu.memory_space<vmem>>, vector<1x16xf32>,
        %swap3A_409 = arith.constant 3 : i32
        %swap3A_410 = arith.index_cast %swap3A_409 : i32 to index
        %swap3A_411 = arith.constant 80 : index
        %swap3A_412 = tpu.vector_load %arg6[%swap3A_410, %swap3A_411] {strides = array<i32>} : memref<8x128xf32, #tpu.memory_space<vmem>>, vector<1x16xf32>,
        %swap3A_413 = vector.shape_cast %swap3A_412 : vector<1x16xf32> to vector<16xf32>
        %swap3A_414 = vector.shape_cast %scan3A_234#29 : vector<16xf32> to vector<1x16xf32>
        tpu.vector_store %arg6[%swap3A_410, %swap3A_411], %swap3A_414 {strides = array<i32>} : memref<8x128xf32, #tpu.memory_space<vmem>>, vector<1x16xf32>,
        %swap3A_415 = arith.constant 3 : i32
        %swap3A_416 = arith.index_cast %swap3A_415 : i32 to index
        %swap3A_417 = arith.constant 96 : index
        %swap3A_418 = tpu.vector_load %arg6[%swap3A_416, %swap3A_417] {strides = array<i32>} : memref<8x128xf32, #tpu.memory_space<vmem>>, vector<1x16xf32>,
        %swap3A_419 = vector.shape_cast %swap3A_418 : vector<1x16xf32> to vector<16xf32>
        %swap3A_420 = vector.shape_cast %scan3A_234#30 : vector<16xf32> to vector<1x16xf32>
        tpu.vector_store %arg6[%swap3A_416, %swap3A_417], %swap3A_420 {strides = array<i32>} : memref<8x128xf32, #tpu.memory_space<vmem>>, vector<1x16xf32>,
        %swap3A_421 = arith.constant 3 : i32
        %swap3A_422 = arith.index_cast %swap3A_421 : i32 to index
        %swap3A_423 = arith.constant 112 : index
        %swap3A_424 = tpu.vector_load %arg6[%swap3A_422, %swap3A_423] {strides = array<i32>} : memref<8x128xf32, #tpu.memory_space<vmem>>, vector<1x16xf32>,
        %swap3A_425 = vector.shape_cast %swap3A_424 : vector<1x16xf32> to vector<16xf32>
        %swap3A_426 = vector.shape_cast %scan3A_234#31 : vector<16xf32> to vector<1x16xf32>
        tpu.vector_store %arg6[%swap3A_422, %swap3A_423], %swap3A_426 {strides = array<i32>} : memref<8x128xf32, #tpu.memory_space<vmem>>, vector<1x16xf32>,
        %get3A_427 = arith.constant 128 : i32
        %get3A_428 = arith.index_cast %get3A_427 : i32 to index
        %get3A_429 = arith.constant 0 : index
        %get3A_430 = tpu.vector_load %arg5[%get3A_428, %get3A_429] {strides = array<i32>} : memref<256x128xf32, #tpu.memory_space<vmem>>, vector<1x16xf32>,
        %get3A_431 = vector.shape_cast %get3A_430 : vector<1x16xf32> to vector<16xf32>
        %get3A_432 = arith.constant 128 : i32
        %get3A_433 = arith.index_cast %get3A_432 : i32 to index
        %get3A_434 = arith.constant 16 : index
        %get3A_435 = tpu.vector_load %arg5[%get3A_433, %get3A_434] {strides = array<i32>} : memref<256x128xf32, #tpu.memory_space<vmem>>, vector<1x16xf32>,
        %get3A_436 = vector.shape_cast %get3A_435 : vector<1x16xf32> to vector<16xf32>
        %get3A_437 = arith.constant 128 : i32
        %get3A_438 = arith.index_cast %get3A_437 : i32 to index
        %get3A_439 = arith.constant 32 : index
        %get3A_440 = tpu.vector_load %arg5[%get3A_438, %get3A_439] {strides = array<i32>} : memref<256x128xf32, #tpu.memory_space<vmem>>, vector<1x16xf32>,
        %get3A_441 = vector.shape_cast %get3A_440 : vector<1x16xf32> to vector<16xf32>
        %get3A_442 = arith.constant 128 : i32
        %get3A_443 = arith.index_cast %get3A_442 : i32 to index
        %get3A_444 = arith.constant 48 : index
        %get3A_445 = tpu.vector_load %arg5[%get3A_443, %get3A_444] {strides = array<i32>} : memref<256x128xf32, #tpu.memory_space<vmem>>, vector<1x16xf32>,
        %get3A_446 = vector.shape_cast %get3A_445 : vector<1x16xf32> to vector<16xf32>
        %get3A_447 = arith.constant 128 : i32
        %get3A_448 = arith.index_cast %get3A_447 : i32 to index
        %get3A_449 = arith.constant 64 : index
        %get3A_450 = tpu.vector_load %arg5[%get3A_448, %get3A_449] {strides = array<i32>} : memref<256x128xf32, #tpu.memory_space<vmem>>, vector<1x16xf32>,
        %get3A_451 = vector.shape_cast %get3A_450 : vector<1x16xf32> to vector<16xf32>
        %get3A_452 = arith.constant 128 : i32
        %get3A_453 = arith.index_cast %get3A_452 : i32 to index
        %get3A_454 = arith.constant 80 : index
        %get3A_455 = tpu.vector_load %arg5[%get3A_453, %get3A_454] {strides = array<i32>} : memref<256x128xf32, #tpu.memory_space<vmem>>, vector<1x16xf32>,
        %get3A_456 = vector.shape_cast %get3A_455 : vector<1x16xf32> to vector<16xf32>
        %get3A_457 = arith.constant 128 : i32
        %get3A_458 = arith.index_cast %get3A_457 : i32 to index
        %get3A_459 = arith.constant 96 : index
        %get3A_460 = tpu.vector_load %arg5[%get3A_458, %get3A_459] {strides = array<i32>} : memref<256x128xf32, #tpu.memory_space<vmem>>, vector<1x16xf32>,
        %get3A_461 = vector.shape_cast %get3A_460 : vector<1x16xf32> to vector<16xf32>
        %get3A_462 = arith.constant 128 : i32
        %get3A_463 = arith.index_cast %get3A_462 : i32 to index
        %get3A_464 = arith.constant 112 : index
        %get3A_465 = tpu.vector_load %arg5[%get3A_463, %get3A_464] {strides = array<i32>} : memref<256x128xf32, #tpu.memory_space<vmem>>, vector<1x16xf32>,
        %get3A_466 = vector.shape_cast %get3A_465 : vector<1x16xf32> to vector<16xf32>
        %get3A_467 = arith.constant 160 : i32
        %get3A_468 = arith.index_cast %get3A_467 : i32 to index
        %get3A_469 = arith.constant 0 : index
        %get3A_470 = tpu.vector_load %arg5[%get3A_468, %get3A_469] {strides = array<i32>} : memref<256x128xf32, #tpu.memory_space<vmem>>, vector<1x16xf32>,
        %get3A_471 = vector.shape_cast %get3A_470 : vector<1x16xf32> to vector<16xf32>
        %get3A_472 = arith.constant 160 : i32
        %get3A_473 = arith.index_cast %get3A_472 : i32 to index
        %get3A_474 = arith.constant 16 : index
        %get3A_475 = tpu.vector_load %arg5[%get3A_473, %get3A_474] {strides = array<i32>} : memref<256x128xf32, #tpu.memory_space<vmem>>, vector<1x16xf32>,
        %get3A_476 = vector.shape_cast %get3A_475 : vector<1x16xf32> to vector<16xf32>
        %get3A_477 = arith.constant 160 : i32
        %get3A_478 = arith.index_cast %get3A_477 : i32 to index
        %get3A_479 = arith.constant 32 : index
        %get3A_480 = tpu.vector_load %arg5[%get3A_478, %get3A_479] {strides = array<i32>} : memref<256x128xf32, #tpu.memory_space<vmem>>, vector<1x16xf32>,
        %get3A_481 = vector.shape_cast %get3A_480 : vector<1x16xf32> to vector<16xf32>
        %get3A_482 = arith.constant 160 : i32
        %get3A_483 = arith.index_cast %get3A_482 : i32 to index
        %get3A_484 = arith.constant 48 : index
        %get3A_485 = tpu.vector_load %arg5[%get3A_483, %get3A_484] {strides = array<i32>} : memref<256x128xf32, #tpu.memory_space<vmem>>, vector<1x16xf32>,
        %get3A_486 = vector.shape_cast %get3A_485 : vector<1x16xf32> to vector<16xf32>
        %get3A_487 = arith.constant 160 : i32
        %get3A_488 = arith.index_cast %get3A_487 : i32 to index
        %get3A_489 = arith.constant 64 : index
        %get3A_490 = tpu.vector_load %arg5[%get3A_488, %get3A_489] {strides = array<i32>} : memref<256x128xf32, #tpu.memory_space<vmem>>, vector<1x16xf32>,
        %get3A_491 = vector.shape_cast %get3A_490 : vector<1x16xf32> to vector<16xf32>
        %get3A_492 = arith.constant 160 : i32
        %get3A_493 = arith.index_cast %get3A_492 : i32 to index
        %get3A_494 = arith.constant 80 : index
        %get3A_495 = tpu.vector_load %arg5[%get3A_493, %get3A_494] {strides = array<i32>} : memref<256x128xf32, #tpu.memory_space<vmem>>, vector<1x16xf32>,
        %get3A_496 = vector.shape_cast %get3A_495 : vector<1x16xf32> to vector<16xf32>
        %get3A_497 = arith.constant 160 : i32
        %get3A_498 = arith.index_cast %get3A_497 : i32 to index
        %get3A_499 = arith.constant 96 : index
        %get3A_500 = tpu.vector_load %arg5[%get3A_498, %get3A_499] {strides = array<i32>} : memref<256x128xf32, #tpu.memory_space<vmem>>, vector<1x16xf32>,
        %get3A_501 = vector.shape_cast %get3A_500 : vector<1x16xf32> to vector<16xf32>
        %get3A_502 = arith.constant 160 : i32
        %get3A_503 = arith.index_cast %get3A_502 : i32 to index
        %get3A_504 = arith.constant 112 : index
        %get3A_505 = tpu.vector_load %arg5[%get3A_503, %get3A_504] {strides = array<i32>} : memref<256x128xf32, #tpu.memory_space<vmem>>, vector<1x16xf32>,
        %get3A_506 = vector.shape_cast %get3A_505 : vector<1x16xf32> to vector<16xf32>
        %get3A_507 = arith.constant 192 : i32
        %get3A_508 = arith.index_cast %get3A_507 : i32 to index
        %get3A_509 = arith.constant 0 : index
        %get3A_510 = tpu.vector_load %arg5[%get3A_508, %get3A_509] {strides = array<i32>} : memref<256x128xf32, #tpu.memory_space<vmem>>, vector<1x16xf32>,
        %get3A_511 = vector.shape_cast %get3A_510 : vector<1x16xf32> to vector<16xf32>
        %get3A_512 = arith.constant 192 : i32
        %get3A_513 = arith.index_cast %get3A_512 : i32 to index
        %get3A_514 = arith.constant 16 : index
        %get3A_515 = tpu.vector_load %arg5[%get3A_513, %get3A_514] {strides = array<i32>} : memref<256x128xf32, #tpu.memory_space<vmem>>, vector<1x16xf32>,
        %get3A_516 = vector.shape_cast %get3A_515 : vector<1x16xf32> to vector<16xf32>
        %get3A_517 = arith.constant 192 : i32
        %get3A_518 = arith.index_cast %get3A_517 : i32 to index
        %get3A_519 = arith.constant 32 : index
        %get3A_520 = tpu.vector_load %arg5[%get3A_518, %get3A_519] {strides = array<i32>} : memref<256x128xf32, #tpu.memory_space<vmem>>, vector<1x16xf32>,
        %get3A_521 = vector.shape_cast %get3A_520 : vector<1x16xf32> to vector<16xf32>
        %get3A_522 = arith.constant 192 : i32
        %get3A_523 = arith.index_cast %get3A_522 : i32 to index
        %get3A_524 = arith.constant 48 : index
        %get3A_525 = tpu.vector_load %arg5[%get3A_523, %get3A_524] {strides = array<i32>} : memref<256x128xf32, #tpu.memory_space<vmem>>, vector<1x16xf32>,
        %get3A_526 = vector.shape_cast %get3A_525 : vector<1x16xf32> to vector<16xf32>
        %get3A_527 = arith.constant 192 : i32
        %get3A_528 = arith.index_cast %get3A_527 : i32 to index
        %get3A_529 = arith.constant 64 : index
        %get3A_530 = tpu.vector_load %arg5[%get3A_528, %get3A_529] {strides = array<i32>} : memref<256x128xf32, #tpu.memory_space<vmem>>, vector<1x16xf32>,
        %get3A_531 = vector.shape_cast %get3A_530 : vector<1x16xf32> to vector<16xf32>
        %get3A_532 = arith.constant 192 : i32
        %get3A_533 = arith.index_cast %get3A_532 : i32 to index
        %get3A_534 = arith.constant 80 : index
        %get3A_535 = tpu.vector_load %arg5[%get3A_533, %get3A_534] {strides = array<i32>} : memref<256x128xf32, #tpu.memory_space<vmem>>, vector<1x16xf32>,
        %get3A_536 = vector.shape_cast %get3A_535 : vector<1x16xf32> to vector<16xf32>
        %get3A_537 = arith.constant 192 : i32
        %get3A_538 = arith.index_cast %get3A_537 : i32 to index
        %get3A_539 = arith.constant 96 : index
        %get3A_540 = tpu.vector_load %arg5[%get3A_538, %get3A_539] {strides = array<i32>} : memref<256x128xf32, #tpu.memory_space<vmem>>, vector<1x16xf32>,
        %get3A_541 = vector.shape_cast %get3A_540 : vector<1x16xf32> to vector<16xf32>
        %get3A_542 = arith.constant 192 : i32
        %get3A_543 = arith.index_cast %get3A_542 : i32 to index
        %get3A_544 = arith.constant 112 : index
        %get3A_545 = tpu.vector_load %arg5[%get3A_543, %get3A_544] {strides = array<i32>} : memref<256x128xf32, #tpu.memory_space<vmem>>, vector<1x16xf32>,
        %get3A_546 = vector.shape_cast %get3A_545 : vector<1x16xf32> to vector<16xf32>
        %get3A_547 = arith.constant 224 : i32
        %get3A_548 = arith.index_cast %get3A_547 : i32 to index
        %get3A_549 = arith.constant 0 : index
        %get3A_550 = tpu.vector_load %arg5[%get3A_548, %get3A_549] {strides = array<i32>} : memref<256x128xf32, #tpu.memory_space<vmem>>, vector<1x16xf32>,
        %get3A_551 = vector.shape_cast %get3A_550 : vector<1x16xf32> to vector<16xf32>
        %get3A_552 = arith.constant 224 : i32
        %get3A_553 = arith.index_cast %get3A_552 : i32 to index
        %get3A_554 = arith.constant 16 : index
        %get3A_555 = tpu.vector_load %arg5[%get3A_553, %get3A_554] {strides = array<i32>} : memref<256x128xf32, #tpu.memory_space<vmem>>, vector<1x16xf32>,
        %get3A_556 = vector.shape_cast %get3A_555 : vector<1x16xf32> to vector<16xf32>
        %get3A_557 = arith.constant 224 : i32
        %get3A_558 = arith.index_cast %get3A_557 : i32 to index
        %get3A_559 = arith.constant 32 : index
        %get3A_560 = tpu.vector_load %arg5[%get3A_558, %get3A_559] {strides = array<i32>} : memref<256x128xf32, #tpu.memory_space<vmem>>, vector<1x16xf32>,
        %get3A_561 = vector.shape_cast %get3A_560 : vector<1x16xf32> to vector<16xf32>
        %get3A_562 = arith.constant 224 : i32
        %get3A_563 = arith.index_cast %get3A_562 : i32 to index
        %get3A_564 = arith.constant 48 : index
        %get3A_565 = tpu.vector_load %arg5[%get3A_563, %get3A_564] {strides = array<i32>} : memref<256x128xf32, #tpu.memory_space<vmem>>, vector<1x16xf32>,
        %get3A_566 = vector.shape_cast %get3A_565 : vector<1x16xf32> to vector<16xf32>
        %get3A_567 = arith.constant 224 : i32
        %get3A_568 = arith.index_cast %get3A_567 : i32 to index
        %get3A_569 = arith.constant 64 : index
        %get3A_570 = tpu.vector_load %arg5[%get3A_568, %get3A_569] {strides = array<i32>} : memref<256x128xf32, #tpu.memory_space<vmem>>, vector<1x16xf32>,
        %get3A_571 = vector.shape_cast %get3A_570 : vector<1x16xf32> to vector<16xf32>
        %get3A_572 = arith.constant 224 : i32
        %get3A_573 = arith.index_cast %get3A_572 : i32 to index
        %get3A_574 = arith.constant 80 : index
        %get3A_575 = tpu.vector_load %arg5[%get3A_573, %get3A_574] {strides = array<i32>} : memref<256x128xf32, #tpu.memory_space<vmem>>, vector<1x16xf32>,
        %get3A_576 = vector.shape_cast %get3A_575 : vector<1x16xf32> to vector<16xf32>
        %get3A_577 = arith.constant 224 : i32
        %get3A_578 = arith.index_cast %get3A_577 : i32 to index
        %get3A_579 = arith.constant 96 : index
        %get3A_580 = tpu.vector_load %arg5[%get3A_578, %get3A_579] {strides = array<i32>} : memref<256x128xf32, #tpu.memory_space<vmem>>, vector<1x16xf32>,
        %get3A_581 = vector.shape_cast %get3A_580 : vector<1x16xf32> to vector<16xf32>
        %get3A_582 = arith.constant 224 : i32
        %get3A_583 = arith.index_cast %get3A_582 : i32 to index
        %get3A_584 = arith.constant 112 : index
        %get3A_585 = tpu.vector_load %arg5[%get3A_583, %get3A_584] {strides = array<i32>} : memref<256x128xf32, #tpu.memory_space<vmem>>, vector<1x16xf32>,
        %get3A_586 = vector.shape_cast %get3A_585 : vector<1x16xf32> to vector<16xf32>
        %scan3A_587 = arith.constant 1 : i32
        %scan3A_588 = arith.constant 31 : i32
        %scan3A_589 = arith.addi %scan3A_587, %scan3A_588 : i32
        %scan3A_590 = arith.constant 1 : i32
        %scan3A_591:32 = scf.for %scan3A_796 = %scan3A_587 to %scan3A_589 step %scan3A_590 iter_args(%scan3A_797 = %get3A_431, %scan3A_798 = %get3A_436, %scan3A_799 = %get3A_441, %scan3A_800 = %get3A_446, %scan3A_801 = %get3A_451, %scan3A_802 = %get3A_456, %scan3A_803 = %get3A_461, %scan3A_804 = %get3A_466, %scan3A_805 = %get3A_471, %scan3A_806 = %get3A_476, %scan3A_807 = %get3A_481, %scan3A_808 = %get3A_486, %scan3A_809 = %get3A_491, %scan3A_810 = %get3A_496, %scan3A_811 = %get3A_501, %scan3A_812 = %get3A_506, %scan3A_813 = %get3A_511, %scan3A_814 = %get3A_516, %scan3A_815 = %get3A_521, %scan3A_816 = %get3A_526, %scan3A_817 = %get3A_531, %scan3A_818 = %get3A_536, %scan3A_819 = %get3A_541, %scan3A_820 = %get3A_546, %scan3A_821 = %get3A_551, %scan3A_822 = %get3A_556, %scan3A_823 = %get3A_561, %scan3A_824 = %get3A_566, %scan3A_825 = %get3A_571, %scan3A_826 = %get3A_576, %scan3A_827 = %get3A_581, %scan3A_828 = %get3A_586) -> (vector<16xf32>, vector<16xf32>, vector<16xf32>, vector<16xf32>, vector<16xf32>, vector<16xf32>, vector<16xf32>, vector<16xf32>, vector<16xf32>, vector<16xf32>, vector<16xf32>, vector<16xf32>, vector<16xf32>, vector<16xf32>, vector<16xf32>, vector<16xf32>, vector<16xf32>, vector<16xf32>, vector<16xf32>, vector<16xf32>, vector<16xf32>, vector<16xf32>, vector<16xf32>, vector<16xf32>, vector<16xf32>, vector<16xf32>, vector<16xf32>, vector<16xf32>, vector<16xf32>, vector<16xf32>, vector<16xf32>, vector<16xf32>)  : i32 {
          %add3A_829 = arith.constant 128 : i32
          %add3A_830 = arith.addi %add3A_829, %scan3A_796 : i32
          %get3A_831 = arith.index_cast %add3A_830 : i32 to index
          %get3A_832 = arith.constant 0 : index
          %get3A_833 = tpu.vector_load %arg5[%get3A_831, %get3A_832] {strides = array<i32>} : memref<256x128xf32, #tpu.memory_space<vmem>>, vector<1x16xf32>,
          %get3A_834 = vector.shape_cast %get3A_833 : vector<1x16xf32> to vector<16xf32>
          %add3A_835 = arith.addf %scan3A_797, %get3A_834 : vector<16xf32>
          %add3A_836 = arith.constant 128 : i32
          %add3A_837 = arith.addi %add3A_836, %scan3A_796 : i32
          %get3A_838 = arith.index_cast %add3A_837 : i32 to index
          %get3A_839 = arith.constant 16 : index
          %get3A_840 = tpu.vector_load %arg5[%get3A_838, %get3A_839] {strides = array<i32>} : memref<256x128xf32, #tpu.memory_space<vmem>>, vector<1x16xf32>,
          %get3A_841 = vector.shape_cast %get3A_840 : vector<1x16xf32> to vector<16xf32>
          %add3A_842 = arith.addf %scan3A_798, %get3A_841 : vector<16xf32>
          %add3A_843 = arith.constant 128 : i32
          %add3A_844 = arith.addi %add3A_843, %scan3A_796 : i32
          %get3A_845 = arith.index_cast %add3A_844 : i32 to index
          %get3A_846 = arith.constant 32 : index
          %get3A_847 = tpu.vector_load %arg5[%get3A_845, %get3A_846] {strides = array<i32>} : memref<256x128xf32, #tpu.memory_space<vmem>>, vector<1x16xf32>,
          %get3A_848 = vector.shape_cast %get3A_847 : vector<1x16xf32> to vector<16xf32>
          %add3A_849 = arith.addf %scan3A_799, %get3A_848 : vector<16xf32>
          %add3A_850 = arith.constant 128 : i32
          %add3A_851 = arith.addi %add3A_850, %scan3A_796 : i32
          %get3A_852 = arith.index_cast %add3A_851 : i32 to index
          %get3A_853 = arith.constant 48 : index
          %get3A_854 = tpu.vector_load %arg5[%get3A_852, %get3A_853] {strides = array<i32>} : memref<256x128xf32, #tpu.memory_space<vmem>>, vector<1x16xf32>,
          %get3A_855 = vector.shape_cast %get3A_854 : vector<1x16xf32> to vector<16xf32>
          %add3A_856 = arith.addf %scan3A_800, %get3A_855 : vector<16xf32>
          %add3A_857 = arith.constant 128 : i32
          %add3A_858 = arith.addi %add3A_857, %scan3A_796 : i32
          %get3A_859 = arith.index_cast %add3A_858 : i32 to index
          %get3A_860 = arith.constant 64 : index
          %get3A_861 = tpu.vector_load %arg5[%get3A_859, %get3A_860] {strides = array<i32>} : memref<256x128xf32, #tpu.memory_space<vmem>>, vector<1x16xf32>,
          %get3A_862 = vector.shape_cast %get3A_861 : vector<1x16xf32> to vector<16xf32>
          %add3A_863 = arith.addf %scan3A_801, %get3A_862 : vector<16xf32>
          %add3A_864 = arith.constant 128 : i32
          %add3A_865 = arith.addi %add3A_864, %scan3A_796 : i32
          %get3A_866 = arith.index_cast %add3A_865 : i32 to index
          %get3A_867 = arith.constant 80 : index
          %get3A_868 = tpu.vector_load %arg5[%get3A_866, %get3A_867] {strides = array<i32>} : memref<256x128xf32, #tpu.memory_space<vmem>>, vector<1x16xf32>,
          %get3A_869 = vector.shape_cast %get3A_868 : vector<1x16xf32> to vector<16xf32>
          %add3A_870 = arith.addf %scan3A_802, %get3A_869 : vector<16xf32>
          %add3A_871 = arith.constant 128 : i32
          %add3A_872 = arith.addi %add3A_871, %scan3A_796 : i32
          %get3A_873 = arith.index_cast %add3A_872 : i32 to index
          %get3A_874 = arith.constant 96 : index
          %get3A_875 = tpu.vector_load %arg5[%get3A_873, %get3A_874] {strides = array<i32>} : memref<256x128xf32, #tpu.memory_space<vmem>>, vector<1x16xf32>,
          %get3A_876 = vector.shape_cast %get3A_875 : vector<1x16xf32> to vector<16xf32>
          %add3A_877 = arith.addf %scan3A_803, %get3A_876 : vector<16xf32>
          %add3A_878 = arith.constant 128 : i32
          %add3A_879 = arith.addi %add3A_878, %scan3A_796 : i32
          %get3A_880 = arith.index_cast %add3A_879 : i32 to index
          %get3A_881 = arith.constant 112 : index
          %get3A_882 = tpu.vector_load %arg5[%get3A_880, %get3A_881] {strides = array<i32>} : memref<256x128xf32, #tpu.memory_space<vmem>>, vector<1x16xf32>,
          %get3A_883 = vector.shape_cast %get3A_882 : vector<1x16xf32> to vector<16xf32>
          %add3A_884 = arith.addf %scan3A_804, %get3A_883 : vector<16xf32>
          %add3A_885 = arith.constant 160 : i32
          %add3A_886 = arith.addi %add3A_885, %scan3A_796 : i32
          %get3A_887 = arith.index_cast %add3A_886 : i32 to index
          %get3A_888 = arith.constant 0 : index
          %get3A_889 = tpu.vector_load %arg5[%get3A_887, %get3A_888] {strides = array<i32>} : memref<256x128xf32, #tpu.memory_space<vmem>>, vector<1x16xf32>,
          %get3A_890 = vector.shape_cast %get3A_889 : vector<1x16xf32> to vector<16xf32>
          %add3A_891 = arith.addf %scan3A_805, %get3A_890 : vector<16xf32>
          %add3A_892 = arith.constant 160 : i32
          %add3A_893 = arith.addi %add3A_892, %scan3A_796 : i32
          %get3A_894 = arith.index_cast %add3A_893 : i32 to index
          %get3A_895 = arith.constant 16 : index
          %get3A_896 = tpu.vector_load %arg5[%get3A_894, %get3A_895] {strides = array<i32>} : memref<256x128xf32, #tpu.memory_space<vmem>>, vector<1x16xf32>,
          %get3A_897 = vector.shape_cast %get3A_896 : vector<1x16xf32> to vector<16xf32>
          %add3A_898 = arith.addf %scan3A_806, %get3A_897 : vector<16xf32>
          %add3A_899 = arith.constant 160 : i32
          %add3A_900 = arith.addi %add3A_899, %scan3A_796 : i32
          %get3A_901 = arith.index_cast %add3A_900 : i32 to index
          %get3A_902 = arith.constant 32 : index
          %get3A_903 = tpu.vector_load %arg5[%get3A_901, %get3A_902] {strides = array<i32>} : memref<256x128xf32, #tpu.memory_space<vmem>>, vector<1x16xf32>,
          %get3A_904 = vector.shape_cast %get3A_903 : vector<1x16xf32> to vector<16xf32>
          %add3A_905 = arith.addf %scan3A_807, %get3A_904 : vector<16xf32>
          %add3A_906 = arith.constant 160 : i32
          %add3A_907 = arith.addi %add3A_906, %scan3A_796 : i32
          %get3A_908 = arith.index_cast %add3A_907 : i32 to index
          %get3A_909 = arith.constant 48 : index
          %get3A_910 = tpu.vector_load %arg5[%get3A_908, %get3A_909] {strides = array<i32>} : memref<256x128xf32, #tpu.memory_space<vmem>>, vector<1x16xf32>,
          %get3A_911 = vector.shape_cast %get3A_910 : vector<1x16xf32> to vector<16xf32>
          %add3A_912 = arith.addf %scan3A_808, %get3A_911 : vector<16xf32>
          %add3A_913 = arith.constant 160 : i32
          %add3A_914 = arith.addi %add3A_913, %scan3A_796 : i32
          %get3A_915 = arith.index_cast %add3A_914 : i32 to index
          %get3A_916 = arith.constant 64 : index
          %get3A_917 = tpu.vector_load %arg5[%get3A_915, %get3A_916] {strides = array<i32>} : memref<256x128xf32, #tpu.memory_space<vmem>>, vector<1x16xf32>,
          %get3A_918 = vector.shape_cast %get3A_917 : vector<1x16xf32> to vector<16xf32>
          %add3A_919 = arith.addf %scan3A_809, %get3A_918 : vector<16xf32>
          %add3A_920 = arith.constant 160 : i32
          %add3A_921 = arith.addi %add3A_920, %scan3A_796 : i32
          %get3A_922 = arith.index_cast %add3A_921 : i32 to index
          %get3A_923 = arith.constant 80 : index
          %get3A_924 = tpu.vector_load %arg5[%get3A_922, %get3A_923] {strides = array<i32>} : memref<256x128xf32, #tpu.memory_space<vmem>>, vector<1x16xf32>,
          %get3A_925 = vector.shape_cast %get3A_924 : vector<1x16xf32> to vector<16xf32>
          %add3A_926 = arith.addf %scan3A_810, %get3A_925 : vector<16xf32>
          %add3A_927 = arith.constant 160 : i32
          %add3A_928 = arith.addi %add3A_927, %scan3A_796 : i32
          %get3A_929 = arith.index_cast %add3A_928 : i32 to index
          %get3A_930 = arith.constant 96 : index
          %get3A_931 = tpu.vector_load %arg5[%get3A_929, %get3A_930] {strides = array<i32>} : memref<256x128xf32, #tpu.memory_space<vmem>>, vector<1x16xf32>,
          %get3A_932 = vector.shape_cast %get3A_931 : vector<1x16xf32> to vector<16xf32>
          %add3A_933 = arith.addf %scan3A_811, %get3A_932 : vector<16xf32>
          %add3A_934 = arith.constant 160 : i32
          %add3A_935 = arith.addi %add3A_934, %scan3A_796 : i32
          %get3A_936 = arith.index_cast %add3A_935 : i32 to index
          %get3A_937 = arith.constant 112 : index
          %get3A_938 = tpu.vector_load %arg5[%get3A_936, %get3A_937] {strides = array<i32>} : memref<256x128xf32, #tpu.memory_space<vmem>>, vector<1x16xf32>,
          %get3A_939 = vector.shape_cast %get3A_938 : vector<1x16xf32> to vector<16xf32>
          %add3A_940 = arith.addf %scan3A_812, %get3A_939 : vector<16xf32>
          %add3A_941 = arith.constant 192 : i32
          %add3A_942 = arith.addi %add3A_941, %scan3A_796 : i32
          %get3A_943 = arith.index_cast %add3A_942 : i32 to index
          %get3A_944 = arith.constant 0 : index
          %get3A_945 = tpu.vector_load %arg5[%get3A_943, %get3A_944] {strides = array<i32>} : memref<256x128xf32, #tpu.memory_space<vmem>>, vector<1x16xf32>,
          %get3A_946 = vector.shape_cast %get3A_945 : vector<1x16xf32> to vector<16xf32>
          %add3A_947 = arith.addf %scan3A_813, %get3A_946 : vector<16xf32>
          %add3A_948 = arith.constant 192 : i32
          %add3A_949 = arith.addi %add3A_948, %scan3A_796 : i32
          %get3A_950 = arith.index_cast %add3A_949 : i32 to index
          %get3A_951 = arith.constant 16 : index
          %get3A_952 = tpu.vector_load %arg5[%get3A_950, %get3A_951] {strides = array<i32>} : memref<256x128xf32, #tpu.memory_space<vmem>>, vector<1x16xf32>,
          %get3A_953 = vector.shape_cast %get3A_952 : vector<1x16xf32> to vector<16xf32>
          %add3A_954 = arith.addf %scan3A_814, %get3A_953 : vector<16xf32>
          %add3A_955 = arith.constant 192 : i32
          %add3A_956 = arith.addi %add3A_955, %scan3A_796 : i32
          %get3A_957 = arith.index_cast %add3A_956 : i32 to index
          %get3A_958 = arith.constant 32 : index
          %get3A_959 = tpu.vector_load %arg5[%get3A_957, %get3A_958] {strides = array<i32>} : memref<256x128xf32, #tpu.memory_space<vmem>>, vector<1x16xf32>,
          %get3A_960 = vector.shape_cast %get3A_959 : vector<1x16xf32> to vector<16xf32>
          %add3A_961 = arith.addf %scan3A_815, %get3A_960 : vector<16xf32>
          %add3A_962 = arith.constant 192 : i32
          %add3A_963 = arith.addi %add3A_962, %scan3A_796 : i32
          %get3A_964 = arith.index_cast %add3A_963 : i32 to index
          %get3A_965 = arith.constant 48 : index
          %get3A_966 = tpu.vector_load %arg5[%get3A_964, %get3A_965] {strides = array<i32>} : memref<256x128xf32, #tpu.memory_space<vmem>>, vector<1x16xf32>,
          %get3A_967 = vector.shape_cast %get3A_966 : vector<1x16xf32> to vector<16xf32>
          %add3A_968 = arith.addf %scan3A_816, %get3A_967 : vector<16xf32>
          %add3A_969 = arith.constant 192 : i32
          %add3A_970 = arith.addi %add3A_969, %scan3A_796 : i32
          %get3A_971 = arith.index_cast %add3A_970 : i32 to index
          %get3A_972 = arith.constant 64 : index
          %get3A_973 = tpu.vector_load %arg5[%get3A_971, %get3A_972] {strides = array<i32>} : memref<256x128xf32, #tpu.memory_space<vmem>>, vector<1x16xf32>,
          %get3A_974 = vector.shape_cast %get3A_973 : vector<1x16xf32> to vector<16xf32>
          %add3A_975 = arith.addf %scan3A_817, %get3A_974 : vector<16xf32>
          %add3A_976 = arith.constant 192 : i32
          %add3A_977 = arith.addi %add3A_976, %scan3A_796 : i32
          %get3A_978 = arith.index_cast %add3A_977 : i32 to index
          %get3A_979 = arith.constant 80 : index
          %get3A_980 = tpu.vector_load %arg5[%get3A_978, %get3A_979] {strides = array<i32>} : memref<256x128xf32, #tpu.memory_space<vmem>>, vector<1x16xf32>,
          %get3A_981 = vector.shape_cast %get3A_980 : vector<1x16xf32> to vector<16xf32>
          %add3A_982 = arith.addf %scan3A_818, %get3A_981 : vector<16xf32>
          %add3A_983 = arith.constant 192 : i32
          %add3A_984 = arith.addi %add3A_983, %scan3A_796 : i32
          %get3A_985 = arith.index_cast %add3A_984 : i32 to index
          %get3A_986 = arith.constant 96 : index
          %get3A_987 = tpu.vector_load %arg5[%get3A_985, %get3A_986] {strides = array<i32>} : memref<256x128xf32, #tpu.memory_space<vmem>>, vector<1x16xf32>,
          %get3A_988 = vector.shape_cast %get3A_987 : vector<1x16xf32> to vector<16xf32>
          %add3A_989 = arith.addf %scan3A_819, %get3A_988 : vector<16xf32>
          %add3A_990 = arith.constant 192 : i32
          %add3A_991 = arith.addi %add3A_990, %scan3A_796 : i32
          %get3A_992 = arith.index_cast %add3A_991 : i32 to index
          %get3A_993 = arith.constant 112 : index
          %get3A_994 = tpu.vector_load %arg5[%get3A_992, %get3A_993] {strides = array<i32>} : memref<256x128xf32, #tpu.memory_space<vmem>>, vector<1x16xf32>,
          %get3A_995 = vector.shape_cast %get3A_994 : vector<1x16xf32> to vector<16xf32>
          %add3A_996 = arith.addf %scan3A_820, %get3A_995 : vector<16xf32>
          %add3A_997 = arith.constant 224 : i32
          %add3A_998 = arith.addi %add3A_997, %scan3A_796 : i32
          %get3A_999 = arith.index_cast %add3A_998 : i32 to index
          %get3A_1000 = arith.constant 0 : index
          %get3A_1001 = tpu.vector_load %arg5[%get3A_999, %get3A_1000] {strides = array<i32>} : memref<256x128xf32, #tpu.memory_space<vmem>>, vector<1x16xf32>,
          %get3A_1002 = vector.shape_cast %get3A_1001 : vector<1x16xf32> to vector<16xf32>
          %add3A_1003 = arith.addf %scan3A_821, %get3A_1002 : vector<16xf32>
          %add3A_1004 = arith.constant 224 : i32
          %add3A_1005 = arith.addi %add3A_1004, %scan3A_796 : i32
          %get3A_1006 = arith.index_cast %add3A_1005 : i32 to index
          %get3A_1007 = arith.constant 16 : index
          %get3A_1008 = tpu.vector_load %arg5[%get3A_1006, %get3A_1007] {strides = array<i32>} : memref<256x128xf32, #tpu.memory_space<vmem>>, vector<1x16xf32>,
          %get3A_1009 = vector.shape_cast %get3A_1008 : vector<1x16xf32> to vector<16xf32>
          %add3A_1010 = arith.addf %scan3A_822, %get3A_1009 : vector<16xf32>
          %add3A_1011 = arith.constant 224 : i32
          %add3A_1012 = arith.addi %add3A_1011, %scan3A_796 : i32
          %get3A_1013 = arith.index_cast %add3A_1012 : i32 to index
          %get3A_1014 = arith.constant 32 : index
          %get3A_1015 = tpu.vector_load %arg5[%get3A_1013, %get3A_1014] {strides = array<i32>} : memref<256x128xf32, #tpu.memory_space<vmem>>, vector<1x16xf32>,
          %get3A_1016 = vector.shape_cast %get3A_1015 : vector<1x16xf32> to vector<16xf32>
          %add3A_1017 = arith.addf %scan3A_823, %get3A_1016 : vector<16xf32>
          %add3A_1018 = arith.constant 224 : i32
          %add3A_1019 = arith.addi %add3A_1018, %scan3A_796 : i32
          %get3A_1020 = arith.index_cast %add3A_1019 : i32 to index
          %get3A_1021 = arith.constant 48 : index
          %get3A_1022 = tpu.vector_load %arg5[%get3A_1020, %get3A_1021] {strides = array<i32>} : memref<256x128xf32, #tpu.memory_space<vmem>>, vector<1x16xf32>,
          %get3A_1023 = vector.shape_cast %get3A_1022 : vector<1x16xf32> to vector<16xf32>
          %add3A_1024 = arith.addf %scan3A_824, %get3A_1023 : vector<16xf32>
          %add3A_1025 = arith.constant 224 : i32
          %add3A_1026 = arith.addi %add3A_1025, %scan3A_796 : i32
          %get3A_1027 = arith.index_cast %add3A_1026 : i32 to index
          %get3A_1028 = arith.constant 64 : index
          %get3A_1029 = tpu.vector_load %arg5[%get3A_1027, %get3A_1028] {strides = array<i32>} : memref<256x128xf32, #tpu.memory_space<vmem>>, vector<1x16xf32>,
          %get3A_1030 = vector.shape_cast %get3A_1029 : vector<1x16xf32> to vector<16xf32>
          %add3A_1031 = arith.addf %scan3A_825, %get3A_1030 : vector<16xf32>
          %add3A_1032 = arith.constant 224 : i32
          %add3A_1033 = arith.addi %add3A_1032, %scan3A_796 : i32
          %get3A_1034 = arith.index_cast %add3A_1033 : i32 to index
          %get3A_1035 = arith.constant 80 : index
          %get3A_1036 = tpu.vector_load %arg5[%get3A_1034, %get3A_1035] {strides = array<i32>} : memref<256x128xf32, #tpu.memory_space<vmem>>, vector<1x16xf32>,
          %get3A_1037 = vector.shape_cast %get3A_1036 : vector<1x16xf32> to vector<16xf32>
          %add3A_1038 = arith.addf %scan3A_826, %get3A_1037 : vector<16xf32>
          %add3A_1039 = arith.constant 224 : i32
          %add3A_1040 = arith.addi %add3A_1039, %scan3A_796 : i32
          %get3A_1041 = arith.index_cast %add3A_1040 : i32 to index
          %get3A_1042 = arith.constant 96 : index
          %get3A_1043 = tpu.vector_load %arg5[%get3A_1041, %get3A_1042] {strides = array<i32>} : memref<256x128xf32, #tpu.memory_space<vmem>>, vector<1x16xf32>,
          %get3A_1044 = vector.shape_cast %get3A_1043 : vector<1x16xf32> to vector<16xf32>
          %add3A_1045 = arith.addf %scan3A_827, %get3A_1044 : vector<16xf32>
          %add3A_1046 = arith.constant 224 : i32
          %add3A_1047 = arith.addi %add3A_1046, %scan3A_796 : i32
          %get3A_1048 = arith.index_cast %add3A_1047 : i32 to index
          %get3A_1049 = arith.constant 112 : index
          %get3A_1050 = tpu.vector_load %arg5[%get3A_1048, %get3A_1049] {strides = array<i32>} : memref<256x128xf32, #tpu.memory_space<vmem>>, vector<1x16xf32>,
          %get3A_1051 = vector.shape_cast %get3A_1050 : vector<1x16xf32> to vector<16xf32>
          %add3A_1052 = arith.addf %scan3A_828, %get3A_1051 : vector<16xf32>
          scf.yield %add3A_835, %add3A_842, %add3A_849, %add3A_856, %add3A_863, %add3A_870, %add3A_877, %add3A_884, %add3A_891, %add3A_898, %add3A_905, %add3A_912, %add3A_919, %add3A_926, %add3A_933, %add3A_940, %add3A_947, %add3A_954, %add3A_961, %add3A_968, %add3A_975, %add3A_982, %add3A_989, %add3A_996, %add3A_1003, %add3A_1010, %add3A_1017, %add3A_1024, %add3A_1031, %add3A_1038, %add3A_1045, %add3A_1052 : vector<16xf32>, vector<16xf32>, vector<16xf32>, vector<16xf32>, vector<16xf32>, vector<16xf32>, vector<16xf32>, vector<16xf32>, vector<16xf32>, vector<16xf32>, vector<16xf32>, vector<16xf32>, vector<16xf32>, vector<16xf32>, vector<16xf32>, vector<16xf32>, vector<16xf32>, vector<16xf32>, vector<16xf32>, vector<16xf32>, vector<16xf32>, vector<16xf32>, vector<16xf32>, vector<16xf32>, vector<16xf32>, vector<16xf32>, vector<16xf32>, vector<16xf32>, vector<16xf32>, vector<16xf32>, vector<16xf32>, vector<16xf32>
        }
        %scan3A_592 = arith.constant 31 : i32
        %swap3A_593 = arith.constant 4 : i32
        %swap3A_594 = arith.index_cast %swap3A_593 : i32 to index
        %swap3A_595 = arith.constant 0 : index
        %swap3A_596 = tpu.vector_load %arg6[%swap3A_594, %swap3A_595] {strides = array<i32>} : memref<8x128xf32, #tpu.memory_space<vmem>>, vector<1x16xf32>,
        %swap3A_597 = vector.shape_cast %swap3A_596 : vector<1x16xf32> to vector<16xf32>
        %swap3A_598 = vector.shape_cast %scan3A_591#0 : vector<16xf32> to vector<1x16xf32>
        tpu.vector_store %arg6[%swap3A_594, %swap3A_595], %swap3A_598 {strides = array<i32>} : memref<8x128xf32, #tpu.memory_space<vmem>>, vector<1x16xf32>,
        %swap3A_599 = arith.constant 4 : i32
        %swap3A_600 = arith.index_cast %swap3A_599 : i32 to index
        %swap3A_601 = arith.constant 16 : index
        %swap3A_602 = tpu.vector_load %arg6[%swap3A_600, %swap3A_601] {strides = array<i32>} : memref<8x128xf32, #tpu.memory_space<vmem>>, vector<1x16xf32>,
        %swap3A_603 = vector.shape_cast %swap3A_602 : vector<1x16xf32> to vector<16xf32>
        %swap3A_604 = vector.shape_cast %scan3A_591#1 : vector<16xf32> to vector<1x16xf32>
        tpu.vector_store %arg6[%swap3A_600, %swap3A_601], %swap3A_604 {strides = array<i32>} : memref<8x128xf32, #tpu.memory_space<vmem>>, vector<1x16xf32>,
        %swap3A_605 = arith.constant 4 : i32
        %swap3A_606 = arith.index_cast %swap3A_605 : i32 to index
        %swap3A_607 = arith.constant 32 : index
        %swap3A_608 = tpu.vector_load %arg6[%swap3A_606, %swap3A_607] {strides = array<i32>} : memref<8x128xf32, #tpu.memory_space<vmem>>, vector<1x16xf32>,
        %swap3A_609 = vector.shape_cast %swap3A_608 : vector<1x16xf32> to vector<16xf32>
        %swap3A_610 = vector.shape_cast %scan3A_591#2 : vector<16xf32> to vector<1x16xf32>
        tpu.vector_store %arg6[%swap3A_606, %swap3A_607], %swap3A_610 {strides = array<i32>} : memref<8x128xf32, #tpu.memory_space<vmem>>, vector<1x16xf32>,
        %swap3A_611 = arith.constant 4 : i32
        %swap3A_612 = arith.index_cast %swap3A_611 : i32 to index
        %swap3A_613 = arith.constant 48 : index
        %swap3A_614 = tpu.vector_load %arg6[%swap3A_612, %swap3A_613] {strides = array<i32>} : memref<8x128xf32, #tpu.memory_space<vmem>>, vector<1x16xf32>,
        %swap3A_615 = vector.shape_cast %swap3A_614 : vector<1x16xf32> to vector<16xf32>
        %swap3A_616 = vector.shape_cast %scan3A_591#3 : vector<16xf32> to vector<1x16xf32>
        tpu.vector_store %arg6[%swap3A_612, %swap3A_613], %swap3A_616 {strides = array<i32>} : memref<8x128xf32, #tpu.memory_space<vmem>>, vector<1x16xf32>,
        %swap3A_617 = arith.constant 4 : i32
        %swap3A_618 = arith.index_cast %swap3A_617 : i32 to index
        %swap3A_619 = arith.constant 64 : index
        %swap3A_620 = tpu.vector_load %arg6[%swap3A_618, %swap3A_619] {strides = array<i32>} : memref<8x128xf32, #tpu.memory_space<vmem>>, vector<1x16xf32>,
        %swap3A_621 = vector.shape_cast %swap3A_620 : vector<1x16xf32> to vector<16xf32>
        %swap3A_622 = vector.shape_cast %scan3A_591#4 : vector<16xf32> to vector<1x16xf32>
        tpu.vector_store %arg6[%swap3A_618, %swap3A_619], %swap3A_622 {strides = array<i32>} : memref<8x128xf32, #tpu.memory_space<vmem>>, vector<1x16xf32>,
        %swap3A_623 = arith.constant 4 : i32
        %swap3A_624 = arith.index_cast %swap3A_623 : i32 to index
        %swap3A_625 = arith.constant 80 : index
        %swap3A_626 = tpu.vector_load %arg6[%swap3A_624, %swap3A_625] {strides = array<i32>} : memref<8x128xf32, #tpu.memory_space<vmem>>, vector<1x16xf32>,
        %swap3A_627 = vector.shape_cast %swap3A_626 : vector<1x16xf32> to vector<16xf32>
        %swap3A_628 = vector.shape_cast %scan3A_591#5 : vector<16xf32> to vector<1x16xf32>
        tpu.vector_store %arg6[%swap3A_624, %swap3A_625], %swap3A_628 {strides = array<i32>} : memref<8x128xf32, #tpu.memory_space<vmem>>, vector<1x16xf32>,
        %swap3A_629 = arith.constant 4 : i32
        %swap3A_630 = arith.index_cast %swap3A_629 : i32 to index
        %swap3A_631 = arith.constant 96 : index
        %swap3A_632 = tpu.vector_load %arg6[%swap3A_630, %swap3A_631] {strides = array<i32>} : memref<8x128xf32, #tpu.memory_space<vmem>>, vector<1x16xf32>,
        %swap3A_633 = vector.shape_cast %swap3A_632 : vector<1x16xf32> to vector<16xf32>
        %swap3A_634 = vector.shape_cast %scan3A_591#6 : vector<16xf32> to vector<1x16xf32>
        tpu.vector_store %arg6[%swap3A_630, %swap3A_631], %swap3A_634 {strides = array<i32>} : memref<8x128xf32, #tpu.memory_space<vmem>>, vector<1x16xf32>,
        %swap3A_635 = arith.constant 4 : i32
        %swap3A_636 = arith.index_cast %swap3A_635 : i32 to index
        %swap3A_637 = arith.constant 112 : index
        %swap3A_638 = tpu.vector_load %arg6[%swap3A_636, %swap3A_637] {strides = array<i32>} : memref<8x128xf32, #tpu.memory_space<vmem>>, vector<1x16xf32>,
        %swap3A_639 = vector.shape_cast %swap3A_638 : vector<1x16xf32> to vector<16xf32>
        %swap3A_640 = vector.shape_cast %scan3A_591#7 : vector<16xf32> to vector<1x16xf32>
        tpu.vector_store %arg6[%swap3A_636, %swap3A_637], %swap3A_640 {strides = array<i32>} : memref<8x128xf32, #tpu.memory_space<vmem>>, vector<1x16xf32>,
        %swap3A_641 = arith.constant 5 : i32
        %swap3A_642 = arith.index_cast %swap3A_641 : i32 to index
        %swap3A_643 = arith.constant 0 : index
        %swap3A_644 = tpu.vector_load %arg6[%swap3A_642, %swap3A_643] {strides = array<i32>} : memref<8x128xf32, #tpu.memory_space<vmem>>, vector<1x16xf32>,
        %swap3A_645 = vector.shape_cast %swap3A_644 : vector<1x16xf32> to vector<16xf32>
        %swap3A_646 = vector.shape_cast %scan3A_591#8 : vector<16xf32> to vector<1x16xf32>
        tpu.vector_store %arg6[%swap3A_642, %swap3A_643], %swap3A_646 {strides = array<i32>} : memref<8x128xf32, #tpu.memory_space<vmem>>, vector<1x16xf32>,
        %swap3A_647 = arith.constant 5 : i32
        %swap3A_648 = arith.index_cast %swap3A_647 : i32 to index
        %swap3A_649 = arith.constant 16 : index
        %swap3A_650 = tpu.vector_load %arg6[%swap3A_648, %swap3A_649] {strides = array<i32>} : memref<8x128xf32, #tpu.memory_space<vmem>>, vector<1x16xf32>,
        %swap3A_651 = vector.shape_cast %swap3A_650 : vector<1x16xf32> to vector<16xf32>
        %swap3A_652 = vector.shape_cast %scan3A_591#9 : vector<16xf32> to vector<1x16xf32>
        tpu.vector_store %arg6[%swap3A_648, %swap3A_649], %swap3A_652 {strides = array<i32>} : memref<8x128xf32, #tpu.memory_space<vmem>>, vector<1x16xf32>,
        %swap3A_653 = arith.constant 5 : i32
        %swap3A_654 = arith.index_cast %swap3A_653 : i32 to index
        %swap3A_655 = arith.constant 32 : index
        %swap3A_656 = tpu.vector_load %arg6[%swap3A_654, %swap3A_655] {strides = array<i32>} : memref<8x128xf32, #tpu.memory_space<vmem>>, vector<1x16xf32>,
        %swap3A_657 = vector.shape_cast %swap3A_656 : vector<1x16xf32> to vector<16xf32>
        %swap3A_658 = vector.shape_cast %scan3A_591#10 : vector<16xf32> to vector<1x16xf32>
        tpu.vector_store %arg6[%swap3A_654, %swap3A_655], %swap3A_658 {strides = array<i32>} : memref<8x128xf32, #tpu.memory_space<vmem>>, vector<1x16xf32>,
        %swap3A_659 = arith.constant 5 : i32
        %swap3A_660 = arith.index_cast %swap3A_659 : i32 to index
        %swap3A_661 = arith.constant 48 : index
        %swap3A_662 = tpu.vector_load %arg6[%swap3A_660, %swap3A_661] {strides = array<i32>} : memref<8x128xf32, #tpu.memory_space<vmem>>, vector<1x16xf32>,
        %swap3A_663 = vector.shape_cast %swap3A_662 : vector<1x16xf32> to vector<16xf32>
        %swap3A_664 = vector.shape_cast %scan3A_591#11 : vector<16xf32> to vector<1x16xf32>
        tpu.vector_store %arg6[%swap3A_660, %swap3A_661], %swap3A_664 {strides = array<i32>} : memref<8x128xf32, #tpu.memory_space<vmem>>, vector<1x16xf32>,
        %swap3A_665 = arith.constant 5 : i32
        %swap3A_666 = arith.index_cast %swap3A_665 : i32 to index
        %swap3A_667 = arith.constant 64 : index
        %swap3A_668 = tpu.vector_load %arg6[%swap3A_666, %swap3A_667] {strides = array<i32>} : memref<8x128xf32, #tpu.memory_space<vmem>>, vector<1x16xf32>,
        %swap3A_669 = vector.shape_cast %swap3A_668 : vector<1x16xf32> to vector<16xf32>
        %swap3A_670 = vector.shape_cast %scan3A_591#12 : vector<16xf32> to vector<1x16xf32>
        tpu.vector_store %arg6[%swap3A_666, %swap3A_667], %swap3A_670 {strides = array<i32>} : memref<8x128xf32, #tpu.memory_space<vmem>>, vector<1x16xf32>,
        %swap3A_671 = arith.constant 5 : i32
        %swap3A_672 = arith.index_cast %swap3A_671 : i32 to index
        %swap3A_673 = arith.constant 80 : index
        %swap3A_674 = tpu.vector_load %arg6[%swap3A_672, %swap3A_673] {strides = array<i32>} : memref<8x128xf32, #tpu.memory_space<vmem>>, vector<1x16xf32>,
        %swap3A_675 = vector.shape_cast %swap3A_674 : vector<1x16xf32> to vector<16xf32>
        %swap3A_676 = vector.shape_cast %scan3A_591#13 : vector<16xf32> to vector<1x16xf32>
        tpu.vector_store %arg6[%swap3A_672, %swap3A_673], %swap3A_676 {strides = array<i32>} : memref<8x128xf32, #tpu.memory_space<vmem>>, vector<1x16xf32>,
        %swap3A_677 = arith.constant 5 : i32
        %swap3A_678 = arith.index_cast %swap3A_677 : i32 to index
        %swap3A_679 = arith.constant 96 : index
        %swap3A_680 = tpu.vector_load %arg6[%swap3A_678, %swap3A_679] {strides = array<i32>} : memref<8x128xf32, #tpu.memory_space<vmem>>, vector<1x16xf32>,
        %swap3A_681 = vector.shape_cast %swap3A_680 : vector<1x16xf32> to vector<16xf32>
        %swap3A_682 = vector.shape_cast %scan3A_591#14 : vector<16xf32> to vector<1x16xf32>
        tpu.vector_store %arg6[%swap3A_678, %swap3A_679], %swap3A_682 {strides = array<i32>} : memref<8x128xf32, #tpu.memory_space<vmem>>, vector<1x16xf32>,
        %swap3A_683 = arith.constant 5 : i32
        %swap3A_684 = arith.index_cast %swap3A_683 : i32 to index
        %swap3A_685 = arith.constant 112 : index
        %swap3A_686 = tpu.vector_load %arg6[%swap3A_684, %swap3A_685] {strides = array<i32>} : memref<8x128xf32, #tpu.memory_space<vmem>>, vector<1x16xf32>,
        %swap3A_687 = vector.shape_cast %swap3A_686 : vector<1x16xf32> to vector<16xf32>
        %swap3A_688 = vector.shape_cast %scan3A_591#15 : vector<16xf32> to vector<1x16xf32>
        tpu.vector_store %arg6[%swap3A_684, %swap3A_685], %swap3A_688 {strides = array<i32>} : memref<8x128xf32, #tpu.memory_space<vmem>>, vector<1x16xf32>,
        %swap3A_689 = arith.constant 6 : i32
        %swap3A_690 = arith.index_cast %swap3A_689 : i32 to index
        %swap3A_691 = arith.constant 0 : index
        %swap3A_692 = tpu.vector_load %arg6[%swap3A_690, %swap3A_691] {strides = array<i32>} : memref<8x128xf32, #tpu.memory_space<vmem>>, vector<1x16xf32>,
        %swap3A_693 = vector.shape_cast %swap3A_692 : vector<1x16xf32> to vector<16xf32>
        %swap3A_694 = vector.shape_cast %scan3A_591#16 : vector<16xf32> to vector<1x16xf32>
        tpu.vector_store %arg6[%swap3A_690, %swap3A_691], %swap3A_694 {strides = array<i32>} : memref<8x128xf32, #tpu.memory_space<vmem>>, vector<1x16xf32>,
        %swap3A_695 = arith.constant 6 : i32
        %swap3A_696 = arith.index_cast %swap3A_695 : i32 to index
        %swap3A_697 = arith.constant 16 : index
        %swap3A_698 = tpu.vector_load %arg6[%swap3A_696, %swap3A_697] {strides = array<i32>} : memref<8x128xf32, #tpu.memory_space<vmem>>, vector<1x16xf32>,
        %swap3A_699 = vector.shape_cast %swap3A_698 : vector<1x16xf32> to vector<16xf32>
        %swap3A_700 = vector.shape_cast %scan3A_591#17 : vector<16xf32> to vector<1x16xf32>
        tpu.vector_store %arg6[%swap3A_696, %swap3A_697], %swap3A_700 {strides = array<i32>} : memref<8x128xf32, #tpu.memory_space<vmem>>, vector<1x16xf32>,
        %swap3A_701 = arith.constant 6 : i32
        %swap3A_702 = arith.index_cast %swap3A_701 : i32 to index
        %swap3A_703 = arith.constant 32 : index
        %swap3A_704 = tpu.vector_load %arg6[%swap3A_702, %swap3A_703] {strides = array<i32>} : memref<8x128xf32, #tpu.memory_space<vmem>>, vector<1x16xf32>,
        %swap3A_705 = vector.shape_cast %swap3A_704 : vector<1x16xf32> to vector<16xf32>
        %swap3A_706 = vector.shape_cast %scan3A_591#18 : vector<16xf32> to vector<1x16xf32>
        tpu.vector_store %arg6[%swap3A_702, %swap3A_703], %swap3A_706 {strides = array<i32>} : memref<8x128xf32, #tpu.memory_space<vmem>>, vector<1x16xf32>,
        %swap3A_707 = arith.constant 6 : i32
        %swap3A_708 = arith.index_cast %swap3A_707 : i32 to index
        %swap3A_709 = arith.constant 48 : index
        %swap3A_710 = tpu.vector_load %arg6[%swap3A_708, %swap3A_709] {strides = array<i32>} : memref<8x128xf32, #tpu.memory_space<vmem>>, vector<1x16xf32>,
        %swap3A_711 = vector.shape_cast %swap3A_710 : vector<1x16xf32> to vector<16xf32>
        %swap3A_712 = vector.shape_cast %scan3A_591#19 : vector<16xf32> to vector<1x16xf32>
        tpu.vector_store %arg6[%swap3A_708, %swap3A_709], %swap3A_712 {strides = array<i32>} : memref<8x128xf32, #tpu.memory_space<vmem>>, vector<1x16xf32>,
        %swap3A_713 = arith.constant 6 : i32
        %swap3A_714 = arith.index_cast %swap3A_713 : i32 to index
        %swap3A_715 = arith.constant 64 : index
        %swap3A_716 = tpu.vector_load %arg6[%swap3A_714, %swap3A_715] {strides = array<i32>} : memref<8x128xf32, #tpu.memory_space<vmem>>, vector<1x16xf32>,
        %swap3A_717 = vector.shape_cast %swap3A_716 : vector<1x16xf32> to vector<16xf32>
        %swap3A_718 = vector.shape_cast %scan3A_591#20 : vector<16xf32> to vector<1x16xf32>
        tpu.vector_store %arg6[%swap3A_714, %swap3A_715], %swap3A_718 {strides = array<i32>} : memref<8x128xf32, #tpu.memory_space<vmem>>, vector<1x16xf32>,
        %swap3A_719 = arith.constant 6 : i32
        %swap3A_720 = arith.index_cast %swap3A_719 : i32 to index
        %swap3A_721 = arith.constant 80 : index
        %swap3A_722 = tpu.vector_load %arg6[%swap3A_720, %swap3A_721] {strides = array<i32>} : memref<8x128xf32, #tpu.memory_space<vmem>>, vector<1x16xf32>,
        %swap3A_723 = vector.shape_cast %swap3A_722 : vector<1x16xf32> to vector<16xf32>
        %swap3A_724 = vector.shape_cast %scan3A_591#21 : vector<16xf32> to vector<1x16xf32>
        tpu.vector_store %arg6[%swap3A_720, %swap3A_721], %swap3A_724 {strides = array<i32>} : memref<8x128xf32, #tpu.memory_space<vmem>>, vector<1x16xf32>,
        %swap3A_725 = arith.constant 6 : i32
        %swap3A_726 = arith.index_cast %swap3A_725 : i32 to index
        %swap3A_727 = arith.constant 96 : index
        %swap3A_728 = tpu.vector_load %arg6[%swap3A_726, %swap3A_727] {strides = array<i32>} : memref<8x128xf32, #tpu.memory_space<vmem>>, vector<1x16xf32>,
        %swap3A_729 = vector.shape_cast %swap3A_728 : vector<1x16xf32> to vector<16xf32>
        %swap3A_730 = vector.shape_cast %scan3A_591#22 : vector<16xf32> to vector<1x16xf32>
        tpu.vector_store %arg6[%swap3A_726, %swap3A_727], %swap3A_730 {strides = array<i32>} : memref<8x128xf32, #tpu.memory_space<vmem>>, vector<1x16xf32>,
        %swap3A_731 = arith.constant 6 : i32
        %swap3A_732 = arith.index_cast %swap3A_731 : i32 to index
        %swap3A_733 = arith.constant 112 : index
        %swap3A_734 = tpu.vector_load %arg6[%swap3A_732, %swap3A_733] {strides = array<i32>} : memref<8x128xf32, #tpu.memory_space<vmem>>, vector<1x16xf32>,
        %swap3A_735 = vector.shape_cast %swap3A_734 : vector<1x16xf32> to vector<16xf32>
        %swap3A_736 = vector.shape_cast %scan3A_591#23 : vector<16xf32> to vector<1x16xf32>
        tpu.vector_store %arg6[%swap3A_732, %swap3A_733], %swap3A_736 {strides = array<i32>} : memref<8x128xf32, #tpu.memory_space<vmem>>, vector<1x16xf32>,
        %swap3A_737 = arith.constant 7 : i32
        %swap3A_738 = arith.index_cast %swap3A_737 : i32 to index
        %swap3A_739 = arith.constant 0 : index
        %swap3A_740 = tpu.vector_load %arg6[%swap3A_738, %swap3A_739] {strides = array<i32>} : memref<8x128xf32, #tpu.memory_space<vmem>>, vector<1x16xf32>,
        %swap3A_741 = vector.shape_cast %swap3A_740 : vector<1x16xf32> to vector<16xf32>
        %swap3A_742 = vector.shape_cast %scan3A_591#24 : vector<16xf32> to vector<1x16xf32>
        tpu.vector_store %arg6[%swap3A_738, %swap3A_739], %swap3A_742 {strides = array<i32>} : memref<8x128xf32, #tpu.memory_space<vmem>>, vector<1x16xf32>,
        %swap3A_743 = arith.constant 7 : i32
        %swap3A_744 = arith.index_cast %swap3A_743 : i32 to index
        %swap3A_745 = arith.constant 16 : index
        %swap3A_746 = tpu.vector_load %arg6[%swap3A_744, %swap3A_745] {strides = array<i32>} : memref<8x128xf32, #tpu.memory_space<vmem>>, vector<1x16xf32>,
        %swap3A_747 = vector.shape_cast %swap3A_746 : vector<1x16xf32> to vector<16xf32>
        %swap3A_748 = vector.shape_cast %scan3A_591#25 : vector<16xf32> to vector<1x16xf32>
        tpu.vector_store %arg6[%swap3A_744, %swap3A_745], %swap3A_748 {strides = array<i32>} : memref<8x128xf32, #tpu.memory_space<vmem>>, vector<1x16xf32>,
        %swap3A_749 = arith.constant 7 : i32
        %swap3A_750 = arith.index_cast %swap3A_749 : i32 to index
        %swap3A_751 = arith.constant 32 : index
        %swap3A_752 = tpu.vector_load %arg6[%swap3A_750, %swap3A_751] {strides = array<i32>} : memref<8x128xf32, #tpu.memory_space<vmem>>, vector<1x16xf32>,
        %swap3A_753 = vector.shape_cast %swap3A_752 : vector<1x16xf32> to vector<16xf32>
        %swap3A_754 = vector.shape_cast %scan3A_591#26 : vector<16xf32> to vector<1x16xf32>
        tpu.vector_store %arg6[%swap3A_750, %swap3A_751], %swap3A_754 {strides = array<i32>} : memref<8x128xf32, #tpu.memory_space<vmem>>, vector<1x16xf32>,
        %swap3A_755 = arith.constant 7 : i32
        %swap3A_756 = arith.index_cast %swap3A_755 : i32 to index
        %swap3A_757 = arith.constant 48 : index
        %swap3A_758 = tpu.vector_load %arg6[%swap3A_756, %swap3A_757] {strides = array<i32>} : memref<8x128xf32, #tpu.memory_space<vmem>>, vector<1x16xf32>,
        %swap3A_759 = vector.shape_cast %swap3A_758 : vector<1x16xf32> to vector<16xf32>
        %swap3A_760 = vector.shape_cast %scan3A_591#27 : vector<16xf32> to vector<1x16xf32>
        tpu.vector_store %arg6[%swap3A_756, %swap3A_757], %swap3A_760 {strides = array<i32>} : memref<8x128xf32, #tpu.memory_space<vmem>>, vector<1x16xf32>,
        %swap3A_761 = arith.constant 7 : i32
        %swap3A_762 = arith.index_cast %swap3A_761 : i32 to index
        %swap3A_763 = arith.constant 64 : index
        %swap3A_764 = tpu.vector_load %arg6[%swap3A_762, %swap3A_763] {strides = array<i32>} : memref<8x128xf32, #tpu.memory_space<vmem>>, vector<1x16xf32>,
        %swap3A_765 = vector.shape_cast %swap3A_764 : vector<1x16xf32> to vector<16xf32>
        %swap3A_766 = vector.shape_cast %scan3A_591#28 : vector<16xf32> to vector<1x16xf32>
        tpu.vector_store %arg6[%swap3A_762, %swap3A_763], %swap3A_766 {strides = array<i32>} : memref<8x128xf32, #tpu.memory_space<vmem>>, vector<1x16xf32>,
        %swap3A_767 = arith.constant 7 : i32
        %swap3A_768 = arith.index_cast %swap3A_767 : i32 to index
        %swap3A_769 = arith.constant 80 : index
        %swap3A_770 = tpu.vector_load %arg6[%swap3A_768, %swap3A_769] {strides = array<i32>} : memref<8x128xf32, #tpu.memory_space<vmem>>, vector<1x16xf32>,
        %swap3A_771 = vector.shape_cast %swap3A_770 : vector<1x16xf32> to vector<16xf32>
        %swap3A_772 = vector.shape_cast %scan3A_591#29 : vector<16xf32> to vector<1x16xf32>
        tpu.vector_store %arg6[%swap3A_768, %swap3A_769], %swap3A_772 {strides = array<i32>} : memref<8x128xf32, #tpu.memory_space<vmem>>, vector<1x16xf32>,
        %swap3A_773 = arith.constant 7 : i32
        %swap3A_774 = arith.index_cast %swap3A_773 : i32 to index
        %swap3A_775 = arith.constant 96 : index
        %swap3A_776 = tpu.vector_load %arg6[%swap3A_774, %swap3A_775] {strides = array<i32>} : memref<8x128xf32, #tpu.memory_space<vmem>>, vector<1x16xf32>,
        %swap3A_777 = vector.shape_cast %swap3A_776 : vector<1x16xf32> to vector<16xf32>
        %swap3A_778 = vector.shape_cast %scan3A_591#30 : vector<16xf32> to vector<1x16xf32>
        tpu.vector_store %arg6[%swap3A_774, %swap3A_775], %swap3A_778 {strides = array<i32>} : memref<8x128xf32, #tpu.memory_space<vmem>>, vector<1x16xf32>,
        %swap3A_779 = arith.constant 7 : i32
        %swap3A_780 = arith.index_cast %swap3A_779 : i32 to index
        %swap3A_781 = arith.constant 112 : index
        %swap3A_782 = tpu.vector_load %arg6[%swap3A_780, %swap3A_781] {strides = array<i32>} : memref<8x128xf32, #tpu.memory_space<vmem>>, vector<1x16xf32>,
        %swap3A_783 = vector.shape_cast %swap3A_782 : vector<1x16xf32> to vector<16xf32>
        %swap3A_784 = vector.shape_cast %scan3A_591#31 : vector<16xf32> to vector<1x16xf32>
        tpu.vector_store %arg6[%swap3A_780, %swap3A_781], %swap3A_784 {strides = array<i32>} : memref<8x128xf32, #tpu.memory_space<vmem>>, vector<1x16xf32>,
        %mul3A_785 = arith.constant 32 : i32
        %mul3A_786 = arith.muli %add3A_59, %mul3A_785 : i32
        %add3A_787 = arith.addi %add3A, %mul3A_786 : i32
        %mul3A_788 = arith.constant 8 : i32
        %mul3A_789 = arith.muli %add3A_787, %mul3A_788 : i32
        "tpu.region"() ({
          %run_scoped3A = tpu.sem_alloc : memref<!tpu.dma_semaphore, #tpu.memory_space<semaphore_mem>>
          %dma_start3A_796 = arith.constant 0 : i32
          %dma_start3A_797 = tpu.memref_slice %arg3[%mul3A_789, %dma_start3A_796] : memref<4000x128xf32, #tpu.memory_space<hbm>> -> memref<8x128xf32, #tpu.memory_space<hbm>>
          %dma_start3A_798 = arith.constant 0 : i32
          %dma_start3A_799 = tpu.memref_slice %arg3[%mul3A_789, %dma_start3A_798] : memref<4000x128xf32, #tpu.memory_space<hbm>> -> memref<8x128xf32, #tpu.memory_space<hbm>>
          tpu.enqueue_dma source(%arg6 : memref<8x128xf32, #tpu.memory_space<vmem>>) target(%dma_start3A_799 : memref<8x128xf32, #tpu.memory_space<hbm>>) target_semaphore(%run_scoped3A : memref<!tpu.dma_semaphore, #tpu.memory_space<semaphore_mem>>)
          %dma_wait3A_800 = arith.constant 0 : i32
          %dma_wait3A_801 = tpu.memref_slice %arg3[%mul3A_789, %dma_wait3A_800] : memref<4000x128xf32, #tpu.memory_space<hbm>> -> memref<8x128xf32, #tpu.memory_space<hbm>>
          %dma_wait3A_802 = arith.constant 0 : i32
          %dma_wait3A_803 = tpu.memref_slice %arg3[%mul3A_789, %dma_wait3A_802] : memref<4000x128xf32, #tpu.memory_space<hbm>> -> memref<8x128xf32, #tpu.memory_space<hbm>>
          tpu.wait_dma2 semaphore(%run_scoped3A : memref<!tpu.dma_semaphore, #tpu.memory_space<semaphore_mem>>) src(%arg6 : memref<8x128xf32, #tpu.memory_space<vmem>>) dst(%dma_wait3A_803 : memref<8x128xf32, #tpu.memory_space<hbm>>)
          tpu.yield
        }) : () -> ()
        %add3A_790 = arith.constant 2 : i32
        %add3A_791 = arith.addi %add3A_59, %add3A_790 : i32
        %lt3A_792 = arith.cmpi slt, %add3A_791, %add3A_4 : i32
        %convert_element_type3A_793 = arith.extui %lt3A_792 : i1 to i32
        %cond3A_794 = arith.constant 0 : i32
        %cond3A_795 = arith.cmpi ne, %convert_element_type3A_793, %cond3A_794 : i32
        scf.if %cond3A_795 {
          %add3A_796 = arith.constant 2 : i32
          %add3A_797 = arith.addi %add3A_59, %add3A_796 : i32
          %mul3A_798 = arith.constant 32 : i32
          %mul3A_799 = arith.muli %add3A_797, %mul3A_798 : i32
          %add3A_800 = arith.addi %add3A, %mul3A_799 : i32
          %mul3A_801 = arith.constant 256 : i32
          %mul3A_802 = arith.muli %add3A_800, %mul3A_801 : i32
          %dma_start3A_803 = arith.constant 0 : i32
          %dma_start3A_804 = tpu.memref_slice %arg2[%mul3A_802, %dma_start3A_803] : memref<320000x128xf32, #tpu.memory_space<hbm>> -> memref<256x128xf32, #tpu.memory_space<hbm>>
          %dma_start3A_805 = arith.constant 0 : i32
          %dma_start3A_806 = tpu.memref_slice %arg2[%mul3A_802, %dma_start3A_805] : memref<320000x128xf32, #tpu.memory_space<hbm>> -> memref<256x128xf32, #tpu.memory_space<hbm>>
          tpu.enqueue_dma source(%dma_start3A_806 : memref<256x128xf32, #tpu.memory_space<hbm>>) target(%arg5 : memref<256x128xf32, #tpu.memory_space<vmem>>) target_semaphore(%arg8 : memref<!tpu.dma_semaphore, #tpu.memory_space<semaphore_mem>>)
        } else {
        }
      } else {
      }
    }
    %while3A_48 = arith.constant 1 : i32
    scf.for %while3A_49 = %while3A_46 to %while3A_42 step %while3A_48  : i32 {
      %mul3A_50 = arith.constant 2 : i32
      %mul3A_51 = arith.muli %while3A_49, %mul3A_50 : i32
      %add3A_52 = arith.constant 0 : i32
      %add3A_53 = arith.addi %mul3A_51, %add3A_52 : i32
      %lt3A_54 = arith.cmpi slt, %add3A_53, %add3A_4 : i32
      %convert_element_type3A = arith.extui %lt3A_54 : i1 to i32
      %cond3A = arith.constant 0 : i32
      %cond3A_55 = arith.cmpi ne, %convert_element_type3A, %cond3A : i32
      scf.if %cond3A_55 {
        %mul3A_64 = arith.constant 32 : i32
        %mul3A_65 = arith.muli %add3A_53, %mul3A_64 : i32
        %add3A_66 = arith.addi %add3A, %mul3A_65 : i32
        %mul3A_67 = arith.constant 256 : i32
        %mul3A_68 = arith.muli %add3A_66, %mul3A_67 : i32
        %dma_wait3A = arith.constant 0 : i32
        %dma_wait3A_69 = tpu.memref_slice %arg2[%mul3A_68, %dma_wait3A] : memref<320000x128xf32, #tpu.memory_space<hbm>> -> memref<256x128xf32, #tpu.memory_space<hbm>>
        %dma_wait3A_70 = arith.constant 0 : i32
        %dma_wait3A_71 = tpu.memref_slice %arg2[%mul3A_68, %dma_wait3A_70] : memref<320000x128xf32, #tpu.memory_space<hbm>> -> memref<256x128xf32, #tpu.memory_space<hbm>>
        tpu.wait_dma2 semaphore(%arg7 : memref<!tpu.dma_semaphore, #tpu.memory_space<semaphore_mem>>) src(%dma_wait3A_71 : memref<256x128xf32, #tpu.memory_space<hbm>>) dst(%arg4 : memref<256x128xf32, #tpu.memory_space<vmem>>)
        %get3A = arith.constant 0 : i32
        %get3A_72 = arith.index_cast %get3A : i32 to index
        %get3A_73 = arith.constant 0 : index
        %get3A_74 = tpu.vector_load %arg4[%get3A_72, %get3A_73] {strides = array<i32>} : memref<256x128xf32, #tpu.memory_space<vmem>>, vector<1x16xf32>,
        %get3A_75 = vector.shape_cast %get3A_74 : vector<1x16xf32> to vector<16xf32>
        %get3A_76 = arith.constant 0 : i32
        %get3A_77 = arith.index_cast %get3A_76 : i32 to index
        %get3A_78 = arith.constant 16 : index
        %get3A_79 = tpu.vector_load %arg4[%get3A_77, %get3A_78] {strides = array<i32>} : memref<256x128xf32, #tpu.memory_space<vmem>>, vector<1x16xf32>,
        %get3A_80 = vector.shape_cast %get3A_79 : vector<1x16xf32> to vector<16xf32>
        %get3A_81 = arith.constant 0 : i32
        %get3A_82 = arith.index_cast %get3A_81 : i32 to index
        %get3A_83 = arith.constant 32 : index
        %get3A_84 = tpu.vector_load %arg4[%get3A_82, %get3A_83] {strides = array<i32>} : memref<256x128xf32, #tpu.memory_space<vmem>>, vector<1x16xf32>,
        %get3A_85 = vector.shape_cast %get3A_84 : vector<1x16xf32> to vector<16xf32>
        %get3A_86 = arith.constant 0 : i32
        %get3A_87 = arith.index_cast %get3A_86 : i32 to index
        %get3A_88 = arith.constant 48 : index
        %get3A_89 = tpu.vector_load %arg4[%get3A_87, %get3A_88] {strides = array<i32>} : memref<256x128xf32, #tpu.memory_space<vmem>>, vector<1x16xf32>,
        %get3A_90 = vector.shape_cast %get3A_89 : vector<1x16xf32> to vector<16xf32>
        %get3A_91 = arith.constant 0 : i32
        %get3A_92 = arith.index_cast %get3A_91 : i32 to index
        %get3A_93 = arith.constant 64 : index
        %get3A_94 = tpu.vector_load %arg4[%get3A_92, %get3A_93] {strides = array<i32>} : memref<256x128xf32, #tpu.memory_space<vmem>>, vector<1x16xf32>,
        %get3A_95 = vector.shape_cast %get3A_94 : vector<1x16xf32> to vector<16xf32>
        %get3A_96 = arith.constant 0 : i32
        %get3A_97 = arith.index_cast %get3A_96 : i32 to index
        %get3A_98 = arith.constant 80 : index
        %get3A_99 = tpu.vector_load %arg4[%get3A_97, %get3A_98] {strides = array<i32>} : memref<256x128xf32, #tpu.memory_space<vmem>>, vector<1x16xf32>,
        %get3A_100 = vector.shape_cast %get3A_99 : vector<1x16xf32> to vector<16xf32>
        %get3A_101 = arith.constant 0 : i32
        %get3A_102 = arith.index_cast %get3A_101 : i32 to index
        %get3A_103 = arith.constant 96 : index
        %get3A_104 = tpu.vector_load %arg4[%get3A_102, %get3A_103] {strides = array<i32>} : memref<256x128xf32, #tpu.memory_space<vmem>>, vector<1x16xf32>,
        %get3A_105 = vector.shape_cast %get3A_104 : vector<1x16xf32> to vector<16xf32>
        %get3A_106 = arith.constant 0 : i32
        %get3A_107 = arith.index_cast %get3A_106 : i32 to index
        %get3A_108 = arith.constant 112 : index
        %get3A_109 = tpu.vector_load %arg4[%get3A_107, %get3A_108] {strides = array<i32>} : memref<256x128xf32, #tpu.memory_space<vmem>>, vector<1x16xf32>,
        %get3A_110 = vector.shape_cast %get3A_109 : vector<1x16xf32> to vector<16xf32>
        %get3A_111 = arith.constant 32 : i32
        %get3A_112 = arith.index_cast %get3A_111 : i32 to index
        %get3A_113 = arith.constant 0 : index
        %get3A_114 = tpu.vector_load %arg4[%get3A_112, %get3A_113] {strides = array<i32>} : memref<256x128xf32, #tpu.memory_space<vmem>>, vector<1x16xf32>,
        %get3A_115 = vector.shape_cast %get3A_114 : vector<1x16xf32> to vector<16xf32>
        %get3A_116 = arith.constant 32 : i32
        %get3A_117 = arith.index_cast %get3A_116 : i32 to index
        %get3A_118 = arith.constant 16 : index
        %get3A_119 = tpu.vector_load %arg4[%get3A_117, %get3A_118] {strides = array<i32>} : memref<256x128xf32, #tpu.memory_space<vmem>>, vector<1x16xf32>,
        %get3A_120 = vector.shape_cast %get3A_119 : vector<1x16xf32> to vector<16xf32>
        %get3A_121 = arith.constant 32 : i32
        %get3A_122 = arith.index_cast %get3A_121 : i32 to index
        %get3A_123 = arith.constant 32 : index
        %get3A_124 = tpu.vector_load %arg4[%get3A_122, %get3A_123] {strides = array<i32>} : memref<256x128xf32, #tpu.memory_space<vmem>>, vector<1x16xf32>,
        %get3A_125 = vector.shape_cast %get3A_124 : vector<1x16xf32> to vector<16xf32>
        %get3A_126 = arith.constant 32 : i32
        %get3A_127 = arith.index_cast %get3A_126 : i32 to index
        %get3A_128 = arith.constant 48 : index
        %get3A_129 = tpu.vector_load %arg4[%get3A_127, %get3A_128] {strides = array<i32>} : memref<256x128xf32, #tpu.memory_space<vmem>>, vector<1x16xf32>,
        %get3A_130 = vector.shape_cast %get3A_129 : vector<1x16xf32> to vector<16xf32>
        %get3A_131 = arith.constant 32 : i32
        %get3A_132 = arith.index_cast %get3A_131 : i32 to index
        %get3A_133 = arith.constant 64 : index
        %get3A_134 = tpu.vector_load %arg4[%get3A_132, %get3A_133] {strides = array<i32>} : memref<256x128xf32, #tpu.memory_space<vmem>>, vector<1x16xf32>,
        %get3A_135 = vector.shape_cast %get3A_134 : vector<1x16xf32> to vector<16xf32>
        %get3A_136 = arith.constant 32 : i32
        %get3A_137 = arith.index_cast %get3A_136 : i32 to index
        %get3A_138 = arith.constant 80 : index
        %get3A_139 = tpu.vector_load %arg4[%get3A_137, %get3A_138] {strides = array<i32>} : memref<256x128xf32, #tpu.memory_space<vmem>>, vector<1x16xf32>,
        %get3A_140 = vector.shape_cast %get3A_139 : vector<1x16xf32> to vector<16xf32>
        %get3A_141 = arith.constant 32 : i32
        %get3A_142 = arith.index_cast %get3A_141 : i32 to index
        %get3A_143 = arith.constant 96 : index
        %get3A_144 = tpu.vector_load %arg4[%get3A_142, %get3A_143] {strides = array<i32>} : memref<256x128xf32, #tpu.memory_space<vmem>>, vector<1x16xf32>,
        %get3A_145 = vector.shape_cast %get3A_144 : vector<1x16xf32> to vector<16xf32>
        %get3A_146 = arith.constant 32 : i32
        %get3A_147 = arith.index_cast %get3A_146 : i32 to index
        %get3A_148 = arith.constant 112 : index
        %get3A_149 = tpu.vector_load %arg4[%get3A_147, %get3A_148] {strides = array<i32>} : memref<256x128xf32, #tpu.memory_space<vmem>>, vector<1x16xf32>,
        %get3A_150 = vector.shape_cast %get3A_149 : vector<1x16xf32> to vector<16xf32>
        %get3A_151 = arith.constant 64 : i32
        %get3A_152 = arith.index_cast %get3A_151 : i32 to index
        %get3A_153 = arith.constant 0 : index
        %get3A_154 = tpu.vector_load %arg4[%get3A_152, %get3A_153] {strides = array<i32>} : memref<256x128xf32, #tpu.memory_space<vmem>>, vector<1x16xf32>,
        %get3A_155 = vector.shape_cast %get3A_154 : vector<1x16xf32> to vector<16xf32>
        %get3A_156 = arith.constant 64 : i32
        %get3A_157 = arith.index_cast %get3A_156 : i32 to index
        %get3A_158 = arith.constant 16 : index
        %get3A_159 = tpu.vector_load %arg4[%get3A_157, %get3A_158] {strides = array<i32>} : memref<256x128xf32, #tpu.memory_space<vmem>>, vector<1x16xf32>,
        %get3A_160 = vector.shape_cast %get3A_159 : vector<1x16xf32> to vector<16xf32>
        %get3A_161 = arith.constant 64 : i32
        %get3A_162 = arith.index_cast %get3A_161 : i32 to index
        %get3A_163 = arith.constant 32 : index
        %get3A_164 = tpu.vector_load %arg4[%get3A_162, %get3A_163] {strides = array<i32>} : memref<256x128xf32, #tpu.memory_space<vmem>>, vector<1x16xf32>,
        %get3A_165 = vector.shape_cast %get3A_164 : vector<1x16xf32> to vector<16xf32>
        %get3A_166 = arith.constant 64 : i32
        %get3A_167 = arith.index_cast %get3A_166 : i32 to index
        %get3A_168 = arith.constant 48 : index
        %get3A_169 = tpu.vector_load %arg4[%get3A_167, %get3A_168] {strides = array<i32>} : memref<256x128xf32, #tpu.memory_space<vmem>>, vector<1x16xf32>,
        %get3A_170 = vector.shape_cast %get3A_169 : vector<1x16xf32> to vector<16xf32>
        %get3A_171 = arith.constant 64 : i32
        %get3A_172 = arith.index_cast %get3A_171 : i32 to index
        %get3A_173 = arith.constant 64 : index
        %get3A_174 = tpu.vector_load %arg4[%get3A_172, %get3A_173] {strides = array<i32>} : memref<256x128xf32, #tpu.memory_space<vmem>>, vector<1x16xf32>,
        %get3A_175 = vector.shape_cast %get3A_174 : vector<1x16xf32> to vector<16xf32>
        %get3A_176 = arith.constant 64 : i32
        %get3A_177 = arith.index_cast %get3A_176 : i32 to index
        %get3A_178 = arith.constant 80 : index
        %get3A_179 = tpu.vector_load %arg4[%get3A_177, %get3A_178] {strides = array<i32>} : memref<256x128xf32, #tpu.memory_space<vmem>>, vector<1x16xf32>,
        %get3A_180 = vector.shape_cast %get3A_179 : vector<1x16xf32> to vector<16xf32>
        %get3A_181 = arith.constant 64 : i32
        %get3A_182 = arith.index_cast %get3A_181 : i32 to index
        %get3A_183 = arith.constant 96 : index
        %get3A_184 = tpu.vector_load %arg4[%get3A_182, %get3A_183] {strides = array<i32>} : memref<256x128xf32, #tpu.memory_space<vmem>>, vector<1x16xf32>,
        %get3A_185 = vector.shape_cast %get3A_184 : vector<1x16xf32> to vector<16xf32>
        %get3A_186 = arith.constant 64 : i32
        %get3A_187 = arith.index_cast %get3A_186 : i32 to index
        %get3A_188 = arith.constant 112 : index
        %get3A_189 = tpu.vector_load %arg4[%get3A_187, %get3A_188] {strides = array<i32>} : memref<256x128xf32, #tpu.memory_space<vmem>>, vector<1x16xf32>,
        %get3A_190 = vector.shape_cast %get3A_189 : vector<1x16xf32> to vector<16xf32>
        %get3A_191 = arith.constant 96 : i32
        %get3A_192 = arith.index_cast %get3A_191 : i32 to index
        %get3A_193 = arith.constant 0 : index
        %get3A_194 = tpu.vector_load %arg4[%get3A_192, %get3A_193] {strides = array<i32>} : memref<256x128xf32, #tpu.memory_space<vmem>>, vector<1x16xf32>,
        %get3A_195 = vector.shape_cast %get3A_194 : vector<1x16xf32> to vector<16xf32>
        %get3A_196 = arith.constant 96 : i32
        %get3A_197 = arith.index_cast %get3A_196 : i32 to index
        %get3A_198 = arith.constant 16 : index
        %get3A_199 = tpu.vector_load %arg4[%get3A_197, %get3A_198] {strides = array<i32>} : memref<256x128xf32, #tpu.memory_space<vmem>>, vector<1x16xf32>,
        %get3A_200 = vector.shape_cast %get3A_199 : vector<1x16xf32> to vector<16xf32>
        %get3A_201 = arith.constant 96 : i32
        %get3A_202 = arith.index_cast %get3A_201 : i32 to index
        %get3A_203 = arith.constant 32 : index
        %get3A_204 = tpu.vector_load %arg4[%get3A_202, %get3A_203] {strides = array<i32>} : memref<256x128xf32, #tpu.memory_space<vmem>>, vector<1x16xf32>,
        %get3A_205 = vector.shape_cast %get3A_204 : vector<1x16xf32> to vector<16xf32>
        %get3A_206 = arith.constant 96 : i32
        %get3A_207 = arith.index_cast %get3A_206 : i32 to index
        %get3A_208 = arith.constant 48 : index
        %get3A_209 = tpu.vector_load %arg4[%get3A_207, %get3A_208] {strides = array<i32>} : memref<256x128xf32, #tpu.memory_space<vmem>>, vector<1x16xf32>,
        %get3A_210 = vector.shape_cast %get3A_209 : vector<1x16xf32> to vector<16xf32>
        %get3A_211 = arith.constant 96 : i32
        %get3A_212 = arith.index_cast %get3A_211 : i32 to index
        %get3A_213 = arith.constant 64 : index
        %get3A_214 = tpu.vector_load %arg4[%get3A_212, %get3A_213] {strides = array<i32>} : memref<256x128xf32, #tpu.memory_space<vmem>>, vector<1x16xf32>,
        %get3A_215 = vector.shape_cast %get3A_214 : vector<1x16xf32> to vector<16xf32>
        %get3A_216 = arith.constant 96 : i32
        %get3A_217 = arith.index_cast %get3A_216 : i32 to index
        %get3A_218 = arith.constant 80 : index
        %get3A_219 = tpu.vector_load %arg4[%get3A_217, %get3A_218] {strides = array<i32>} : memref<256x128xf32, #tpu.memory_space<vmem>>, vector<1x16xf32>,
        %get3A_220 = vector.shape_cast %get3A_219 : vector<1x16xf32> to vector<16xf32>
        %get3A_221 = arith.constant 96 : i32
        %get3A_222 = arith.index_cast %get3A_221 : i32 to index
        %get3A_223 = arith.constant 96 : index
        %get3A_224 = tpu.vector_load %arg4[%get3A_222, %get3A_223] {strides = array<i32>} : memref<256x128xf32, #tpu.memory_space<vmem>>, vector<1x16xf32>,
        %get3A_225 = vector.shape_cast %get3A_224 : vector<1x16xf32> to vector<16xf32>
        %get3A_226 = arith.constant 96 : i32
        %get3A_227 = arith.index_cast %get3A_226 : i32 to index
        %get3A_228 = arith.constant 112 : index
        %get3A_229 = tpu.vector_load %arg4[%get3A_227, %get3A_228] {strides = array<i32>} : memref<256x128xf32, #tpu.memory_space<vmem>>, vector<1x16xf32>,
        %get3A_230 = vector.shape_cast %get3A_229 : vector<1x16xf32> to vector<16xf32>
        %scan3A = arith.constant 1 : i32
        %scan3A_231 = arith.constant 31 : i32
        %scan3A_232 = arith.addi %scan3A, %scan3A_231 : i32
        %scan3A_233 = arith.constant 1 : i32
        %scan3A_234:32 = scf.for %scan3A_796 = %scan3A to %scan3A_232 step %scan3A_233 iter_args(%scan3A_797 = %get3A_75, %scan3A_798 = %get3A_80, %scan3A_799 = %get3A_85, %scan3A_800 = %get3A_90, %scan3A_801 = %get3A_95, %scan3A_802 = %get3A_100, %scan3A_803 = %get3A_105, %scan3A_804 = %get3A_110, %scan3A_805 = %get3A_115, %scan3A_806 = %get3A_120, %scan3A_807 = %get3A_125, %scan3A_808 = %get3A_130, %scan3A_809 = %get3A_135, %scan3A_810 = %get3A_140, %scan3A_811 = %get3A_145, %scan3A_812 = %get3A_150, %scan3A_813 = %get3A_155, %scan3A_814 = %get3A_160, %scan3A_815 = %get3A_165, %scan3A_816 = %get3A_170, %scan3A_817 = %get3A_175, %scan3A_818 = %get3A_180, %scan3A_819 = %get3A_185, %scan3A_820 = %get3A_190, %scan3A_821 = %get3A_195, %scan3A_822 = %get3A_200, %scan3A_823 = %get3A_205, %scan3A_824 = %get3A_210, %scan3A_825 = %get3A_215, %scan3A_826 = %get3A_220, %scan3A_827 = %get3A_225, %scan3A_828 = %get3A_230) -> (vector<16xf32>, vector<16xf32>, vector<16xf32>, vector<16xf32>, vector<16xf32>, vector<16xf32>, vector<16xf32>, vector<16xf32>, vector<16xf32>, vector<16xf32>, vector<16xf32>, vector<16xf32>, vector<16xf32>, vector<16xf32>, vector<16xf32>, vector<16xf32>, vector<16xf32>, vector<16xf32>, vector<16xf32>, vector<16xf32>, vector<16xf32>, vector<16xf32>, vector<16xf32>, vector<16xf32>, vector<16xf32>, vector<16xf32>, vector<16xf32>, vector<16xf32>, vector<16xf32>, vector<16xf32>, vector<16xf32>, vector<16xf32>)  : i32 {
          %add3A_829 = arith.constant 0 : i32
          %add3A_830 = arith.addi %add3A_829, %scan3A_796 : i32
          %get3A_831 = arith.index_cast %add3A_830 : i32 to index
          %get3A_832 = arith.constant 0 : index
          %get3A_833 = tpu.vector_load %arg4[%get3A_831, %get3A_832] {strides = array<i32>} : memref<256x128xf32, #tpu.memory_space<vmem>>, vector<1x16xf32>,
          %get3A_834 = vector.shape_cast %get3A_833 : vector<1x16xf32> to vector<16xf32>
          %add3A_835 = arith.addf %scan3A_797, %get3A_834 : vector<16xf32>
          %add3A_836 = arith.constant 0 : i32
          %add3A_837 = arith.addi %add3A_836, %scan3A_796 : i32
          %get3A_838 = arith.index_cast %add3A_837 : i32 to index
          %get3A_839 = arith.constant 16 : index
          %get3A_840 = tpu.vector_load %arg4[%get3A_838, %get3A_839] {strides = array<i32>} : memref<256x128xf32, #tpu.memory_space<vmem>>, vector<1x16xf32>,
          %get3A_841 = vector.shape_cast %get3A_840 : vector<1x16xf32> to vector<16xf32>
          %add3A_842 = arith.addf %scan3A_798, %get3A_841 : vector<16xf32>
          %add3A_843 = arith.constant 0 : i32
          %add3A_844 = arith.addi %add3A_843, %scan3A_796 : i32
          %get3A_845 = arith.index_cast %add3A_844 : i32 to index
          %get3A_846 = arith.constant 32 : index
          %get3A_847 = tpu.vector_load %arg4[%get3A_845, %get3A_846] {strides = array<i32>} : memref<256x128xf32, #tpu.memory_space<vmem>>, vector<1x16xf32>,
          %get3A_848 = vector.shape_cast %get3A_847 : vector<1x16xf32> to vector<16xf32>
          %add3A_849 = arith.addf %scan3A_799, %get3A_848 : vector<16xf32>
          %add3A_850 = arith.constant 0 : i32
          %add3A_851 = arith.addi %add3A_850, %scan3A_796 : i32
          %get3A_852 = arith.index_cast %add3A_851 : i32 to index
          %get3A_853 = arith.constant 48 : index
          %get3A_854 = tpu.vector_load %arg4[%get3A_852, %get3A_853] {strides = array<i32>} : memref<256x128xf32, #tpu.memory_space<vmem>>, vector<1x16xf32>,
          %get3A_855 = vector.shape_cast %get3A_854 : vector<1x16xf32> to vector<16xf32>
          %add3A_856 = arith.addf %scan3A_800, %get3A_855 : vector<16xf32>
          %add3A_857 = arith.constant 0 : i32
          %add3A_858 = arith.addi %add3A_857, %scan3A_796 : i32
          %get3A_859 = arith.index_cast %add3A_858 : i32 to index
          %get3A_860 = arith.constant 64 : index
          %get3A_861 = tpu.vector_load %arg4[%get3A_859, %get3A_860] {strides = array<i32>} : memref<256x128xf32, #tpu.memory_space<vmem>>, vector<1x16xf32>,
          %get3A_862 = vector.shape_cast %get3A_861 : vector<1x16xf32> to vector<16xf32>
          %add3A_863 = arith.addf %scan3A_801, %get3A_862 : vector<16xf32>
          %add3A_864 = arith.constant 0 : i32
          %add3A_865 = arith.addi %add3A_864, %scan3A_796 : i32
          %get3A_866 = arith.index_cast %add3A_865 : i32 to index
          %get3A_867 = arith.constant 80 : index
          %get3A_868 = tpu.vector_load %arg4[%get3A_866, %get3A_867] {strides = array<i32>} : memref<256x128xf32, #tpu.memory_space<vmem>>, vector<1x16xf32>,
          %get3A_869 = vector.shape_cast %get3A_868 : vector<1x16xf32> to vector<16xf32>
          %add3A_870 = arith.addf %scan3A_802, %get3A_869 : vector<16xf32>
          %add3A_871 = arith.constant 0 : i32
          %add3A_872 = arith.addi %add3A_871, %scan3A_796 : i32
          %get3A_873 = arith.index_cast %add3A_872 : i32 to index
          %get3A_874 = arith.constant 96 : index
          %get3A_875 = tpu.vector_load %arg4[%get3A_873, %get3A_874] {strides = array<i32>} : memref<256x128xf32, #tpu.memory_space<vmem>>, vector<1x16xf32>,
          %get3A_876 = vector.shape_cast %get3A_875 : vector<1x16xf32> to vector<16xf32>
          %add3A_877 = arith.addf %scan3A_803, %get3A_876 : vector<16xf32>
          %add3A_878 = arith.constant 0 : i32
          %add3A_879 = arith.addi %add3A_878, %scan3A_796 : i32
          %get3A_880 = arith.index_cast %add3A_879 : i32 to index
          %get3A_881 = arith.constant 112 : index
          %get3A_882 = tpu.vector_load %arg4[%get3A_880, %get3A_881] {strides = array<i32>} : memref<256x128xf32, #tpu.memory_space<vmem>>, vector<1x16xf32>,
          %get3A_883 = vector.shape_cast %get3A_882 : vector<1x16xf32> to vector<16xf32>
          %add3A_884 = arith.addf %scan3A_804, %get3A_883 : vector<16xf32>
          %add3A_885 = arith.constant 32 : i32
          %add3A_886 = arith.addi %add3A_885, %scan3A_796 : i32
          %get3A_887 = arith.index_cast %add3A_886 : i32 to index
          %get3A_888 = arith.constant 0 : index
          %get3A_889 = tpu.vector_load %arg4[%get3A_887, %get3A_888] {strides = array<i32>} : memref<256x128xf32, #tpu.memory_space<vmem>>, vector<1x16xf32>,
          %get3A_890 = vector.shape_cast %get3A_889 : vector<1x16xf32> to vector<16xf32>
          %add3A_891 = arith.addf %scan3A_805, %get3A_890 : vector<16xf32>
          %add3A_892 = arith.constant 32 : i32
          %add3A_893 = arith.addi %add3A_892, %scan3A_796 : i32
          %get3A_894 = arith.index_cast %add3A_893 : i32 to index
          %get3A_895 = arith.constant 16 : index
          %get3A_896 = tpu.vector_load %arg4[%get3A_894, %get3A_895] {strides = array<i32>} : memref<256x128xf32, #tpu.memory_space<vmem>>, vector<1x16xf32>,
          %get3A_897 = vector.shape_cast %get3A_896 : vector<1x16xf32> to vector<16xf32>
          %add3A_898 = arith.addf %scan3A_806, %get3A_897 : vector<16xf32>
          %add3A_899 = arith.constant 32 : i32
          %add3A_900 = arith.addi %add3A_899, %scan3A_796 : i32
          %get3A_901 = arith.index_cast %add3A_900 : i32 to index
          %get3A_902 = arith.constant 32 : index
          %get3A_903 = tpu.vector_load %arg4[%get3A_901, %get3A_902] {strides = array<i32>} : memref<256x128xf32, #tpu.memory_space<vmem>>, vector<1x16xf32>,
          %get3A_904 = vector.shape_cast %get3A_903 : vector<1x16xf32> to vector<16xf32>
          %add3A_905 = arith.addf %scan3A_807, %get3A_904 : vector<16xf32>
          %add3A_906 = arith.constant 32 : i32
          %add3A_907 = arith.addi %add3A_906, %scan3A_796 : i32
          %get3A_908 = arith.index_cast %add3A_907 : i32 to index
          %get3A_909 = arith.constant 48 : index
          %get3A_910 = tpu.vector_load %arg4[%get3A_908, %get3A_909] {strides = array<i32>} : memref<256x128xf32, #tpu.memory_space<vmem>>, vector<1x16xf32>,
          %get3A_911 = vector.shape_cast %get3A_910 : vector<1x16xf32> to vector<16xf32>
          %add3A_912 = arith.addf %scan3A_808, %get3A_911 : vector<16xf32>
          %add3A_913 = arith.constant 32 : i32
          %add3A_914 = arith.addi %add3A_913, %scan3A_796 : i32
          %get3A_915 = arith.index_cast %add3A_914 : i32 to index
          %get3A_916 = arith.constant 64 : index
          %get3A_917 = tpu.vector_load %arg4[%get3A_915, %get3A_916] {strides = array<i32>} : memref<256x128xf32, #tpu.memory_space<vmem>>, vector<1x16xf32>,
          %get3A_918 = vector.shape_cast %get3A_917 : vector<1x16xf32> to vector<16xf32>
          %add3A_919 = arith.addf %scan3A_809, %get3A_918 : vector<16xf32>
          %add3A_920 = arith.constant 32 : i32
          %add3A_921 = arith.addi %add3A_920, %scan3A_796 : i32
          %get3A_922 = arith.index_cast %add3A_921 : i32 to index
          %get3A_923 = arith.constant 80 : index
          %get3A_924 = tpu.vector_load %arg4[%get3A_922, %get3A_923] {strides = array<i32>} : memref<256x128xf32, #tpu.memory_space<vmem>>, vector<1x16xf32>,
          %get3A_925 = vector.shape_cast %get3A_924 : vector<1x16xf32> to vector<16xf32>
          %add3A_926 = arith.addf %scan3A_810, %get3A_925 : vector<16xf32>
          %add3A_927 = arith.constant 32 : i32
          %add3A_928 = arith.addi %add3A_927, %scan3A_796 : i32
          %get3A_929 = arith.index_cast %add3A_928 : i32 to index
          %get3A_930 = arith.constant 96 : index
          %get3A_931 = tpu.vector_load %arg4[%get3A_929, %get3A_930] {strides = array<i32>} : memref<256x128xf32, #tpu.memory_space<vmem>>, vector<1x16xf32>,
          %get3A_932 = vector.shape_cast %get3A_931 : vector<1x16xf32> to vector<16xf32>
          %add3A_933 = arith.addf %scan3A_811, %get3A_932 : vector<16xf32>
          %add3A_934 = arith.constant 32 : i32
          %add3A_935 = arith.addi %add3A_934, %scan3A_796 : i32
          %get3A_936 = arith.index_cast %add3A_935 : i32 to index
          %get3A_937 = arith.constant 112 : index
          %get3A_938 = tpu.vector_load %arg4[%get3A_936, %get3A_937] {strides = array<i32>} : memref<256x128xf32, #tpu.memory_space<vmem>>, vector<1x16xf32>,
          %get3A_939 = vector.shape_cast %get3A_938 : vector<1x16xf32> to vector<16xf32>
          %add3A_940 = arith.addf %scan3A_812, %get3A_939 : vector<16xf32>
          %add3A_941 = arith.constant 64 : i32
          %add3A_942 = arith.addi %add3A_941, %scan3A_796 : i32
          %get3A_943 = arith.index_cast %add3A_942 : i32 to index
          %get3A_944 = arith.constant 0 : index
          %get3A_945 = tpu.vector_load %arg4[%get3A_943, %get3A_944] {strides = array<i32>} : memref<256x128xf32, #tpu.memory_space<vmem>>, vector<1x16xf32>,
          %get3A_946 = vector.shape_cast %get3A_945 : vector<1x16xf32> to vector<16xf32>
          %add3A_947 = arith.addf %scan3A_813, %get3A_946 : vector<16xf32>
          %add3A_948 = arith.constant 64 : i32
          %add3A_949 = arith.addi %add3A_948, %scan3A_796 : i32
          %get3A_950 = arith.index_cast %add3A_949 : i32 to index
          %get3A_951 = arith.constant 16 : index
          %get3A_952 = tpu.vector_load %arg4[%get3A_950, %get3A_951] {strides = array<i32>} : memref<256x128xf32, #tpu.memory_space<vmem>>, vector<1x16xf32>,
          %get3A_953 = vector.shape_cast %get3A_952 : vector<1x16xf32> to vector<16xf32>
          %add3A_954 = arith.addf %scan3A_814, %get3A_953 : vector<16xf32>
          %add3A_955 = arith.constant 64 : i32
          %add3A_956 = arith.addi %add3A_955, %scan3A_796 : i32
          %get3A_957 = arith.index_cast %add3A_956 : i32 to index
          %get3A_958 = arith.constant 32 : index
          %get3A_959 = tpu.vector_load %arg4[%get3A_957, %get3A_958] {strides = array<i32>} : memref<256x128xf32, #tpu.memory_space<vmem>>, vector<1x16xf32>,
          %get3A_960 = vector.shape_cast %get3A_959 : vector<1x16xf32> to vector<16xf32>
          %add3A_961 = arith.addf %scan3A_815, %get3A_960 : vector<16xf32>
          %add3A_962 = arith.constant 64 : i32
          %add3A_963 = arith.addi %add3A_962, %scan3A_796 : i32
          %get3A_964 = arith.index_cast %add3A_963 : i32 to index
          %get3A_965 = arith.constant 48 : index
          %get3A_966 = tpu.vector_load %arg4[%get3A_964, %get3A_965] {strides = array<i32>} : memref<256x128xf32, #tpu.memory_space<vmem>>, vector<1x16xf32>,
          %get3A_967 = vector.shape_cast %get3A_966 : vector<1x16xf32> to vector<16xf32>
          %add3A_968 = arith.addf %scan3A_816, %get3A_967 : vector<16xf32>
          %add3A_969 = arith.constant 64 : i32
          %add3A_970 = arith.addi %add3A_969, %scan3A_796 : i32
          %get3A_971 = arith.index_cast %add3A_970 : i32 to index
          %get3A_972 = arith.constant 64 : index
          %get3A_973 = tpu.vector_load %arg4[%get3A_971, %get3A_972] {strides = array<i32>} : memref<256x128xf32, #tpu.memory_space<vmem>>, vector<1x16xf32>,
          %get3A_974 = vector.shape_cast %get3A_973 : vector<1x16xf32> to vector<16xf32>
          %add3A_975 = arith.addf %scan3A_817, %get3A_974 : vector<16xf32>
          %add3A_976 = arith.constant 64 : i32
          %add3A_977 = arith.addi %add3A_976, %scan3A_796 : i32
          %get3A_978 = arith.index_cast %add3A_977 : i32 to index
          %get3A_979 = arith.constant 80 : index
          %get3A_980 = tpu.vector_load %arg4[%get3A_978, %get3A_979] {strides = array<i32>} : memref<256x128xf32, #tpu.memory_space<vmem>>, vector<1x16xf32>,
          %get3A_981 = vector.shape_cast %get3A_980 : vector<1x16xf32> to vector<16xf32>
          %add3A_982 = arith.addf %scan3A_818, %get3A_981 : vector<16xf32>
          %add3A_983 = arith.constant 64 : i32
          %add3A_984 = arith.addi %add3A_983, %scan3A_796 : i32
          %get3A_985 = arith.index_cast %add3A_984 : i32 to index
          %get3A_986 = arith.constant 96 : index
          %get3A_987 = tpu.vector_load %arg4[%get3A_985, %get3A_986] {strides = array<i32>} : memref<256x128xf32, #tpu.memory_space<vmem>>, vector<1x16xf32>,
          %get3A_988 = vector.shape_cast %get3A_987 : vector<1x16xf32> to vector<16xf32>
          %add3A_989 = arith.addf %scan3A_819, %get3A_988 : vector<16xf32>
          %add3A_990 = arith.constant 64 : i32
          %add3A_991 = arith.addi %add3A_990, %scan3A_796 : i32
          %get3A_992 = arith.index_cast %add3A_991 : i32 to index
          %get3A_993 = arith.constant 112 : index
          %get3A_994 = tpu.vector_load %arg4[%get3A_992, %get3A_993] {strides = array<i32>} : memref<256x128xf32, #tpu.memory_space<vmem>>, vector<1x16xf32>,
          %get3A_995 = vector.shape_cast %get3A_994 : vector<1x16xf32> to vector<16xf32>
          %add3A_996 = arith.addf %scan3A_820, %get3A_995 : vector<16xf32>
          %add3A_997 = arith.constant 96 : i32
          %add3A_998 = arith.addi %add3A_997, %scan3A_796 : i32
          %get3A_999 = arith.index_cast %add3A_998 : i32 to index
          %get3A_1000 = arith.constant 0 : index
          %get3A_1001 = tpu.vector_load %arg4[%get3A_999, %get3A_1000] {strides = array<i32>} : memref<256x128xf32, #tpu.memory_space<vmem>>, vector<1x16xf32>,
          %get3A_1002 = vector.shape_cast %get3A_1001 : vector<1x16xf32> to vector<16xf32>
          %add3A_1003 = arith.addf %scan3A_821, %get3A_1002 : vector<16xf32>
          %add3A_1004 = arith.constant 96 : i32
          %add3A_1005 = arith.addi %add3A_1004, %scan3A_796 : i32
          %get3A_1006 = arith.index_cast %add3A_1005 : i32 to index
          %get3A_1007 = arith.constant 16 : index
          %get3A_1008 = tpu.vector_load %arg4[%get3A_1006, %get3A_1007] {strides = array<i32>} : memref<256x128xf32, #tpu.memory_space<vmem>>, vector<1x16xf32>,
          %get3A_1009 = vector.shape_cast %get3A_1008 : vector<1x16xf32> to vector<16xf32>
          %add3A_1010 = arith.addf %scan3A_822, %get3A_1009 : vector<16xf32>
          %add3A_1011 = arith.constant 96 : i32
          %add3A_1012 = arith.addi %add3A_1011, %scan3A_796 : i32
          %get3A_1013 = arith.index_cast %add3A_1012 : i32 to index
          %get3A_1014 = arith.constant 32 : index
          %get3A_1015 = tpu.vector_load %arg4[%get3A_1013, %get3A_1014] {strides = array<i32>} : memref<256x128xf32, #tpu.memory_space<vmem>>, vector<1x16xf32>,
          %get3A_1016 = vector.shape_cast %get3A_1015 : vector<1x16xf32> to vector<16xf32>
          %add3A_1017 = arith.addf %scan3A_823, %get3A_1016 : vector<16xf32>
          %add3A_1018 = arith.constant 96 : i32
          %add3A_1019 = arith.addi %add3A_1018, %scan3A_796 : i32
          %get3A_1020 = arith.index_cast %add3A_1019 : i32 to index
          %get3A_1021 = arith.constant 48 : index
          %get3A_1022 = tpu.vector_load %arg4[%get3A_1020, %get3A_1021] {strides = array<i32>} : memref<256x128xf32, #tpu.memory_space<vmem>>, vector<1x16xf32>,
          %get3A_1023 = vector.shape_cast %get3A_1022 : vector<1x16xf32> to vector<16xf32>
          %add3A_1024 = arith.addf %scan3A_824, %get3A_1023 : vector<16xf32>
          %add3A_1025 = arith.constant 96 : i32
          %add3A_1026 = arith.addi %add3A_1025, %scan3A_796 : i32
          %get3A_1027 = arith.index_cast %add3A_1026 : i32 to index
          %get3A_1028 = arith.constant 64 : index
          %get3A_1029 = tpu.vector_load %arg4[%get3A_1027, %get3A_1028] {strides = array<i32>} : memref<256x128xf32, #tpu.memory_space<vmem>>, vector<1x16xf32>,
          %get3A_1030 = vector.shape_cast %get3A_1029 : vector<1x16xf32> to vector<16xf32>
          %add3A_1031 = arith.addf %scan3A_825, %get3A_1030 : vector<16xf32>
          %add3A_1032 = arith.constant 96 : i32
          %add3A_1033 = arith.addi %add3A_1032, %scan3A_796 : i32
          %get3A_1034 = arith.index_cast %add3A_1033 : i32 to index
          %get3A_1035 = arith.constant 80 : index
          %get3A_1036 = tpu.vector_load %arg4[%get3A_1034, %get3A_1035] {strides = array<i32>} : memref<256x128xf32, #tpu.memory_space<vmem>>, vector<1x16xf32>,
          %get3A_1037 = vector.shape_cast %get3A_1036 : vector<1x16xf32> to vector<16xf32>
          %add3A_1038 = arith.addf %scan3A_826, %get3A_1037 : vector<16xf32>
          %add3A_1039 = arith.constant 96 : i32
          %add3A_1040 = arith.addi %add3A_1039, %scan3A_796 : i32
          %get3A_1041 = arith.index_cast %add3A_1040 : i32 to index
          %get3A_1042 = arith.constant 96 : index
          %get3A_1043 = tpu.vector_load %arg4[%get3A_1041, %get3A_1042] {strides = array<i32>} : memref<256x128xf32, #tpu.memory_space<vmem>>, vector<1x16xf32>,
          %get3A_1044 = vector.shape_cast %get3A_1043 : vector<1x16xf32> to vector<16xf32>
          %add3A_1045 = arith.addf %scan3A_827, %get3A_1044 : vector<16xf32>
          %add3A_1046 = arith.constant 96 : i32
          %add3A_1047 = arith.addi %add3A_1046, %scan3A_796 : i32
          %get3A_1048 = arith.index_cast %add3A_1047 : i32 to index
          %get3A_1049 = arith.constant 112 : index
          %get3A_1050 = tpu.vector_load %arg4[%get3A_1048, %get3A_1049] {strides = array<i32>} : memref<256x128xf32, #tpu.memory_space<vmem>>, vector<1x16xf32>,
          %get3A_1051 = vector.shape_cast %get3A_1050 : vector<1x16xf32> to vector<16xf32>
          %add3A_1052 = arith.addf %scan3A_828, %get3A_1051 : vector<16xf32>
          scf.yield %add3A_835, %add3A_842, %add3A_849, %add3A_856, %add3A_863, %add3A_870, %add3A_877, %add3A_884, %add3A_891, %add3A_898, %add3A_905, %add3A_912, %add3A_919, %add3A_926, %add3A_933, %add3A_940, %add3A_947, %add3A_954, %add3A_961, %add3A_968, %add3A_975, %add3A_982, %add3A_989, %add3A_996, %add3A_1003, %add3A_1010, %add3A_1017, %add3A_1024, %add3A_1031, %add3A_1038, %add3A_1045, %add3A_1052 : vector<16xf32>, vector<16xf32>, vector<16xf32>, vector<16xf32>, vector<16xf32>, vector<16xf32>, vector<16xf32>, vector<16xf32>, vector<16xf32>, vector<16xf32>, vector<16xf32>, vector<16xf32>, vector<16xf32>, vector<16xf32>, vector<16xf32>, vector<16xf32>, vector<16xf32>, vector<16xf32>, vector<16xf32>, vector<16xf32>, vector<16xf32>, vector<16xf32>, vector<16xf32>, vector<16xf32>, vector<16xf32>, vector<16xf32>, vector<16xf32>, vector<16xf32>, vector<16xf32>, vector<16xf32>, vector<16xf32>, vector<16xf32>
        }
        %scan3A_235 = arith.constant 31 : i32
        %swap3A = arith.constant 0 : i32
        %swap3A_236 = arith.index_cast %swap3A : i32 to index
        %swap3A_237 = arith.constant 0 : index
        %swap3A_238 = tpu.vector_load %arg6[%swap3A_236, %swap3A_237] {strides = array<i32>} : memref<8x128xf32, #tpu.memory_space<vmem>>, vector<1x16xf32>,
        %swap3A_239 = vector.shape_cast %swap3A_238 : vector<1x16xf32> to vector<16xf32>
        %swap3A_240 = vector.shape_cast %scan3A_234#0 : vector<16xf32> to vector<1x16xf32>
        tpu.vector_store %arg6[%swap3A_236, %swap3A_237], %swap3A_240 {strides = array<i32>} : memref<8x128xf32, #tpu.memory_space<vmem>>, vector<1x16xf32>,
        %swap3A_241 = arith.constant 0 : i32
        %swap3A_242 = arith.index_cast %swap3A_241 : i32 to index
        %swap3A_243 = arith.constant 16 : index
        %swap3A_244 = tpu.vector_load %arg6[%swap3A_242, %swap3A_243] {strides = array<i32>} : memref<8x128xf32, #tpu.memory_space<vmem>>, vector<1x16xf32>,
        %swap3A_245 = vector.shape_cast %swap3A_244 : vector<1x16xf32> to vector<16xf32>
        %swap3A_246 = vector.shape_cast %scan3A_234#1 : vector<16xf32> to vector<1x16xf32>
        tpu.vector_store %arg6[%swap3A_242, %swap3A_243], %swap3A_246 {strides = array<i32>} : memref<8x128xf32, #tpu.memory_space<vmem>>, vector<1x16xf32>,
        %swap3A_247 = arith.constant 0 : i32
        %swap3A_248 = arith.index_cast %swap3A_247 : i32 to index
        %swap3A_249 = arith.constant 32 : index
        %swap3A_250 = tpu.vector_load %arg6[%swap3A_248, %swap3A_249] {strides = array<i32>} : memref<8x128xf32, #tpu.memory_space<vmem>>, vector<1x16xf32>,
        %swap3A_251 = vector.shape_cast %swap3A_250 : vector<1x16xf32> to vector<16xf32>
        %swap3A_252 = vector.shape_cast %scan3A_234#2 : vector<16xf32> to vector<1x16xf32>
        tpu.vector_store %arg6[%swap3A_248, %swap3A_249], %swap3A_252 {strides = array<i32>} : memref<8x128xf32, #tpu.memory_space<vmem>>, vector<1x16xf32>,
        %swap3A_253 = arith.constant 0 : i32
        %swap3A_254 = arith.index_cast %swap3A_253 : i32 to index
        %swap3A_255 = arith.constant 48 : index
        %swap3A_256 = tpu.vector_load %arg6[%swap3A_254, %swap3A_255] {strides = array<i32>} : memref<8x128xf32, #tpu.memory_space<vmem>>, vector<1x16xf32>,
        %swap3A_257 = vector.shape_cast %swap3A_256 : vector<1x16xf32> to vector<16xf32>
        %swap3A_258 = vector.shape_cast %scan3A_234#3 : vector<16xf32> to vector<1x16xf32>
        tpu.vector_store %arg6[%swap3A_254, %swap3A_255], %swap3A_258 {strides = array<i32>} : memref<8x128xf32, #tpu.memory_space<vmem>>, vector<1x16xf32>,
        %swap3A_259 = arith.constant 0 : i32
        %swap3A_260 = arith.index_cast %swap3A_259 : i32 to index
        %swap3A_261 = arith.constant 64 : index
        %swap3A_262 = tpu.vector_load %arg6[%swap3A_260, %swap3A_261] {strides = array<i32>} : memref<8x128xf32, #tpu.memory_space<vmem>>, vector<1x16xf32>,
        %swap3A_263 = vector.shape_cast %swap3A_262 : vector<1x16xf32> to vector<16xf32>
        %swap3A_264 = vector.shape_cast %scan3A_234#4 : vector<16xf32> to vector<1x16xf32>
        tpu.vector_store %arg6[%swap3A_260, %swap3A_261], %swap3A_264 {strides = array<i32>} : memref<8x128xf32, #tpu.memory_space<vmem>>, vector<1x16xf32>,
        %swap3A_265 = arith.constant 0 : i32
        %swap3A_266 = arith.index_cast %swap3A_265 : i32 to index
        %swap3A_267 = arith.constant 80 : index
        %swap3A_268 = tpu.vector_load %arg6[%swap3A_266, %swap3A_267] {strides = array<i32>} : memref<8x128xf32, #tpu.memory_space<vmem>>, vector<1x16xf32>,
        %swap3A_269 = vector.shape_cast %swap3A_268 : vector<1x16xf32> to vector<16xf32>
        %swap3A_270 = vector.shape_cast %scan3A_234#5 : vector<16xf32> to vector<1x16xf32>
        tpu.vector_store %arg6[%swap3A_266, %swap3A_267], %swap3A_270 {strides = array<i32>} : memref<8x128xf32, #tpu.memory_space<vmem>>, vector<1x16xf32>,
        %swap3A_271 = arith.constant 0 : i32
        %swap3A_272 = arith.index_cast %swap3A_271 : i32 to index
        %swap3A_273 = arith.constant 96 : index
        %swap3A_274 = tpu.vector_load %arg6[%swap3A_272, %swap3A_273] {strides = array<i32>} : memref<8x128xf32, #tpu.memory_space<vmem>>, vector<1x16xf32>,
        %swap3A_275 = vector.shape_cast %swap3A_274 : vector<1x16xf32> to vector<16xf32>
        %swap3A_276 = vector.shape_cast %scan3A_234#6 : vector<16xf32> to vector<1x16xf32>
        tpu.vector_store %arg6[%swap3A_272, %swap3A_273], %swap3A_276 {strides = array<i32>} : memref<8x128xf32, #tpu.memory_space<vmem>>, vector<1x16xf32>,
        %swap3A_277 = arith.constant 0 : i32
        %swap3A_278 = arith.index_cast %swap3A_277 : i32 to index
        %swap3A_279 = arith.constant 112 : index
        %swap3A_280 = tpu.vector_load %arg6[%swap3A_278, %swap3A_279] {strides = array<i32>} : memref<8x128xf32, #tpu.memory_space<vmem>>, vector<1x16xf32>,
        %swap3A_281 = vector.shape_cast %swap3A_280 : vector<1x16xf32> to vector<16xf32>
        %swap3A_282 = vector.shape_cast %scan3A_234#7 : vector<16xf32> to vector<1x16xf32>
        tpu.vector_store %arg6[%swap3A_278, %swap3A_279], %swap3A_282 {strides = array<i32>} : memref<8x128xf32, #tpu.memory_space<vmem>>, vector<1x16xf32>,
        %swap3A_283 = arith.constant 1 : i32
        %swap3A_284 = arith.index_cast %swap3A_283 : i32 to index
        %swap3A_285 = arith.constant 0 : index
        %swap3A_286 = tpu.vector_load %arg6[%swap3A_284, %swap3A_285] {strides = array<i32>} : memref<8x128xf32, #tpu.memory_space<vmem>>, vector<1x16xf32>,
        %swap3A_287 = vector.shape_cast %swap3A_286 : vector<1x16xf32> to vector<16xf32>
        %swap3A_288 = vector.shape_cast %scan3A_234#8 : vector<16xf32> to vector<1x16xf32>
        tpu.vector_store %arg6[%swap3A_284, %swap3A_285], %swap3A_288 {strides = array<i32>} : memref<8x128xf32, #tpu.memory_space<vmem>>, vector<1x16xf32>,
        %swap3A_289 = arith.constant 1 : i32
        %swap3A_290 = arith.index_cast %swap3A_289 : i32 to index
        %swap3A_291 = arith.constant 16 : index
        %swap3A_292 = tpu.vector_load %arg6[%swap3A_290, %swap3A_291] {strides = array<i32>} : memref<8x128xf32, #tpu.memory_space<vmem>>, vector<1x16xf32>,
        %swap3A_293 = vector.shape_cast %swap3A_292 : vector<1x16xf32> to vector<16xf32>
        %swap3A_294 = vector.shape_cast %scan3A_234#9 : vector<16xf32> to vector<1x16xf32>
        tpu.vector_store %arg6[%swap3A_290, %swap3A_291], %swap3A_294 {strides = array<i32>} : memref<8x128xf32, #tpu.memory_space<vmem>>, vector<1x16xf32>,
        %swap3A_295 = arith.constant 1 : i32
        %swap3A_296 = arith.index_cast %swap3A_295 : i32 to index
        %swap3A_297 = arith.constant 32 : index
        %swap3A_298 = tpu.vector_load %arg6[%swap3A_296, %swap3A_297] {strides = array<i32>} : memref<8x128xf32, #tpu.memory_space<vmem>>, vector<1x16xf32>,
        %swap3A_299 = vector.shape_cast %swap3A_298 : vector<1x16xf32> to vector<16xf32>
        %swap3A_300 = vector.shape_cast %scan3A_234#10 : vector<16xf32> to vector<1x16xf32>
        tpu.vector_store %arg6[%swap3A_296, %swap3A_297], %swap3A_300 {strides = array<i32>} : memref<8x128xf32, #tpu.memory_space<vmem>>, vector<1x16xf32>,
        %swap3A_301 = arith.constant 1 : i32
        %swap3A_302 = arith.index_cast %swap3A_301 : i32 to index
        %swap3A_303 = arith.constant 48 : index
        %swap3A_304 = tpu.vector_load %arg6[%swap3A_302, %swap3A_303] {strides = array<i32>} : memref<8x128xf32, #tpu.memory_space<vmem>>, vector<1x16xf32>,
        %swap3A_305 = vector.shape_cast %swap3A_304 : vector<1x16xf32> to vector<16xf32>
        %swap3A_306 = vector.shape_cast %scan3A_234#11 : vector<16xf32> to vector<1x16xf32>
        tpu.vector_store %arg6[%swap3A_302, %swap3A_303], %swap3A_306 {strides = array<i32>} : memref<8x128xf32, #tpu.memory_space<vmem>>, vector<1x16xf32>,
        %swap3A_307 = arith.constant 1 : i32
        %swap3A_308 = arith.index_cast %swap3A_307 : i32 to index
        %swap3A_309 = arith.constant 64 : index
        %swap3A_310 = tpu.vector_load %arg6[%swap3A_308, %swap3A_309] {strides = array<i32>} : memref<8x128xf32, #tpu.memory_space<vmem>>, vector<1x16xf32>,
        %swap3A_311 = vector.shape_cast %swap3A_310 : vector<1x16xf32> to vector<16xf32>
        %swap3A_312 = vector.shape_cast %scan3A_234#12 : vector<16xf32> to vector<1x16xf32>
        tpu.vector_store %arg6[%swap3A_308, %swap3A_309], %swap3A_312 {strides = array<i32>} : memref<8x128xf32, #tpu.memory_space<vmem>>, vector<1x16xf32>,
        %swap3A_313 = arith.constant 1 : i32
        %swap3A_314 = arith.index_cast %swap3A_313 : i32 to index
        %swap3A_315 = arith.constant 80 : index
        %swap3A_316 = tpu.vector_load %arg6[%swap3A_314, %swap3A_315] {strides = array<i32>} : memref<8x128xf32, #tpu.memory_space<vmem>>, vector<1x16xf32>,
        %swap3A_317 = vector.shape_cast %swap3A_316 : vector<1x16xf32> to vector<16xf32>
        %swap3A_318 = vector.shape_cast %scan3A_234#13 : vector<16xf32> to vector<1x16xf32>
        tpu.vector_store %arg6[%swap3A_314, %swap3A_315], %swap3A_318 {strides = array<i32>} : memref<8x128xf32, #tpu.memory_space<vmem>>, vector<1x16xf32>,
        %swap3A_319 = arith.constant 1 : i32
        %swap3A_320 = arith.index_cast %swap3A_319 : i32 to index
        %swap3A_321 = arith.constant 96 : index
        %swap3A_322 = tpu.vector_load %arg6[%swap3A_320, %swap3A_321] {strides = array<i32>} : memref<8x128xf32, #tpu.memory_space<vmem>>, vector<1x16xf32>,
        %swap3A_323 = vector.shape_cast %swap3A_322 : vector<1x16xf32> to vector<16xf32>
        %swap3A_324 = vector.shape_cast %scan3A_234#14 : vector<16xf32> to vector<1x16xf32>
        tpu.vector_store %arg6[%swap3A_320, %swap3A_321], %swap3A_324 {strides = array<i32>} : memref<8x128xf32, #tpu.memory_space<vmem>>, vector<1x16xf32>,
        %swap3A_325 = arith.constant 1 : i32
        %swap3A_326 = arith.index_cast %swap3A_325 : i32 to index
        %swap3A_327 = arith.constant 112 : index
        %swap3A_328 = tpu.vector_load %arg6[%swap3A_326, %swap3A_327] {strides = array<i32>} : memref<8x128xf32, #tpu.memory_space<vmem>>, vector<1x16xf32>,
        %swap3A_329 = vector.shape_cast %swap3A_328 : vector<1x16xf32> to vector<16xf32>
        %swap3A_330 = vector.shape_cast %scan3A_234#15 : vector<16xf32> to vector<1x16xf32>
        tpu.vector_store %arg6[%swap3A_326, %swap3A_327], %swap3A_330 {strides = array<i32>} : memref<8x128xf32, #tpu.memory_space<vmem>>, vector<1x16xf32>,
        %swap3A_331 = arith.constant 2 : i32
        %swap3A_332 = arith.index_cast %swap3A_331 : i32 to index
        %swap3A_333 = arith.constant 0 : index
        %swap3A_334 = tpu.vector_load %arg6[%swap3A_332, %swap3A_333] {strides = array<i32>} : memref<8x128xf32, #tpu.memory_space<vmem>>, vector<1x16xf32>,
        %swap3A_335 = vector.shape_cast %swap3A_334 : vector<1x16xf32> to vector<16xf32>
        %swap3A_336 = vector.shape_cast %scan3A_234#16 : vector<16xf32> to vector<1x16xf32>
        tpu.vector_store %arg6[%swap3A_332, %swap3A_333], %swap3A_336 {strides = array<i32>} : memref<8x128xf32, #tpu.memory_space<vmem>>, vector<1x16xf32>,
        %swap3A_337 = arith.constant 2 : i32
        %swap3A_338 = arith.index_cast %swap3A_337 : i32 to index
        %swap3A_339 = arith.constant 16 : index
        %swap3A_340 = tpu.vector_load %arg6[%swap3A_338, %swap3A_339] {strides = array<i32>} : memref<8x128xf32, #tpu.memory_space<vmem>>, vector<1x16xf32>,
        %swap3A_341 = vector.shape_cast %swap3A_340 : vector<1x16xf32> to vector<16xf32>
        %swap3A_342 = vector.shape_cast %scan3A_234#17 : vector<16xf32> to vector<1x16xf32>
        tpu.vector_store %arg6[%swap3A_338, %swap3A_339], %swap3A_342 {strides = array<i32>} : memref<8x128xf32, #tpu.memory_space<vmem>>, vector<1x16xf32>,
        %swap3A_343 = arith.constant 2 : i32
        %swap3A_344 = arith.index_cast %swap3A_343 : i32 to index
        %swap3A_345 = arith.constant 32 : index
        %swap3A_346 = tpu.vector_load %arg6[%swap3A_344, %swap3A_345] {strides = array<i32>} : memref<8x128xf32, #tpu.memory_space<vmem>>, vector<1x16xf32>,
        %swap3A_347 = vector.shape_cast %swap3A_346 : vector<1x16xf32> to vector<16xf32>
        %swap3A_348 = vector.shape_cast %scan3A_234#18 : vector<16xf32> to vector<1x16xf32>
        tpu.vector_store %arg6[%swap3A_344, %swap3A_345], %swap3A_348 {strides = array<i32>} : memref<8x128xf32, #tpu.memory_space<vmem>>, vector<1x16xf32>,
        %swap3A_349 = arith.constant 2 : i32
        %swap3A_350 = arith.index_cast %swap3A_349 : i32 to index
        %swap3A_351 = arith.constant 48 : index
        %swap3A_352 = tpu.vector_load %arg6[%swap3A_350, %swap3A_351] {strides = array<i32>} : memref<8x128xf32, #tpu.memory_space<vmem>>, vector<1x16xf32>,
        %swap3A_353 = vector.shape_cast %swap3A_352 : vector<1x16xf32> to vector<16xf32>
        %swap3A_354 = vector.shape_cast %scan3A_234#19 : vector<16xf32> to vector<1x16xf32>
        tpu.vector_store %arg6[%swap3A_350, %swap3A_351], %swap3A_354 {strides = array<i32>} : memref<8x128xf32, #tpu.memory_space<vmem>>, vector<1x16xf32>,
        %swap3A_355 = arith.constant 2 : i32
        %swap3A_356 = arith.index_cast %swap3A_355 : i32 to index
        %swap3A_357 = arith.constant 64 : index
        %swap3A_358 = tpu.vector_load %arg6[%swap3A_356, %swap3A_357] {strides = array<i32>} : memref<8x128xf32, #tpu.memory_space<vmem>>, vector<1x16xf32>,
        %swap3A_359 = vector.shape_cast %swap3A_358 : vector<1x16xf32> to vector<16xf32>
        %swap3A_360 = vector.shape_cast %scan3A_234#20 : vector<16xf32> to vector<1x16xf32>
        tpu.vector_store %arg6[%swap3A_356, %swap3A_357], %swap3A_360 {strides = array<i32>} : memref<8x128xf32, #tpu.memory_space<vmem>>, vector<1x16xf32>,
        %swap3A_361 = arith.constant 2 : i32
        %swap3A_362 = arith.index_cast %swap3A_361 : i32 to index
        %swap3A_363 = arith.constant 80 : index
        %swap3A_364 = tpu.vector_load %arg6[%swap3A_362, %swap3A_363] {strides = array<i32>} : memref<8x128xf32, #tpu.memory_space<vmem>>, vector<1x16xf32>,
        %swap3A_365 = vector.shape_cast %swap3A_364 : vector<1x16xf32> to vector<16xf32>
        %swap3A_366 = vector.shape_cast %scan3A_234#21 : vector<16xf32> to vector<1x16xf32>
        tpu.vector_store %arg6[%swap3A_362, %swap3A_363], %swap3A_366 {strides = array<i32>} : memref<8x128xf32, #tpu.memory_space<vmem>>, vector<1x16xf32>,
        %swap3A_367 = arith.constant 2 : i32
        %swap3A_368 = arith.index_cast %swap3A_367 : i32 to index
        %swap3A_369 = arith.constant 96 : index
        %swap3A_370 = tpu.vector_load %arg6[%swap3A_368, %swap3A_369] {strides = array<i32>} : memref<8x128xf32, #tpu.memory_space<vmem>>, vector<1x16xf32>,
        %swap3A_371 = vector.shape_cast %swap3A_370 : vector<1x16xf32> to vector<16xf32>
        %swap3A_372 = vector.shape_cast %scan3A_234#22 : vector<16xf32> to vector<1x16xf32>
        tpu.vector_store %arg6[%swap3A_368, %swap3A_369], %swap3A_372 {strides = array<i32>} : memref<8x128xf32, #tpu.memory_space<vmem>>, vector<1x16xf32>,
        %swap3A_373 = arith.constant 2 : i32
        %swap3A_374 = arith.index_cast %swap3A_373 : i32 to index
        %swap3A_375 = arith.constant 112 : index
        %swap3A_376 = tpu.vector_load %arg6[%swap3A_374, %swap3A_375] {strides = array<i32>} : memref<8x128xf32, #tpu.memory_space<vmem>>, vector<1x16xf32>,
        %swap3A_377 = vector.shape_cast %swap3A_376 : vector<1x16xf32> to vector<16xf32>
        %swap3A_378 = vector.shape_cast %scan3A_234#23 : vector<16xf32> to vector<1x16xf32>
        tpu.vector_store %arg6[%swap3A_374, %swap3A_375], %swap3A_378 {strides = array<i32>} : memref<8x128xf32, #tpu.memory_space<vmem>>, vector<1x16xf32>,
        %swap3A_379 = arith.constant 3 : i32
        %swap3A_380 = arith.index_cast %swap3A_379 : i32 to index
        %swap3A_381 = arith.constant 0 : index
        %swap3A_382 = tpu.vector_load %arg6[%swap3A_380, %swap3A_381] {strides = array<i32>} : memref<8x128xf32, #tpu.memory_space<vmem>>, vector<1x16xf32>,
        %swap3A_383 = vector.shape_cast %swap3A_382 : vector<1x16xf32> to vector<16xf32>
        %swap3A_384 = vector.shape_cast %scan3A_234#24 : vector<16xf32> to vector<1x16xf32>
        tpu.vector_store %arg6[%swap3A_380, %swap3A_381], %swap3A_384 {strides = array<i32>} : memref<8x128xf32, #tpu.memory_space<vmem>>, vector<1x16xf32>,
        %swap3A_385 = arith.constant 3 : i32
        %swap3A_386 = arith.index_cast %swap3A_385 : i32 to index
        %swap3A_387 = arith.constant 16 : index
        %swap3A_388 = tpu.vector_load %arg6[%swap3A_386, %swap3A_387] {strides = array<i32>} : memref<8x128xf32, #tpu.memory_space<vmem>>, vector<1x16xf32>,
        %swap3A_389 = vector.shape_cast %swap3A_388 : vector<1x16xf32> to vector<16xf32>
        %swap3A_390 = vector.shape_cast %scan3A_234#25 : vector<16xf32> to vector<1x16xf32>
        tpu.vector_store %arg6[%swap3A_386, %swap3A_387], %swap3A_390 {strides = array<i32>} : memref<8x128xf32, #tpu.memory_space<vmem>>, vector<1x16xf32>,
        %swap3A_391 = arith.constant 3 : i32
        %swap3A_392 = arith.index_cast %swap3A_391 : i32 to index
        %swap3A_393 = arith.constant 32 : index
        %swap3A_394 = tpu.vector_load %arg6[%swap3A_392, %swap3A_393] {strides = array<i32>} : memref<8x128xf32, #tpu.memory_space<vmem>>, vector<1x16xf32>,
        %swap3A_395 = vector.shape_cast %swap3A_394 : vector<1x16xf32> to vector<16xf32>
        %swap3A_396 = vector.shape_cast %scan3A_234#26 : vector<16xf32> to vector<1x16xf32>
        tpu.vector_store %arg6[%swap3A_392, %swap3A_393], %swap3A_396 {strides = array<i32>} : memref<8x128xf32, #tpu.memory_space<vmem>>, vector<1x16xf32>,
        %swap3A_397 = arith.constant 3 : i32
        %swap3A_398 = arith.index_cast %swap3A_397 : i32 to index
        %swap3A_399 = arith.constant 48 : index
        %swap3A_400 = tpu.vector_load %arg6[%swap3A_398, %swap3A_399] {strides = array<i32>} : memref<8x128xf32, #tpu.memory_space<vmem>>, vector<1x16xf32>,
        %swap3A_401 = vector.shape_cast %swap3A_400 : vector<1x16xf32> to vector<16xf32>
        %swap3A_402 = vector.shape_cast %scan3A_234#27 : vector<16xf32> to vector<1x16xf32>
        tpu.vector_store %arg6[%swap3A_398, %swap3A_399], %swap3A_402 {strides = array<i32>} : memref<8x128xf32, #tpu.memory_space<vmem>>, vector<1x16xf32>,
        %swap3A_403 = arith.constant 3 : i32
        %swap3A_404 = arith.index_cast %swap3A_403 : i32 to index
        %swap3A_405 = arith.constant 64 : index
        %swap3A_406 = tpu.vector_load %arg6[%swap3A_404, %swap3A_405] {strides = array<i32>} : memref<8x128xf32, #tpu.memory_space<vmem>>, vector<1x16xf32>,
        %swap3A_407 = vector.shape_cast %swap3A_406 : vector<1x16xf32> to vector<16xf32>
        %swap3A_408 = vector.shape_cast %scan3A_234#28 : vector<16xf32> to vector<1x16xf32>
        tpu.vector_store %arg6[%swap3A_404, %swap3A_405], %swap3A_408 {strides = array<i32>} : memref<8x128xf32, #tpu.memory_space<vmem>>, vector<1x16xf32>,
        %swap3A_409 = arith.constant 3 : i32
        %swap3A_410 = arith.index_cast %swap3A_409 : i32 to index
        %swap3A_411 = arith.constant 80 : index
        %swap3A_412 = tpu.vector_load %arg6[%swap3A_410, %swap3A_411] {strides = array<i32>} : memref<8x128xf32, #tpu.memory_space<vmem>>, vector<1x16xf32>,
        %swap3A_413 = vector.shape_cast %swap3A_412 : vector<1x16xf32> to vector<16xf32>
        %swap3A_414 = vector.shape_cast %scan3A_234#29 : vector<16xf32> to vector<1x16xf32>
        tpu.vector_store %arg6[%swap3A_410, %swap3A_411], %swap3A_414 {strides = array<i32>} : memref<8x128xf32, #tpu.memory_space<vmem>>, vector<1x16xf32>,
        %swap3A_415 = arith.constant 3 : i32
        %swap3A_416 = arith.index_cast %swap3A_415 : i32 to index
        %swap3A_417 = arith.constant 96 : index
        %swap3A_418 = tpu.vector_load %arg6[%swap3A_416, %swap3A_417] {strides = array<i32>} : memref<8x128xf32, #tpu.memory_space<vmem>>, vector<1x16xf32>,
        %swap3A_419 = vector.shape_cast %swap3A_418 : vector<1x16xf32> to vector<16xf32>
        %swap3A_420 = vector.shape_cast %scan3A_234#30 : vector<16xf32> to vector<1x16xf32>
        tpu.vector_store %arg6[%swap3A_416, %swap3A_417], %swap3A_420 {strides = array<i32>} : memref<8x128xf32, #tpu.memory_space<vmem>>, vector<1x16xf32>,
        %swap3A_421 = arith.constant 3 : i32
        %swap3A_422 = arith.index_cast %swap3A_421 : i32 to index
        %swap3A_423 = arith.constant 112 : index
        %swap3A_424 = tpu.vector_load %arg6[%swap3A_422, %swap3A_423] {strides = array<i32>} : memref<8x128xf32, #tpu.memory_space<vmem>>, vector<1x16xf32>,
        %swap3A_425 = vector.shape_cast %swap3A_424 : vector<1x16xf32> to vector<16xf32>
        %swap3A_426 = vector.shape_cast %scan3A_234#31 : vector<16xf32> to vector<1x16xf32>
        tpu.vector_store %arg6[%swap3A_422, %swap3A_423], %swap3A_426 {strides = array<i32>} : memref<8x128xf32, #tpu.memory_space<vmem>>, vector<1x16xf32>,
        %get3A_427 = arith.constant 128 : i32
        %get3A_428 = arith.index_cast %get3A_427 : i32 to index
        %get3A_429 = arith.constant 0 : index
        %get3A_430 = tpu.vector_load %arg4[%get3A_428, %get3A_429] {strides = array<i32>} : memref<256x128xf32, #tpu.memory_space<vmem>>, vector<1x16xf32>,
        %get3A_431 = vector.shape_cast %get3A_430 : vector<1x16xf32> to vector<16xf32>
        %get3A_432 = arith.constant 128 : i32
        %get3A_433 = arith.index_cast %get3A_432 : i32 to index
        %get3A_434 = arith.constant 16 : index
        %get3A_435 = tpu.vector_load %arg4[%get3A_433, %get3A_434] {strides = array<i32>} : memref<256x128xf32, #tpu.memory_space<vmem>>, vector<1x16xf32>,
        %get3A_436 = vector.shape_cast %get3A_435 : vector<1x16xf32> to vector<16xf32>
        %get3A_437 = arith.constant 128 : i32
        %get3A_438 = arith.index_cast %get3A_437 : i32 to index
        %get3A_439 = arith.constant 32 : index
        %get3A_440 = tpu.vector_load %arg4[%get3A_438, %get3A_439] {strides = array<i32>} : memref<256x128xf32, #tpu.memory_space<vmem>>, vector<1x16xf32>,
        %get3A_441 = vector.shape_cast %get3A_440 : vector<1x16xf32> to vector<16xf32>
        %get3A_442 = arith.constant 128 : i32
        %get3A_443 = arith.index_cast %get3A_442 : i32 to index
        %get3A_444 = arith.constant 48 : index
        %get3A_445 = tpu.vector_load %arg4[%get3A_443, %get3A_444] {strides = array<i32>} : memref<256x128xf32, #tpu.memory_space<vmem>>, vector<1x16xf32>,
        %get3A_446 = vector.shape_cast %get3A_445 : vector<1x16xf32> to vector<16xf32>
        %get3A_447 = arith.constant 128 : i32
        %get3A_448 = arith.index_cast %get3A_447 : i32 to index
        %get3A_449 = arith.constant 64 : index
        %get3A_450 = tpu.vector_load %arg4[%get3A_448, %get3A_449] {strides = array<i32>} : memref<256x128xf32, #tpu.memory_space<vmem>>, vector<1x16xf32>,
        %get3A_451 = vector.shape_cast %get3A_450 : vector<1x16xf32> to vector<16xf32>
        %get3A_452 = arith.constant 128 : i32
        %get3A_453 = arith.index_cast %get3A_452 : i32 to index
        %get3A_454 = arith.constant 80 : index
        %get3A_455 = tpu.vector_load %arg4[%get3A_453, %get3A_454] {strides = array<i32>} : memref<256x128xf32, #tpu.memory_space<vmem>>, vector<1x16xf32>,
        %get3A_456 = vector.shape_cast %get3A_455 : vector<1x16xf32> to vector<16xf32>
        %get3A_457 = arith.constant 128 : i32
        %get3A_458 = arith.index_cast %get3A_457 : i32 to index
        %get3A_459 = arith.constant 96 : index
        %get3A_460 = tpu.vector_load %arg4[%get3A_458, %get3A_459] {strides = array<i32>} : memref<256x128xf32, #tpu.memory_space<vmem>>, vector<1x16xf32>,
        %get3A_461 = vector.shape_cast %get3A_460 : vector<1x16xf32> to vector<16xf32>
        %get3A_462 = arith.constant 128 : i32
        %get3A_463 = arith.index_cast %get3A_462 : i32 to index
        %get3A_464 = arith.constant 112 : index
        %get3A_465 = tpu.vector_load %arg4[%get3A_463, %get3A_464] {strides = array<i32>} : memref<256x128xf32, #tpu.memory_space<vmem>>, vector<1x16xf32>,
        %get3A_466 = vector.shape_cast %get3A_465 : vector<1x16xf32> to vector<16xf32>
        %get3A_467 = arith.constant 160 : i32
        %get3A_468 = arith.index_cast %get3A_467 : i32 to index
        %get3A_469 = arith.constant 0 : index
        %get3A_470 = tpu.vector_load %arg4[%get3A_468, %get3A_469] {strides = array<i32>} : memref<256x128xf32, #tpu.memory_space<vmem>>, vector<1x16xf32>,
        %get3A_471 = vector.shape_cast %get3A_470 : vector<1x16xf32> to vector<16xf32>
        %get3A_472 = arith.constant 160 : i32
        %get3A_473 = arith.index_cast %get3A_472 : i32 to index
        %get3A_474 = arith.constant 16 : index
        %get3A_475 = tpu.vector_load %arg4[%get3A_473, %get3A_474] {strides = array<i32>} : memref<256x128xf32, #tpu.memory_space<vmem>>, vector<1x16xf32>,
        %get3A_476 = vector.shape_cast %get3A_475 : vector<1x16xf32> to vector<16xf32>
        %get3A_477 = arith.constant 160 : i32
        %get3A_478 = arith.index_cast %get3A_477 : i32 to index
        %get3A_479 = arith.constant 32 : index
        %get3A_480 = tpu.vector_load %arg4[%get3A_478, %get3A_479] {strides = array<i32>} : memref<256x128xf32, #tpu.memory_space<vmem>>, vector<1x16xf32>,
        %get3A_481 = vector.shape_cast %get3A_480 : vector<1x16xf32> to vector<16xf32>
        %get3A_482 = arith.constant 160 : i32
        %get3A_483 = arith.index_cast %get3A_482 : i32 to index
        %get3A_484 = arith.constant 48 : index
        %get3A_485 = tpu.vector_load %arg4[%get3A_483, %get3A_484] {strides = array<i32>} : memref<256x128xf32, #tpu.memory_space<vmem>>, vector<1x16xf32>,
        %get3A_486 = vector.shape_cast %get3A_485 : vector<1x16xf32> to vector<16xf32>
        %get3A_487 = arith.constant 160 : i32
        %get3A_488 = arith.index_cast %get3A_487 : i32 to index
        %get3A_489 = arith.constant 64 : index
        %get3A_490 = tpu.vector_load %arg4[%get3A_488, %get3A_489] {strides = array<i32>} : memref<256x128xf32, #tpu.memory_space<vmem>>, vector<1x16xf32>,
        %get3A_491 = vector.shape_cast %get3A_490 : vector<1x16xf32> to vector<16xf32>
        %get3A_492 = arith.constant 160 : i32
        %get3A_493 = arith.index_cast %get3A_492 : i32 to index
        %get3A_494 = arith.constant 80 : index
        %get3A_495 = tpu.vector_load %arg4[%get3A_493, %get3A_494] {strides = array<i32>} : memref<256x128xf32, #tpu.memory_space<vmem>>, vector<1x16xf32>,
        %get3A_496 = vector.shape_cast %get3A_495 : vector<1x16xf32> to vector<16xf32>
        %get3A_497 = arith.constant 160 : i32
        %get3A_498 = arith.index_cast %get3A_497 : i32 to index
        %get3A_499 = arith.constant 96 : index
        %get3A_500 = tpu.vector_load %arg4[%get3A_498, %get3A_499] {strides = array<i32>} : memref<256x128xf32, #tpu.memory_space<vmem>>, vector<1x16xf32>,
        %get3A_501 = vector.shape_cast %get3A_500 : vector<1x16xf32> to vector<16xf32>
        %get3A_502 = arith.constant 160 : i32
        %get3A_503 = arith.index_cast %get3A_502 : i32 to index
        %get3A_504 = arith.constant 112 : index
        %get3A_505 = tpu.vector_load %arg4[%get3A_503, %get3A_504] {strides = array<i32>} : memref<256x128xf32, #tpu.memory_space<vmem>>, vector<1x16xf32>,
        %get3A_506 = vector.shape_cast %get3A_505 : vector<1x16xf32> to vector<16xf32>
        %get3A_507 = arith.constant 192 : i32
        %get3A_508 = arith.index_cast %get3A_507 : i32 to index
        %get3A_509 = arith.constant 0 : index
        %get3A_510 = tpu.vector_load %arg4[%get3A_508, %get3A_509] {strides = array<i32>} : memref<256x128xf32, #tpu.memory_space<vmem>>, vector<1x16xf32>,
        %get3A_511 = vector.shape_cast %get3A_510 : vector<1x16xf32> to vector<16xf32>
        %get3A_512 = arith.constant 192 : i32
        %get3A_513 = arith.index_cast %get3A_512 : i32 to index
        %get3A_514 = arith.constant 16 : index
        %get3A_515 = tpu.vector_load %arg4[%get3A_513, %get3A_514] {strides = array<i32>} : memref<256x128xf32, #tpu.memory_space<vmem>>, vector<1x16xf32>,
        %get3A_516 = vector.shape_cast %get3A_515 : vector<1x16xf32> to vector<16xf32>
        %get3A_517 = arith.constant 192 : i32
        %get3A_518 = arith.index_cast %get3A_517 : i32 to index
        %get3A_519 = arith.constant 32 : index
        %get3A_520 = tpu.vector_load %arg4[%get3A_518, %get3A_519] {strides = array<i32>} : memref<256x128xf32, #tpu.memory_space<vmem>>, vector<1x16xf32>,
        %get3A_521 = vector.shape_cast %get3A_520 : vector<1x16xf32> to vector<16xf32>
        %get3A_522 = arith.constant 192 : i32
        %get3A_523 = arith.index_cast %get3A_522 : i32 to index
        %get3A_524 = arith.constant 48 : index
        %get3A_525 = tpu.vector_load %arg4[%get3A_523, %get3A_524] {strides = array<i32>} : memref<256x128xf32, #tpu.memory_space<vmem>>, vector<1x16xf32>,
        %get3A_526 = vector.shape_cast %get3A_525 : vector<1x16xf32> to vector<16xf32>
        %get3A_527 = arith.constant 192 : i32
        %get3A_528 = arith.index_cast %get3A_527 : i32 to index
        %get3A_529 = arith.constant 64 : index
        %get3A_530 = tpu.vector_load %arg4[%get3A_528, %get3A_529] {strides = array<i32>} : memref<256x128xf32, #tpu.memory_space<vmem>>, vector<1x16xf32>,
        %get3A_531 = vector.shape_cast %get3A_530 : vector<1x16xf32> to vector<16xf32>
        %get3A_532 = arith.constant 192 : i32
        %get3A_533 = arith.index_cast %get3A_532 : i32 to index
        %get3A_534 = arith.constant 80 : index
        %get3A_535 = tpu.vector_load %arg4[%get3A_533, %get3A_534] {strides = array<i32>} : memref<256x128xf32, #tpu.memory_space<vmem>>, vector<1x16xf32>,
        %get3A_536 = vector.shape_cast %get3A_535 : vector<1x16xf32> to vector<16xf32>
        %get3A_537 = arith.constant 192 : i32
        %get3A_538 = arith.index_cast %get3A_537 : i32 to index
        %get3A_539 = arith.constant 96 : index
        %get3A_540 = tpu.vector_load %arg4[%get3A_538, %get3A_539] {strides = array<i32>} : memref<256x128xf32, #tpu.memory_space<vmem>>, vector<1x16xf32>,
        %get3A_541 = vector.shape_cast %get3A_540 : vector<1x16xf32> to vector<16xf32>
        %get3A_542 = arith.constant 192 : i32
        %get3A_543 = arith.index_cast %get3A_542 : i32 to index
        %get3A_544 = arith.constant 112 : index
        %get3A_545 = tpu.vector_load %arg4[%get3A_543, %get3A_544] {strides = array<i32>} : memref<256x128xf32, #tpu.memory_space<vmem>>, vector<1x16xf32>,
        %get3A_546 = vector.shape_cast %get3A_545 : vector<1x16xf32> to vector<16xf32>
        %get3A_547 = arith.constant 224 : i32
        %get3A_548 = arith.index_cast %get3A_547 : i32 to index
        %get3A_549 = arith.constant 0 : index
        %get3A_550 = tpu.vector_load %arg4[%get3A_548, %get3A_549] {strides = array<i32>} : memref<256x128xf32, #tpu.memory_space<vmem>>, vector<1x16xf32>,
        %get3A_551 = vector.shape_cast %get3A_550 : vector<1x16xf32> to vector<16xf32>
        %get3A_552 = arith.constant 224 : i32
        %get3A_553 = arith.index_cast %get3A_552 : i32 to index
        %get3A_554 = arith.constant 16 : index
        %get3A_555 = tpu.vector_load %arg4[%get3A_553, %get3A_554] {strides = array<i32>} : memref<256x128xf32, #tpu.memory_space<vmem>>, vector<1x16xf32>,
        %get3A_556 = vector.shape_cast %get3A_555 : vector<1x16xf32> to vector<16xf32>
        %get3A_557 = arith.constant 224 : i32
        %get3A_558 = arith.index_cast %get3A_557 : i32 to index
        %get3A_559 = arith.constant 32 : index
        %get3A_560 = tpu.vector_load %arg4[%get3A_558, %get3A_559] {strides = array<i32>} : memref<256x128xf32, #tpu.memory_space<vmem>>, vector<1x16xf32>,
        %get3A_561 = vector.shape_cast %get3A_560 : vector<1x16xf32> to vector<16xf32>
        %get3A_562 = arith.constant 224 : i32
        %get3A_563 = arith.index_cast %get3A_562 : i32 to index
        %get3A_564 = arith.constant 48 : index
        %get3A_565 = tpu.vector_load %arg4[%get3A_563, %get3A_564] {strides = array<i32>} : memref<256x128xf32, #tpu.memory_space<vmem>>, vector<1x16xf32>,
        %get3A_566 = vector.shape_cast %get3A_565 : vector<1x16xf32> to vector<16xf32>
        %get3A_567 = arith.constant 224 : i32
        %get3A_568 = arith.index_cast %get3A_567 : i32 to index
        %get3A_569 = arith.constant 64 : index
        %get3A_570 = tpu.vector_load %arg4[%get3A_568, %get3A_569] {strides = array<i32>} : memref<256x128xf32, #tpu.memory_space<vmem>>, vector<1x16xf32>,
        %get3A_571 = vector.shape_cast %get3A_570 : vector<1x16xf32> to vector<16xf32>
        %get3A_572 = arith.constant 224 : i32
        %get3A_573 = arith.index_cast %get3A_572 : i32 to index
        %get3A_574 = arith.constant 80 : index
        %get3A_575 = tpu.vector_load %arg4[%get3A_573, %get3A_574] {strides = array<i32>} : memref<256x128xf32, #tpu.memory_space<vmem>>, vector<1x16xf32>,
        %get3A_576 = vector.shape_cast %get3A_575 : vector<1x16xf32> to vector<16xf32>
        %get3A_577 = arith.constant 224 : i32
        %get3A_578 = arith.index_cast %get3A_577 : i32 to index
        %get3A_579 = arith.constant 96 : index
        %get3A_580 = tpu.vector_load %arg4[%get3A_578, %get3A_579] {strides = array<i32>} : memref<256x128xf32, #tpu.memory_space<vmem>>, vector<1x16xf32>,
        %get3A_581 = vector.shape_cast %get3A_580 : vector<1x16xf32> to vector<16xf32>
        %get3A_582 = arith.constant 224 : i32
        %get3A_583 = arith.index_cast %get3A_582 : i32 to index
        %get3A_584 = arith.constant 112 : index
        %get3A_585 = tpu.vector_load %arg4[%get3A_583, %get3A_584] {strides = array<i32>} : memref<256x128xf32, #tpu.memory_space<vmem>>, vector<1x16xf32>,
        %get3A_586 = vector.shape_cast %get3A_585 : vector<1x16xf32> to vector<16xf32>
        %scan3A_587 = arith.constant 1 : i32
        %scan3A_588 = arith.constant 31 : i32
        %scan3A_589 = arith.addi %scan3A_587, %scan3A_588 : i32
        %scan3A_590 = arith.constant 1 : i32
        %scan3A_591:32 = scf.for %scan3A_796 = %scan3A_587 to %scan3A_589 step %scan3A_590 iter_args(%scan3A_797 = %get3A_431, %scan3A_798 = %get3A_436, %scan3A_799 = %get3A_441, %scan3A_800 = %get3A_446, %scan3A_801 = %get3A_451, %scan3A_802 = %get3A_456, %scan3A_803 = %get3A_461, %scan3A_804 = %get3A_466, %scan3A_805 = %get3A_471, %scan3A_806 = %get3A_476, %scan3A_807 = %get3A_481, %scan3A_808 = %get3A_486, %scan3A_809 = %get3A_491, %scan3A_810 = %get3A_496, %scan3A_811 = %get3A_501, %scan3A_812 = %get3A_506, %scan3A_813 = %get3A_511, %scan3A_814 = %get3A_516, %scan3A_815 = %get3A_521, %scan3A_816 = %get3A_526, %scan3A_817 = %get3A_531, %scan3A_818 = %get3A_536, %scan3A_819 = %get3A_541, %scan3A_820 = %get3A_546, %scan3A_821 = %get3A_551, %scan3A_822 = %get3A_556, %scan3A_823 = %get3A_561, %scan3A_824 = %get3A_566, %scan3A_825 = %get3A_571, %scan3A_826 = %get3A_576, %scan3A_827 = %get3A_581, %scan3A_828 = %get3A_586) -> (vector<16xf32>, vector<16xf32>, vector<16xf32>, vector<16xf32>, vector<16xf32>, vector<16xf32>, vector<16xf32>, vector<16xf32>, vector<16xf32>, vector<16xf32>, vector<16xf32>, vector<16xf32>, vector<16xf32>, vector<16xf32>, vector<16xf32>, vector<16xf32>, vector<16xf32>, vector<16xf32>, vector<16xf32>, vector<16xf32>, vector<16xf32>, vector<16xf32>, vector<16xf32>, vector<16xf32>, vector<16xf32>, vector<16xf32>, vector<16xf32>, vector<16xf32>, vector<16xf32>, vector<16xf32>, vector<16xf32>, vector<16xf32>)  : i32 {
          %add3A_829 = arith.constant 128 : i32
          %add3A_830 = arith.addi %add3A_829, %scan3A_796 : i32
          %get3A_831 = arith.index_cast %add3A_830 : i32 to index
          %get3A_832 = arith.constant 0 : index
          %get3A_833 = tpu.vector_load %arg4[%get3A_831, %get3A_832] {strides = array<i32>} : memref<256x128xf32, #tpu.memory_space<vmem>>, vector<1x16xf32>,
          %get3A_834 = vector.shape_cast %get3A_833 : vector<1x16xf32> to vector<16xf32>
          %add3A_835 = arith.addf %scan3A_797, %get3A_834 : vector<16xf32>
          %add3A_836 = arith.constant 128 : i32
          %add3A_837 = arith.addi %add3A_836, %scan3A_796 : i32
          %get3A_838 = arith.index_cast %add3A_837 : i32 to index
          %get3A_839 = arith.constant 16 : index
          %get3A_840 = tpu.vector_load %arg4[%get3A_838, %get3A_839] {strides = array<i32>} : memref<256x128xf32, #tpu.memory_space<vmem>>, vector<1x16xf32>,
          %get3A_841 = vector.shape_cast %get3A_840 : vector<1x16xf32> to vector<16xf32>
          %add3A_842 = arith.addf %scan3A_798, %get3A_841 : vector<16xf32>
          %add3A_843 = arith.constant 128 : i32
          %add3A_844 = arith.addi %add3A_843, %scan3A_796 : i32
          %get3A_845 = arith.index_cast %add3A_844 : i32 to index
          %get3A_846 = arith.constant 32 : index
          %get3A_847 = tpu.vector_load %arg4[%get3A_845, %get3A_846] {strides = array<i32>} : memref<256x128xf32, #tpu.memory_space<vmem>>, vector<1x16xf32>,
          %get3A_848 = vector.shape_cast %get3A_847 : vector<1x16xf32> to vector<16xf32>
          %add3A_849 = arith.addf %scan3A_799, %get3A_848 : vector<16xf32>
          %add3A_850 = arith.constant 128 : i32
          %add3A_851 = arith.addi %add3A_850, %scan3A_796 : i32
          %get3A_852 = arith.index_cast %add3A_851 : i32 to index
          %get3A_853 = arith.constant 48 : index
          %get3A_854 = tpu.vector_load %arg4[%get3A_852, %get3A_853] {strides = array<i32>} : memref<256x128xf32, #tpu.memory_space<vmem>>, vector<1x16xf32>,
          %get3A_855 = vector.shape_cast %get3A_854 : vector<1x16xf32> to vector<16xf32>
          %add3A_856 = arith.addf %scan3A_800, %get3A_855 : vector<16xf32>
          %add3A_857 = arith.constant 128 : i32
          %add3A_858 = arith.addi %add3A_857, %scan3A_796 : i32
          %get3A_859 = arith.index_cast %add3A_858 : i32 to index
          %get3A_860 = arith.constant 64 : index
          %get3A_861 = tpu.vector_load %arg4[%get3A_859, %get3A_860] {strides = array<i32>} : memref<256x128xf32, #tpu.memory_space<vmem>>, vector<1x16xf32>,
          %get3A_862 = vector.shape_cast %get3A_861 : vector<1x16xf32> to vector<16xf32>
          %add3A_863 = arith.addf %scan3A_801, %get3A_862 : vector<16xf32>
          %add3A_864 = arith.constant 128 : i32
          %add3A_865 = arith.addi %add3A_864, %scan3A_796 : i32
          %get3A_866 = arith.index_cast %add3A_865 : i32 to index
          %get3A_867 = arith.constant 80 : index
          %get3A_868 = tpu.vector_load %arg4[%get3A_866, %get3A_867] {strides = array<i32>} : memref<256x128xf32, #tpu.memory_space<vmem>>, vector<1x16xf32>,
          %get3A_869 = vector.shape_cast %get3A_868 : vector<1x16xf32> to vector<16xf32>
          %add3A_870 = arith.addf %scan3A_802, %get3A_869 : vector<16xf32>
          %add3A_871 = arith.constant 128 : i32
          %add3A_872 = arith.addi %add3A_871, %scan3A_796 : i32
          %get3A_873 = arith.index_cast %add3A_872 : i32 to index
          %get3A_874 = arith.constant 96 : index
          %get3A_875 = tpu.vector_load %arg4[%get3A_873, %get3A_874] {strides = array<i32>} : memref<256x128xf32, #tpu.memory_space<vmem>>, vector<1x16xf32>,
          %get3A_876 = vector.shape_cast %get3A_875 : vector<1x16xf32> to vector<16xf32>
          %add3A_877 = arith.addf %scan3A_803, %get3A_876 : vector<16xf32>
          %add3A_878 = arith.constant 128 : i32
          %add3A_879 = arith.addi %add3A_878, %scan3A_796 : i32
          %get3A_880 = arith.index_cast %add3A_879 : i32 to index
          %get3A_881 = arith.constant 112 : index
          %get3A_882 = tpu.vector_load %arg4[%get3A_880, %get3A_881] {strides = array<i32>} : memref<256x128xf32, #tpu.memory_space<vmem>>, vector<1x16xf32>,
          %get3A_883 = vector.shape_cast %get3A_882 : vector<1x16xf32> to vector<16xf32>
          %add3A_884 = arith.addf %scan3A_804, %get3A_883 : vector<16xf32>
          %add3A_885 = arith.constant 160 : i32
          %add3A_886 = arith.addi %add3A_885, %scan3A_796 : i32
          %get3A_887 = arith.index_cast %add3A_886 : i32 to index
          %get3A_888 = arith.constant 0 : index
          %get3A_889 = tpu.vector_load %arg4[%get3A_887, %get3A_888] {strides = array<i32>} : memref<256x128xf32, #tpu.memory_space<vmem>>, vector<1x16xf32>,
          %get3A_890 = vector.shape_cast %get3A_889 : vector<1x16xf32> to vector<16xf32>
          %add3A_891 = arith.addf %scan3A_805, %get3A_890 : vector<16xf32>
          %add3A_892 = arith.constant 160 : i32
          %add3A_893 = arith.addi %add3A_892, %scan3A_796 : i32
          %get3A_894 = arith.index_cast %add3A_893 : i32 to index
          %get3A_895 = arith.constant 16 : index
          %get3A_896 = tpu.vector_load %arg4[%get3A_894, %get3A_895] {strides = array<i32>} : memref<256x128xf32, #tpu.memory_space<vmem>>, vector<1x16xf32>,
          %get3A_897 = vector.shape_cast %get3A_896 : vector<1x16xf32> to vector<16xf32>
          %add3A_898 = arith.addf %scan3A_806, %get3A_897 : vector<16xf32>
          %add3A_899 = arith.constant 160 : i32
          %add3A_900 = arith.addi %add3A_899, %scan3A_796 : i32
          %get3A_901 = arith.index_cast %add3A_900 : i32 to index
          %get3A_902 = arith.constant 32 : index
          %get3A_903 = tpu.vector_load %arg4[%get3A_901, %get3A_902] {strides = array<i32>} : memref<256x128xf32, #tpu.memory_space<vmem>>, vector<1x16xf32>,
          %get3A_904 = vector.shape_cast %get3A_903 : vector<1x16xf32> to vector<16xf32>
          %add3A_905 = arith.addf %scan3A_807, %get3A_904 : vector<16xf32>
          %add3A_906 = arith.constant 160 : i32
          %add3A_907 = arith.addi %add3A_906, %scan3A_796 : i32
          %get3A_908 = arith.index_cast %add3A_907 : i32 to index
          %get3A_909 = arith.constant 48 : index
          %get3A_910 = tpu.vector_load %arg4[%get3A_908, %get3A_909] {strides = array<i32>} : memref<256x128xf32, #tpu.memory_space<vmem>>, vector<1x16xf32>,
          %get3A_911 = vector.shape_cast %get3A_910 : vector<1x16xf32> to vector<16xf32>
          %add3A_912 = arith.addf %scan3A_808, %get3A_911 : vector<16xf32>
          %add3A_913 = arith.constant 160 : i32
          %add3A_914 = arith.addi %add3A_913, %scan3A_796 : i32
          %get3A_915 = arith.index_cast %add3A_914 : i32 to index
          %get3A_916 = arith.constant 64 : index
          %get3A_917 = tpu.vector_load %arg4[%get3A_915, %get3A_916] {strides = array<i32>} : memref<256x128xf32, #tpu.memory_space<vmem>>, vector<1x16xf32>,
          %get3A_918 = vector.shape_cast %get3A_917 : vector<1x16xf32> to vector<16xf32>
          %add3A_919 = arith.addf %scan3A_809, %get3A_918 : vector<16xf32>
          %add3A_920 = arith.constant 160 : i32
          %add3A_921 = arith.addi %add3A_920, %scan3A_796 : i32
          %get3A_922 = arith.index_cast %add3A_921 : i32 to index
          %get3A_923 = arith.constant 80 : index
          %get3A_924 = tpu.vector_load %arg4[%get3A_922, %get3A_923] {strides = array<i32>} : memref<256x128xf32, #tpu.memory_space<vmem>>, vector<1x16xf32>,
          %get3A_925 = vector.shape_cast %get3A_924 : vector<1x16xf32> to vector<16xf32>
          %add3A_926 = arith.addf %scan3A_810, %get3A_925 : vector<16xf32>
          %add3A_927 = arith.constant 160 : i32
          %add3A_928 = arith.addi %add3A_927, %scan3A_796 : i32
          %get3A_929 = arith.index_cast %add3A_928 : i32 to index
          %get3A_930 = arith.constant 96 : index
          %get3A_931 = tpu.vector_load %arg4[%get3A_929, %get3A_930] {strides = array<i32>} : memref<256x128xf32, #tpu.memory_space<vmem>>, vector<1x16xf32>,
          %get3A_932 = vector.shape_cast %get3A_931 : vector<1x16xf32> to vector<16xf32>
          %add3A_933 = arith.addf %scan3A_811, %get3A_932 : vector<16xf32>
          %add3A_934 = arith.constant 160 : i32
          %add3A_935 = arith.addi %add3A_934, %scan3A_796 : i32
          %get3A_936 = arith.index_cast %add3A_935 : i32 to index
          %get3A_937 = arith.constant 112 : index
          %get3A_938 = tpu.vector_load %arg4[%get3A_936, %get3A_937] {strides = array<i32>} : memref<256x128xf32, #tpu.memory_space<vmem>>, vector<1x16xf32>,
          %get3A_939 = vector.shape_cast %get3A_938 : vector<1x16xf32> to vector<16xf32>
          %add3A_940 = arith.addf %scan3A_812, %get3A_939 : vector<16xf32>
          %add3A_941 = arith.constant 192 : i32
          %add3A_942 = arith.addi %add3A_941, %scan3A_796 : i32
          %get3A_943 = arith.index_cast %add3A_942 : i32 to index
          %get3A_944 = arith.constant 0 : index
          %get3A_945 = tpu.vector_load %arg4[%get3A_943, %get3A_944] {strides = array<i32>} : memref<256x128xf32, #tpu.memory_space<vmem>>, vector<1x16xf32>,
          %get3A_946 = vector.shape_cast %get3A_945 : vector<1x16xf32> to vector<16xf32>
          %add3A_947 = arith.addf %scan3A_813, %get3A_946 : vector<16xf32>
          %add3A_948 = arith.constant 192 : i32
          %add3A_949 = arith.addi %add3A_948, %scan3A_796 : i32
          %get3A_950 = arith.index_cast %add3A_949 : i32 to index
          %get3A_951 = arith.constant 16 : index
          %get3A_952 = tpu.vector_load %arg4[%get3A_950, %get3A_951] {strides = array<i32>} : memref<256x128xf32, #tpu.memory_space<vmem>>, vector<1x16xf32>,
          %get3A_953 = vector.shape_cast %get3A_952 : vector<1x16xf32> to vector<16xf32>
          %add3A_954 = arith.addf %scan3A_814, %get3A_953 : vector<16xf32>
          %add3A_955 = arith.constant 192 : i32
          %add3A_956 = arith.addi %add3A_955, %scan3A_796 : i32
          %get3A_957 = arith.index_cast %add3A_956 : i32 to index
          %get3A_958 = arith.constant 32 : index
          %get3A_959 = tpu.vector_load %arg4[%get3A_957, %get3A_958] {strides = array<i32>} : memref<256x128xf32, #tpu.memory_space<vmem>>, vector<1x16xf32>,
          %get3A_960 = vector.shape_cast %get3A_959 : vector<1x16xf32> to vector<16xf32>
          %add3A_961 = arith.addf %scan3A_815, %get3A_960 : vector<16xf32>
          %add3A_962 = arith.constant 192 : i32
          %add3A_963 = arith.addi %add3A_962, %scan3A_796 : i32
          %get3A_964 = arith.index_cast %add3A_963 : i32 to index
          %get3A_965 = arith.constant 48 : index
          %get3A_966 = tpu.vector_load %arg4[%get3A_964, %get3A_965] {strides = array<i32>} : memref<256x128xf32, #tpu.memory_space<vmem>>, vector<1x16xf32>,
          %get3A_967 = vector.shape_cast %get3A_966 : vector<1x16xf32> to vector<16xf32>
          %add3A_968 = arith.addf %scan3A_816, %get3A_967 : vector<16xf32>
          %add3A_969 = arith.constant 192 : i32
          %add3A_970 = arith.addi %add3A_969, %scan3A_796 : i32
          %get3A_971 = arith.index_cast %add3A_970 : i32 to index
          %get3A_972 = arith.constant 64 : index
          %get3A_973 = tpu.vector_load %arg4[%get3A_971, %get3A_972] {strides = array<i32>} : memref<256x128xf32, #tpu.memory_space<vmem>>, vector<1x16xf32>,
          %get3A_974 = vector.shape_cast %get3A_973 : vector<1x16xf32> to vector<16xf32>
          %add3A_975 = arith.addf %scan3A_817, %get3A_974 : vector<16xf32>
          %add3A_976 = arith.constant 192 : i32
          %add3A_977 = arith.addi %add3A_976, %scan3A_796 : i32
          %get3A_978 = arith.index_cast %add3A_977 : i32 to index
          %get3A_979 = arith.constant 80 : index
          %get3A_980 = tpu.vector_load %arg4[%get3A_978, %get3A_979] {strides = array<i32>} : memref<256x128xf32, #tpu.memory_space<vmem>>, vector<1x16xf32>,
          %get3A_981 = vector.shape_cast %get3A_980 : vector<1x16xf32> to vector<16xf32>
          %add3A_982 = arith.addf %scan3A_818, %get3A_981 : vector<16xf32>
          %add3A_983 = arith.constant 192 : i32
          %add3A_984 = arith.addi %add3A_983, %scan3A_796 : i32
          %get3A_985 = arith.index_cast %add3A_984 : i32 to index
          %get3A_986 = arith.constant 96 : index
          %get3A_987 = tpu.vector_load %arg4[%get3A_985, %get3A_986] {strides = array<i32>} : memref<256x128xf32, #tpu.memory_space<vmem>>, vector<1x16xf32>,
          %get3A_988 = vector.shape_cast %get3A_987 : vector<1x16xf32> to vector<16xf32>
          %add3A_989 = arith.addf %scan3A_819, %get3A_988 : vector<16xf32>
          %add3A_990 = arith.constant 192 : i32
          %add3A_991 = arith.addi %add3A_990, %scan3A_796 : i32
          %get3A_992 = arith.index_cast %add3A_991 : i32 to index
          %get3A_993 = arith.constant 112 : index
          %get3A_994 = tpu.vector_load %arg4[%get3A_992, %get3A_993] {strides = array<i32>} : memref<256x128xf32, #tpu.memory_space<vmem>>, vector<1x16xf32>,
          %get3A_995 = vector.shape_cast %get3A_994 : vector<1x16xf32> to vector<16xf32>
          %add3A_996 = arith.addf %scan3A_820, %get3A_995 : vector<16xf32>
          %add3A_997 = arith.constant 224 : i32
          %add3A_998 = arith.addi %add3A_997, %scan3A_796 : i32
          %get3A_999 = arith.index_cast %add3A_998 : i32 to index
          %get3A_1000 = arith.constant 0 : index
          %get3A_1001 = tpu.vector_load %arg4[%get3A_999, %get3A_1000] {strides = array<i32>} : memref<256x128xf32, #tpu.memory_space<vmem>>, vector<1x16xf32>,
          %get3A_1002 = vector.shape_cast %get3A_1001 : vector<1x16xf32> to vector<16xf32>
          %add3A_1003 = arith.addf %scan3A_821, %get3A_1002 : vector<16xf32>
          %add3A_1004 = arith.constant 224 : i32
          %add3A_1005 = arith.addi %add3A_1004, %scan3A_796 : i32
          %get3A_1006 = arith.index_cast %add3A_1005 : i32 to index
          %get3A_1007 = arith.constant 16 : index
          %get3A_1008 = tpu.vector_load %arg4[%get3A_1006, %get3A_1007] {strides = array<i32>} : memref<256x128xf32, #tpu.memory_space<vmem>>, vector<1x16xf32>,
          %get3A_1009 = vector.shape_cast %get3A_1008 : vector<1x16xf32> to vector<16xf32>
          %add3A_1010 = arith.addf %scan3A_822, %get3A_1009 : vector<16xf32>
          %add3A_1011 = arith.constant 224 : i32
          %add3A_1012 = arith.addi %add3A_1011, %scan3A_796 : i32
          %get3A_1013 = arith.index_cast %add3A_1012 : i32 to index
          %get3A_1014 = arith.constant 32 : index
          %get3A_1015 = tpu.vector_load %arg4[%get3A_1013, %get3A_1014] {strides = array<i32>} : memref<256x128xf32, #tpu.memory_space<vmem>>, vector<1x16xf32>,
          %get3A_1016 = vector.shape_cast %get3A_1015 : vector<1x16xf32> to vector<16xf32>
          %add3A_1017 = arith.addf %scan3A_823, %get3A_1016 : vector<16xf32>
          %add3A_1018 = arith.constant 224 : i32
          %add3A_1019 = arith.addi %add3A_1018, %scan3A_796 : i32
          %get3A_1020 = arith.index_cast %add3A_1019 : i32 to index
          %get3A_1021 = arith.constant 48 : index
          %get3A_1022 = tpu.vector_load %arg4[%get3A_1020, %get3A_1021] {strides = array<i32>} : memref<256x128xf32, #tpu.memory_space<vmem>>, vector<1x16xf32>,
          %get3A_1023 = vector.shape_cast %get3A_1022 : vector<1x16xf32> to vector<16xf32>
          %add3A_1024 = arith.addf %scan3A_824, %get3A_1023 : vector<16xf32>
          %add3A_1025 = arith.constant 224 : i32
          %add3A_1026 = arith.addi %add3A_1025, %scan3A_796 : i32
          %get3A_1027 = arith.index_cast %add3A_1026 : i32 to index
          %get3A_1028 = arith.constant 64 : index
          %get3A_1029 = tpu.vector_load %arg4[%get3A_1027, %get3A_1028] {strides = array<i32>} : memref<256x128xf32, #tpu.memory_space<vmem>>, vector<1x16xf32>,
          %get3A_1030 = vector.shape_cast %get3A_1029 : vector<1x16xf32> to vector<16xf32>
          %add3A_1031 = arith.addf %scan3A_825, %get3A_1030 : vector<16xf32>
          %add3A_1032 = arith.constant 224 : i32
          %add3A_1033 = arith.addi %add3A_1032, %scan3A_796 : i32
          %get3A_1034 = arith.index_cast %add3A_1033 : i32 to index
          %get3A_1035 = arith.constant 80 : index
          %get3A_1036 = tpu.vector_load %arg4[%get3A_1034, %get3A_1035] {strides = array<i32>} : memref<256x128xf32, #tpu.memory_space<vmem>>, vector<1x16xf32>,
          %get3A_1037 = vector.shape_cast %get3A_1036 : vector<1x16xf32> to vector<16xf32>
          %add3A_1038 = arith.addf %scan3A_826, %get3A_1037 : vector<16xf32>
          %add3A_1039 = arith.constant 224 : i32
          %add3A_1040 = arith.addi %add3A_1039, %scan3A_796 : i32
          %get3A_1041 = arith.index_cast %add3A_1040 : i32 to index
          %get3A_1042 = arith.constant 96 : index
          %get3A_1043 = tpu.vector_load %arg4[%get3A_1041, %get3A_1042] {strides = array<i32>} : memref<256x128xf32, #tpu.memory_space<vmem>>, vector<1x16xf32>,
          %get3A_1044 = vector.shape_cast %get3A_1043 : vector<1x16xf32> to vector<16xf32>
          %add3A_1045 = arith.addf %scan3A_827, %get3A_1044 : vector<16xf32>
          %add3A_1046 = arith.constant 224 : i32
          %add3A_1047 = arith.addi %add3A_1046, %scan3A_796 : i32
          %get3A_1048 = arith.index_cast %add3A_1047 : i32 to index
          %get3A_1049 = arith.constant 112 : index
          %get3A_1050 = tpu.vector_load %arg4[%get3A_1048, %get3A_1049] {strides = array<i32>} : memref<256x128xf32, #tpu.memory_space<vmem>>, vector<1x16xf32>,
          %get3A_1051 = vector.shape_cast %get3A_1050 : vector<1x16xf32> to vector<16xf32>
          %add3A_1052 = arith.addf %scan3A_828, %get3A_1051 : vector<16xf32>
          scf.yield %add3A_835, %add3A_842, %add3A_849, %add3A_856, %add3A_863, %add3A_870, %add3A_877, %add3A_884, %add3A_891, %add3A_898, %add3A_905, %add3A_912, %add3A_919, %add3A_926, %add3A_933, %add3A_940, %add3A_947, %add3A_954, %add3A_961, %add3A_968, %add3A_975, %add3A_982, %add3A_989, %add3A_996, %add3A_1003, %add3A_1010, %add3A_1017, %add3A_1024, %add3A_1031, %add3A_1038, %add3A_1045, %add3A_1052 : vector<16xf32>, vector<16xf32>, vector<16xf32>, vector<16xf32>, vector<16xf32>, vector<16xf32>, vector<16xf32>, vector<16xf32>, vector<16xf32>, vector<16xf32>, vector<16xf32>, vector<16xf32>, vector<16xf32>, vector<16xf32>, vector<16xf32>, vector<16xf32>, vector<16xf32>, vector<16xf32>, vector<16xf32>, vector<16xf32>, vector<16xf32>, vector<16xf32>, vector<16xf32>, vector<16xf32>, vector<16xf32>, vector<16xf32>, vector<16xf32>, vector<16xf32>, vector<16xf32>, vector<16xf32>, vector<16xf32>, vector<16xf32>
        }
        %scan3A_592 = arith.constant 31 : i32
        %swap3A_593 = arith.constant 4 : i32
        %swap3A_594 = arith.index_cast %swap3A_593 : i32 to index
        %swap3A_595 = arith.constant 0 : index
        %swap3A_596 = tpu.vector_load %arg6[%swap3A_594, %swap3A_595] {strides = array<i32>} : memref<8x128xf32, #tpu.memory_space<vmem>>, vector<1x16xf32>,
        %swap3A_597 = vector.shape_cast %swap3A_596 : vector<1x16xf32> to vector<16xf32>
        %swap3A_598 = vector.shape_cast %scan3A_591#0 : vector<16xf32> to vector<1x16xf32>
        tpu.vector_store %arg6[%swap3A_594, %swap3A_595], %swap3A_598 {strides = array<i32>} : memref<8x128xf32, #tpu.memory_space<vmem>>, vector<1x16xf32>,
        %swap3A_599 = arith.constant 4 : i32
        %swap3A_600 = arith.index_cast %swap3A_599 : i32 to index
        %swap3A_601 = arith.constant 16 : index
        %swap3A_602 = tpu.vector_load %arg6[%swap3A_600, %swap3A_601] {strides = array<i32>} : memref<8x128xf32, #tpu.memory_space<vmem>>, vector<1x16xf32>,
        %swap3A_603 = vector.shape_cast %swap3A_602 : vector<1x16xf32> to vector<16xf32>
        %swap3A_604 = vector.shape_cast %scan3A_591#1 : vector<16xf32> to vector<1x16xf32>
        tpu.vector_store %arg6[%swap3A_600, %swap3A_601], %swap3A_604 {strides = array<i32>} : memref<8x128xf32, #tpu.memory_space<vmem>>, vector<1x16xf32>,
        %swap3A_605 = arith.constant 4 : i32
        %swap3A_606 = arith.index_cast %swap3A_605 : i32 to index
        %swap3A_607 = arith.constant 32 : index
        %swap3A_608 = tpu.vector_load %arg6[%swap3A_606, %swap3A_607] {strides = array<i32>} : memref<8x128xf32, #tpu.memory_space<vmem>>, vector<1x16xf32>,
        %swap3A_609 = vector.shape_cast %swap3A_608 : vector<1x16xf32> to vector<16xf32>
        %swap3A_610 = vector.shape_cast %scan3A_591#2 : vector<16xf32> to vector<1x16xf32>
        tpu.vector_store %arg6[%swap3A_606, %swap3A_607], %swap3A_610 {strides = array<i32>} : memref<8x128xf32, #tpu.memory_space<vmem>>, vector<1x16xf32>,
        %swap3A_611 = arith.constant 4 : i32
        %swap3A_612 = arith.index_cast %swap3A_611 : i32 to index
        %swap3A_613 = arith.constant 48 : index
        %swap3A_614 = tpu.vector_load %arg6[%swap3A_612, %swap3A_613] {strides = array<i32>} : memref<8x128xf32, #tpu.memory_space<vmem>>, vector<1x16xf32>,
        %swap3A_615 = vector.shape_cast %swap3A_614 : vector<1x16xf32> to vector<16xf32>
        %swap3A_616 = vector.shape_cast %scan3A_591#3 : vector<16xf32> to vector<1x16xf32>
        tpu.vector_store %arg6[%swap3A_612, %swap3A_613], %swap3A_616 {strides = array<i32>} : memref<8x128xf32, #tpu.memory_space<vmem>>, vector<1x16xf32>,
        %swap3A_617 = arith.constant 4 : i32
        %swap3A_618 = arith.index_cast %swap3A_617 : i32 to index
        %swap3A_619 = arith.constant 64 : index
        %swap3A_620 = tpu.vector_load %arg6[%swap3A_618, %swap3A_619] {strides = array<i32>} : memref<8x128xf32, #tpu.memory_space<vmem>>, vector<1x16xf32>,
        %swap3A_621 = vector.shape_cast %swap3A_620 : vector<1x16xf32> to vector<16xf32>
        %swap3A_622 = vector.shape_cast %scan3A_591#4 : vector<16xf32> to vector<1x16xf32>
        tpu.vector_store %arg6[%swap3A_618, %swap3A_619], %swap3A_622 {strides = array<i32>} : memref<8x128xf32, #tpu.memory_space<vmem>>, vector<1x16xf32>,
        %swap3A_623 = arith.constant 4 : i32
        %swap3A_624 = arith.index_cast %swap3A_623 : i32 to index
        %swap3A_625 = arith.constant 80 : index
        %swap3A_626 = tpu.vector_load %arg6[%swap3A_624, %swap3A_625] {strides = array<i32>} : memref<8x128xf32, #tpu.memory_space<vmem>>, vector<1x16xf32>,
        %swap3A_627 = vector.shape_cast %swap3A_626 : vector<1x16xf32> to vector<16xf32>
        %swap3A_628 = vector.shape_cast %scan3A_591#5 : vector<16xf32> to vector<1x16xf32>
        tpu.vector_store %arg6[%swap3A_624, %swap3A_625], %swap3A_628 {strides = array<i32>} : memref<8x128xf32, #tpu.memory_space<vmem>>, vector<1x16xf32>,
        %swap3A_629 = arith.constant 4 : i32
        %swap3A_630 = arith.index_cast %swap3A_629 : i32 to index
        %swap3A_631 = arith.constant 96 : index
        %swap3A_632 = tpu.vector_load %arg6[%swap3A_630, %swap3A_631] {strides = array<i32>} : memref<8x128xf32, #tpu.memory_space<vmem>>, vector<1x16xf32>,
        %swap3A_633 = vector.shape_cast %swap3A_632 : vector<1x16xf32> to vector<16xf32>
        %swap3A_634 = vector.shape_cast %scan3A_591#6 : vector<16xf32> to vector<1x16xf32>
        tpu.vector_store %arg6[%swap3A_630, %swap3A_631], %swap3A_634 {strides = array<i32>} : memref<8x128xf32, #tpu.memory_space<vmem>>, vector<1x16xf32>,
        %swap3A_635 = arith.constant 4 : i32
        %swap3A_636 = arith.index_cast %swap3A_635 : i32 to index
        %swap3A_637 = arith.constant 112 : index
        %swap3A_638 = tpu.vector_load %arg6[%swap3A_636, %swap3A_637] {strides = array<i32>} : memref<8x128xf32, #tpu.memory_space<vmem>>, vector<1x16xf32>,
        %swap3A_639 = vector.shape_cast %swap3A_638 : vector<1x16xf32> to vector<16xf32>
        %swap3A_640 = vector.shape_cast %scan3A_591#7 : vector<16xf32> to vector<1x16xf32>
        tpu.vector_store %arg6[%swap3A_636, %swap3A_637], %swap3A_640 {strides = array<i32>} : memref<8x128xf32, #tpu.memory_space<vmem>>, vector<1x16xf32>,
        %swap3A_641 = arith.constant 5 : i32
        %swap3A_642 = arith.index_cast %swap3A_641 : i32 to index
        %swap3A_643 = arith.constant 0 : index
        %swap3A_644 = tpu.vector_load %arg6[%swap3A_642, %swap3A_643] {strides = array<i32>} : memref<8x128xf32, #tpu.memory_space<vmem>>, vector<1x16xf32>,
        %swap3A_645 = vector.shape_cast %swap3A_644 : vector<1x16xf32> to vector<16xf32>
        %swap3A_646 = vector.shape_cast %scan3A_591#8 : vector<16xf32> to vector<1x16xf32>
        tpu.vector_store %arg6[%swap3A_642, %swap3A_643], %swap3A_646 {strides = array<i32>} : memref<8x128xf32, #tpu.memory_space<vmem>>, vector<1x16xf32>,
        %swap3A_647 = arith.constant 5 : i32
        %swap3A_648 = arith.index_cast %swap3A_647 : i32 to index
        %swap3A_649 = arith.constant 16 : index
        %swap3A_650 = tpu.vector_load %arg6[%swap3A_648, %swap3A_649] {strides = array<i32>} : memref<8x128xf32, #tpu.memory_space<vmem>>, vector<1x16xf32>,
        %swap3A_651 = vector.shape_cast %swap3A_650 : vector<1x16xf32> to vector<16xf32>
        %swap3A_652 = vector.shape_cast %scan3A_591#9 : vector<16xf32> to vector<1x16xf32>
        tpu.vector_store %arg6[%swap3A_648, %swap3A_649], %swap3A_652 {strides = array<i32>} : memref<8x128xf32, #tpu.memory_space<vmem>>, vector<1x16xf32>,
        %swap3A_653 = arith.constant 5 : i32
        %swap3A_654 = arith.index_cast %swap3A_653 : i32 to index
        %swap3A_655 = arith.constant 32 : index
        %swap3A_656 = tpu.vector_load %arg6[%swap3A_654, %swap3A_655] {strides = array<i32>} : memref<8x128xf32, #tpu.memory_space<vmem>>, vector<1x16xf32>,
        %swap3A_657 = vector.shape_cast %swap3A_656 : vector<1x16xf32> to vector<16xf32>
        %swap3A_658 = vector.shape_cast %scan3A_591#10 : vector<16xf32> to vector<1x16xf32>
        tpu.vector_store %arg6[%swap3A_654, %swap3A_655], %swap3A_658 {strides = array<i32>} : memref<8x128xf32, #tpu.memory_space<vmem>>, vector<1x16xf32>,
        %swap3A_659 = arith.constant 5 : i32
        %swap3A_660 = arith.index_cast %swap3A_659 : i32 to index
        %swap3A_661 = arith.constant 48 : index
        %swap3A_662 = tpu.vector_load %arg6[%swap3A_660, %swap3A_661] {strides = array<i32>} : memref<8x128xf32, #tpu.memory_space<vmem>>, vector<1x16xf32>,
        %swap3A_663 = vector.shape_cast %swap3A_662 : vector<1x16xf32> to vector<16xf32>
        %swap3A_664 = vector.shape_cast %scan3A_591#11 : vector<16xf32> to vector<1x16xf32>
        tpu.vector_store %arg6[%swap3A_660, %swap3A_661], %swap3A_664 {strides = array<i32>} : memref<8x128xf32, #tpu.memory_space<vmem>>, vector<1x16xf32>,
        %swap3A_665 = arith.constant 5 : i32
        %swap3A_666 = arith.index_cast %swap3A_665 : i32 to index
        %swap3A_667 = arith.constant 64 : index
        %swap3A_668 = tpu.vector_load %arg6[%swap3A_666, %swap3A_667] {strides = array<i32>} : memref<8x128xf32, #tpu.memory_space<vmem>>, vector<1x16xf32>,
        %swap3A_669 = vector.shape_cast %swap3A_668 : vector<1x16xf32> to vector<16xf32>
        %swap3A_670 = vector.shape_cast %scan3A_591#12 : vector<16xf32> to vector<1x16xf32>
        tpu.vector_store %arg6[%swap3A_666, %swap3A_667], %swap3A_670 {strides = array<i32>} : memref<8x128xf32, #tpu.memory_space<vmem>>, vector<1x16xf32>,
        %swap3A_671 = arith.constant 5 : i32
        %swap3A_672 = arith.index_cast %swap3A_671 : i32 to index
        %swap3A_673 = arith.constant 80 : index
        %swap3A_674 = tpu.vector_load %arg6[%swap3A_672, %swap3A_673] {strides = array<i32>} : memref<8x128xf32, #tpu.memory_space<vmem>>, vector<1x16xf32>,
        %swap3A_675 = vector.shape_cast %swap3A_674 : vector<1x16xf32> to vector<16xf32>
        %swap3A_676 = vector.shape_cast %scan3A_591#13 : vector<16xf32> to vector<1x16xf32>
        tpu.vector_store %arg6[%swap3A_672, %swap3A_673], %swap3A_676 {strides = array<i32>} : memref<8x128xf32, #tpu.memory_space<vmem>>, vector<1x16xf32>,
        %swap3A_677 = arith.constant 5 : i32
        %swap3A_678 = arith.index_cast %swap3A_677 : i32 to index
        %swap3A_679 = arith.constant 96 : index
        %swap3A_680 = tpu.vector_load %arg6[%swap3A_678, %swap3A_679] {strides = array<i32>} : memref<8x128xf32, #tpu.memory_space<vmem>>, vector<1x16xf32>,
        %swap3A_681 = vector.shape_cast %swap3A_680 : vector<1x16xf32> to vector<16xf32>
        %swap3A_682 = vector.shape_cast %scan3A_591#14 : vector<16xf32> to vector<1x16xf32>
        tpu.vector_store %arg6[%swap3A_678, %swap3A_679], %swap3A_682 {strides = array<i32>} : memref<8x128xf32, #tpu.memory_space<vmem>>, vector<1x16xf32>,
        %swap3A_683 = arith.constant 5 : i32
        %swap3A_684 = arith.index_cast %swap3A_683 : i32 to index
        %swap3A_685 = arith.constant 112 : index
        %swap3A_686 = tpu.vector_load %arg6[%swap3A_684, %swap3A_685] {strides = array<i32>} : memref<8x128xf32, #tpu.memory_space<vmem>>, vector<1x16xf32>,
        %swap3A_687 = vector.shape_cast %swap3A_686 : vector<1x16xf32> to vector<16xf32>
        %swap3A_688 = vector.shape_cast %scan3A_591#15 : vector<16xf32> to vector<1x16xf32>
        tpu.vector_store %arg6[%swap3A_684, %swap3A_685], %swap3A_688 {strides = array<i32>} : memref<8x128xf32, #tpu.memory_space<vmem>>, vector<1x16xf32>,
        %swap3A_689 = arith.constant 6 : i32
        %swap3A_690 = arith.index_cast %swap3A_689 : i32 to index
        %swap3A_691 = arith.constant 0 : index
        %swap3A_692 = tpu.vector_load %arg6[%swap3A_690, %swap3A_691] {strides = array<i32>} : memref<8x128xf32, #tpu.memory_space<vmem>>, vector<1x16xf32>,
        %swap3A_693 = vector.shape_cast %swap3A_692 : vector<1x16xf32> to vector<16xf32>
        %swap3A_694 = vector.shape_cast %scan3A_591#16 : vector<16xf32> to vector<1x16xf32>
        tpu.vector_store %arg6[%swap3A_690, %swap3A_691], %swap3A_694 {strides = array<i32>} : memref<8x128xf32, #tpu.memory_space<vmem>>, vector<1x16xf32>,
        %swap3A_695 = arith.constant 6 : i32
        %swap3A_696 = arith.index_cast %swap3A_695 : i32 to index
        %swap3A_697 = arith.constant 16 : index
        %swap3A_698 = tpu.vector_load %arg6[%swap3A_696, %swap3A_697] {strides = array<i32>} : memref<8x128xf32, #tpu.memory_space<vmem>>, vector<1x16xf32>,
        %swap3A_699 = vector.shape_cast %swap3A_698 : vector<1x16xf32> to vector<16xf32>
        %swap3A_700 = vector.shape_cast %scan3A_591#17 : vector<16xf32> to vector<1x16xf32>
        tpu.vector_store %arg6[%swap3A_696, %swap3A_697], %swap3A_700 {strides = array<i32>} : memref<8x128xf32, #tpu.memory_space<vmem>>, vector<1x16xf32>,
        %swap3A_701 = arith.constant 6 : i32
        %swap3A_702 = arith.index_cast %swap3A_701 : i32 to index
        %swap3A_703 = arith.constant 32 : index
        %swap3A_704 = tpu.vector_load %arg6[%swap3A_702, %swap3A_703] {strides = array<i32>} : memref<8x128xf32, #tpu.memory_space<vmem>>, vector<1x16xf32>,
        %swap3A_705 = vector.shape_cast %swap3A_704 : vector<1x16xf32> to vector<16xf32>
        %swap3A_706 = vector.shape_cast %scan3A_591#18 : vector<16xf32> to vector<1x16xf32>
        tpu.vector_store %arg6[%swap3A_702, %swap3A_703], %swap3A_706 {strides = array<i32>} : memref<8x128xf32, #tpu.memory_space<vmem>>, vector<1x16xf32>,
        %swap3A_707 = arith.constant 6 : i32
        %swap3A_708 = arith.index_cast %swap3A_707 : i32 to index
        %swap3A_709 = arith.constant 48 : index
        %swap3A_710 = tpu.vector_load %arg6[%swap3A_708, %swap3A_709] {strides = array<i32>} : memref<8x128xf32, #tpu.memory_space<vmem>>, vector<1x16xf32>,
        %swap3A_711 = vector.shape_cast %swap3A_710 : vector<1x16xf32> to vector<16xf32>
        %swap3A_712 = vector.shape_cast %scan3A_591#19 : vector<16xf32> to vector<1x16xf32>
        tpu.vector_store %arg6[%swap3A_708, %swap3A_709], %swap3A_712 {strides = array<i32>} : memref<8x128xf32, #tpu.memory_space<vmem>>, vector<1x16xf32>,
        %swap3A_713 = arith.constant 6 : i32
        %swap3A_714 = arith.index_cast %swap3A_713 : i32 to index
        %swap3A_715 = arith.constant 64 : index
        %swap3A_716 = tpu.vector_load %arg6[%swap3A_714, %swap3A_715] {strides = array<i32>} : memref<8x128xf32, #tpu.memory_space<vmem>>, vector<1x16xf32>,
        %swap3A_717 = vector.shape_cast %swap3A_716 : vector<1x16xf32> to vector<16xf32>
        %swap3A_718 = vector.shape_cast %scan3A_591#20 : vector<16xf32> to vector<1x16xf32>
        tpu.vector_store %arg6[%swap3A_714, %swap3A_715], %swap3A_718 {strides = array<i32>} : memref<8x128xf32, #tpu.memory_space<vmem>>, vector<1x16xf32>,
        %swap3A_719 = arith.constant 6 : i32
        %swap3A_720 = arith.index_cast %swap3A_719 : i32 to index
        %swap3A_721 = arith.constant 80 : index
        %swap3A_722 = tpu.vector_load %arg6[%swap3A_720, %swap3A_721] {strides = array<i32>} : memref<8x128xf32, #tpu.memory_space<vmem>>, vector<1x16xf32>,
        %swap3A_723 = vector.shape_cast %swap3A_722 : vector<1x16xf32> to vector<16xf32>
        %swap3A_724 = vector.shape_cast %scan3A_591#21 : vector<16xf32> to vector<1x16xf32>
        tpu.vector_store %arg6[%swap3A_720, %swap3A_721], %swap3A_724 {strides = array<i32>} : memref<8x128xf32, #tpu.memory_space<vmem>>, vector<1x16xf32>,
        %swap3A_725 = arith.constant 6 : i32
        %swap3A_726 = arith.index_cast %swap3A_725 : i32 to index
        %swap3A_727 = arith.constant 96 : index
        %swap3A_728 = tpu.vector_load %arg6[%swap3A_726, %swap3A_727] {strides = array<i32>} : memref<8x128xf32, #tpu.memory_space<vmem>>, vector<1x16xf32>,
        %swap3A_729 = vector.shape_cast %swap3A_728 : vector<1x16xf32> to vector<16xf32>
        %swap3A_730 = vector.shape_cast %scan3A_591#22 : vector<16xf32> to vector<1x16xf32>
        tpu.vector_store %arg6[%swap3A_726, %swap3A_727], %swap3A_730 {strides = array<i32>} : memref<8x128xf32, #tpu.memory_space<vmem>>, vector<1x16xf32>,
        %swap3A_731 = arith.constant 6 : i32
        %swap3A_732 = arith.index_cast %swap3A_731 : i32 to index
        %swap3A_733 = arith.constant 112 : index
        %swap3A_734 = tpu.vector_load %arg6[%swap3A_732, %swap3A_733] {strides = array<i32>} : memref<8x128xf32, #tpu.memory_space<vmem>>, vector<1x16xf32>,
        %swap3A_735 = vector.shape_cast %swap3A_734 : vector<1x16xf32> to vector<16xf32>
        %swap3A_736 = vector.shape_cast %scan3A_591#23 : vector<16xf32> to vector<1x16xf32>
        tpu.vector_store %arg6[%swap3A_732, %swap3A_733], %swap3A_736 {strides = array<i32>} : memref<8x128xf32, #tpu.memory_space<vmem>>, vector<1x16xf32>,
        %swap3A_737 = arith.constant 7 : i32
        %swap3A_738 = arith.index_cast %swap3A_737 : i32 to index
        %swap3A_739 = arith.constant 0 : index
        %swap3A_740 = tpu.vector_load %arg6[%swap3A_738, %swap3A_739] {strides = array<i32>} : memref<8x128xf32, #tpu.memory_space<vmem>>, vector<1x16xf32>,
        %swap3A_741 = vector.shape_cast %swap3A_740 : vector<1x16xf32> to vector<16xf32>
        %swap3A_742 = vector.shape_cast %scan3A_591#24 : vector<16xf32> to vector<1x16xf32>
        tpu.vector_store %arg6[%swap3A_738, %swap3A_739], %swap3A_742 {strides = array<i32>} : memref<8x128xf32, #tpu.memory_space<vmem>>, vector<1x16xf32>,
        %swap3A_743 = arith.constant 7 : i32
        %swap3A_744 = arith.index_cast %swap3A_743 : i32 to index
        %swap3A_745 = arith.constant 16 : index
        %swap3A_746 = tpu.vector_load %arg6[%swap3A_744, %swap3A_745] {strides = array<i32>} : memref<8x128xf32, #tpu.memory_space<vmem>>, vector<1x16xf32>,
        %swap3A_747 = vector.shape_cast %swap3A_746 : vector<1x16xf32> to vector<16xf32>
        %swap3A_748 = vector.shape_cast %scan3A_591#25 : vector<16xf32> to vector<1x16xf32>
        tpu.vector_store %arg6[%swap3A_744, %swap3A_745], %swap3A_748 {strides = array<i32>} : memref<8x128xf32, #tpu.memory_space<vmem>>, vector<1x16xf32>,
        %swap3A_749 = arith.constant 7 : i32
        %swap3A_750 = arith.index_cast %swap3A_749 : i32 to index
        %swap3A_751 = arith.constant 32 : index
        %swap3A_752 = tpu.vector_load %arg6[%swap3A_750, %swap3A_751] {strides = array<i32>} : memref<8x128xf32, #tpu.memory_space<vmem>>, vector<1x16xf32>,
        %swap3A_753 = vector.shape_cast %swap3A_752 : vector<1x16xf32> to vector<16xf32>
        %swap3A_754 = vector.shape_cast %scan3A_591#26 : vector<16xf32> to vector<1x16xf32>
        tpu.vector_store %arg6[%swap3A_750, %swap3A_751], %swap3A_754 {strides = array<i32>} : memref<8x128xf32, #tpu.memory_space<vmem>>, vector<1x16xf32>,
        %swap3A_755 = arith.constant 7 : i32
        %swap3A_756 = arith.index_cast %swap3A_755 : i32 to index
        %swap3A_757 = arith.constant 48 : index
        %swap3A_758 = tpu.vector_load %arg6[%swap3A_756, %swap3A_757] {strides = array<i32>} : memref<8x128xf32, #tpu.memory_space<vmem>>, vector<1x16xf32>,
        %swap3A_759 = vector.shape_cast %swap3A_758 : vector<1x16xf32> to vector<16xf32>
        %swap3A_760 = vector.shape_cast %scan3A_591#27 : vector<16xf32> to vector<1x16xf32>
        tpu.vector_store %arg6[%swap3A_756, %swap3A_757], %swap3A_760 {strides = array<i32>} : memref<8x128xf32, #tpu.memory_space<vmem>>, vector<1x16xf32>,
        %swap3A_761 = arith.constant 7 : i32
        %swap3A_762 = arith.index_cast %swap3A_761 : i32 to index
        %swap3A_763 = arith.constant 64 : index
        %swap3A_764 = tpu.vector_load %arg6[%swap3A_762, %swap3A_763] {strides = array<i32>} : memref<8x128xf32, #tpu.memory_space<vmem>>, vector<1x16xf32>,
        %swap3A_765 = vector.shape_cast %swap3A_764 : vector<1x16xf32> to vector<16xf32>
        %swap3A_766 = vector.shape_cast %scan3A_591#28 : vector<16xf32> to vector<1x16xf32>
        tpu.vector_store %arg6[%swap3A_762, %swap3A_763], %swap3A_766 {strides = array<i32>} : memref<8x128xf32, #tpu.memory_space<vmem>>, vector<1x16xf32>,
        %swap3A_767 = arith.constant 7 : i32
        %swap3A_768 = arith.index_cast %swap3A_767 : i32 to index
        %swap3A_769 = arith.constant 80 : index
        %swap3A_770 = tpu.vector_load %arg6[%swap3A_768, %swap3A_769] {strides = array<i32>} : memref<8x128xf32, #tpu.memory_space<vmem>>, vector<1x16xf32>,
        %swap3A_771 = vector.shape_cast %swap3A_770 : vector<1x16xf32> to vector<16xf32>
        %swap3A_772 = vector.shape_cast %scan3A_591#29 : vector<16xf32> to vector<1x16xf32>
        tpu.vector_store %arg6[%swap3A_768, %swap3A_769], %swap3A_772 {strides = array<i32>} : memref<8x128xf32, #tpu.memory_space<vmem>>, vector<1x16xf32>,
        %swap3A_773 = arith.constant 7 : i32
        %swap3A_774 = arith.index_cast %swap3A_773 : i32 to index
        %swap3A_775 = arith.constant 96 : index
        %swap3A_776 = tpu.vector_load %arg6[%swap3A_774, %swap3A_775] {strides = array<i32>} : memref<8x128xf32, #tpu.memory_space<vmem>>, vector<1x16xf32>,
        %swap3A_777 = vector.shape_cast %swap3A_776 : vector<1x16xf32> to vector<16xf32>
        %swap3A_778 = vector.shape_cast %scan3A_591#30 : vector<16xf32> to vector<1x16xf32>
        tpu.vector_store %arg6[%swap3A_774, %swap3A_775], %swap3A_778 {strides = array<i32>} : memref<8x128xf32, #tpu.memory_space<vmem>>, vector<1x16xf32>,
        %swap3A_779 = arith.constant 7 : i32
        %swap3A_780 = arith.index_cast %swap3A_779 : i32 to index
        %swap3A_781 = arith.constant 112 : index
        %swap3A_782 = tpu.vector_load %arg6[%swap3A_780, %swap3A_781] {strides = array<i32>} : memref<8x128xf32, #tpu.memory_space<vmem>>, vector<1x16xf32>,
        %swap3A_783 = vector.shape_cast %swap3A_782 : vector<1x16xf32> to vector<16xf32>
        %swap3A_784 = vector.shape_cast %scan3A_591#31 : vector<16xf32> to vector<1x16xf32>
        tpu.vector_store %arg6[%swap3A_780, %swap3A_781], %swap3A_784 {strides = array<i32>} : memref<8x128xf32, #tpu.memory_space<vmem>>, vector<1x16xf32>,
        %mul3A_785 = arith.constant 32 : i32
        %mul3A_786 = arith.muli %add3A_53, %mul3A_785 : i32
        %add3A_787 = arith.addi %add3A, %mul3A_786 : i32
        %mul3A_788 = arith.constant 8 : i32
        %mul3A_789 = arith.muli %add3A_787, %mul3A_788 : i32
        "tpu.region"() ({
          %run_scoped3A = tpu.sem_alloc : memref<!tpu.dma_semaphore, #tpu.memory_space<semaphore_mem>>
          %dma_start3A_796 = arith.constant 0 : i32
          %dma_start3A_797 = tpu.memref_slice %arg3[%mul3A_789, %dma_start3A_796] : memref<4000x128xf32, #tpu.memory_space<hbm>> -> memref<8x128xf32, #tpu.memory_space<hbm>>
          %dma_start3A_798 = arith.constant 0 : i32
          %dma_start3A_799 = tpu.memref_slice %arg3[%mul3A_789, %dma_start3A_798] : memref<4000x128xf32, #tpu.memory_space<hbm>> -> memref<8x128xf32, #tpu.memory_space<hbm>>
          tpu.enqueue_dma source(%arg6 : memref<8x128xf32, #tpu.memory_space<vmem>>) target(%dma_start3A_799 : memref<8x128xf32, #tpu.memory_space<hbm>>) target_semaphore(%run_scoped3A : memref<!tpu.dma_semaphore, #tpu.memory_space<semaphore_mem>>)
          %dma_wait3A_800 = arith.constant 0 : i32
          %dma_wait3A_801 = tpu.memref_slice %arg3[%mul3A_789, %dma_wait3A_800] : memref<4000x128xf32, #tpu.memory_space<hbm>> -> memref<8x128xf32, #tpu.memory_space<hbm>>
          %dma_wait3A_802 = arith.constant 0 : i32
          %dma_wait3A_803 = tpu.memref_slice %arg3[%mul3A_789, %dma_wait3A_802] : memref<4000x128xf32, #tpu.memory_space<hbm>> -> memref<8x128xf32, #tpu.memory_space<hbm>>
          tpu.wait_dma2 semaphore(%run_scoped3A : memref<!tpu.dma_semaphore, #tpu.memory_space<semaphore_mem>>) src(%arg6 : memref<8x128xf32, #tpu.memory_space<vmem>>) dst(%dma_wait3A_803 : memref<8x128xf32, #tpu.memory_space<hbm>>)
          tpu.yield
        }) : () -> ()
        %add3A_790 = arith.constant 2 : i32
        %add3A_791 = arith.addi %add3A_53, %add3A_790 : i32
        %lt3A_792 = arith.cmpi slt, %add3A_791, %add3A_4 : i32
        %convert_element_type3A_793 = arith.extui %lt3A_792 : i1 to i32
        %cond3A_794 = arith.constant 0 : i32
        %cond3A_795 = arith.cmpi ne, %convert_element_type3A_793, %cond3A_794 : i32
        scf.if %cond3A_795 {
          %add3A_796 = arith.constant 2 : i32
          %add3A_797 = arith.addi %add3A_53, %add3A_796 : i32
          %mul3A_798 = arith.constant 32 : i32
          %mul3A_799 = arith.muli %add3A_797, %mul3A_798 : i32
          %add3A_800 = arith.addi %add3A, %mul3A_799 : i32
          %mul3A_801 = arith.constant 256 : i32
          %mul3A_802 = arith.muli %add3A_800, %mul3A_801 : i32
          %dma_start3A_803 = arith.constant 0 : i32
          %dma_start3A_804 = tpu.memref_slice %arg2[%mul3A_802, %dma_start3A_803] : memref<320000x128xf32, #tpu.memory_space<hbm>> -> memref<256x128xf32, #tpu.memory_space<hbm>>
          %dma_start3A_805 = arith.constant 0 : i32
          %dma_start3A_806 = tpu.memref_slice %arg2[%mul3A_802, %dma_start3A_805] : memref<320000x128xf32, #tpu.memory_space<hbm>> -> memref<256x128xf32, #tpu.memory_space<hbm>>
          tpu.enqueue_dma source(%dma_start3A_806 : memref<256x128xf32, #tpu.memory_space<hbm>>) target(%arg4 : memref<256x128xf32, #tpu.memory_space<vmem>>) target_semaphore(%arg7 : memref<!tpu.dma_semaphore, #tpu.memory_space<semaphore_mem>>)
        } else {
        }
      } else {
      }
      %mul3A_56 = arith.constant 2 : i32
      %mul3A_57 = arith.muli %while3A_49, %mul3A_56 : i32
      %add3A_58 = arith.constant 1 : i32
      %add3A_59 = arith.addi %mul3A_57, %add3A_58 : i32
      %lt3A_60 = arith.cmpi slt, %add3A_59, %add3A_4 : i32
      %convert_element_type3A_61 = arith.extui %lt3A_60 : i1 to i32
      %cond3A_62 = arith.constant 0 : i32
      %cond3A_63 = arith.cmpi ne, %convert_element_type3A_61, %cond3A_62 : i32
      scf.if %cond3A_63 {
        %mul3A_64 = arith.constant 32 : i32
        %mul3A_65 = arith.muli %add3A_59, %mul3A_64 : i32
        %add3A_66 = arith.addi %add3A, %mul3A_65 : i32
        %mul3A_67 = arith.constant 256 : i32
        %mul3A_68 = arith.muli %add3A_66, %mul3A_67 : i32
        %dma_wait3A = arith.constant 0 : i32
        %dma_wait3A_69 = tpu.memref_slice %arg2[%mul3A_68, %dma_wait3A] : memref<320000x128xf32, #tpu.memory_space<hbm>> -> memref<256x128xf32, #tpu.memory_space<hbm>>
        %dma_wait3A_70 = arith.constant 0 : i32
        %dma_wait3A_71 = tpu.memref_slice %arg2[%mul3A_68, %dma_wait3A_70] : memref<320000x128xf32, #tpu.memory_space<hbm>> -> memref<256x128xf32, #tpu.memory_space<hbm>>
        tpu.wait_dma2 semaphore(%arg8 : memref<!tpu.dma_semaphore, #tpu.memory_space<semaphore_mem>>) src(%dma_wait3A_71 : memref<256x128xf32, #tpu.memory_space<hbm>>) dst(%arg5 : memref<256x128xf32, #tpu.memory_space<vmem>>)
        %get3A = arith.constant 0 : i32
        %get3A_72 = arith.index_cast %get3A : i32 to index
        %get3A_73 = arith.constant 0 : index
        %get3A_74 = tpu.vector_load %arg5[%get3A_72, %get3A_73] {strides = array<i32>} : memref<256x128xf32, #tpu.memory_space<vmem>>, vector<1x16xf32>,
        %get3A_75 = vector.shape_cast %get3A_74 : vector<1x16xf32> to vector<16xf32>
        %get3A_76 = arith.constant 0 : i32
        %get3A_77 = arith.index_cast %get3A_76 : i32 to index
        %get3A_78 = arith.constant 16 : index
        %get3A_79 = tpu.vector_load %arg5[%get3A_77, %get3A_78] {strides = array<i32>} : memref<256x128xf32, #tpu.memory_space<vmem>>, vector<1x16xf32>,
        %get3A_80 = vector.shape_cast %get3A_79 : vector<1x16xf32> to vector<16xf32>
        %get3A_81 = arith.constant 0 : i32
        %get3A_82 = arith.index_cast %get3A_81 : i32 to index
        %get3A_83 = arith.constant 32 : index
        %get3A_84 = tpu.vector_load %arg5[%get3A_82, %get3A_83] {strides = array<i32>} : memref<256x128xf32, #tpu.memory_space<vmem>>, vector<1x16xf32>,
        %get3A_85 = vector.shape_cast %get3A_84 : vector<1x16xf32> to vector<16xf32>
        %get3A_86 = arith.constant 0 : i32
        %get3A_87 = arith.index_cast %get3A_86 : i32 to index
        %get3A_88 = arith.constant 48 : index
        %get3A_89 = tpu.vector_load %arg5[%get3A_87, %get3A_88] {strides = array<i32>} : memref<256x128xf32, #tpu.memory_space<vmem>>, vector<1x16xf32>,
        %get3A_90 = vector.shape_cast %get3A_89 : vector<1x16xf32> to vector<16xf32>
        %get3A_91 = arith.constant 0 : i32
        %get3A_92 = arith.index_cast %get3A_91 : i32 to index
        %get3A_93 = arith.constant 64 : index
        %get3A_94 = tpu.vector_load %arg5[%get3A_92, %get3A_93] {strides = array<i32>} : memref<256x128xf32, #tpu.memory_space<vmem>>, vector<1x16xf32>,
        %get3A_95 = vector.shape_cast %get3A_94 : vector<1x16xf32> to vector<16xf32>
        %get3A_96 = arith.constant 0 : i32
        %get3A_97 = arith.index_cast %get3A_96 : i32 to index
        %get3A_98 = arith.constant 80 : index
        %get3A_99 = tpu.vector_load %arg5[%get3A_97, %get3A_98] {strides = array<i32>} : memref<256x128xf32, #tpu.memory_space<vmem>>, vector<1x16xf32>,
        %get3A_100 = vector.shape_cast %get3A_99 : vector<1x16xf32> to vector<16xf32>
        %get3A_101 = arith.constant 0 : i32
        %get3A_102 = arith.index_cast %get3A_101 : i32 to index
        %get3A_103 = arith.constant 96 : index
        %get3A_104 = tpu.vector_load %arg5[%get3A_102, %get3A_103] {strides = array<i32>} : memref<256x128xf32, #tpu.memory_space<vmem>>, vector<1x16xf32>,
        %get3A_105 = vector.shape_cast %get3A_104 : vector<1x16xf32> to vector<16xf32>
        %get3A_106 = arith.constant 0 : i32
        %get3A_107 = arith.index_cast %get3A_106 : i32 to index
        %get3A_108 = arith.constant 112 : index
        %get3A_109 = tpu.vector_load %arg5[%get3A_107, %get3A_108] {strides = array<i32>} : memref<256x128xf32, #tpu.memory_space<vmem>>, vector<1x16xf32>,
        %get3A_110 = vector.shape_cast %get3A_109 : vector<1x16xf32> to vector<16xf32>
        %get3A_111 = arith.constant 32 : i32
        %get3A_112 = arith.index_cast %get3A_111 : i32 to index
        %get3A_113 = arith.constant 0 : index
        %get3A_114 = tpu.vector_load %arg5[%get3A_112, %get3A_113] {strides = array<i32>} : memref<256x128xf32, #tpu.memory_space<vmem>>, vector<1x16xf32>,
        %get3A_115 = vector.shape_cast %get3A_114 : vector<1x16xf32> to vector<16xf32>
        %get3A_116 = arith.constant 32 : i32
        %get3A_117 = arith.index_cast %get3A_116 : i32 to index
        %get3A_118 = arith.constant 16 : index
        %get3A_119 = tpu.vector_load %arg5[%get3A_117, %get3A_118] {strides = array<i32>} : memref<256x128xf32, #tpu.memory_space<vmem>>, vector<1x16xf32>,
        %get3A_120 = vector.shape_cast %get3A_119 : vector<1x16xf32> to vector<16xf32>
        %get3A_121 = arith.constant 32 : i32
        %get3A_122 = arith.index_cast %get3A_121 : i32 to index
        %get3A_123 = arith.constant 32 : index
        %get3A_124 = tpu.vector_load %arg5[%get3A_122, %get3A_123] {strides = array<i32>} : memref<256x128xf32, #tpu.memory_space<vmem>>, vector<1x16xf32>,
        %get3A_125 = vector.shape_cast %get3A_124 : vector<1x16xf32> to vector<16xf32>
        %get3A_126 = arith.constant 32 : i32
        %get3A_127 = arith.index_cast %get3A_126 : i32 to index
        %get3A_128 = arith.constant 48 : index
        %get3A_129 = tpu.vector_load %arg5[%get3A_127, %get3A_128] {strides = array<i32>} : memref<256x128xf32, #tpu.memory_space<vmem>>, vector<1x16xf32>,
        %get3A_130 = vector.shape_cast %get3A_129 : vector<1x16xf32> to vector<16xf32>
        %get3A_131 = arith.constant 32 : i32
        %get3A_132 = arith.index_cast %get3A_131 : i32 to index
        %get3A_133 = arith.constant 64 : index
        %get3A_134 = tpu.vector_load %arg5[%get3A_132, %get3A_133] {strides = array<i32>} : memref<256x128xf32, #tpu.memory_space<vmem>>, vector<1x16xf32>,
        %get3A_135 = vector.shape_cast %get3A_134 : vector<1x16xf32> to vector<16xf32>
        %get3A_136 = arith.constant 32 : i32
        %get3A_137 = arith.index_cast %get3A_136 : i32 to index
        %get3A_138 = arith.constant 80 : index
        %get3A_139 = tpu.vector_load %arg5[%get3A_137, %get3A_138] {strides = array<i32>} : memref<256x128xf32, #tpu.memory_space<vmem>>, vector<1x16xf32>,
        %get3A_140 = vector.shape_cast %get3A_139 : vector<1x16xf32> to vector<16xf32>
        %get3A_141 = arith.constant 32 : i32
        %get3A_142 = arith.index_cast %get3A_141 : i32 to index
        %get3A_143 = arith.constant 96 : index
        %get3A_144 = tpu.vector_load %arg5[%get3A_142, %get3A_143] {strides = array<i32>} : memref<256x128xf32, #tpu.memory_space<vmem>>, vector<1x16xf32>,
        %get3A_145 = vector.shape_cast %get3A_144 : vector<1x16xf32> to vector<16xf32>
        %get3A_146 = arith.constant 32 : i32
        %get3A_147 = arith.index_cast %get3A_146 : i32 to index
        %get3A_148 = arith.constant 112 : index
        %get3A_149 = tpu.vector_load %arg5[%get3A_147, %get3A_148] {strides = array<i32>} : memref<256x128xf32, #tpu.memory_space<vmem>>, vector<1x16xf32>,
        %get3A_150 = vector.shape_cast %get3A_149 : vector<1x16xf32> to vector<16xf32>
        %get3A_151 = arith.constant 64 : i32
        %get3A_152 = arith.index_cast %get3A_151 : i32 to index
        %get3A_153 = arith.constant 0 : index
        %get3A_154 = tpu.vector_load %arg5[%get3A_152, %get3A_153] {strides = array<i32>} : memref<256x128xf32, #tpu.memory_space<vmem>>, vector<1x16xf32>,
        %get3A_155 = vector.shape_cast %get3A_154 : vector<1x16xf32> to vector<16xf32>
        %get3A_156 = arith.constant 64 : i32
        %get3A_157 = arith.index_cast %get3A_156 : i32 to index
        %get3A_158 = arith.constant 16 : index
        %get3A_159 = tpu.vector_load %arg5[%get3A_157, %get3A_158] {strides = array<i32>} : memref<256x128xf32, #tpu.memory_space<vmem>>, vector<1x16xf32>,
        %get3A_160 = vector.shape_cast %get3A_159 : vector<1x16xf32> to vector<16xf32>
        %get3A_161 = arith.constant 64 : i32
        %get3A_162 = arith.index_cast %get3A_161 : i32 to index
        %get3A_163 = arith.constant 32 : index
        %get3A_164 = tpu.vector_load %arg5[%get3A_162, %get3A_163] {strides = array<i32>} : memref<256x128xf32, #tpu.memory_space<vmem>>, vector<1x16xf32>,
        %get3A_165 = vector.shape_cast %get3A_164 : vector<1x16xf32> to vector<16xf32>
        %get3A_166 = arith.constant 64 : i32
        %get3A_167 = arith.index_cast %get3A_166 : i32 to index
        %get3A_168 = arith.constant 48 : index
        %get3A_169 = tpu.vector_load %arg5[%get3A_167, %get3A_168] {strides = array<i32>} : memref<256x128xf32, #tpu.memory_space<vmem>>, vector<1x16xf32>,
        %get3A_170 = vector.shape_cast %get3A_169 : vector<1x16xf32> to vector<16xf32>
        %get3A_171 = arith.constant 64 : i32
        %get3A_172 = arith.index_cast %get3A_171 : i32 to index
        %get3A_173 = arith.constant 64 : index
        %get3A_174 = tpu.vector_load %arg5[%get3A_172, %get3A_173] {strides = array<i32>} : memref<256x128xf32, #tpu.memory_space<vmem>>, vector<1x16xf32>,
        %get3A_175 = vector.shape_cast %get3A_174 : vector<1x16xf32> to vector<16xf32>
        %get3A_176 = arith.constant 64 : i32
        %get3A_177 = arith.index_cast %get3A_176 : i32 to index
        %get3A_178 = arith.constant 80 : index
        %get3A_179 = tpu.vector_load %arg5[%get3A_177, %get3A_178] {strides = array<i32>} : memref<256x128xf32, #tpu.memory_space<vmem>>, vector<1x16xf32>,
        %get3A_180 = vector.shape_cast %get3A_179 : vector<1x16xf32> to vector<16xf32>
        %get3A_181 = arith.constant 64 : i32
        %get3A_182 = arith.index_cast %get3A_181 : i32 to index
        %get3A_183 = arith.constant 96 : index
        %get3A_184 = tpu.vector_load %arg5[%get3A_182, %get3A_183] {strides = array<i32>} : memref<256x128xf32, #tpu.memory_space<vmem>>, vector<1x16xf32>,
        %get3A_185 = vector.shape_cast %get3A_184 : vector<1x16xf32> to vector<16xf32>
        %get3A_186 = arith.constant 64 : i32
        %get3A_187 = arith.index_cast %get3A_186 : i32 to index
        %get3A_188 = arith.constant 112 : index
        %get3A_189 = tpu.vector_load %arg5[%get3A_187, %get3A_188] {strides = array<i32>} : memref<256x128xf32, #tpu.memory_space<vmem>>, vector<1x16xf32>,
        %get3A_190 = vector.shape_cast %get3A_189 : vector<1x16xf32> to vector<16xf32>
        %get3A_191 = arith.constant 96 : i32
        %get3A_192 = arith.index_cast %get3A_191 : i32 to index
        %get3A_193 = arith.constant 0 : index
        %get3A_194 = tpu.vector_load %arg5[%get3A_192, %get3A_193] {strides = array<i32>} : memref<256x128xf32, #tpu.memory_space<vmem>>, vector<1x16xf32>,
        %get3A_195 = vector.shape_cast %get3A_194 : vector<1x16xf32> to vector<16xf32>
        %get3A_196 = arith.constant 96 : i32
        %get3A_197 = arith.index_cast %get3A_196 : i32 to index
        %get3A_198 = arith.constant 16 : index
        %get3A_199 = tpu.vector_load %arg5[%get3A_197, %get3A_198] {strides = array<i32>} : memref<256x128xf32, #tpu.memory_space<vmem>>, vector<1x16xf32>,
        %get3A_200 = vector.shape_cast %get3A_199 : vector<1x16xf32> to vector<16xf32>
        %get3A_201 = arith.constant 96 : i32
        %get3A_202 = arith.index_cast %get3A_201 : i32 to index
        %get3A_203 = arith.constant 32 : index
        %get3A_204 = tpu.vector_load %arg5[%get3A_202, %get3A_203] {strides = array<i32>} : memref<256x128xf32, #tpu.memory_space<vmem>>, vector<1x16xf32>,
        %get3A_205 = vector.shape_cast %get3A_204 : vector<1x16xf32> to vector<16xf32>
        %get3A_206 = arith.constant 96 : i32
        %get3A_207 = arith.index_cast %get3A_206 : i32 to index
        %get3A_208 = arith.constant 48 : index
        %get3A_209 = tpu.vector_load %arg5[%get3A_207, %get3A_208] {strides = array<i32>} : memref<256x128xf32, #tpu.memory_space<vmem>>, vector<1x16xf32>,
        %get3A_210 = vector.shape_cast %get3A_209 : vector<1x16xf32> to vector<16xf32>
        %get3A_211 = arith.constant 96 : i32
        %get3A_212 = arith.index_cast %get3A_211 : i32 to index
        %get3A_213 = arith.constant 64 : index
        %get3A_214 = tpu.vector_load %arg5[%get3A_212, %get3A_213] {strides = array<i32>} : memref<256x128xf32, #tpu.memory_space<vmem>>, vector<1x16xf32>,
        %get3A_215 = vector.shape_cast %get3A_214 : vector<1x16xf32> to vector<16xf32>
        %get3A_216 = arith.constant 96 : i32
        %get3A_217 = arith.index_cast %get3A_216 : i32 to index
        %get3A_218 = arith.constant 80 : index
        %get3A_219 = tpu.vector_load %arg5[%get3A_217, %get3A_218] {strides = array<i32>} : memref<256x128xf32, #tpu.memory_space<vmem>>, vector<1x16xf32>,
        %get3A_220 = vector.shape_cast %get3A_219 : vector<1x16xf32> to vector<16xf32>
        %get3A_221 = arith.constant 96 : i32
        %get3A_222 = arith.index_cast %get3A_221 : i32 to index
        %get3A_223 = arith.constant 96 : index
        %get3A_224 = tpu.vector_load %arg5[%get3A_222, %get3A_223] {strides = array<i32>} : memref<256x128xf32, #tpu.memory_space<vmem>>, vector<1x16xf32>,
        %get3A_225 = vector.shape_cast %get3A_224 : vector<1x16xf32> to vector<16xf32>
        %get3A_226 = arith.constant 96 : i32
        %get3A_227 = arith.index_cast %get3A_226 : i32 to index
        %get3A_228 = arith.constant 112 : index
        %get3A_229 = tpu.vector_load %arg5[%get3A_227, %get3A_228] {strides = array<i32>} : memref<256x128xf32, #tpu.memory_space<vmem>>, vector<1x16xf32>,
        %get3A_230 = vector.shape_cast %get3A_229 : vector<1x16xf32> to vector<16xf32>
        %scan3A = arith.constant 1 : i32
        %scan3A_231 = arith.constant 31 : i32
        %scan3A_232 = arith.addi %scan3A, %scan3A_231 : i32
        %scan3A_233 = arith.constant 1 : i32
        %scan3A_234:32 = scf.for %scan3A_796 = %scan3A to %scan3A_232 step %scan3A_233 iter_args(%scan3A_797 = %get3A_75, %scan3A_798 = %get3A_80, %scan3A_799 = %get3A_85, %scan3A_800 = %get3A_90, %scan3A_801 = %get3A_95, %scan3A_802 = %get3A_100, %scan3A_803 = %get3A_105, %scan3A_804 = %get3A_110, %scan3A_805 = %get3A_115, %scan3A_806 = %get3A_120, %scan3A_807 = %get3A_125, %scan3A_808 = %get3A_130, %scan3A_809 = %get3A_135, %scan3A_810 = %get3A_140, %scan3A_811 = %get3A_145, %scan3A_812 = %get3A_150, %scan3A_813 = %get3A_155, %scan3A_814 = %get3A_160, %scan3A_815 = %get3A_165, %scan3A_816 = %get3A_170, %scan3A_817 = %get3A_175, %scan3A_818 = %get3A_180, %scan3A_819 = %get3A_185, %scan3A_820 = %get3A_190, %scan3A_821 = %get3A_195, %scan3A_822 = %get3A_200, %scan3A_823 = %get3A_205, %scan3A_824 = %get3A_210, %scan3A_825 = %get3A_215, %scan3A_826 = %get3A_220, %scan3A_827 = %get3A_225, %scan3A_828 = %get3A_230) -> (vector<16xf32>, vector<16xf32>, vector<16xf32>, vector<16xf32>, vector<16xf32>, vector<16xf32>, vector<16xf32>, vector<16xf32>, vector<16xf32>, vector<16xf32>, vector<16xf32>, vector<16xf32>, vector<16xf32>, vector<16xf32>, vector<16xf32>, vector<16xf32>, vector<16xf32>, vector<16xf32>, vector<16xf32>, vector<16xf32>, vector<16xf32>, vector<16xf32>, vector<16xf32>, vector<16xf32>, vector<16xf32>, vector<16xf32>, vector<16xf32>, vector<16xf32>, vector<16xf32>, vector<16xf32>, vector<16xf32>, vector<16xf32>)  : i32 {
          %add3A_829 = arith.constant 0 : i32
          %add3A_830 = arith.addi %add3A_829, %scan3A_796 : i32
          %get3A_831 = arith.index_cast %add3A_830 : i32 to index
          %get3A_832 = arith.constant 0 : index
          %get3A_833 = tpu.vector_load %arg5[%get3A_831, %get3A_832] {strides = array<i32>} : memref<256x128xf32, #tpu.memory_space<vmem>>, vector<1x16xf32>,
          %get3A_834 = vector.shape_cast %get3A_833 : vector<1x16xf32> to vector<16xf32>
          %add3A_835 = arith.addf %scan3A_797, %get3A_834 : vector<16xf32>
          %add3A_836 = arith.constant 0 : i32
          %add3A_837 = arith.addi %add3A_836, %scan3A_796 : i32
          %get3A_838 = arith.index_cast %add3A_837 : i32 to index
          %get3A_839 = arith.constant 16 : index
          %get3A_840 = tpu.vector_load %arg5[%get3A_838, %get3A_839] {strides = array<i32>} : memref<256x128xf32, #tpu.memory_space<vmem>>, vector<1x16xf32>,
          %get3A_841 = vector.shape_cast %get3A_840 : vector<1x16xf32> to vector<16xf32>
          %add3A_842 = arith.addf %scan3A_798, %get3A_841 : vector<16xf32>
          %add3A_843 = arith.constant 0 : i32
          %add3A_844 = arith.addi %add3A_843, %scan3A_796 : i32
          %get3A_845 = arith.index_cast %add3A_844 : i32 to index
          %get3A_846 = arith.constant 32 : index
          %get3A_847 = tpu.vector_load %arg5[%get3A_845, %get3A_846] {strides = array<i32>} : memref<256x128xf32, #tpu.memory_space<vmem>>, vector<1x16xf32>,
          %get3A_848 = vector.shape_cast %get3A_847 : vector<1x16xf32> to vector<16xf32>
          %add3A_849 = arith.addf %scan3A_799, %get3A_848 : vector<16xf32>
          %add3A_850 = arith.constant 0 : i32
          %add3A_851 = arith.addi %add3A_850, %scan3A_796 : i32
          %get3A_852 = arith.index_cast %add3A_851 : i32 to index
          %get3A_853 = arith.constant 48 : index
          %get3A_854 = tpu.vector_load %arg5[%get3A_852, %get3A_853] {strides = array<i32>} : memref<256x128xf32, #tpu.memory_space<vmem>>, vector<1x16xf32>,
          %get3A_855 = vector.shape_cast %get3A_854 : vector<1x16xf32> to vector<16xf32>
          %add3A_856 = arith.addf %scan3A_800, %get3A_855 : vector<16xf32>
          %add3A_857 = arith.constant 0 : i32
          %add3A_858 = arith.addi %add3A_857, %scan3A_796 : i32
          %get3A_859 = arith.index_cast %add3A_858 : i32 to index
          %get3A_860 = arith.constant 64 : index
          %get3A_861 = tpu.vector_load %arg5[%get3A_859, %get3A_860] {strides = array<i32>} : memref<256x128xf32, #tpu.memory_space<vmem>>, vector<1x16xf32>,
          %get3A_862 = vector.shape_cast %get3A_861 : vector<1x16xf32> to vector<16xf32>
          %add3A_863 = arith.addf %scan3A_801, %get3A_862 : vector<16xf32>
          %add3A_864 = arith.constant 0 : i32
          %add3A_865 = arith.addi %add3A_864, %scan3A_796 : i32
          %get3A_866 = arith.index_cast %add3A_865 : i32 to index
          %get3A_867 = arith.constant 80 : index
          %get3A_868 = tpu.vector_load %arg5[%get3A_866, %get3A_867] {strides = array<i32>} : memref<256x128xf32, #tpu.memory_space<vmem>>, vector<1x16xf32>,
          %get3A_869 = vector.shape_cast %get3A_868 : vector<1x16xf32> to vector<16xf32>
          %add3A_870 = arith.addf %scan3A_802, %get3A_869 : vector<16xf32>
          %add3A_871 = arith.constant 0 : i32
          %add3A_872 = arith.addi %add3A_871, %scan3A_796 : i32
          %get3A_873 = arith.index_cast %add3A_872 : i32 to index
          %get3A_874 = arith.constant 96 : index
          %get3A_875 = tpu.vector_load %arg5[%get3A_873, %get3A_874] {strides = array<i32>} : memref<256x128xf32, #tpu.memory_space<vmem>>, vector<1x16xf32>,
          %get3A_876 = vector.shape_cast %get3A_875 : vector<1x16xf32> to vector<16xf32>
          %add3A_877 = arith.addf %scan3A_803, %get3A_876 : vector<16xf32>
          %add3A_878 = arith.constant 0 : i32
          %add3A_879 = arith.addi %add3A_878, %scan3A_796 : i32
          %get3A_880 = arith.index_cast %add3A_879 : i32 to index
          %get3A_881 = arith.constant 112 : index
          %get3A_882 = tpu.vector_load %arg5[%get3A_880, %get3A_881] {strides = array<i32>} : memref<256x128xf32, #tpu.memory_space<vmem>>, vector<1x16xf32>,
          %get3A_883 = vector.shape_cast %get3A_882 : vector<1x16xf32> to vector<16xf32>
          %add3A_884 = arith.addf %scan3A_804, %get3A_883 : vector<16xf32>
          %add3A_885 = arith.constant 32 : i32
          %add3A_886 = arith.addi %add3A_885, %scan3A_796 : i32
          %get3A_887 = arith.index_cast %add3A_886 : i32 to index
          %get3A_888 = arith.constant 0 : index
          %get3A_889 = tpu.vector_load %arg5[%get3A_887, %get3A_888] {strides = array<i32>} : memref<256x128xf32, #tpu.memory_space<vmem>>, vector<1x16xf32>,
          %get3A_890 = vector.shape_cast %get3A_889 : vector<1x16xf32> to vector<16xf32>
          %add3A_891 = arith.addf %scan3A_805, %get3A_890 : vector<16xf32>
          %add3A_892 = arith.constant 32 : i32
          %add3A_893 = arith.addi %add3A_892, %scan3A_796 : i32
          %get3A_894 = arith.index_cast %add3A_893 : i32 to index
          %get3A_895 = arith.constant 16 : index
          %get3A_896 = tpu.vector_load %arg5[%get3A_894, %get3A_895] {strides = array<i32>} : memref<256x128xf32, #tpu.memory_space<vmem>>, vector<1x16xf32>,
          %get3A_897 = vector.shape_cast %get3A_896 : vector<1x16xf32> to vector<16xf32>
          %add3A_898 = arith.addf %scan3A_806, %get3A_897 : vector<16xf32>
          %add3A_899 = arith.constant 32 : i32
          %add3A_900 = arith.addi %add3A_899, %scan3A_796 : i32
          %get3A_901 = arith.index_cast %add3A_900 : i32 to index
          %get3A_902 = arith.constant 32 : index
          %get3A_903 = tpu.vector_load %arg5[%get3A_901, %get3A_902] {strides = array<i32>} : memref<256x128xf32, #tpu.memory_space<vmem>>, vector<1x16xf32>,
          %get3A_904 = vector.shape_cast %get3A_903 : vector<1x16xf32> to vector<16xf32>
          %add3A_905 = arith.addf %scan3A_807, %get3A_904 : vector<16xf32>
          %add3A_906 = arith.constant 32 : i32
          %add3A_907 = arith.addi %add3A_906, %scan3A_796 : i32
          %get3A_908 = arith.index_cast %add3A_907 : i32 to index
          %get3A_909 = arith.constant 48 : index
          %get3A_910 = tpu.vector_load %arg5[%get3A_908, %get3A_909] {strides = array<i32>} : memref<256x128xf32, #tpu.memory_space<vmem>>, vector<1x16xf32>,
          %get3A_911 = vector.shape_cast %get3A_910 : vector<1x16xf32> to vector<16xf32>
          %add3A_912 = arith.addf %scan3A_808, %get3A_911 : vector<16xf32>
          %add3A_913 = arith.constant 32 : i32
          %add3A_914 = arith.addi %add3A_913, %scan3A_796 : i32
          %get3A_915 = arith.index_cast %add3A_914 : i32 to index
          %get3A_916 = arith.constant 64 : index
          %get3A_917 = tpu.vector_load %arg5[%get3A_915, %get3A_916] {strides = array<i32>} : memref<256x128xf32, #tpu.memory_space<vmem>>, vector<1x16xf32>,
          %get3A_918 = vector.shape_cast %get3A_917 : vector<1x16xf32> to vector<16xf32>
          %add3A_919 = arith.addf %scan3A_809, %get3A_918 : vector<16xf32>
          %add3A_920 = arith.constant 32 : i32
          %add3A_921 = arith.addi %add3A_920, %scan3A_796 : i32
          %get3A_922 = arith.index_cast %add3A_921 : i32 to index
          %get3A_923 = arith.constant 80 : index
          %get3A_924 = tpu.vector_load %arg5[%get3A_922, %get3A_923] {strides = array<i32>} : memref<256x128xf32, #tpu.memory_space<vmem>>, vector<1x16xf32>,
          %get3A_925 = vector.shape_cast %get3A_924 : vector<1x16xf32> to vector<16xf32>
          %add3A_926 = arith.addf %scan3A_810, %get3A_925 : vector<16xf32>
          %add3A_927 = arith.constant 32 : i32
          %add3A_928 = arith.addi %add3A_927, %scan3A_796 : i32
          %get3A_929 = arith.index_cast %add3A_928 : i32 to index
          %get3A_930 = arith.constant 96 : index
          %get3A_931 = tpu.vector_load %arg5[%get3A_929, %get3A_930] {strides = array<i32>} : memref<256x128xf32, #tpu.memory_space<vmem>>, vector<1x16xf32>,
          %get3A_932 = vector.shape_cast %get3A_931 : vector<1x16xf32> to vector<16xf32>
          %add3A_933 = arith.addf %scan3A_811, %get3A_932 : vector<16xf32>
          %add3A_934 = arith.constant 32 : i32
          %add3A_935 = arith.addi %add3A_934, %scan3A_796 : i32
          %get3A_936 = arith.index_cast %add3A_935 : i32 to index
          %get3A_937 = arith.constant 112 : index
          %get3A_938 = tpu.vector_load %arg5[%get3A_936, %get3A_937] {strides = array<i32>} : memref<256x128xf32, #tpu.memory_space<vmem>>, vector<1x16xf32>,
          %get3A_939 = vector.shape_cast %get3A_938 : vector<1x16xf32> to vector<16xf32>
          %add3A_940 = arith.addf %scan3A_812, %get3A_939 : vector<16xf32>
          %add3A_941 = arith.constant 64 : i32
          %add3A_942 = arith.addi %add3A_941, %scan3A_796 : i32
          %get3A_943 = arith.index_cast %add3A_942 : i32 to index
          %get3A_944 = arith.constant 0 : index
          %get3A_945 = tpu.vector_load %arg5[%get3A_943, %get3A_944] {strides = array<i32>} : memref<256x128xf32, #tpu.memory_space<vmem>>, vector<1x16xf32>,
          %get3A_946 = vector.shape_cast %get3A_945 : vector<1x16xf32> to vector<16xf32>
          %add3A_947 = arith.addf %scan3A_813, %get3A_946 : vector<16xf32>
          %add3A_948 = arith.constant 64 : i32
          %add3A_949 = arith.addi %add3A_948, %scan3A_796 : i32
          %get3A_950 = arith.index_cast %add3A_949 : i32 to index
          %get3A_951 = arith.constant 16 : index
          %get3A_952 = tpu.vector_load %arg5[%get3A_950, %get3A_951] {strides = array<i32>} : memref<256x128xf32, #tpu.memory_space<vmem>>, vector<1x16xf32>,
          %get3A_953 = vector.shape_cast %get3A_952 : vector<1x16xf32> to vector<16xf32>
          %add3A_954 = arith.addf %scan3A_814, %get3A_953 : vector<16xf32>
          %add3A_955 = arith.constant 64 : i32
          %add3A_956 = arith.addi %add3A_955, %scan3A_796 : i32
          %get3A_957 = arith.index_cast %add3A_956 : i32 to index
          %get3A_958 = arith.constant 32 : index
          %get3A_959 = tpu.vector_load %arg5[%get3A_957, %get3A_958] {strides = array<i32>} : memref<256x128xf32, #tpu.memory_space<vmem>>, vector<1x16xf32>,
          %get3A_960 = vector.shape_cast %get3A_959 : vector<1x16xf32> to vector<16xf32>
          %add3A_961 = arith.addf %scan3A_815, %get3A_960 : vector<16xf32>
          %add3A_962 = arith.constant 64 : i32
          %add3A_963 = arith.addi %add3A_962, %scan3A_796 : i32
          %get3A_964 = arith.index_cast %add3A_963 : i32 to index
          %get3A_965 = arith.constant 48 : index
          %get3A_966 = tpu.vector_load %arg5[%get3A_964, %get3A_965] {strides = array<i32>} : memref<256x128xf32, #tpu.memory_space<vmem>>, vector<1x16xf32>,
          %get3A_967 = vector.shape_cast %get3A_966 : vector<1x16xf32> to vector<16xf32>
          %add3A_968 = arith.addf %scan3A_816, %get3A_967 : vector<16xf32>
          %add3A_969 = arith.constant 64 : i32
          %add3A_970 = arith.addi %add3A_969, %scan3A_796 : i32
          %get3A_971 = arith.index_cast %add3A_970 : i32 to index
          %get3A_972 = arith.constant 64 : index
          %get3A_973 = tpu.vector_load %arg5[%get3A_971, %get3A_972] {strides = array<i32>} : memref<256x128xf32, #tpu.memory_space<vmem>>, vector<1x16xf32>,
          %get3A_974 = vector.shape_cast %get3A_973 : vector<1x16xf32> to vector<16xf32>
          %add3A_975 = arith.addf %scan3A_817, %get3A_974 : vector<16xf32>
          %add3A_976 = arith.constant 64 : i32
          %add3A_977 = arith.addi %add3A_976, %scan3A_796 : i32
          %get3A_978 = arith.index_cast %add3A_977 : i32 to index
          %get3A_979 = arith.constant 80 : index
          %get3A_980 = tpu.vector_load %arg5[%get3A_978, %get3A_979] {strides = array<i32>} : memref<256x128xf32, #tpu.memory_space<vmem>>, vector<1x16xf32>,
          %get3A_981 = vector.shape_cast %get3A_980 : vector<1x16xf32> to vector<16xf32>
          %add3A_982 = arith.addf %scan3A_818, %get3A_981 : vector<16xf32>
          %add3A_983 = arith.constant 64 : i32
          %add3A_984 = arith.addi %add3A_983, %scan3A_796 : i32
          %get3A_985 = arith.index_cast %add3A_984 : i32 to index
          %get3A_986 = arith.constant 96 : index
          %get3A_987 = tpu.vector_load %arg5[%get3A_985, %get3A_986] {strides = array<i32>} : memref<256x128xf32, #tpu.memory_space<vmem>>, vector<1x16xf32>,
          %get3A_988 = vector.shape_cast %get3A_987 : vector<1x16xf32> to vector<16xf32>
          %add3A_989 = arith.addf %scan3A_819, %get3A_988 : vector<16xf32>
          %add3A_990 = arith.constant 64 : i32
          %add3A_991 = arith.addi %add3A_990, %scan3A_796 : i32
          %get3A_992 = arith.index_cast %add3A_991 : i32 to index
          %get3A_993 = arith.constant 112 : index
          %get3A_994 = tpu.vector_load %arg5[%get3A_992, %get3A_993] {strides = array<i32>} : memref<256x128xf32, #tpu.memory_space<vmem>>, vector<1x16xf32>,
          %get3A_995 = vector.shape_cast %get3A_994 : vector<1x16xf32> to vector<16xf32>
          %add3A_996 = arith.addf %scan3A_820, %get3A_995 : vector<16xf32>
          %add3A_997 = arith.constant 96 : i32
          %add3A_998 = arith.addi %add3A_997, %scan3A_796 : i32
          %get3A_999 = arith.index_cast %add3A_998 : i32 to index
          %get3A_1000 = arith.constant 0 : index
          %get3A_1001 = tpu.vector_load %arg5[%get3A_999, %get3A_1000] {strides = array<i32>} : memref<256x128xf32, #tpu.memory_space<vmem>>, vector<1x16xf32>,
          %get3A_1002 = vector.shape_cast %get3A_1001 : vector<1x16xf32> to vector<16xf32>
          %add3A_1003 = arith.addf %scan3A_821, %get3A_1002 : vector<16xf32>
          %add3A_1004 = arith.constant 96 : i32
          %add3A_1005 = arith.addi %add3A_1004, %scan3A_796 : i32
          %get3A_1006 = arith.index_cast %add3A_1005 : i32 to index
          %get3A_1007 = arith.constant 16 : index
          %get3A_1008 = tpu.vector_load %arg5[%get3A_1006, %get3A_1007] {strides = array<i32>} : memref<256x128xf32, #tpu.memory_space<vmem>>, vector<1x16xf32>,
          %get3A_1009 = vector.shape_cast %get3A_1008 : vector<1x16xf32> to vector<16xf32>
          %add3A_1010 = arith.addf %scan3A_822, %get3A_1009 : vector<16xf32>
          %add3A_1011 = arith.constant 96 : i32
          %add3A_1012 = arith.addi %add3A_1011, %scan3A_796 : i32
          %get3A_1013 = arith.index_cast %add3A_1012 : i32 to index
          %get3A_1014 = arith.constant 32 : index
          %get3A_1015 = tpu.vector_load %arg5[%get3A_1013, %get3A_1014] {strides = array<i32>} : memref<256x128xf32, #tpu.memory_space<vmem>>, vector<1x16xf32>,
          %get3A_1016 = vector.shape_cast %get3A_1015 : vector<1x16xf32> to vector<16xf32>
          %add3A_1017 = arith.addf %scan3A_823, %get3A_1016 : vector<16xf32>
          %add3A_1018 = arith.constant 96 : i32
          %add3A_1019 = arith.addi %add3A_1018, %scan3A_796 : i32
          %get3A_1020 = arith.index_cast %add3A_1019 : i32 to index
          %get3A_1021 = arith.constant 48 : index
          %get3A_1022 = tpu.vector_load %arg5[%get3A_1020, %get3A_1021] {strides = array<i32>} : memref<256x128xf32, #tpu.memory_space<vmem>>, vector<1x16xf32>,
          %get3A_1023 = vector.shape_cast %get3A_1022 : vector<1x16xf32> to vector<16xf32>
          %add3A_1024 = arith.addf %scan3A_824, %get3A_1023 : vector<16xf32>
          %add3A_1025 = arith.constant 96 : i32
          %add3A_1026 = arith.addi %add3A_1025, %scan3A_796 : i32
          %get3A_1027 = arith.index_cast %add3A_1026 : i32 to index
          %get3A_1028 = arith.constant 64 : index
          %get3A_1029 = tpu.vector_load %arg5[%get3A_1027, %get3A_1028] {strides = array<i32>} : memref<256x128xf32, #tpu.memory_space<vmem>>, vector<1x16xf32>,
          %get3A_1030 = vector.shape_cast %get3A_1029 : vector<1x16xf32> to vector<16xf32>
          %add3A_1031 = arith.addf %scan3A_825, %get3A_1030 : vector<16xf32>
          %add3A_1032 = arith.constant 96 : i32
          %add3A_1033 = arith.addi %add3A_1032, %scan3A_796 : i32
          %get3A_1034 = arith.index_cast %add3A_1033 : i32 to index
          %get3A_1035 = arith.constant 80 : index
          %get3A_1036 = tpu.vector_load %arg5[%get3A_1034, %get3A_1035] {strides = array<i32>} : memref<256x128xf32, #tpu.memory_space<vmem>>, vector<1x16xf32>,
          %get3A_1037 = vector.shape_cast %get3A_1036 : vector<1x16xf32> to vector<16xf32>
          %add3A_1038 = arith.addf %scan3A_826, %get3A_1037 : vector<16xf32>
          %add3A_1039 = arith.constant 96 : i32
          %add3A_1040 = arith.addi %add3A_1039, %scan3A_796 : i32
          %get3A_1041 = arith.index_cast %add3A_1040 : i32 to index
          %get3A_1042 = arith.constant 96 : index
          %get3A_1043 = tpu.vector_load %arg5[%get3A_1041, %get3A_1042] {strides = array<i32>} : memref<256x128xf32, #tpu.memory_space<vmem>>, vector<1x16xf32>,
          %get3A_1044 = vector.shape_cast %get3A_1043 : vector<1x16xf32> to vector<16xf32>
          %add3A_1045 = arith.addf %scan3A_827, %get3A_1044 : vector<16xf32>
          %add3A_1046 = arith.constant 96 : i32
          %add3A_1047 = arith.addi %add3A_1046, %scan3A_796 : i32
          %get3A_1048 = arith.index_cast %add3A_1047 : i32 to index
          %get3A_1049 = arith.constant 112 : index
          %get3A_1050 = tpu.vector_load %arg5[%get3A_1048, %get3A_1049] {strides = array<i32>} : memref<256x128xf32, #tpu.memory_space<vmem>>, vector<1x16xf32>,
          %get3A_1051 = vector.shape_cast %get3A_1050 : vector<1x16xf32> to vector<16xf32>
          %add3A_1052 = arith.addf %scan3A_828, %get3A_1051 : vector<16xf32>
          scf.yield %add3A_835, %add3A_842, %add3A_849, %add3A_856, %add3A_863, %add3A_870, %add3A_877, %add3A_884, %add3A_891, %add3A_898, %add3A_905, %add3A_912, %add3A_919, %add3A_926, %add3A_933, %add3A_940, %add3A_947, %add3A_954, %add3A_961, %add3A_968, %add3A_975, %add3A_982, %add3A_989, %add3A_996, %add3A_1003, %add3A_1010, %add3A_1017, %add3A_1024, %add3A_1031, %add3A_1038, %add3A_1045, %add3A_1052 : vector<16xf32>, vector<16xf32>, vector<16xf32>, vector<16xf32>, vector<16xf32>, vector<16xf32>, vector<16xf32>, vector<16xf32>, vector<16xf32>, vector<16xf32>, vector<16xf32>, vector<16xf32>, vector<16xf32>, vector<16xf32>, vector<16xf32>, vector<16xf32>, vector<16xf32>, vector<16xf32>, vector<16xf32>, vector<16xf32>, vector<16xf32>, vector<16xf32>, vector<16xf32>, vector<16xf32>, vector<16xf32>, vector<16xf32>, vector<16xf32>, vector<16xf32>, vector<16xf32>, vector<16xf32>, vector<16xf32>, vector<16xf32>
        }
        %scan3A_235 = arith.constant 31 : i32
        %swap3A = arith.constant 0 : i32
        %swap3A_236 = arith.index_cast %swap3A : i32 to index
        %swap3A_237 = arith.constant 0 : index
        %swap3A_238 = tpu.vector_load %arg6[%swap3A_236, %swap3A_237] {strides = array<i32>} : memref<8x128xf32, #tpu.memory_space<vmem>>, vector<1x16xf32>,
        %swap3A_239 = vector.shape_cast %swap3A_238 : vector<1x16xf32> to vector<16xf32>
        %swap3A_240 = vector.shape_cast %scan3A_234#0 : vector<16xf32> to vector<1x16xf32>
        tpu.vector_store %arg6[%swap3A_236, %swap3A_237], %swap3A_240 {strides = array<i32>} : memref<8x128xf32, #tpu.memory_space<vmem>>, vector<1x16xf32>,
        %swap3A_241 = arith.constant 0 : i32
        %swap3A_242 = arith.index_cast %swap3A_241 : i32 to index
        %swap3A_243 = arith.constant 16 : index
        %swap3A_244 = tpu.vector_load %arg6[%swap3A_242, %swap3A_243] {strides = array<i32>} : memref<8x128xf32, #tpu.memory_space<vmem>>, vector<1x16xf32>,
        %swap3A_245 = vector.shape_cast %swap3A_244 : vector<1x16xf32> to vector<16xf32>
        %swap3A_246 = vector.shape_cast %scan3A_234#1 : vector<16xf32> to vector<1x16xf32>
        tpu.vector_store %arg6[%swap3A_242, %swap3A_243], %swap3A_246 {strides = array<i32>} : memref<8x128xf32, #tpu.memory_space<vmem>>, vector<1x16xf32>,
        %swap3A_247 = arith.constant 0 : i32
        %swap3A_248 = arith.index_cast %swap3A_247 : i32 to index
        %swap3A_249 = arith.constant 32 : index
        %swap3A_250 = tpu.vector_load %arg6[%swap3A_248, %swap3A_249] {strides = array<i32>} : memref<8x128xf32, #tpu.memory_space<vmem>>, vector<1x16xf32>,
        %swap3A_251 = vector.shape_cast %swap3A_250 : vector<1x16xf32> to vector<16xf32>
        %swap3A_252 = vector.shape_cast %scan3A_234#2 : vector<16xf32> to vector<1x16xf32>
        tpu.vector_store %arg6[%swap3A_248, %swap3A_249], %swap3A_252 {strides = array<i32>} : memref<8x128xf32, #tpu.memory_space<vmem>>, vector<1x16xf32>,
        %swap3A_253 = arith.constant 0 : i32
        %swap3A_254 = arith.index_cast %swap3A_253 : i32 to index
        %swap3A_255 = arith.constant 48 : index
        %swap3A_256 = tpu.vector_load %arg6[%swap3A_254, %swap3A_255] {strides = array<i32>} : memref<8x128xf32, #tpu.memory_space<vmem>>, vector<1x16xf32>,
        %swap3A_257 = vector.shape_cast %swap3A_256 : vector<1x16xf32> to vector<16xf32>
        %swap3A_258 = vector.shape_cast %scan3A_234#3 : vector<16xf32> to vector<1x16xf32>
        tpu.vector_store %arg6[%swap3A_254, %swap3A_255], %swap3A_258 {strides = array<i32>} : memref<8x128xf32, #tpu.memory_space<vmem>>, vector<1x16xf32>,
        %swap3A_259 = arith.constant 0 : i32
        %swap3A_260 = arith.index_cast %swap3A_259 : i32 to index
        %swap3A_261 = arith.constant 64 : index
        %swap3A_262 = tpu.vector_load %arg6[%swap3A_260, %swap3A_261] {strides = array<i32>} : memref<8x128xf32, #tpu.memory_space<vmem>>, vector<1x16xf32>,
        %swap3A_263 = vector.shape_cast %swap3A_262 : vector<1x16xf32> to vector<16xf32>
        %swap3A_264 = vector.shape_cast %scan3A_234#4 : vector<16xf32> to vector<1x16xf32>
        tpu.vector_store %arg6[%swap3A_260, %swap3A_261], %swap3A_264 {strides = array<i32>} : memref<8x128xf32, #tpu.memory_space<vmem>>, vector<1x16xf32>,
        %swap3A_265 = arith.constant 0 : i32
        %swap3A_266 = arith.index_cast %swap3A_265 : i32 to index
        %swap3A_267 = arith.constant 80 : index
        %swap3A_268 = tpu.vector_load %arg6[%swap3A_266, %swap3A_267] {strides = array<i32>} : memref<8x128xf32, #tpu.memory_space<vmem>>, vector<1x16xf32>,
        %swap3A_269 = vector.shape_cast %swap3A_268 : vector<1x16xf32> to vector<16xf32>
        %swap3A_270 = vector.shape_cast %scan3A_234#5 : vector<16xf32> to vector<1x16xf32>
        tpu.vector_store %arg6[%swap3A_266, %swap3A_267], %swap3A_270 {strides = array<i32>} : memref<8x128xf32, #tpu.memory_space<vmem>>, vector<1x16xf32>,
        %swap3A_271 = arith.constant 0 : i32
        %swap3A_272 = arith.index_cast %swap3A_271 : i32 to index
        %swap3A_273 = arith.constant 96 : index
        %swap3A_274 = tpu.vector_load %arg6[%swap3A_272, %swap3A_273] {strides = array<i32>} : memref<8x128xf32, #tpu.memory_space<vmem>>, vector<1x16xf32>,
        %swap3A_275 = vector.shape_cast %swap3A_274 : vector<1x16xf32> to vector<16xf32>
        %swap3A_276 = vector.shape_cast %scan3A_234#6 : vector<16xf32> to vector<1x16xf32>
        tpu.vector_store %arg6[%swap3A_272, %swap3A_273], %swap3A_276 {strides = array<i32>} : memref<8x128xf32, #tpu.memory_space<vmem>>, vector<1x16xf32>,
        %swap3A_277 = arith.constant 0 : i32
        %swap3A_278 = arith.index_cast %swap3A_277 : i32 to index
        %swap3A_279 = arith.constant 112 : index
        %swap3A_280 = tpu.vector_load %arg6[%swap3A_278, %swap3A_279] {strides = array<i32>} : memref<8x128xf32, #tpu.memory_space<vmem>>, vector<1x16xf32>,
        %swap3A_281 = vector.shape_cast %swap3A_280 : vector<1x16xf32> to vector<16xf32>
        %swap3A_282 = vector.shape_cast %scan3A_234#7 : vector<16xf32> to vector<1x16xf32>
        tpu.vector_store %arg6[%swap3A_278, %swap3A_279], %swap3A_282 {strides = array<i32>} : memref<8x128xf32, #tpu.memory_space<vmem>>, vector<1x16xf32>,
        %swap3A_283 = arith.constant 1 : i32
        %swap3A_284 = arith.index_cast %swap3A_283 : i32 to index
        %swap3A_285 = arith.constant 0 : index
        %swap3A_286 = tpu.vector_load %arg6[%swap3A_284, %swap3A_285] {strides = array<i32>} : memref<8x128xf32, #tpu.memory_space<vmem>>, vector<1x16xf32>,
        %swap3A_287 = vector.shape_cast %swap3A_286 : vector<1x16xf32> to vector<16xf32>
        %swap3A_288 = vector.shape_cast %scan3A_234#8 : vector<16xf32> to vector<1x16xf32>
        tpu.vector_store %arg6[%swap3A_284, %swap3A_285], %swap3A_288 {strides = array<i32>} : memref<8x128xf32, #tpu.memory_space<vmem>>, vector<1x16xf32>,
        %swap3A_289 = arith.constant 1 : i32
        %swap3A_290 = arith.index_cast %swap3A_289 : i32 to index
        %swap3A_291 = arith.constant 16 : index
        %swap3A_292 = tpu.vector_load %arg6[%swap3A_290, %swap3A_291] {strides = array<i32>} : memref<8x128xf32, #tpu.memory_space<vmem>>, vector<1x16xf32>,
        %swap3A_293 = vector.shape_cast %swap3A_292 : vector<1x16xf32> to vector<16xf32>
        %swap3A_294 = vector.shape_cast %scan3A_234#9 : vector<16xf32> to vector<1x16xf32>
        tpu.vector_store %arg6[%swap3A_290, %swap3A_291], %swap3A_294 {strides = array<i32>} : memref<8x128xf32, #tpu.memory_space<vmem>>, vector<1x16xf32>,
        %swap3A_295 = arith.constant 1 : i32
        %swap3A_296 = arith.index_cast %swap3A_295 : i32 to index
        %swap3A_297 = arith.constant 32 : index
        %swap3A_298 = tpu.vector_load %arg6[%swap3A_296, %swap3A_297] {strides = array<i32>} : memref<8x128xf32, #tpu.memory_space<vmem>>, vector<1x16xf32>,
        %swap3A_299 = vector.shape_cast %swap3A_298 : vector<1x16xf32> to vector<16xf32>
        %swap3A_300 = vector.shape_cast %scan3A_234#10 : vector<16xf32> to vector<1x16xf32>
        tpu.vector_store %arg6[%swap3A_296, %swap3A_297], %swap3A_300 {strides = array<i32>} : memref<8x128xf32, #tpu.memory_space<vmem>>, vector<1x16xf32>,
        %swap3A_301 = arith.constant 1 : i32
        %swap3A_302 = arith.index_cast %swap3A_301 : i32 to index
        %swap3A_303 = arith.constant 48 : index
        %swap3A_304 = tpu.vector_load %arg6[%swap3A_302, %swap3A_303] {strides = array<i32>} : memref<8x128xf32, #tpu.memory_space<vmem>>, vector<1x16xf32>,
        %swap3A_305 = vector.shape_cast %swap3A_304 : vector<1x16xf32> to vector<16xf32>
        %swap3A_306 = vector.shape_cast %scan3A_234#11 : vector<16xf32> to vector<1x16xf32>
        tpu.vector_store %arg6[%swap3A_302, %swap3A_303], %swap3A_306 {strides = array<i32>} : memref<8x128xf32, #tpu.memory_space<vmem>>, vector<1x16xf32>,
        %swap3A_307 = arith.constant 1 : i32
        %swap3A_308 = arith.index_cast %swap3A_307 : i32 to index
        %swap3A_309 = arith.constant 64 : index
        %swap3A_310 = tpu.vector_load %arg6[%swap3A_308, %swap3A_309] {strides = array<i32>} : memref<8x128xf32, #tpu.memory_space<vmem>>, vector<1x16xf32>,
        %swap3A_311 = vector.shape_cast %swap3A_310 : vector<1x16xf32> to vector<16xf32>
        %swap3A_312 = vector.shape_cast %scan3A_234#12 : vector<16xf32> to vector<1x16xf32>
        tpu.vector_store %arg6[%swap3A_308, %swap3A_309], %swap3A_312 {strides = array<i32>} : memref<8x128xf32, #tpu.memory_space<vmem>>, vector<1x16xf32>,
        %swap3A_313 = arith.constant 1 : i32
        %swap3A_314 = arith.index_cast %swap3A_313 : i32 to index
        %swap3A_315 = arith.constant 80 : index
        %swap3A_316 = tpu.vector_load %arg6[%swap3A_314, %swap3A_315] {strides = array<i32>} : memref<8x128xf32, #tpu.memory_space<vmem>>, vector<1x16xf32>,
        %swap3A_317 = vector.shape_cast %swap3A_316 : vector<1x16xf32> to vector<16xf32>
        %swap3A_318 = vector.shape_cast %scan3A_234#13 : vector<16xf32> to vector<1x16xf32>
        tpu.vector_store %arg6[%swap3A_314, %swap3A_315], %swap3A_318 {strides = array<i32>} : memref<8x128xf32, #tpu.memory_space<vmem>>, vector<1x16xf32>,
        %swap3A_319 = arith.constant 1 : i32
        %swap3A_320 = arith.index_cast %swap3A_319 : i32 to index
        %swap3A_321 = arith.constant 96 : index
        %swap3A_322 = tpu.vector_load %arg6[%swap3A_320, %swap3A_321] {strides = array<i32>} : memref<8x128xf32, #tpu.memory_space<vmem>>, vector<1x16xf32>,
        %swap3A_323 = vector.shape_cast %swap3A_322 : vector<1x16xf32> to vector<16xf32>
        %swap3A_324 = vector.shape_cast %scan3A_234#14 : vector<16xf32> to vector<1x16xf32>
        tpu.vector_store %arg6[%swap3A_320, %swap3A_321], %swap3A_324 {strides = array<i32>} : memref<8x128xf32, #tpu.memory_space<vmem>>, vector<1x16xf32>,
        %swap3A_325 = arith.constant 1 : i32
        %swap3A_326 = arith.index_cast %swap3A_325 : i32 to index
        %swap3A_327 = arith.constant 112 : index
        %swap3A_328 = tpu.vector_load %arg6[%swap3A_326, %swap3A_327] {strides = array<i32>} : memref<8x128xf32, #tpu.memory_space<vmem>>, vector<1x16xf32>,
        %swap3A_329 = vector.shape_cast %swap3A_328 : vector<1x16xf32> to vector<16xf32>
        %swap3A_330 = vector.shape_cast %scan3A_234#15 : vector<16xf32> to vector<1x16xf32>
        tpu.vector_store %arg6[%swap3A_326, %swap3A_327], %swap3A_330 {strides = array<i32>} : memref<8x128xf32, #tpu.memory_space<vmem>>, vector<1x16xf32>,
        %swap3A_331 = arith.constant 2 : i32
        %swap3A_332 = arith.index_cast %swap3A_331 : i32 to index
        %swap3A_333 = arith.constant 0 : index
        %swap3A_334 = tpu.vector_load %arg6[%swap3A_332, %swap3A_333] {strides = array<i32>} : memref<8x128xf32, #tpu.memory_space<vmem>>, vector<1x16xf32>,
        %swap3A_335 = vector.shape_cast %swap3A_334 : vector<1x16xf32> to vector<16xf32>
        %swap3A_336 = vector.shape_cast %scan3A_234#16 : vector<16xf32> to vector<1x16xf32>
        tpu.vector_store %arg6[%swap3A_332, %swap3A_333], %swap3A_336 {strides = array<i32>} : memref<8x128xf32, #tpu.memory_space<vmem>>, vector<1x16xf32>,
        %swap3A_337 = arith.constant 2 : i32
        %swap3A_338 = arith.index_cast %swap3A_337 : i32 to index
        %swap3A_339 = arith.constant 16 : index
        %swap3A_340 = tpu.vector_load %arg6[%swap3A_338, %swap3A_339] {strides = array<i32>} : memref<8x128xf32, #tpu.memory_space<vmem>>, vector<1x16xf32>,
        %swap3A_341 = vector.shape_cast %swap3A_340 : vector<1x16xf32> to vector<16xf32>
        %swap3A_342 = vector.shape_cast %scan3A_234#17 : vector<16xf32> to vector<1x16xf32>
        tpu.vector_store %arg6[%swap3A_338, %swap3A_339], %swap3A_342 {strides = array<i32>} : memref<8x128xf32, #tpu.memory_space<vmem>>, vector<1x16xf32>,
        %swap3A_343 = arith.constant 2 : i32
        %swap3A_344 = arith.index_cast %swap3A_343 : i32 to index
        %swap3A_345 = arith.constant 32 : index
        %swap3A_346 = tpu.vector_load %arg6[%swap3A_344, %swap3A_345] {strides = array<i32>} : memref<8x128xf32, #tpu.memory_space<vmem>>, vector<1x16xf32>,
        %swap3A_347 = vector.shape_cast %swap3A_346 : vector<1x16xf32> to vector<16xf32>
        %swap3A_348 = vector.shape_cast %scan3A_234#18 : vector<16xf32> to vector<1x16xf32>
        tpu.vector_store %arg6[%swap3A_344, %swap3A_345], %swap3A_348 {strides = array<i32>} : memref<8x128xf32, #tpu.memory_space<vmem>>, vector<1x16xf32>,
        %swap3A_349 = arith.constant 2 : i32
        %swap3A_350 = arith.index_cast %swap3A_349 : i32 to index
        %swap3A_351 = arith.constant 48 : index
        %swap3A_352 = tpu.vector_load %arg6[%swap3A_350, %swap3A_351] {strides = array<i32>} : memref<8x128xf32, #tpu.memory_space<vmem>>, vector<1x16xf32>,
        %swap3A_353 = vector.shape_cast %swap3A_352 : vector<1x16xf32> to vector<16xf32>
        %swap3A_354 = vector.shape_cast %scan3A_234#19 : vector<16xf32> to vector<1x16xf32>
        tpu.vector_store %arg6[%swap3A_350, %swap3A_351], %swap3A_354 {strides = array<i32>} : memref<8x128xf32, #tpu.memory_space<vmem>>, vector<1x16xf32>,
        %swap3A_355 = arith.constant 2 : i32
        %swap3A_356 = arith.index_cast %swap3A_355 : i32 to index
        %swap3A_357 = arith.constant 64 : index
        %swap3A_358 = tpu.vector_load %arg6[%swap3A_356, %swap3A_357] {strides = array<i32>} : memref<8x128xf32, #tpu.memory_space<vmem>>, vector<1x16xf32>,
        %swap3A_359 = vector.shape_cast %swap3A_358 : vector<1x16xf32> to vector<16xf32>
        %swap3A_360 = vector.shape_cast %scan3A_234#20 : vector<16xf32> to vector<1x16xf32>
        tpu.vector_store %arg6[%swap3A_356, %swap3A_357], %swap3A_360 {strides = array<i32>} : memref<8x128xf32, #tpu.memory_space<vmem>>, vector<1x16xf32>,
        %swap3A_361 = arith.constant 2 : i32
        %swap3A_362 = arith.index_cast %swap3A_361 : i32 to index
        %swap3A_363 = arith.constant 80 : index
        %swap3A_364 = tpu.vector_load %arg6[%swap3A_362, %swap3A_363] {strides = array<i32>} : memref<8x128xf32, #tpu.memory_space<vmem>>, vector<1x16xf32>,
        %swap3A_365 = vector.shape_cast %swap3A_364 : vector<1x16xf32> to vector<16xf32>
        %swap3A_366 = vector.shape_cast %scan3A_234#21 : vector<16xf32> to vector<1x16xf32>
        tpu.vector_store %arg6[%swap3A_362, %swap3A_363], %swap3A_366 {strides = array<i32>} : memref<8x128xf32, #tpu.memory_space<vmem>>, vector<1x16xf32>,
        %swap3A_367 = arith.constant 2 : i32
        %swap3A_368 = arith.index_cast %swap3A_367 : i32 to index
        %swap3A_369 = arith.constant 96 : index
        %swap3A_370 = tpu.vector_load %arg6[%swap3A_368, %swap3A_369] {strides = array<i32>} : memref<8x128xf32, #tpu.memory_space<vmem>>, vector<1x16xf32>,
        %swap3A_371 = vector.shape_cast %swap3A_370 : vector<1x16xf32> to vector<16xf32>
        %swap3A_372 = vector.shape_cast %scan3A_234#22 : vector<16xf32> to vector<1x16xf32>
        tpu.vector_store %arg6[%swap3A_368, %swap3A_369], %swap3A_372 {strides = array<i32>} : memref<8x128xf32, #tpu.memory_space<vmem>>, vector<1x16xf32>,
        %swap3A_373 = arith.constant 2 : i32
        %swap3A_374 = arith.index_cast %swap3A_373 : i32 to index
        %swap3A_375 = arith.constant 112 : index
        %swap3A_376 = tpu.vector_load %arg6[%swap3A_374, %swap3A_375] {strides = array<i32>} : memref<8x128xf32, #tpu.memory_space<vmem>>, vector<1x16xf32>,
        %swap3A_377 = vector.shape_cast %swap3A_376 : vector<1x16xf32> to vector<16xf32>
        %swap3A_378 = vector.shape_cast %scan3A_234#23 : vector<16xf32> to vector<1x16xf32>
        tpu.vector_store %arg6[%swap3A_374, %swap3A_375], %swap3A_378 {strides = array<i32>} : memref<8x128xf32, #tpu.memory_space<vmem>>, vector<1x16xf32>,
        %swap3A_379 = arith.constant 3 : i32
        %swap3A_380 = arith.index_cast %swap3A_379 : i32 to index
        %swap3A_381 = arith.constant 0 : index
        %swap3A_382 = tpu.vector_load %arg6[%swap3A_380, %swap3A_381] {strides = array<i32>} : memref<8x128xf32, #tpu.memory_space<vmem>>, vector<1x16xf32>,
        %swap3A_383 = vector.shape_cast %swap3A_382 : vector<1x16xf32> to vector<16xf32>
        %swap3A_384 = vector.shape_cast %scan3A_234#24 : vector<16xf32> to vector<1x16xf32>
        tpu.vector_store %arg6[%swap3A_380, %swap3A_381], %swap3A_384 {strides = array<i32>} : memref<8x128xf32, #tpu.memory_space<vmem>>, vector<1x16xf32>,
        %swap3A_385 = arith.constant 3 : i32
        %swap3A_386 = arith.index_cast %swap3A_385 : i32 to index
        %swap3A_387 = arith.constant 16 : index
        %swap3A_388 = tpu.vector_load %arg6[%swap3A_386, %swap3A_387] {strides = array<i32>} : memref<8x128xf32, #tpu.memory_space<vmem>>, vector<1x16xf32>,
        %swap3A_389 = vector.shape_cast %swap3A_388 : vector<1x16xf32> to vector<16xf32>
        %swap3A_390 = vector.shape_cast %scan3A_234#25 : vector<16xf32> to vector<1x16xf32>
        tpu.vector_store %arg6[%swap3A_386, %swap3A_387], %swap3A_390 {strides = array<i32>} : memref<8x128xf32, #tpu.memory_space<vmem>>, vector<1x16xf32>,
        %swap3A_391 = arith.constant 3 : i32
        %swap3A_392 = arith.index_cast %swap3A_391 : i32 to index
        %swap3A_393 = arith.constant 32 : index
        %swap3A_394 = tpu.vector_load %arg6[%swap3A_392, %swap3A_393] {strides = array<i32>} : memref<8x128xf32, #tpu.memory_space<vmem>>, vector<1x16xf32>,
        %swap3A_395 = vector.shape_cast %swap3A_394 : vector<1x16xf32> to vector<16xf32>
        %swap3A_396 = vector.shape_cast %scan3A_234#26 : vector<16xf32> to vector<1x16xf32>
        tpu.vector_store %arg6[%swap3A_392, %swap3A_393], %swap3A_396 {strides = array<i32>} : memref<8x128xf32, #tpu.memory_space<vmem>>, vector<1x16xf32>,
        %swap3A_397 = arith.constant 3 : i32
        %swap3A_398 = arith.index_cast %swap3A_397 : i32 to index
        %swap3A_399 = arith.constant 48 : index
        %swap3A_400 = tpu.vector_load %arg6[%swap3A_398, %swap3A_399] {strides = array<i32>} : memref<8x128xf32, #tpu.memory_space<vmem>>, vector<1x16xf32>,
        %swap3A_401 = vector.shape_cast %swap3A_400 : vector<1x16xf32> to vector<16xf32>
        %swap3A_402 = vector.shape_cast %scan3A_234#27 : vector<16xf32> to vector<1x16xf32>
        tpu.vector_store %arg6[%swap3A_398, %swap3A_399], %swap3A_402 {strides = array<i32>} : memref<8x128xf32, #tpu.memory_space<vmem>>, vector<1x16xf32>,
        %swap3A_403 = arith.constant 3 : i32
        %swap3A_404 = arith.index_cast %swap3A_403 : i32 to index
        %swap3A_405 = arith.constant 64 : index
        %swap3A_406 = tpu.vector_load %arg6[%swap3A_404, %swap3A_405] {strides = array<i32>} : memref<8x128xf32, #tpu.memory_space<vmem>>, vector<1x16xf32>,
        %swap3A_407 = vector.shape_cast %swap3A_406 : vector<1x16xf32> to vector<16xf32>
        %swap3A_408 = vector.shape_cast %scan3A_234#28 : vector<16xf32> to vector<1x16xf32>
        tpu.vector_store %arg6[%swap3A_404, %swap3A_405], %swap3A_408 {strides = array<i32>} : memref<8x128xf32, #tpu.memory_space<vmem>>, vector<1x16xf32>,
        %swap3A_409 = arith.constant 3 : i32
        %swap3A_410 = arith.index_cast %swap3A_409 : i32 to index
        %swap3A_411 = arith.constant 80 : index
        %swap3A_412 = tpu.vector_load %arg6[%swap3A_410, %swap3A_411] {strides = array<i32>} : memref<8x128xf32, #tpu.memory_space<vmem>>, vector<1x16xf32>,
        %swap3A_413 = vector.shape_cast %swap3A_412 : vector<1x16xf32> to vector<16xf32>
        %swap3A_414 = vector.shape_cast %scan3A_234#29 : vector<16xf32> to vector<1x16xf32>
        tpu.vector_store %arg6[%swap3A_410, %swap3A_411], %swap3A_414 {strides = array<i32>} : memref<8x128xf32, #tpu.memory_space<vmem>>, vector<1x16xf32>,
        %swap3A_415 = arith.constant 3 : i32
        %swap3A_416 = arith.index_cast %swap3A_415 : i32 to index
        %swap3A_417 = arith.constant 96 : index
        %swap3A_418 = tpu.vector_load %arg6[%swap3A_416, %swap3A_417] {strides = array<i32>} : memref<8x128xf32, #tpu.memory_space<vmem>>, vector<1x16xf32>,
        %swap3A_419 = vector.shape_cast %swap3A_418 : vector<1x16xf32> to vector<16xf32>
        %swap3A_420 = vector.shape_cast %scan3A_234#30 : vector<16xf32> to vector<1x16xf32>
        tpu.vector_store %arg6[%swap3A_416, %swap3A_417], %swap3A_420 {strides = array<i32>} : memref<8x128xf32, #tpu.memory_space<vmem>>, vector<1x16xf32>,
        %swap3A_421 = arith.constant 3 : i32
        %swap3A_422 = arith.index_cast %swap3A_421 : i32 to index
        %swap3A_423 = arith.constant 112 : index
        %swap3A_424 = tpu.vector_load %arg6[%swap3A_422, %swap3A_423] {strides = array<i32>} : memref<8x128xf32, #tpu.memory_space<vmem>>, vector<1x16xf32>,
        %swap3A_425 = vector.shape_cast %swap3A_424 : vector<1x16xf32> to vector<16xf32>
        %swap3A_426 = vector.shape_cast %scan3A_234#31 : vector<16xf32> to vector<1x16xf32>
        tpu.vector_store %arg6[%swap3A_422, %swap3A_423], %swap3A_426 {strides = array<i32>} : memref<8x128xf32, #tpu.memory_space<vmem>>, vector<1x16xf32>,
        %get3A_427 = arith.constant 128 : i32
        %get3A_428 = arith.index_cast %get3A_427 : i32 to index
        %get3A_429 = arith.constant 0 : index
        %get3A_430 = tpu.vector_load %arg5[%get3A_428, %get3A_429] {strides = array<i32>} : memref<256x128xf32, #tpu.memory_space<vmem>>, vector<1x16xf32>,
        %get3A_431 = vector.shape_cast %get3A_430 : vector<1x16xf32> to vector<16xf32>
        %get3A_432 = arith.constant 128 : i32
        %get3A_433 = arith.index_cast %get3A_432 : i32 to index
        %get3A_434 = arith.constant 16 : index
        %get3A_435 = tpu.vector_load %arg5[%get3A_433, %get3A_434] {strides = array<i32>} : memref<256x128xf32, #tpu.memory_space<vmem>>, vector<1x16xf32>,
        %get3A_436 = vector.shape_cast %get3A_435 : vector<1x16xf32> to vector<16xf32>
        %get3A_437 = arith.constant 128 : i32
        %get3A_438 = arith.index_cast %get3A_437 : i32 to index
        %get3A_439 = arith.constant 32 : index
        %get3A_440 = tpu.vector_load %arg5[%get3A_438, %get3A_439] {strides = array<i32>} : memref<256x128xf32, #tpu.memory_space<vmem>>, vector<1x16xf32>,
        %get3A_441 = vector.shape_cast %get3A_440 : vector<1x16xf32> to vector<16xf32>
        %get3A_442 = arith.constant 128 : i32
        %get3A_443 = arith.index_cast %get3A_442 : i32 to index
        %get3A_444 = arith.constant 48 : index
        %get3A_445 = tpu.vector_load %arg5[%get3A_443, %get3A_444] {strides = array<i32>} : memref<256x128xf32, #tpu.memory_space<vmem>>, vector<1x16xf32>,
        %get3A_446 = vector.shape_cast %get3A_445 : vector<1x16xf32> to vector<16xf32>
        %get3A_447 = arith.constant 128 : i32
        %get3A_448 = arith.index_cast %get3A_447 : i32 to index
        %get3A_449 = arith.constant 64 : index
        %get3A_450 = tpu.vector_load %arg5[%get3A_448, %get3A_449] {strides = array<i32>} : memref<256x128xf32, #tpu.memory_space<vmem>>, vector<1x16xf32>,
        %get3A_451 = vector.shape_cast %get3A_450 : vector<1x16xf32> to vector<16xf32>
        %get3A_452 = arith.constant 128 : i32
        %get3A_453 = arith.index_cast %get3A_452 : i32 to index
        %get3A_454 = arith.constant 80 : index
        %get3A_455 = tpu.vector_load %arg5[%get3A_453, %get3A_454] {strides = array<i32>} : memref<256x128xf32, #tpu.memory_space<vmem>>, vector<1x16xf32>,
        %get3A_456 = vector.shape_cast %get3A_455 : vector<1x16xf32> to vector<16xf32>
        %get3A_457 = arith.constant 128 : i32
        %get3A_458 = arith.index_cast %get3A_457 : i32 to index
        %get3A_459 = arith.constant 96 : index
        %get3A_460 = tpu.vector_load %arg5[%get3A_458, %get3A_459] {strides = array<i32>} : memref<256x128xf32, #tpu.memory_space<vmem>>, vector<1x16xf32>,
        %get3A_461 = vector.shape_cast %get3A_460 : vector<1x16xf32> to vector<16xf32>
        %get3A_462 = arith.constant 128 : i32
        %get3A_463 = arith.index_cast %get3A_462 : i32 to index
        %get3A_464 = arith.constant 112 : index
        %get3A_465 = tpu.vector_load %arg5[%get3A_463, %get3A_464] {strides = array<i32>} : memref<256x128xf32, #tpu.memory_space<vmem>>, vector<1x16xf32>,
        %get3A_466 = vector.shape_cast %get3A_465 : vector<1x16xf32> to vector<16xf32>
        %get3A_467 = arith.constant 160 : i32
        %get3A_468 = arith.index_cast %get3A_467 : i32 to index
        %get3A_469 = arith.constant 0 : index
        %get3A_470 = tpu.vector_load %arg5[%get3A_468, %get3A_469] {strides = array<i32>} : memref<256x128xf32, #tpu.memory_space<vmem>>, vector<1x16xf32>,
        %get3A_471 = vector.shape_cast %get3A_470 : vector<1x16xf32> to vector<16xf32>
        %get3A_472 = arith.constant 160 : i32
        %get3A_473 = arith.index_cast %get3A_472 : i32 to index
        %get3A_474 = arith.constant 16 : index
        %get3A_475 = tpu.vector_load %arg5[%get3A_473, %get3A_474] {strides = array<i32>} : memref<256x128xf32, #tpu.memory_space<vmem>>, vector<1x16xf32>,
        %get3A_476 = vector.shape_cast %get3A_475 : vector<1x16xf32> to vector<16xf32>
        %get3A_477 = arith.constant 160 : i32
        %get3A_478 = arith.index_cast %get3A_477 : i32 to index
        %get3A_479 = arith.constant 32 : index
        %get3A_480 = tpu.vector_load %arg5[%get3A_478, %get3A_479] {strides = array<i32>} : memref<256x128xf32, #tpu.memory_space<vmem>>, vector<1x16xf32>,
        %get3A_481 = vector.shape_cast %get3A_480 : vector<1x16xf32> to vector<16xf32>
        %get3A_482 = arith.constant 160 : i32
        %get3A_483 = arith.index_cast %get3A_482 : i32 to index
        %get3A_484 = arith.constant 48 : index
        %get3A_485 = tpu.vector_load %arg5[%get3A_483, %get3A_484] {strides = array<i32>} : memref<256x128xf32, #tpu.memory_space<vmem>>, vector<1x16xf32>,
        %get3A_486 = vector.shape_cast %get3A_485 : vector<1x16xf32> to vector<16xf32>
        %get3A_487 = arith.constant 160 : i32
        %get3A_488 = arith.index_cast %get3A_487 : i32 to index
        %get3A_489 = arith.constant 64 : index
        %get3A_490 = tpu.vector_load %arg5[%get3A_488, %get3A_489] {strides = array<i32>} : memref<256x128xf32, #tpu.memory_space<vmem>>, vector<1x16xf32>,
        %get3A_491 = vector.shape_cast %get3A_490 : vector<1x16xf32> to vector<16xf32>
        %get3A_492 = arith.constant 160 : i32
        %get3A_493 = arith.index_cast %get3A_492 : i32 to index
        %get3A_494 = arith.constant 80 : index
        %get3A_495 = tpu.vector_load %arg5[%get3A_493, %get3A_494] {strides = array<i32>} : memref<256x128xf32, #tpu.memory_space<vmem>>, vector<1x16xf32>,
        %get3A_496 = vector.shape_cast %get3A_495 : vector<1x16xf32> to vector<16xf32>
        %get3A_497 = arith.constant 160 : i32
        %get3A_498 = arith.index_cast %get3A_497 : i32 to index
        %get3A_499 = arith.constant 96 : index
        %get3A_500 = tpu.vector_load %arg5[%get3A_498, %get3A_499] {strides = array<i32>} : memref<256x128xf32, #tpu.memory_space<vmem>>, vector<1x16xf32>,
        %get3A_501 = vector.shape_cast %get3A_500 : vector<1x16xf32> to vector<16xf32>
        %get3A_502 = arith.constant 160 : i32
        %get3A_503 = arith.index_cast %get3A_502 : i32 to index
        %get3A_504 = arith.constant 112 : index
        %get3A_505 = tpu.vector_load %arg5[%get3A_503, %get3A_504] {strides = array<i32>} : memref<256x128xf32, #tpu.memory_space<vmem>>, vector<1x16xf32>,
        %get3A_506 = vector.shape_cast %get3A_505 : vector<1x16xf32> to vector<16xf32>
        %get3A_507 = arith.constant 192 : i32
        %get3A_508 = arith.index_cast %get3A_507 : i32 to index
        %get3A_509 = arith.constant 0 : index
        %get3A_510 = tpu.vector_load %arg5[%get3A_508, %get3A_509] {strides = array<i32>} : memref<256x128xf32, #tpu.memory_space<vmem>>, vector<1x16xf32>,
        %get3A_511 = vector.shape_cast %get3A_510 : vector<1x16xf32> to vector<16xf32>
        %get3A_512 = arith.constant 192 : i32
        %get3A_513 = arith.index_cast %get3A_512 : i32 to index
        %get3A_514 = arith.constant 16 : index
        %get3A_515 = tpu.vector_load %arg5[%get3A_513, %get3A_514] {strides = array<i32>} : memref<256x128xf32, #tpu.memory_space<vmem>>, vector<1x16xf32>,
        %get3A_516 = vector.shape_cast %get3A_515 : vector<1x16xf32> to vector<16xf32>
        %get3A_517 = arith.constant 192 : i32
        %get3A_518 = arith.index_cast %get3A_517 : i32 to index
        %get3A_519 = arith.constant 32 : index
        %get3A_520 = tpu.vector_load %arg5[%get3A_518, %get3A_519] {strides = array<i32>} : memref<256x128xf32, #tpu.memory_space<vmem>>, vector<1x16xf32>,
        %get3A_521 = vector.shape_cast %get3A_520 : vector<1x16xf32> to vector<16xf32>
        %get3A_522 = arith.constant 192 : i32
        %get3A_523 = arith.index_cast %get3A_522 : i32 to index
        %get3A_524 = arith.constant 48 : index
        %get3A_525 = tpu.vector_load %arg5[%get3A_523, %get3A_524] {strides = array<i32>} : memref<256x128xf32, #tpu.memory_space<vmem>>, vector<1x16xf32>,
        %get3A_526 = vector.shape_cast %get3A_525 : vector<1x16xf32> to vector<16xf32>
        %get3A_527 = arith.constant 192 : i32
        %get3A_528 = arith.index_cast %get3A_527 : i32 to index
        %get3A_529 = arith.constant 64 : index
        %get3A_530 = tpu.vector_load %arg5[%get3A_528, %get3A_529] {strides = array<i32>} : memref<256x128xf32, #tpu.memory_space<vmem>>, vector<1x16xf32>,
        %get3A_531 = vector.shape_cast %get3A_530 : vector<1x16xf32> to vector<16xf32>
        %get3A_532 = arith.constant 192 : i32
        %get3A_533 = arith.index_cast %get3A_532 : i32 to index
        %get3A_534 = arith.constant 80 : index
        %get3A_535 = tpu.vector_load %arg5[%get3A_533, %get3A_534] {strides = array<i32>} : memref<256x128xf32, #tpu.memory_space<vmem>>, vector<1x16xf32>,
        %get3A_536 = vector.shape_cast %get3A_535 : vector<1x16xf32> to vector<16xf32>
        %get3A_537 = arith.constant 192 : i32
        %get3A_538 = arith.index_cast %get3A_537 : i32 to index
        %get3A_539 = arith.constant 96 : index
        %get3A_540 = tpu.vector_load %arg5[%get3A_538, %get3A_539] {strides = array<i32>} : memref<256x128xf32, #tpu.memory_space<vmem>>, vector<1x16xf32>,
        %get3A_541 = vector.shape_cast %get3A_540 : vector<1x16xf32> to vector<16xf32>
        %get3A_542 = arith.constant 192 : i32
        %get3A_543 = arith.index_cast %get3A_542 : i32 to index
        %get3A_544 = arith.constant 112 : index
        %get3A_545 = tpu.vector_load %arg5[%get3A_543, %get3A_544] {strides = array<i32>} : memref<256x128xf32, #tpu.memory_space<vmem>>, vector<1x16xf32>,
        %get3A_546 = vector.shape_cast %get3A_545 : vector<1x16xf32> to vector<16xf32>
        %get3A_547 = arith.constant 224 : i32
        %get3A_548 = arith.index_cast %get3A_547 : i32 to index
        %get3A_549 = arith.constant 0 : index
        %get3A_550 = tpu.vector_load %arg5[%get3A_548, %get3A_549] {strides = array<i32>} : memref<256x128xf32, #tpu.memory_space<vmem>>, vector<1x16xf32>,
        %get3A_551 = vector.shape_cast %get3A_550 : vector<1x16xf32> to vector<16xf32>
        %get3A_552 = arith.constant 224 : i32
        %get3A_553 = arith.index_cast %get3A_552 : i32 to index
        %get3A_554 = arith.constant 16 : index
        %get3A_555 = tpu.vector_load %arg5[%get3A_553, %get3A_554] {strides = array<i32>} : memref<256x128xf32, #tpu.memory_space<vmem>>, vector<1x16xf32>,
        %get3A_556 = vector.shape_cast %get3A_555 : vector<1x16xf32> to vector<16xf32>
        %get3A_557 = arith.constant 224 : i32
        %get3A_558 = arith.index_cast %get3A_557 : i32 to index
        %get3A_559 = arith.constant 32 : index
        %get3A_560 = tpu.vector_load %arg5[%get3A_558, %get3A_559] {strides = array<i32>} : memref<256x128xf32, #tpu.memory_space<vmem>>, vector<1x16xf32>,
        %get3A_561 = vector.shape_cast %get3A_560 : vector<1x16xf32> to vector<16xf32>
        %get3A_562 = arith.constant 224 : i32
        %get3A_563 = arith.index_cast %get3A_562 : i32 to index
        %get3A_564 = arith.constant 48 : index
        %get3A_565 = tpu.vector_load %arg5[%get3A_563, %get3A_564] {strides = array<i32>} : memref<256x128xf32, #tpu.memory_space<vmem>>, vector<1x16xf32>,
        %get3A_566 = vector.shape_cast %get3A_565 : vector<1x16xf32> to vector<16xf32>
        %get3A_567 = arith.constant 224 : i32
        %get3A_568 = arith.index_cast %get3A_567 : i32 to index
        %get3A_569 = arith.constant 64 : index
        %get3A_570 = tpu.vector_load %arg5[%get3A_568, %get3A_569] {strides = array<i32>} : memref<256x128xf32, #tpu.memory_space<vmem>>, vector<1x16xf32>,
        %get3A_571 = vector.shape_cast %get3A_570 : vector<1x16xf32> to vector<16xf32>
        %get3A_572 = arith.constant 224 : i32
        %get3A_573 = arith.index_cast %get3A_572 : i32 to index
        %get3A_574 = arith.constant 80 : index
        %get3A_575 = tpu.vector_load %arg5[%get3A_573, %get3A_574] {strides = array<i32>} : memref<256x128xf32, #tpu.memory_space<vmem>>, vector<1x16xf32>,
        %get3A_576 = vector.shape_cast %get3A_575 : vector<1x16xf32> to vector<16xf32>
        %get3A_577 = arith.constant 224 : i32
        %get3A_578 = arith.index_cast %get3A_577 : i32 to index
        %get3A_579 = arith.constant 96 : index
        %get3A_580 = tpu.vector_load %arg5[%get3A_578, %get3A_579] {strides = array<i32>} : memref<256x128xf32, #tpu.memory_space<vmem>>, vector<1x16xf32>,
        %get3A_581 = vector.shape_cast %get3A_580 : vector<1x16xf32> to vector<16xf32>
        %get3A_582 = arith.constant 224 : i32
        %get3A_583 = arith.index_cast %get3A_582 : i32 to index
        %get3A_584 = arith.constant 112 : index
        %get3A_585 = tpu.vector_load %arg5[%get3A_583, %get3A_584] {strides = array<i32>} : memref<256x128xf32, #tpu.memory_space<vmem>>, vector<1x16xf32>,
        %get3A_586 = vector.shape_cast %get3A_585 : vector<1x16xf32> to vector<16xf32>
        %scan3A_587 = arith.constant 1 : i32
        %scan3A_588 = arith.constant 31 : i32
        %scan3A_589 = arith.addi %scan3A_587, %scan3A_588 : i32
        %scan3A_590 = arith.constant 1 : i32
        %scan3A_591:32 = scf.for %scan3A_796 = %scan3A_587 to %scan3A_589 step %scan3A_590 iter_args(%scan3A_797 = %get3A_431, %scan3A_798 = %get3A_436, %scan3A_799 = %get3A_441, %scan3A_800 = %get3A_446, %scan3A_801 = %get3A_451, %scan3A_802 = %get3A_456, %scan3A_803 = %get3A_461, %scan3A_804 = %get3A_466, %scan3A_805 = %get3A_471, %scan3A_806 = %get3A_476, %scan3A_807 = %get3A_481, %scan3A_808 = %get3A_486, %scan3A_809 = %get3A_491, %scan3A_810 = %get3A_496, %scan3A_811 = %get3A_501, %scan3A_812 = %get3A_506, %scan3A_813 = %get3A_511, %scan3A_814 = %get3A_516, %scan3A_815 = %get3A_521, %scan3A_816 = %get3A_526, %scan3A_817 = %get3A_531, %scan3A_818 = %get3A_536, %scan3A_819 = %get3A_541, %scan3A_820 = %get3A_546, %scan3A_821 = %get3A_551, %scan3A_822 = %get3A_556, %scan3A_823 = %get3A_561, %scan3A_824 = %get3A_566, %scan3A_825 = %get3A_571, %scan3A_826 = %get3A_576, %scan3A_827 = %get3A_581, %scan3A_828 = %get3A_586) -> (vector<16xf32>, vector<16xf32>, vector<16xf32>, vector<16xf32>, vector<16xf32>, vector<16xf32>, vector<16xf32>, vector<16xf32>, vector<16xf32>, vector<16xf32>, vector<16xf32>, vector<16xf32>, vector<16xf32>, vector<16xf32>, vector<16xf32>, vector<16xf32>, vector<16xf32>, vector<16xf32>, vector<16xf32>, vector<16xf32>, vector<16xf32>, vector<16xf32>, vector<16xf32>, vector<16xf32>, vector<16xf32>, vector<16xf32>, vector<16xf32>, vector<16xf32>, vector<16xf32>, vector<16xf32>, vector<16xf32>, vector<16xf32>)  : i32 {
          %add3A_829 = arith.constant 128 : i32
          %add3A_830 = arith.addi %add3A_829, %scan3A_796 : i32
          %get3A_831 = arith.index_cast %add3A_830 : i32 to index
          %get3A_832 = arith.constant 0 : index
          %get3A_833 = tpu.vector_load %arg5[%get3A_831, %get3A_832] {strides = array<i32>} : memref<256x128xf32, #tpu.memory_space<vmem>>, vector<1x16xf32>,
          %get3A_834 = vector.shape_cast %get3A_833 : vector<1x16xf32> to vector<16xf32>
          %add3A_835 = arith.addf %scan3A_797, %get3A_834 : vector<16xf32>
          %add3A_836 = arith.constant 128 : i32
          %add3A_837 = arith.addi %add3A_836, %scan3A_796 : i32
          %get3A_838 = arith.index_cast %add3A_837 : i32 to index
          %get3A_839 = arith.constant 16 : index
          %get3A_840 = tpu.vector_load %arg5[%get3A_838, %get3A_839] {strides = array<i32>} : memref<256x128xf32, #tpu.memory_space<vmem>>, vector<1x16xf32>,
          %get3A_841 = vector.shape_cast %get3A_840 : vector<1x16xf32> to vector<16xf32>
          %add3A_842 = arith.addf %scan3A_798, %get3A_841 : vector<16xf32>
          %add3A_843 = arith.constant 128 : i32
          %add3A_844 = arith.addi %add3A_843, %scan3A_796 : i32
          %get3A_845 = arith.index_cast %add3A_844 : i32 to index
          %get3A_846 = arith.constant 32 : index
          %get3A_847 = tpu.vector_load %arg5[%get3A_845, %get3A_846] {strides = array<i32>} : memref<256x128xf32, #tpu.memory_space<vmem>>, vector<1x16xf32>,
          %get3A_848 = vector.shape_cast %get3A_847 : vector<1x16xf32> to vector<16xf32>
          %add3A_849 = arith.addf %scan3A_799, %get3A_848 : vector<16xf32>
          %add3A_850 = arith.constant 128 : i32
          %add3A_851 = arith.addi %add3A_850, %scan3A_796 : i32
          %get3A_852 = arith.index_cast %add3A_851 : i32 to index
          %get3A_853 = arith.constant 48 : index
          %get3A_854 = tpu.vector_load %arg5[%get3A_852, %get3A_853] {strides = array<i32>} : memref<256x128xf32, #tpu.memory_space<vmem>>, vector<1x16xf32>,
          %get3A_855 = vector.shape_cast %get3A_854 : vector<1x16xf32> to vector<16xf32>
          %add3A_856 = arith.addf %scan3A_800, %get3A_855 : vector<16xf32>
          %add3A_857 = arith.constant 128 : i32
          %add3A_858 = arith.addi %add3A_857, %scan3A_796 : i32
          %get3A_859 = arith.index_cast %add3A_858 : i32 to index
          %get3A_860 = arith.constant 64 : index
          %get3A_861 = tpu.vector_load %arg5[%get3A_859, %get3A_860] {strides = array<i32>} : memref<256x128xf32, #tpu.memory_space<vmem>>, vector<1x16xf32>,
          %get3A_862 = vector.shape_cast %get3A_861 : vector<1x16xf32> to vector<16xf32>
          %add3A_863 = arith.addf %scan3A_801, %get3A_862 : vector<16xf32>
          %add3A_864 = arith.constant 128 : i32
          %add3A_865 = arith.addi %add3A_864, %scan3A_796 : i32
          %get3A_866 = arith.index_cast %add3A_865 : i32 to index
          %get3A_867 = arith.constant 80 : index
          %get3A_868 = tpu.vector_load %arg5[%get3A_866, %get3A_867] {strides = array<i32>} : memref<256x128xf32, #tpu.memory_space<vmem>>, vector<1x16xf32>,
          %get3A_869 = vector.shape_cast %get3A_868 : vector<1x16xf32> to vector<16xf32>
          %add3A_870 = arith.addf %scan3A_802, %get3A_869 : vector<16xf32>
          %add3A_871 = arith.constant 128 : i32
          %add3A_872 = arith.addi %add3A_871, %scan3A_796 : i32
          %get3A_873 = arith.index_cast %add3A_872 : i32 to index
          %get3A_874 = arith.constant 96 : index
          %get3A_875 = tpu.vector_load %arg5[%get3A_873, %get3A_874] {strides = array<i32>} : memref<256x128xf32, #tpu.memory_space<vmem>>, vector<1x16xf32>,
          %get3A_876 = vector.shape_cast %get3A_875 : vector<1x16xf32> to vector<16xf32>
          %add3A_877 = arith.addf %scan3A_803, %get3A_876 : vector<16xf32>
          %add3A_878 = arith.constant 128 : i32
          %add3A_879 = arith.addi %add3A_878, %scan3A_796 : i32
          %get3A_880 = arith.index_cast %add3A_879 : i32 to index
          %get3A_881 = arith.constant 112 : index
          %get3A_882 = tpu.vector_load %arg5[%get3A_880, %get3A_881] {strides = array<i32>} : memref<256x128xf32, #tpu.memory_space<vmem>>, vector<1x16xf32>,
          %get3A_883 = vector.shape_cast %get3A_882 : vector<1x16xf32> to vector<16xf32>
          %add3A_884 = arith.addf %scan3A_804, %get3A_883 : vector<16xf32>
          %add3A_885 = arith.constant 160 : i32
          %add3A_886 = arith.addi %add3A_885, %scan3A_796 : i32
          %get3A_887 = arith.index_cast %add3A_886 : i32 to index
          %get3A_888 = arith.constant 0 : index
          %get3A_889 = tpu.vector_load %arg5[%get3A_887, %get3A_888] {strides = array<i32>} : memref<256x128xf32, #tpu.memory_space<vmem>>, vector<1x16xf32>,
          %get3A_890 = vector.shape_cast %get3A_889 : vector<1x16xf32> to vector<16xf32>
          %add3A_891 = arith.addf %scan3A_805, %get3A_890 : vector<16xf32>
          %add3A_892 = arith.constant 160 : i32
          %add3A_893 = arith.addi %add3A_892, %scan3A_796 : i32
          %get3A_894 = arith.index_cast %add3A_893 : i32 to index
          %get3A_895 = arith.constant 16 : index
          %get3A_896 = tpu.vector_load %arg5[%get3A_894, %get3A_895] {strides = array<i32>} : memref<256x128xf32, #tpu.memory_space<vmem>>, vector<1x16xf32>,
          %get3A_897 = vector.shape_cast %get3A_896 : vector<1x16xf32> to vector<16xf32>
          %add3A_898 = arith.addf %scan3A_806, %get3A_897 : vector<16xf32>
          %add3A_899 = arith.constant 160 : i32
          %add3A_900 = arith.addi %add3A_899, %scan3A_796 : i32
          %get3A_901 = arith.index_cast %add3A_900 : i32 to index
          %get3A_902 = arith.constant 32 : index
          %get3A_903 = tpu.vector_load %arg5[%get3A_901, %get3A_902] {strides = array<i32>} : memref<256x128xf32, #tpu.memory_space<vmem>>, vector<1x16xf32>,
          %get3A_904 = vector.shape_cast %get3A_903 : vector<1x16xf32> to vector<16xf32>
          %add3A_905 = arith.addf %scan3A_807, %get3A_904 : vector<16xf32>
          %add3A_906 = arith.constant 160 : i32
          %add3A_907 = arith.addi %add3A_906, %scan3A_796 : i32
          %get3A_908 = arith.index_cast %add3A_907 : i32 to index
          %get3A_909 = arith.constant 48 : index
          %get3A_910 = tpu.vector_load %arg5[%get3A_908, %get3A_909] {strides = array<i32>} : memref<256x128xf32, #tpu.memory_space<vmem>>, vector<1x16xf32>,
          %get3A_911 = vector.shape_cast %get3A_910 : vector<1x16xf32> to vector<16xf32>
          %add3A_912 = arith.addf %scan3A_808, %get3A_911 : vector<16xf32>
          %add3A_913 = arith.constant 160 : i32
          %add3A_914 = arith.addi %add3A_913, %scan3A_796 : i32
          %get3A_915 = arith.index_cast %add3A_914 : i32 to index
          %get3A_916 = arith.constant 64 : index
          %get3A_917 = tpu.vector_load %arg5[%get3A_915, %get3A_916] {strides = array<i32>} : memref<256x128xf32, #tpu.memory_space<vmem>>, vector<1x16xf32>,
          %get3A_918 = vector.shape_cast %get3A_917 : vector<1x16xf32> to vector<16xf32>
          %add3A_919 = arith.addf %scan3A_809, %get3A_918 : vector<16xf32>
          %add3A_920 = arith.constant 160 : i32
          %add3A_921 = arith.addi %add3A_920, %scan3A_796 : i32
          %get3A_922 = arith.index_cast %add3A_921 : i32 to index
          %get3A_923 = arith.constant 80 : index
          %get3A_924 = tpu.vector_load %arg5[%get3A_922, %get3A_923] {strides = array<i32>} : memref<256x128xf32, #tpu.memory_space<vmem>>, vector<1x16xf32>,
          %get3A_925 = vector.shape_cast %get3A_924 : vector<1x16xf32> to vector<16xf32>
          %add3A_926 = arith.addf %scan3A_810, %get3A_925 : vector<16xf32>
          %add3A_927 = arith.constant 160 : i32
          %add3A_928 = arith.addi %add3A_927, %scan3A_796 : i32
          %get3A_929 = arith.index_cast %add3A_928 : i32 to index
          %get3A_930 = arith.constant 96 : index
          %get3A_931 = tpu.vector_load %arg5[%get3A_929, %get3A_930] {strides = array<i32>} : memref<256x128xf32, #tpu.memory_space<vmem>>, vector<1x16xf32>,
          %get3A_932 = vector.shape_cast %get3A_931 : vector<1x16xf32> to vector<16xf32>
          %add3A_933 = arith.addf %scan3A_811, %get3A_932 : vector<16xf32>
          %add3A_934 = arith.constant 160 : i32
          %add3A_935 = arith.addi %add3A_934, %scan3A_796 : i32
          %get3A_936 = arith.index_cast %add3A_935 : i32 to index
          %get3A_937 = arith.constant 112 : index
          %get3A_938 = tpu.vector_load %arg5[%get3A_936, %get3A_937] {strides = array<i32>} : memref<256x128xf32, #tpu.memory_space<vmem>>, vector<1x16xf32>,
          %get3A_939 = vector.shape_cast %get3A_938 : vector<1x16xf32> to vector<16xf32>
          %add3A_940 = arith.addf %scan3A_812, %get3A_939 : vector<16xf32>
          %add3A_941 = arith.constant 192 : i32
          %add3A_942 = arith.addi %add3A_941, %scan3A_796 : i32
          %get3A_943 = arith.index_cast %add3A_942 : i32 to index
          %get3A_944 = arith.constant 0 : index
          %get3A_945 = tpu.vector_load %arg5[%get3A_943, %get3A_944] {strides = array<i32>} : memref<256x128xf32, #tpu.memory_space<vmem>>, vector<1x16xf32>,
          %get3A_946 = vector.shape_cast %get3A_945 : vector<1x16xf32> to vector<16xf32>
          %add3A_947 = arith.addf %scan3A_813, %get3A_946 : vector<16xf32>
          %add3A_948 = arith.constant 192 : i32
          %add3A_949 = arith.addi %add3A_948, %scan3A_796 : i32
          %get3A_950 = arith.index_cast %add3A_949 : i32 to index
          %get3A_951 = arith.constant 16 : index
          %get3A_952 = tpu.vector_load %arg5[%get3A_950, %get3A_951] {strides = array<i32>} : memref<256x128xf32, #tpu.memory_space<vmem>>, vector<1x16xf32>,
          %get3A_953 = vector.shape_cast %get3A_952 : vector<1x16xf32> to vector<16xf32>
          %add3A_954 = arith.addf %scan3A_814, %get3A_953 : vector<16xf32>
          %add3A_955 = arith.constant 192 : i32
          %add3A_956 = arith.addi %add3A_955, %scan3A_796 : i32
          %get3A_957 = arith.index_cast %add3A_956 : i32 to index
          %get3A_958 = arith.constant 32 : index
          %get3A_959 = tpu.vector_load %arg5[%get3A_957, %get3A_958] {strides = array<i32>} : memref<256x128xf32, #tpu.memory_space<vmem>>, vector<1x16xf32>,
          %get3A_960 = vector.shape_cast %get3A_959 : vector<1x16xf32> to vector<16xf32>
          %add3A_961 = arith.addf %scan3A_815, %get3A_960 : vector<16xf32>
          %add3A_962 = arith.constant 192 : i32
          %add3A_963 = arith.addi %add3A_962, %scan3A_796 : i32
          %get3A_964 = arith.index_cast %add3A_963 : i32 to index
          %get3A_965 = arith.constant 48 : index
          %get3A_966 = tpu.vector_load %arg5[%get3A_964, %get3A_965] {strides = array<i32>} : memref<256x128xf32, #tpu.memory_space<vmem>>, vector<1x16xf32>,
          %get3A_967 = vector.shape_cast %get3A_966 : vector<1x16xf32> to vector<16xf32>
          %add3A_968 = arith.addf %scan3A_816, %get3A_967 : vector<16xf32>
          %add3A_969 = arith.constant 192 : i32
          %add3A_970 = arith.addi %add3A_969, %scan3A_796 : i32
          %get3A_971 = arith.index_cast %add3A_970 : i32 to index
          %get3A_972 = arith.constant 64 : index
          %get3A_973 = tpu.vector_load %arg5[%get3A_971, %get3A_972] {strides = array<i32>} : memref<256x128xf32, #tpu.memory_space<vmem>>, vector<1x16xf32>,
          %get3A_974 = vector.shape_cast %get3A_973 : vector<1x16xf32> to vector<16xf32>
          %add3A_975 = arith.addf %scan3A_817, %get3A_974 : vector<16xf32>
          %add3A_976 = arith.constant 192 : i32
          %add3A_977 = arith.addi %add3A_976, %scan3A_796 : i32
          %get3A_978 = arith.index_cast %add3A_977 : i32 to index
          %get3A_979 = arith.constant 80 : index
          %get3A_980 = tpu.vector_load %arg5[%get3A_978, %get3A_979] {strides = array<i32>} : memref<256x128xf32, #tpu.memory_space<vmem>>, vector<1x16xf32>,
          %get3A_981 = vector.shape_cast %get3A_980 : vector<1x16xf32> to vector<16xf32>
          %add3A_982 = arith.addf %scan3A_818, %get3A_981 : vector<16xf32>
          %add3A_983 = arith.constant 192 : i32
          %add3A_984 = arith.addi %add3A_983, %scan3A_796 : i32
          %get3A_985 = arith.index_cast %add3A_984 : i32 to index
          %get3A_986 = arith.constant 96 : index
          %get3A_987 = tpu.vector_load %arg5[%get3A_985, %get3A_986] {strides = array<i32>} : memref<256x128xf32, #tpu.memory_space<vmem>>, vector<1x16xf32>,
          %get3A_988 = vector.shape_cast %get3A_987 : vector<1x16xf32> to vector<16xf32>
          %add3A_989 = arith.addf %scan3A_819, %get3A_988 : vector<16xf32>
          %add3A_990 = arith.constant 192 : i32
          %add3A_991 = arith.addi %add3A_990, %scan3A_796 : i32
          %get3A_992 = arith.index_cast %add3A_991 : i32 to index
          %get3A_993 = arith.constant 112 : index
          %get3A_994 = tpu.vector_load %arg5[%get3A_992, %get3A_993] {strides = array<i32>} : memref<256x128xf32, #tpu.memory_space<vmem>>, vector<1x16xf32>,
          %get3A_995 = vector.shape_cast %get3A_994 : vector<1x16xf32> to vector<16xf32>
          %add3A_996 = arith.addf %scan3A_820, %get3A_995 : vector<16xf32>
          %add3A_997 = arith.constant 224 : i32
          %add3A_998 = arith.addi %add3A_997, %scan3A_796 : i32
          %get3A_999 = arith.index_cast %add3A_998 : i32 to index
          %get3A_1000 = arith.constant 0 : index
          %get3A_1001 = tpu.vector_load %arg5[%get3A_999, %get3A_1000] {strides = array<i32>} : memref<256x128xf32, #tpu.memory_space<vmem>>, vector<1x16xf32>,
          %get3A_1002 = vector.shape_cast %get3A_1001 : vector<1x16xf32> to vector<16xf32>
          %add3A_1003 = arith.addf %scan3A_821, %get3A_1002 : vector<16xf32>
          %add3A_1004 = arith.constant 224 : i32
          %add3A_1005 = arith.addi %add3A_1004, %scan3A_796 : i32
          %get3A_1006 = arith.index_cast %add3A_1005 : i32 to index
          %get3A_1007 = arith.constant 16 : index
          %get3A_1008 = tpu.vector_load %arg5[%get3A_1006, %get3A_1007] {strides = array<i32>} : memref<256x128xf32, #tpu.memory_space<vmem>>, vector<1x16xf32>,
          %get3A_1009 = vector.shape_cast %get3A_1008 : vector<1x16xf32> to vector<16xf32>
          %add3A_1010 = arith.addf %scan3A_822, %get3A_1009 : vector<16xf32>
          %add3A_1011 = arith.constant 224 : i32
          %add3A_1012 = arith.addi %add3A_1011, %scan3A_796 : i32
          %get3A_1013 = arith.index_cast %add3A_1012 : i32 to index
          %get3A_1014 = arith.constant 32 : index
          %get3A_1015 = tpu.vector_load %arg5[%get3A_1013, %get3A_1014] {strides = array<i32>} : memref<256x128xf32, #tpu.memory_space<vmem>>, vector<1x16xf32>,
          %get3A_1016 = vector.shape_cast %get3A_1015 : vector<1x16xf32> to vector<16xf32>
          %add3A_1017 = arith.addf %scan3A_823, %get3A_1016 : vector<16xf32>
          %add3A_1018 = arith.constant 224 : i32
          %add3A_1019 = arith.addi %add3A_1018, %scan3A_796 : i32
          %get3A_1020 = arith.index_cast %add3A_1019 : i32 to index
          %get3A_1021 = arith.constant 48 : index
          %get3A_1022 = tpu.vector_load %arg5[%get3A_1020, %get3A_1021] {strides = array<i32>} : memref<256x128xf32, #tpu.memory_space<vmem>>, vector<1x16xf32>,
          %get3A_1023 = vector.shape_cast %get3A_1022 : vector<1x16xf32> to vector<16xf32>
          %add3A_1024 = arith.addf %scan3A_824, %get3A_1023 : vector<16xf32>
          %add3A_1025 = arith.constant 224 : i32
          %add3A_1026 = arith.addi %add3A_1025, %scan3A_796 : i32
          %get3A_1027 = arith.index_cast %add3A_1026 : i32 to index
          %get3A_1028 = arith.constant 64 : index
          %get3A_1029 = tpu.vector_load %arg5[%get3A_1027, %get3A_1028] {strides = array<i32>} : memref<256x128xf32, #tpu.memory_space<vmem>>, vector<1x16xf32>,
          %get3A_1030 = vector.shape_cast %get3A_1029 : vector<1x16xf32> to vector<16xf32>
          %add3A_1031 = arith.addf %scan3A_825, %get3A_1030 : vector<16xf32>
          %add3A_1032 = arith.constant 224 : i32
          %add3A_1033 = arith.addi %add3A_1032, %scan3A_796 : i32
          %get3A_1034 = arith.index_cast %add3A_1033 : i32 to index
          %get3A_1035 = arith.constant 80 : index
          %get3A_1036 = tpu.vector_load %arg5[%get3A_1034, %get3A_1035] {strides = array<i32>} : memref<256x128xf32, #tpu.memory_space<vmem>>, vector<1x16xf32>,
          %get3A_1037 = vector.shape_cast %get3A_1036 : vector<1x16xf32> to vector<16xf32>
          %add3A_1038 = arith.addf %scan3A_826, %get3A_1037 : vector<16xf32>
          %add3A_1039 = arith.constant 224 : i32
          %add3A_1040 = arith.addi %add3A_1039, %scan3A_796 : i32
          %get3A_1041 = arith.index_cast %add3A_1040 : i32 to index
          %get3A_1042 = arith.constant 96 : index
          %get3A_1043 = tpu.vector_load %arg5[%get3A_1041, %get3A_1042] {strides = array<i32>} : memref<256x128xf32, #tpu.memory_space<vmem>>, vector<1x16xf32>,
          %get3A_1044 = vector.shape_cast %get3A_1043 : vector<1x16xf32> to vector<16xf32>
          %add3A_1045 = arith.addf %scan3A_827, %get3A_1044 : vector<16xf32>
          %add3A_1046 = arith.constant 224 : i32
          %add3A_1047 = arith.addi %add3A_1046, %scan3A_796 : i32
          %get3A_1048 = arith.index_cast %add3A_1047 : i32 to index
          %get3A_1049 = arith.constant 112 : index
          %get3A_1050 = tpu.vector_load %arg5[%get3A_1048, %get3A_1049] {strides = array<i32>} : memref<256x128xf32, #tpu.memory_space<vmem>>, vector<1x16xf32>,
          %get3A_1051 = vector.shape_cast %get3A_1050 : vector<1x16xf32> to vector<16xf32>
          %add3A_1052 = arith.addf %scan3A_828, %get3A_1051 : vector<16xf32>
          scf.yield %add3A_835, %add3A_842, %add3A_849, %add3A_856, %add3A_863, %add3A_870, %add3A_877, %add3A_884, %add3A_891, %add3A_898, %add3A_905, %add3A_912, %add3A_919, %add3A_926, %add3A_933, %add3A_940, %add3A_947, %add3A_954, %add3A_961, %add3A_968, %add3A_975, %add3A_982, %add3A_989, %add3A_996, %add3A_1003, %add3A_1010, %add3A_1017, %add3A_1024, %add3A_1031, %add3A_1038, %add3A_1045, %add3A_1052 : vector<16xf32>, vector<16xf32>, vector<16xf32>, vector<16xf32>, vector<16xf32>, vector<16xf32>, vector<16xf32>, vector<16xf32>, vector<16xf32>, vector<16xf32>, vector<16xf32>, vector<16xf32>, vector<16xf32>, vector<16xf32>, vector<16xf32>, vector<16xf32>, vector<16xf32>, vector<16xf32>, vector<16xf32>, vector<16xf32>, vector<16xf32>, vector<16xf32>, vector<16xf32>, vector<16xf32>, vector<16xf32>, vector<16xf32>, vector<16xf32>, vector<16xf32>, vector<16xf32>, vector<16xf32>, vector<16xf32>, vector<16xf32>
        }
        %scan3A_592 = arith.constant 31 : i32
        %swap3A_593 = arith.constant 4 : i32
        %swap3A_594 = arith.index_cast %swap3A_593 : i32 to index
        %swap3A_595 = arith.constant 0 : index
        %swap3A_596 = tpu.vector_load %arg6[%swap3A_594, %swap3A_595] {strides = array<i32>} : memref<8x128xf32, #tpu.memory_space<vmem>>, vector<1x16xf32>,
        %swap3A_597 = vector.shape_cast %swap3A_596 : vector<1x16xf32> to vector<16xf32>
        %swap3A_598 = vector.shape_cast %scan3A_591#0 : vector<16xf32> to vector<1x16xf32>
        tpu.vector_store %arg6[%swap3A_594, %swap3A_595], %swap3A_598 {strides = array<i32>} : memref<8x128xf32, #tpu.memory_space<vmem>>, vector<1x16xf32>,
        %swap3A_599 = arith.constant 4 : i32
        %swap3A_600 = arith.index_cast %swap3A_599 : i32 to index
        %swap3A_601 = arith.constant 16 : index
        %swap3A_602 = tpu.vector_load %arg6[%swap3A_600, %swap3A_601] {strides = array<i32>} : memref<8x128xf32, #tpu.memory_space<vmem>>, vector<1x16xf32>,
        %swap3A_603 = vector.shape_cast %swap3A_602 : vector<1x16xf32> to vector<16xf32>
        %swap3A_604 = vector.shape_cast %scan3A_591#1 : vector<16xf32> to vector<1x16xf32>
        tpu.vector_store %arg6[%swap3A_600, %swap3A_601], %swap3A_604 {strides = array<i32>} : memref<8x128xf32, #tpu.memory_space<vmem>>, vector<1x16xf32>,
        %swap3A_605 = arith.constant 4 : i32
        %swap3A_606 = arith.index_cast %swap3A_605 : i32 to index
        %swap3A_607 = arith.constant 32 : index
        %swap3A_608 = tpu.vector_load %arg6[%swap3A_606, %swap3A_607] {strides = array<i32>} : memref<8x128xf32, #tpu.memory_space<vmem>>, vector<1x16xf32>,
        %swap3A_609 = vector.shape_cast %swap3A_608 : vector<1x16xf32> to vector<16xf32>
        %swap3A_610 = vector.shape_cast %scan3A_591#2 : vector<16xf32> to vector<1x16xf32>
        tpu.vector_store %arg6[%swap3A_606, %swap3A_607], %swap3A_610 {strides = array<i32>} : memref<8x128xf32, #tpu.memory_space<vmem>>, vector<1x16xf32>,
        %swap3A_611 = arith.constant 4 : i32
        %swap3A_612 = arith.index_cast %swap3A_611 : i32 to index
        %swap3A_613 = arith.constant 48 : index
        %swap3A_614 = tpu.vector_load %arg6[%swap3A_612, %swap3A_613] {strides = array<i32>} : memref<8x128xf32, #tpu.memory_space<vmem>>, vector<1x16xf32>,
        %swap3A_615 = vector.shape_cast %swap3A_614 : vector<1x16xf32> to vector<16xf32>
        %swap3A_616 = vector.shape_cast %scan3A_591#3 : vector<16xf32> to vector<1x16xf32>
        tpu.vector_store %arg6[%swap3A_612, %swap3A_613], %swap3A_616 {strides = array<i32>} : memref<8x128xf32, #tpu.memory_space<vmem>>, vector<1x16xf32>,
        %swap3A_617 = arith.constant 4 : i32
        %swap3A_618 = arith.index_cast %swap3A_617 : i32 to index
        %swap3A_619 = arith.constant 64 : index
        %swap3A_620 = tpu.vector_load %arg6[%swap3A_618, %swap3A_619] {strides = array<i32>} : memref<8x128xf32, #tpu.memory_space<vmem>>, vector<1x16xf32>,
        %swap3A_621 = vector.shape_cast %swap3A_620 : vector<1x16xf32> to vector<16xf32>
        %swap3A_622 = vector.shape_cast %scan3A_591#4 : vector<16xf32> to vector<1x16xf32>
        tpu.vector_store %arg6[%swap3A_618, %swap3A_619], %swap3A_622 {strides = array<i32>} : memref<8x128xf32, #tpu.memory_space<vmem>>, vector<1x16xf32>,
        %swap3A_623 = arith.constant 4 : i32
        %swap3A_624 = arith.index_cast %swap3A_623 : i32 to index
        %swap3A_625 = arith.constant 80 : index
        %swap3A_626 = tpu.vector_load %arg6[%swap3A_624, %swap3A_625] {strides = array<i32>} : memref<8x128xf32, #tpu.memory_space<vmem>>, vector<1x16xf32>,
        %swap3A_627 = vector.shape_cast %swap3A_626 : vector<1x16xf32> to vector<16xf32>
        %swap3A_628 = vector.shape_cast %scan3A_591#5 : vector<16xf32> to vector<1x16xf32>
        tpu.vector_store %arg6[%swap3A_624, %swap3A_625], %swap3A_628 {strides = array<i32>} : memref<8x128xf32, #tpu.memory_space<vmem>>, vector<1x16xf32>,
        %swap3A_629 = arith.constant 4 : i32
        %swap3A_630 = arith.index_cast %swap3A_629 : i32 to index
        %swap3A_631 = arith.constant 96 : index
        %swap3A_632 = tpu.vector_load %arg6[%swap3A_630, %swap3A_631] {strides = array<i32>} : memref<8x128xf32, #tpu.memory_space<vmem>>, vector<1x16xf32>,
        %swap3A_633 = vector.shape_cast %swap3A_632 : vector<1x16xf32> to vector<16xf32>
        %swap3A_634 = vector.shape_cast %scan3A_591#6 : vector<16xf32> to vector<1x16xf32>
        tpu.vector_store %arg6[%swap3A_630, %swap3A_631], %swap3A_634 {strides = array<i32>} : memref<8x128xf32, #tpu.memory_space<vmem>>, vector<1x16xf32>,
        %swap3A_635 = arith.constant 4 : i32
        %swap3A_636 = arith.index_cast %swap3A_635 : i32 to index
        %swap3A_637 = arith.constant 112 : index
        %swap3A_638 = tpu.vector_load %arg6[%swap3A_636, %swap3A_637] {strides = array<i32>} : memref<8x128xf32, #tpu.memory_space<vmem>>, vector<1x16xf32>,
        %swap3A_639 = vector.shape_cast %swap3A_638 : vector<1x16xf32> to vector<16xf32>
        %swap3A_640 = vector.shape_cast %scan3A_591#7 : vector<16xf32> to vector<1x16xf32>
        tpu.vector_store %arg6[%swap3A_636, %swap3A_637], %swap3A_640 {strides = array<i32>} : memref<8x128xf32, #tpu.memory_space<vmem>>, vector<1x16xf32>,
        %swap3A_641 = arith.constant 5 : i32
        %swap3A_642 = arith.index_cast %swap3A_641 : i32 to index
        %swap3A_643 = arith.constant 0 : index
        %swap3A_644 = tpu.vector_load %arg6[%swap3A_642, %swap3A_643] {strides = array<i32>} : memref<8x128xf32, #tpu.memory_space<vmem>>, vector<1x16xf32>,
        %swap3A_645 = vector.shape_cast %swap3A_644 : vector<1x16xf32> to vector<16xf32>
        %swap3A_646 = vector.shape_cast %scan3A_591#8 : vector<16xf32> to vector<1x16xf32>
        tpu.vector_store %arg6[%swap3A_642, %swap3A_643], %swap3A_646 {strides = array<i32>} : memref<8x128xf32, #tpu.memory_space<vmem>>, vector<1x16xf32>,
        %swap3A_647 = arith.constant 5 : i32
        %swap3A_648 = arith.index_cast %swap3A_647 : i32 to index
        %swap3A_649 = arith.constant 16 : index
        %swap3A_650 = tpu.vector_load %arg6[%swap3A_648, %swap3A_649] {strides = array<i32>} : memref<8x128xf32, #tpu.memory_space<vmem>>, vector<1x16xf32>,
        %swap3A_651 = vector.shape_cast %swap3A_650 : vector<1x16xf32> to vector<16xf32>
        %swap3A_652 = vector.shape_cast %scan3A_591#9 : vector<16xf32> to vector<1x16xf32>
        tpu.vector_store %arg6[%swap3A_648, %swap3A_649], %swap3A_652 {strides = array<i32>} : memref<8x128xf32, #tpu.memory_space<vmem>>, vector<1x16xf32>,
        %swap3A_653 = arith.constant 5 : i32
        %swap3A_654 = arith.index_cast %swap3A_653 : i32 to index
        %swap3A_655 = arith.constant 32 : index
        %swap3A_656 = tpu.vector_load %arg6[%swap3A_654, %swap3A_655] {strides = array<i32>} : memref<8x128xf32, #tpu.memory_space<vmem>>, vector<1x16xf32>,
        %swap3A_657 = vector.shape_cast %swap3A_656 : vector<1x16xf32> to vector<16xf32>
        %swap3A_658 = vector.shape_cast %scan3A_591#10 : vector<16xf32> to vector<1x16xf32>
        tpu.vector_store %arg6[%swap3A_654, %swap3A_655], %swap3A_658 {strides = array<i32>} : memref<8x128xf32, #tpu.memory_space<vmem>>, vector<1x16xf32>,
        %swap3A_659 = arith.constant 5 : i32
        %swap3A_660 = arith.index_cast %swap3A_659 : i32 to index
        %swap3A_661 = arith.constant 48 : index
        %swap3A_662 = tpu.vector_load %arg6[%swap3A_660, %swap3A_661] {strides = array<i32>} : memref<8x128xf32, #tpu.memory_space<vmem>>, vector<1x16xf32>,
        %swap3A_663 = vector.shape_cast %swap3A_662 : vector<1x16xf32> to vector<16xf32>
        %swap3A_664 = vector.shape_cast %scan3A_591#11 : vector<16xf32> to vector<1x16xf32>
        tpu.vector_store %arg6[%swap3A_660, %swap3A_661], %swap3A_664 {strides = array<i32>} : memref<8x128xf32, #tpu.memory_space<vmem>>, vector<1x16xf32>,
        %swap3A_665 = arith.constant 5 : i32
        %swap3A_666 = arith.index_cast %swap3A_665 : i32 to index
        %swap3A_667 = arith.constant 64 : index
        %swap3A_668 = tpu.vector_load %arg6[%swap3A_666, %swap3A_667] {strides = array<i32>} : memref<8x128xf32, #tpu.memory_space<vmem>>, vector<1x16xf32>,
        %swap3A_669 = vector.shape_cast %swap3A_668 : vector<1x16xf32> to vector<16xf32>
        %swap3A_670 = vector.shape_cast %scan3A_591#12 : vector<16xf32> to vector<1x16xf32>
        tpu.vector_store %arg6[%swap3A_666, %swap3A_667], %swap3A_670 {strides = array<i32>} : memref<8x128xf32, #tpu.memory_space<vmem>>, vector<1x16xf32>,
        %swap3A_671 = arith.constant 5 : i32
        %swap3A_672 = arith.index_cast %swap3A_671 : i32 to index
        %swap3A_673 = arith.constant 80 : index
        %swap3A_674 = tpu.vector_load %arg6[%swap3A_672, %swap3A_673] {strides = array<i32>} : memref<8x128xf32, #tpu.memory_space<vmem>>, vector<1x16xf32>,
        %swap3A_675 = vector.shape_cast %swap3A_674 : vector<1x16xf32> to vector<16xf32>
        %swap3A_676 = vector.shape_cast %scan3A_591#13 : vector<16xf32> to vector<1x16xf32>
        tpu.vector_store %arg6[%swap3A_672, %swap3A_673], %swap3A_676 {strides = array<i32>} : memref<8x128xf32, #tpu.memory_space<vmem>>, vector<1x16xf32>,
        %swap3A_677 = arith.constant 5 : i32
        %swap3A_678 = arith.index_cast %swap3A_677 : i32 to index
        %swap3A_679 = arith.constant 96 : index
        %swap3A_680 = tpu.vector_load %arg6[%swap3A_678, %swap3A_679] {strides = array<i32>} : memref<8x128xf32, #tpu.memory_space<vmem>>, vector<1x16xf32>,
        %swap3A_681 = vector.shape_cast %swap3A_680 : vector<1x16xf32> to vector<16xf32>
        %swap3A_682 = vector.shape_cast %scan3A_591#14 : vector<16xf32> to vector<1x16xf32>
        tpu.vector_store %arg6[%swap3A_678, %swap3A_679], %swap3A_682 {strides = array<i32>} : memref<8x128xf32, #tpu.memory_space<vmem>>, vector<1x16xf32>,
        %swap3A_683 = arith.constant 5 : i32
        %swap3A_684 = arith.index_cast %swap3A_683 : i32 to index
        %swap3A_685 = arith.constant 112 : index
        %swap3A_686 = tpu.vector_load %arg6[%swap3A_684, %swap3A_685] {strides = array<i32>} : memref<8x128xf32, #tpu.memory_space<vmem>>, vector<1x16xf32>,
        %swap3A_687 = vector.shape_cast %swap3A_686 : vector<1x16xf32> to vector<16xf32>
        %swap3A_688 = vector.shape_cast %scan3A_591#15 : vector<16xf32> to vector<1x16xf32>
        tpu.vector_store %arg6[%swap3A_684, %swap3A_685], %swap3A_688 {strides = array<i32>} : memref<8x128xf32, #tpu.memory_space<vmem>>, vector<1x16xf32>,
        %swap3A_689 = arith.constant 6 : i32
        %swap3A_690 = arith.index_cast %swap3A_689 : i32 to index
        %swap3A_691 = arith.constant 0 : index
        %swap3A_692 = tpu.vector_load %arg6[%swap3A_690, %swap3A_691] {strides = array<i32>} : memref<8x128xf32, #tpu.memory_space<vmem>>, vector<1x16xf32>,
        %swap3A_693 = vector.shape_cast %swap3A_692 : vector<1x16xf32> to vector<16xf32>
        %swap3A_694 = vector.shape_cast %scan3A_591#16 : vector<16xf32> to vector<1x16xf32>
        tpu.vector_store %arg6[%swap3A_690, %swap3A_691], %swap3A_694 {strides = array<i32>} : memref<8x128xf32, #tpu.memory_space<vmem>>, vector<1x16xf32>,
        %swap3A_695 = arith.constant 6 : i32
        %swap3A_696 = arith.index_cast %swap3A_695 : i32 to index
        %swap3A_697 = arith.constant 16 : index
        %swap3A_698 = tpu.vector_load %arg6[%swap3A_696, %swap3A_697] {strides = array<i32>} : memref<8x128xf32, #tpu.memory_space<vmem>>, vector<1x16xf32>,
        %swap3A_699 = vector.shape_cast %swap3A_698 : vector<1x16xf32> to vector<16xf32>
        %swap3A_700 = vector.shape_cast %scan3A_591#17 : vector<16xf32> to vector<1x16xf32>
        tpu.vector_store %arg6[%swap3A_696, %swap3A_697], %swap3A_700 {strides = array<i32>} : memref<8x128xf32, #tpu.memory_space<vmem>>, vector<1x16xf32>,
        %swap3A_701 = arith.constant 6 : i32
        %swap3A_702 = arith.index_cast %swap3A_701 : i32 to index
        %swap3A_703 = arith.constant 32 : index
        %swap3A_704 = tpu.vector_load %arg6[%swap3A_702, %swap3A_703] {strides = array<i32>} : memref<8x128xf32, #tpu.memory_space<vmem>>, vector<1x16xf32>,
        %swap3A_705 = vector.shape_cast %swap3A_704 : vector<1x16xf32> to vector<16xf32>
        %swap3A_706 = vector.shape_cast %scan3A_591#18 : vector<16xf32> to vector<1x16xf32>
        tpu.vector_store %arg6[%swap3A_702, %swap3A_703], %swap3A_706 {strides = array<i32>} : memref<8x128xf32, #tpu.memory_space<vmem>>, vector<1x16xf32>,
        %swap3A_707 = arith.constant 6 : i32
        %swap3A_708 = arith.index_cast %swap3A_707 : i32 to index
        %swap3A_709 = arith.constant 48 : index
        %swap3A_710 = tpu.vector_load %arg6[%swap3A_708, %swap3A_709] {strides = array<i32>} : memref<8x128xf32, #tpu.memory_space<vmem>>, vector<1x16xf32>,
        %swap3A_711 = vector.shape_cast %swap3A_710 : vector<1x16xf32> to vector<16xf32>
        %swap3A_712 = vector.shape_cast %scan3A_591#19 : vector<16xf32> to vector<1x16xf32>
        tpu.vector_store %arg6[%swap3A_708, %swap3A_709], %swap3A_712 {strides = array<i32>} : memref<8x128xf32, #tpu.memory_space<vmem>>, vector<1x16xf32>,
        %swap3A_713 = arith.constant 6 : i32
        %swap3A_714 = arith.index_cast %swap3A_713 : i32 to index
        %swap3A_715 = arith.constant 64 : index
        %swap3A_716 = tpu.vector_load %arg6[%swap3A_714, %swap3A_715] {strides = array<i32>} : memref<8x128xf32, #tpu.memory_space<vmem>>, vector<1x16xf32>,
        %swap3A_717 = vector.shape_cast %swap3A_716 : vector<1x16xf32> to vector<16xf32>
        %swap3A_718 = vector.shape_cast %scan3A_591#20 : vector<16xf32> to vector<1x16xf32>
        tpu.vector_store %arg6[%swap3A_714, %swap3A_715], %swap3A_718 {strides = array<i32>} : memref<8x128xf32, #tpu.memory_space<vmem>>, vector<1x16xf32>,
        %swap3A_719 = arith.constant 6 : i32
        %swap3A_720 = arith.index_cast %swap3A_719 : i32 to index
        %swap3A_721 = arith.constant 80 : index
        %swap3A_722 = tpu.vector_load %arg6[%swap3A_720, %swap3A_721] {strides = array<i32>} : memref<8x128xf32, #tpu.memory_space<vmem>>, vector<1x16xf32>,
        %swap3A_723 = vector.shape_cast %swap3A_722 : vector<1x16xf32> to vector<16xf32>
        %swap3A_724 = vector.shape_cast %scan3A_591#21 : vector<16xf32> to vector<1x16xf32>
        tpu.vector_store %arg6[%swap3A_720, %swap3A_721], %swap3A_724 {strides = array<i32>} : memref<8x128xf32, #tpu.memory_space<vmem>>, vector<1x16xf32>,
        %swap3A_725 = arith.constant 6 : i32
        %swap3A_726 = arith.index_cast %swap3A_725 : i32 to index
        %swap3A_727 = arith.constant 96 : index
        %swap3A_728 = tpu.vector_load %arg6[%swap3A_726, %swap3A_727] {strides = array<i32>} : memref<8x128xf32, #tpu.memory_space<vmem>>, vector<1x16xf32>,
        %swap3A_729 = vector.shape_cast %swap3A_728 : vector<1x16xf32> to vector<16xf32>
        %swap3A_730 = vector.shape_cast %scan3A_591#22 : vector<16xf32> to vector<1x16xf32>
        tpu.vector_store %arg6[%swap3A_726, %swap3A_727], %swap3A_730 {strides = array<i32>} : memref<8x128xf32, #tpu.memory_space<vmem>>, vector<1x16xf32>,
        %swap3A_731 = arith.constant 6 : i32
        %swap3A_732 = arith.index_cast %swap3A_731 : i32 to index
        %swap3A_733 = arith.constant 112 : index
        %swap3A_734 = tpu.vector_load %arg6[%swap3A_732, %swap3A_733] {strides = array<i32>} : memref<8x128xf32, #tpu.memory_space<vmem>>, vector<1x16xf32>,
        %swap3A_735 = vector.shape_cast %swap3A_734 : vector<1x16xf32> to vector<16xf32>
        %swap3A_736 = vector.shape_cast %scan3A_591#23 : vector<16xf32> to vector<1x16xf32>
        tpu.vector_store %arg6[%swap3A_732, %swap3A_733], %swap3A_736 {strides = array<i32>} : memref<8x128xf32, #tpu.memory_space<vmem>>, vector<1x16xf32>,
        %swap3A_737 = arith.constant 7 : i32
        %swap3A_738 = arith.index_cast %swap3A_737 : i32 to index
        %swap3A_739 = arith.constant 0 : index
        %swap3A_740 = tpu.vector_load %arg6[%swap3A_738, %swap3A_739] {strides = array<i32>} : memref<8x128xf32, #tpu.memory_space<vmem>>, vector<1x16xf32>,
        %swap3A_741 = vector.shape_cast %swap3A_740 : vector<1x16xf32> to vector<16xf32>
        %swap3A_742 = vector.shape_cast %scan3A_591#24 : vector<16xf32> to vector<1x16xf32>
        tpu.vector_store %arg6[%swap3A_738, %swap3A_739], %swap3A_742 {strides = array<i32>} : memref<8x128xf32, #tpu.memory_space<vmem>>, vector<1x16xf32>,
        %swap3A_743 = arith.constant 7 : i32
        %swap3A_744 = arith.index_cast %swap3A_743 : i32 to index
        %swap3A_745 = arith.constant 16 : index
        %swap3A_746 = tpu.vector_load %arg6[%swap3A_744, %swap3A_745] {strides = array<i32>} : memref<8x128xf32, #tpu.memory_space<vmem>>, vector<1x16xf32>,
        %swap3A_747 = vector.shape_cast %swap3A_746 : vector<1x16xf32> to vector<16xf32>
        %swap3A_748 = vector.shape_cast %scan3A_591#25 : vector<16xf32> to vector<1x16xf32>
        tpu.vector_store %arg6[%swap3A_744, %swap3A_745], %swap3A_748 {strides = array<i32>} : memref<8x128xf32, #tpu.memory_space<vmem>>, vector<1x16xf32>,
        %swap3A_749 = arith.constant 7 : i32
        %swap3A_750 = arith.index_cast %swap3A_749 : i32 to index
        %swap3A_751 = arith.constant 32 : index
        %swap3A_752 = tpu.vector_load %arg6[%swap3A_750, %swap3A_751] {strides = array<i32>} : memref<8x128xf32, #tpu.memory_space<vmem>>, vector<1x16xf32>,
        %swap3A_753 = vector.shape_cast %swap3A_752 : vector<1x16xf32> to vector<16xf32>
        %swap3A_754 = vector.shape_cast %scan3A_591#26 : vector<16xf32> to vector<1x16xf32>
        tpu.vector_store %arg6[%swap3A_750, %swap3A_751], %swap3A_754 {strides = array<i32>} : memref<8x128xf32, #tpu.memory_space<vmem>>, vector<1x16xf32>,
        %swap3A_755 = arith.constant 7 : i32
        %swap3A_756 = arith.index_cast %swap3A_755 : i32 to index
        %swap3A_757 = arith.constant 48 : index
        %swap3A_758 = tpu.vector_load %arg6[%swap3A_756, %swap3A_757] {strides = array<i32>} : memref<8x128xf32, #tpu.memory_space<vmem>>, vector<1x16xf32>,
        %swap3A_759 = vector.shape_cast %swap3A_758 : vector<1x16xf32> to vector<16xf32>
        %swap3A_760 = vector.shape_cast %scan3A_591#27 : vector<16xf32> to vector<1x16xf32>
        tpu.vector_store %arg6[%swap3A_756, %swap3A_757], %swap3A_760 {strides = array<i32>} : memref<8x128xf32, #tpu.memory_space<vmem>>, vector<1x16xf32>,
        %swap3A_761 = arith.constant 7 : i32
        %swap3A_762 = arith.index_cast %swap3A_761 : i32 to index
        %swap3A_763 = arith.constant 64 : index
        %swap3A_764 = tpu.vector_load %arg6[%swap3A_762, %swap3A_763] {strides = array<i32>} : memref<8x128xf32, #tpu.memory_space<vmem>>, vector<1x16xf32>,
        %swap3A_765 = vector.shape_cast %swap3A_764 : vector<1x16xf32> to vector<16xf32>
        %swap3A_766 = vector.shape_cast %scan3A_591#28 : vector<16xf32> to vector<1x16xf32>
        tpu.vector_store %arg6[%swap3A_762, %swap3A_763], %swap3A_766 {strides = array<i32>} : memref<8x128xf32, #tpu.memory_space<vmem>>, vector<1x16xf32>,
        %swap3A_767 = arith.constant 7 : i32
        %swap3A_768 = arith.index_cast %swap3A_767 : i32 to index
        %swap3A_769 = arith.constant 80 : index
        %swap3A_770 = tpu.vector_load %arg6[%swap3A_768, %swap3A_769] {strides = array<i32>} : memref<8x128xf32, #tpu.memory_space<vmem>>, vector<1x16xf32>,
        %swap3A_771 = vector.shape_cast %swap3A_770 : vector<1x16xf32> to vector<16xf32>
        %swap3A_772 = vector.shape_cast %scan3A_591#29 : vector<16xf32> to vector<1x16xf32>
        tpu.vector_store %arg6[%swap3A_768, %swap3A_769], %swap3A_772 {strides = array<i32>} : memref<8x128xf32, #tpu.memory_space<vmem>>, vector<1x16xf32>,
        %swap3A_773 = arith.constant 7 : i32
        %swap3A_774 = arith.index_cast %swap3A_773 : i32 to index
        %swap3A_775 = arith.constant 96 : index
        %swap3A_776 = tpu.vector_load %arg6[%swap3A_774, %swap3A_775] {strides = array<i32>} : memref<8x128xf32, #tpu.memory_space<vmem>>, vector<1x16xf32>,
        %swap3A_777 = vector.shape_cast %swap3A_776 : vector<1x16xf32> to vector<16xf32>
        %swap3A_778 = vector.shape_cast %scan3A_591#30 : vector<16xf32> to vector<1x16xf32>
        tpu.vector_store %arg6[%swap3A_774, %swap3A_775], %swap3A_778 {strides = array<i32>} : memref<8x128xf32, #tpu.memory_space<vmem>>, vector<1x16xf32>,
        %swap3A_779 = arith.constant 7 : i32
        %swap3A_780 = arith.index_cast %swap3A_779 : i32 to index
        %swap3A_781 = arith.constant 112 : index
        %swap3A_782 = tpu.vector_load %arg6[%swap3A_780, %swap3A_781] {strides = array<i32>} : memref<8x128xf32, #tpu.memory_space<vmem>>, vector<1x16xf32>,
        %swap3A_783 = vector.shape_cast %swap3A_782 : vector<1x16xf32> to vector<16xf32>
        %swap3A_784 = vector.shape_cast %scan3A_591#31 : vector<16xf32> to vector<1x16xf32>
        tpu.vector_store %arg6[%swap3A_780, %swap3A_781], %swap3A_784 {strides = array<i32>} : memref<8x128xf32, #tpu.memory_space<vmem>>, vector<1x16xf32>,
        %mul3A_785 = arith.constant 32 : i32
        %mul3A_786 = arith.muli %add3A_59, %mul3A_785 : i32
        %add3A_787 = arith.addi %add3A, %mul3A_786 : i32
        %mul3A_788 = arith.constant 8 : i32
        %mul3A_789 = arith.muli %add3A_787, %mul3A_788 : i32
        "tpu.region"() ({
          %run_scoped3A = tpu.sem_alloc : memref<!tpu.dma_semaphore, #tpu.memory_space<semaphore_mem>>
          %dma_start3A_796 = arith.constant 0 : i32
          %dma_start3A_797 = tpu.memref_slice %arg3[%mul3A_789, %dma_start3A_796] : memref<4000x128xf32, #tpu.memory_space<hbm>> -> memref<8x128xf32, #tpu.memory_space<hbm>>
          %dma_start3A_798 = arith.constant 0 : i32
          %dma_start3A_799 = tpu.memref_slice %arg3[%mul3A_789, %dma_start3A_798] : memref<4000x128xf32, #tpu.memory_space<hbm>> -> memref<8x128xf32, #tpu.memory_space<hbm>>
          tpu.enqueue_dma source(%arg6 : memref<8x128xf32, #tpu.memory_space<vmem>>) target(%dma_start3A_799 : memref<8x128xf32, #tpu.memory_space<hbm>>) target_semaphore(%run_scoped3A : memref<!tpu.dma_semaphore, #tpu.memory_space<semaphore_mem>>)
          %dma_wait3A_800 = arith.constant 0 : i32
          %dma_wait3A_801 = tpu.memref_slice %arg3[%mul3A_789, %dma_wait3A_800] : memref<4000x128xf32, #tpu.memory_space<hbm>> -> memref<8x128xf32, #tpu.memory_space<hbm>>
          %dma_wait3A_802 = arith.constant 0 : i32
          %dma_wait3A_803 = tpu.memref_slice %arg3[%mul3A_789, %dma_wait3A_802] : memref<4000x128xf32, #tpu.memory_space<hbm>> -> memref<8x128xf32, #tpu.memory_space<hbm>>
          tpu.wait_dma2 semaphore(%run_scoped3A : memref<!tpu.dma_semaphore, #tpu.memory_space<semaphore_mem>>) src(%arg6 : memref<8x128xf32, #tpu.memory_space<vmem>>) dst(%dma_wait3A_803 : memref<8x128xf32, #tpu.memory_space<hbm>>)
          tpu.yield
        }) : () -> ()
        %add3A_790 = arith.constant 2 : i32
        %add3A_791 = arith.addi %add3A_59, %add3A_790 : i32
        %lt3A_792 = arith.cmpi slt, %add3A_791, %add3A_4 : i32
        %convert_element_type3A_793 = arith.extui %lt3A_792 : i1 to i32
        %cond3A_794 = arith.constant 0 : i32
        %cond3A_795 = arith.cmpi ne, %convert_element_type3A_793, %cond3A_794 : i32
        scf.if %cond3A_795 {
          %add3A_796 = arith.constant 2 : i32
          %add3A_797 = arith.addi %add3A_59, %add3A_796 : i32
          %mul3A_798 = arith.constant 32 : i32
          %mul3A_799 = arith.muli %add3A_797, %mul3A_798 : i32
          %add3A_800 = arith.addi %add3A, %mul3A_799 : i32
          %mul3A_801 = arith.constant 256 : i32
          %mul3A_802 = arith.muli %add3A_800, %mul3A_801 : i32
          %dma_start3A_803 = arith.constant 0 : i32
          %dma_start3A_804 = tpu.memref_slice %arg2[%mul3A_802, %dma_start3A_803] : memref<320000x128xf32, #tpu.memory_space<hbm>> -> memref<256x128xf32, #tpu.memory_space<hbm>>
          %dma_start3A_805 = arith.constant 0 : i32
          %dma_start3A_806 = tpu.memref_slice %arg2[%mul3A_802, %dma_start3A_805] : memref<320000x128xf32, #tpu.memory_space<hbm>> -> memref<256x128xf32, #tpu.memory_space<hbm>>
          tpu.enqueue_dma source(%dma_start3A_806 : memref<256x128xf32, #tpu.memory_space<hbm>>) target(%arg5 : memref<256x128xf32, #tpu.memory_space<vmem>>) target_semaphore(%arg8 : memref<!tpu.dma_semaphore, #tpu.memory_space<semaphore_mem>>)
        } else {
        }
      } else {
      }
    }
    return
  }
}

module attributes {stable_mosaic.version = 14 : i64} {
  func.func @_tc_body(%arg0: i32, %arg1: memref<400x32x128xf32, #tpu.memory_space<vmem>>, %arg2: memref<400x128xf32, #tpu.memory_space<vmem>>) attributes {dimension_semantics = [#tpu.dimension_semantics<arbitrary>], iteration_bounds = array<i64: 15>, scalar_prefetch = 0 : i64, scratch_operands = 0 : i64, tpu.core_type = #tpu.core_type<tc>, window_params = [{transform_indices = @transform_0, window_bounds = array<i64: 400, 32, 128>}, {transform_indices = @transform_1, window_bounds = array<i64: 400, 128>}]} {
    %get3A = arith.constant 0 : index
    %get3A_0 = arith.constant 0 : index
    %get3A_1 = arith.constant 0 : index
    %get3A_2 = vector.load %arg1[%get3A, %get3A_0, %get3A_1] : memref<400x32x128xf32, #tpu.memory_space<vmem>>, vector<400x32x128xf32>
    %reduce_sum3A = arith.constant dense<0.000000e+00> : vector<400x128xf32>
    %reduce_sum3A_3 = vector.multi_reduction <add>, %get3A_2, %reduce_sum3A [1] : vector<400x32x128xf32> to vector<400x128xf32>
    %swap3A = arith.constant 0 : index
    %swap3A_4 = arith.constant 0 : index
    %swap3A_5 = vector.load %arg2[%swap3A, %swap3A_4] : memref<400x128xf32, #tpu.memory_space<vmem>>, vector<400x128xf32>
    tpu.vector_store %arg2[%swap3A, %swap3A_4], %reduce_sum3A_3 {strides = array<i32>} : memref<400x128xf32, #tpu.memory_space<vmem>>, vector<400x128xf32>,
    return
  }
  func.func @transform_0(%arg0: i32) -> (i32, i32, i32) {
    %add3A = arith.constant 10 : i32
    %add3A_0 = arith.addi %arg0, %add3A : i32
    %c0_i32 = arith.constant 0 : i32
    %c0_i32_1 = arith.constant 0 : i32
    %c0_i32_2 = arith.constant 0 : i32
    return %add3A_0, %c0_i32, %c0_i32_1 : i32, i32, i32
  }
  func.func @transform_1(%arg0: i32) -> (i32, i32) {
    %add3A = arith.constant 10 : i32
    %add3A_0 = arith.addi %arg0, %add3A : i32
    %c0_i32 = arith.constant 0 : i32
    %c0_i32_1 = arith.constant 0 : i32
    return %add3A_0, %c0_i32 : i32, i32
  }
}

</mosaic_0001>

<sc_bundles>
// kernel: kernel.4.cloned.1.call-start
scs
__scs_entry_jumppad:
0x0: {  	(pc) =	sbr.rel $0x88, $3  }
0x1: {  	(tag) =	ssettag $0x0;
	lr =	simm.s32 $0x1  }
0x2: {  	[smem:$0x3FA0] =	sst lr;
	_ =	strace $0xD0000000  }
0x3: {  	_ = 	snop  }
0x4: {  	_ = 	snop  }
0x5: {  	_ = 	snop  }
0x6: {  	_ = 	snop  }
0x7: {  	_ = 	snop  }
__scs_overlays_trampoline_lowered:
0x8: {  	[smem:$0x3FAF] =	sst s0  }
0x9: {  	[smem:$0x3FB0] =	sst s1  }
0xa: {  	[smem:$0x3FB1] =	sst s2  }
0xb: {  	[smem:$0x3FB2] =	sst s3  }
0xc: {  	[smem:$0x3FB3] =	sst s4  }
0xd: {  	[smem:$0x3FB4] =	sst s5  }
0xe: {  	[smem:$0x3FB5] =	sst s6  }
0xf: {  	[smem:$0x3FB6] =	sst s7  }
0x10: {  	[smem:$0x3FB7] =	sst s8  }
0x11: {  	[smem:$0x3FB8] =	sst s9;
	s0 =	simm.s32 @!p0 $0x0  }
0x12: {  	s1 =	sld [smem:$0x3F9E];
	s0 =	simm.s32 @p0 $0x1  }
0x13: {  	[smem:$0x3FB9] =	sst s0;
	s0 =	simm.s32 @!p1 $0x0  }
0x14: {  	s2 =	sld [smem:$0x3F9D];
	s0 =	simm.s32 @p1 $0x1  }
0x15: {  	[smem:$0x3FBA] =	sst s0;
	s0 =	simm.s32 @!p2 $0x0  }
0x16: {  	s3 =	sld [smem:$0x3FDB];
	s0 =	simm.s32 @p2 $0x1  }
0x17: {  	s4 =	simm.s32 $0x1BF5;
	[smem:$0x3FBC] =	sst s0  }
0x18: {  	s0 =	sld [smem:$0x3F9F];
	_ =	swait.ge [sflag:s4], $0x0  }
0x19: {  	s7 =	sld [smem:$0x3FA0]  }
0x1a: {  	s8 =	sadd.s32 $0xFFFFE003, lr  }
0x1b: {  	s9 =	sadd.s32 $0xFFFFFEF7, lr;
	s5 =	simm.s32 $0xFFFFFFFF;
	p2 =	slt.u32 s8, $0xFFFFF086  }
0x1c: {  	p1 =	slt.u32 s9, $0xF7A;
	s5 =	simm.s32 @!p2 $0x0  }
0x1d: {  	s5 =	simm.s32 @p1 $0x1;
	p0 =	seq.s32 s7, s2  }
0x1e: {  	s7 =	smul.u32 @!p0 $0xF7A, s2;
	p2 =	seq.s32 @!p0 s5, $0x0  }
0x1f: {  	s9 =	smul.u32 $0xF7A, s1;
	s8 =	simm.s32 @!p0 $0x1BF5;
	p2 =	por !p2, p0  }
0x20: {  	[sflag:s8] =	ssyncset.s32 @!p0 $0xFFFFF086;
	s6 =	sadd.s32 @!p0 s3, s7;
	s7 =	simm.s32 @!p0 $0x108  }
0x21: {  	s3 =	sadd.s32 s3, s9;
	s6 =	sadd.s32 @!p0 $0x88, s6;
	s7 =	simm.s32 @p2 $0x1082  }
0x22: {  	[simem:s7], [sflag:s8] =	dma.local @!p0 [hbm:s6], $0xF7A  }
0x23: {  	s9 =	sor.u32 $0xD0000000, s2;
	s6 =	simm.s32 $0x108;
	_ =	swait.ge @!p0 [sflag:s8], $0x0  }
0x24: {  	s3 =	sadd.s32 $0x88, s3;
	s6 =	simm.s32 @!p1 $0x1082;
	[sflag:s4] =	ssyncset.s32 $0xFFFFF086  }
0x25: {  	[simem:s6], [sflag:s4] =	dma.local [hbm:s3], $0xF7A  }
0x26: {  	[smem:$0x3FA0] =	sst s1;
	(tag) =	ssettag s2;
	_ =	strace s9  }
0x27: {  	s1 =	sld [smem:$0x3FB0]  }
0x28: {  	s2 =	sld [smem:$0x3FB1]  }
0x29: {  	s4 =	sld [smem:$0x3FB3]  }
0x2a: {  	p0 =	seq.s32 s5, $0x0;
	s5 =	sld [smem:$0x3FB4]  }
0x2b: {  	s6 =	sld [smem:$0x3FB5]  }
0x2c: {  	s7 =	sld [smem:$0x3FB6]  }
0x2d: {  	s3 =	simm.s32 $0x108;
	s8 =	sld [smem:$0x3FB7]  }
0x2e: {  	s3 =	simm.s32 @!p0 $0x1082;
	s9 =	sld [smem:$0x3FB8]  }
0x2f: {  	lr =	sadd.s32 s0, s3;
	s0 =	sld [smem:$0x3FAF]  }
0x30: {  	s3 =	sld [smem:$0x3FB2]  }
0x31: {  	[smem:$0x3FBB] =	sst s10  }
0x32: {  	s10 =	sld [smem:$0x3FB9];
	_ =	sdelay $0x3  }
0x33: {  	p0 =	seq.s32 s10, $0x1;
	s10 =	sld [smem:$0x3FBB];
	_ =	sdelay $0x3  }
0x34: {  	[smem:$0x3FBB] =	sst s10  }
0x35: {  	s10 =	sld [smem:$0x3FBA];
	_ =	sdelay $0x3  }
0x36: {  	p1 =	seq.s32 s10, $0x1;
	s10 =	sld [smem:$0x3FBB];
	_ =	sdelay $0x3  }
0x37: {  	[smem:$0x3FBB] =	sst s10  }
0x38: {  	s10 =	sld [smem:$0x3FBC]  }
0x39: {  	_ = 	snop;
	(pc) =	sbr.ind lr, $3  }
0x3a: {  	_ = 	snop  }
0x3b: {  	_ = 	snop  }
0x3c: {  	p2 =	seq.s32 s10, $0x1;
	s10 =	sld [smem:$0x3FBB]  }
0x3d: {  	_ =	shalt  }
0x3e: {  	_ =	shalt  }
0x3f: {  	_ =	shalt  }
0x40: {  	_ =	shalt  }
0x41: {  	_ =	shalt  }
0x42: {  	_ =	shalt  }
0x43: {  	_ =	shalt  }
0x44: {  	_ =	shalt  }
0x45: {  	_ =	shalt  }
0x46: {  	_ =	shalt  }
0x47: {  	_ =	shalt  }
0x48: {  	_ =	shalt  }
0x49: {  	_ =	shalt  }
0x4a: {  	_ =	shalt  }
0x4b: {  	_ =	shalt  }
0x4c: {  	_ =	shalt  }
0x4d: {  	_ =	shalt  }
0x4e: {  	_ =	shalt  }
0x4f: {  	_ =	shalt  }
0x50: {  	_ =	shalt  }
0x51: {  	_ =	shalt  }
0x52: {  	_ =	shalt  }
0x53: {  	_ =	shalt  }
0x54: {  	_ =	shalt  }
0x55: {  	_ =	shalt  }
0x56: {  	_ =	shalt  }
0x57: {  	_ =	shalt  }
0x58: {  	_ =	shalt  }
0x59: {  	_ =	shalt  }
0x5a: {  	_ =	shalt  }
0x5b: {  	_ =	shalt  }
0x5c: {  	_ =	shalt  }
0x5d: {  	_ =	shalt  }
0x5e: {  	_ =	shalt  }
0x5f: {  	_ =	shalt  }
0x60: {  	_ =	shalt  }
0x61: {  	_ =	shalt  }
0x62: {  	_ =	shalt  }
0x63: {  	_ =	shalt  }
0x64: {  	_ =	shalt  }
0x65: {  	_ =	shalt  }
0x66: {  	_ =	shalt  }
0x67: {  	_ =	shalt  }
0x68: {  	_ =	shalt  }
0x69: {  	_ =	shalt  }
0x6a: {  	_ =	shalt  }
0x6b: {  	_ =	shalt  }
0x6c: {  	_ =	shalt  }
0x6d: {  	_ =	shalt  }
0x6e: {  	_ =	shalt  }
0x6f: {  	_ =	shalt  }
0x70: {  	_ =	shalt  }
0x71: {  	_ =	shalt  }
0x72: {  	_ =	shalt  }
0x73: {  	_ =	shalt  }
0x74: {  	_ =	shalt  }
0x75: {  	_ =	shalt  }
0x76: {  	_ =	shalt  }
0x77: {  	_ =	shalt  }
0x78: {  	_ =	shalt  }
0x79: {  	_ =	shalt  }
0x7a: {  	_ =	shalt  }
0x7b: {  	_ =	shalt  }
0x7c: {  	_ =	shalt  }
0x7d: {  	_ =	shalt  }
0x7e: {  	_ =	shalt  }
0x7f: {  	_ =	shalt  }
0x80: {  	_ =	shalt  }
0x81: {  	_ =	shalt  }
0x82: {  	_ =	shalt  }
0x83: {  	_ =	shalt  }
0x84: {  	_ =	shalt  }
0x85: {  	_ =	shalt  }
0x86: {  	_ =	shalt  }
0x87: {  	_ =	shalt  }
.Lfunc_end0:
.L_simem_size_0:
called_computation_lowered:
.L_overlay_start_0:
0x88: {  	s2 =	sld [smem:$0x3FD9]  }
0x89: {  	s3 =	sld [smem:$0x3FFE];
	_ =	sdelay $0x1  }
0x8a: {  	s1 =	srdreg.scid  }
0x8b: {  	s0 =	sand.u32 $0x1, s1  }
0x8c: {  	s17 =	sshll.u32 s0, $0xA;
	s2 =	sadd.s32 s3, s2  }
0x8d: {  	s2 =	sadd.s32 s2, s17  }
0x8e: {  	[smem:$0x3FC7] =	sst s2  }
0x8f: {  	_ = 	snop  }
0x90: {  	s2 =	sld [smem:$0x3FC9];
	(tm) =	ssettm $0x1  }
0x91: {  	s18 =	sld [smem:$0x3FFB];
	_ =	sdelay $0x3  }
0x92: {  	_ =	strace s18  }
0x93: {  	s3 =	sld [smem:$0x3FFC];
	_ =	sdelay $0x3  }
0x94: {  	_ =	strace s3  }
0x95: {  	s3 =	sld [smem:$0x3FFD];
	_ =	sdelay $0x3  }
0x96: {  	_ =	strace s3  }
0x97: {  	_ =	strace $0x8FFFFFFF  }
0x98: {  	s19 =	sld [smem:$0x3FDB];
	_ =	sdelay $0x1  }
0x99: {  	s4 =	simm.s32 $_scs_section_size  }
0x9a: {  	s5 =	simm.s32 $_size__tile_overlayer_lowered;
	s6 =	simm.s32 $_tile_overlayer_lowered  }
0x9b: {  	s22 =	simm.s32 $0x1BFF;
	s21 =	sshll.u32 s6, $0x1;
	s3 =	sadd.s32 s4, s19  }
0x9c: {  	s7 =	simm.s32 $0x0;
	s20 =	sshll.u32 s5, $0x1;
	s5 =	sadd.s32 s21, s3  }
0x9d: {  	[timem:s7], [sflag:s22] =	dma.local [hbm:s5], s20  }
0x9e: {  	_ =	swait.ge [sflag:s22], s20  }
0x9f: {  	s4 =	ssub.s32 $0x0, s20;
	[sflag:s22] =	ssyncset.done $0x0  }
0xa0: {  	[sflag:s22] =	ssyncadd.s32 s4;
	_ =	sdelay $0x1  }
0xa1: {  	s23 =	simm.s32 $0x1B8B  }
0xa2: {  	_ =	swait.ge [sflag:s23], $0x1  }
0xa3: {  	[sflag:s23] =	ssyncset.done $0x0  }
0xa4: {  	s25 =	simm.s32 $0x1B8E;
	s24 =	sld [smem:$0x3FFE];
	[sflag:s23] =	ssyncadd.s32 $0xFFFFFFFF  }
0xa5: {  	s26 =	simm.s32 $execute0_lowered;
	[smem:$0x3FD2] =	sst s25  }
0xa6: {  	s5 =	sshll.u32 s26, $0x1;
	_ =	strace $0x80000046;
	[dreg:$0x1] =	wrdreg $0xFFFFFFFF  }
0xa7: {  	s28 =	simm.s32 $_size_execute0_lowered;
	s3 =	sadd.s32 s3, s5;
	[dreg:$0x0] =	wrdreg $0x0  }
0xa8: {  	s5 =	sshll.u32 s28, $0x1;
	[dreg:$0x2] =	wrdreg s3  }
0xa9: {  	[dreg:$0x3] =	wrdreg s5  }
0xaa: {  	[dreg:$0x4] =	wrdreg $0xC0  }
0xab: {  	_ =	task [dreg:s7], $0x5FFFF  }
0xac: {  	[dreg:$0x1] =	wrdreg $0xFFFFFFFF  }
0xad: {  	[dreg:$0x0] =	wrdreg $0x60  }
0xae: {  	[dreg:$0x2] =	wrdreg s2  }
0xaf: {  	[dreg:$0x3] =	wrdreg s24  }
0xb0: {  	[dreg:$0x4] =	wrdreg $0x9  }
0xb1: {  	_ =	task.clear_ibuf [dreg:s7], $0x5FFFF;
	_ =	strace $0x90000046  }
0xb2: {  	s29 =	simm.s32 $0x9;
	_ =	strace $0x80000048  }
0xb3: {  	_ =	swait.ge [sflag:s29], $0x1  }
0xb4: {  	[sflag:s29] =	ssyncadd.s32 $0xFFFFFFFF  }
0xb5: {  	_ =	strace $0x90000048  }
0xb6: {  	_ =	sfence  }
0xb7: {  	s30 =	sld [smem:$0x0];
	_ =	sdelay $0x2  }
0xb8: {  	s31 =	sshll.u32 s1, $0xD;
	s1 =	sshrl.u32 s1, $0x2  }
0xb9: {  	s3 =	sand.u32 $0x4000, s31;
	s1 =	sadd.s32 s1, s30  }
0xba: {  	s0 =	sor.u32 s3, s0;
	s1 =	sshll.u32 s1, $0x11  }
0xbb: {  	s0 =	sor.u32 s1, s0  }
0xbc: {  	s0 =	sadd.s32 $0x8F2B, s0  }
0xbd: {  	[sflag:s0] =	ssyncadd.remote.s32 $0x1  }
0xbe: {  	_ =	sfence.sel $0xFFFF  }
0xbf: {  	[dreg:$0x0] =	wrdreg $0xFFFFFFFF;
	(pc) =	sbr.abs _section_cstart, $3  }
0xc0: {  	[dreg:$0x1] =	wrdreg $0xFFFFFFFF  }
0xc1: {  	_ =	task.clear_ibuf [dreg:s7], $0x2FFFF;
	_ =	strace $0x9FFFFFFF  }
0xc2: {  	(tm) =	ssettm $0x7FFFFFFF  }
0xc3: {  	_ =	shalt  }
tec
execute0_lowered:
.L_overlay_start_1:
0x0: {  	(tag) =	ssettag $0x1  }
0x1: {  	s4 =	rddreg [dreg:$0x0];
	s1 =	srdreg.scid  }
0x2: {  	s0 =	stileid.u32;
	s3 =	rddreg [dreg:$0x1]  }
0x3: {  	s2 =	simm.s32 $0x0;
	s9 =	simm.s32 $0x1;
	s10 =	simm.s32 $0x10000  }
0x4: {  	s11 =	simm.s32 $0x3;
	s12 =	simm.s32 $0x2;
	s13 =	simm.s32 $0x0  }
0x5: {  	s5 =	sand.u32 $0x1, s1;
	s6 =	sshll.u32 s0, $0x1;
	s1 =	rddreg [dreg:$0x2]  }
0x6: {  	[smem:$0x7FF] =	sst s2;
	p0 =	slt.u32 s0, $0xA;
	s6 =	sor.u32 s5, s6  }
.Ltmp0:
0x7: {  	s5 =	ssub.s32 $0x2, s5;
	_ =	strace $0x80000047;
	(pc) =	sbr.rel .LBB2_1-.Ltmp0, $4  }
0x8: {  	s7 =	sshll.u32 s6, $0x7;
	s8 =	sshrl.u32 s5, $0x1;
	s6 =	sshll.u32 s6, $0xC  }
0x9: {  	s7 =	sadd.s32 s7, s3;
	s3 =	simm.s32 $0x10;
	s4 =	sadd.s32 s4, s6  }
0xa: {  	s8 =	ssub.s32 s5, s8;
	s3 =	simm.s32 @!p0 $0xF;
	s5 =	sadd.s32 $0x20000, s4  }
0xb: {  	s6 =	sadd.s32 $0x400, s7;
	s7 =	smax.u32 s8, $0x1;
	s8 =	simm.s32 $0x8000  }
.LBB2_15:
0xc: {  	s13 =	sadd.s32 $0x1, s13  }
0xd: {  	p0 =	sne.s32 s13, s7  }
.Ltmp1:
0xe: {  	_ = 	snop;
	(pc) =	sbr.rel @!p0 .LBB2_16-.Ltmp1, $1  }
0xf: {  	_ =	sdelay $0x3  }
.LBB2_1:
.Ltmp2:
0x10: {  	(pc) =	sbr.rel .LBB2_2-.Ltmp2, $4  }
0x11: {  	_ = 	snop  }
0x12: {  	[tilespmem:s2], [sflag:$0x1] =	stream.linear.gather [hbm4b:s4+s2], $0x8000, $0x38;
	[tilespmem:$0x10400] =	vst v63  }
0x13: {  	s14 =	simm.s32 $0x0  }
0x14: {  	[tilespmem:s8], [sflag:$0x2] =	stream.linear.gather [hbm4b:s5+s2], $0x8000, $0x38;
	[tilespmem:$0x10400] =	vst v63  }
.LBB2_14:
0x15: {  	s14 =	sadd.s32 $0x1, s14  }
0x16: {  	p0 =	sne.s32 s14, $0x8  }
.Ltmp3:
0x17: {  	_ = 	snop;
	(pc) =	sbr.rel @!p0 .LBB2_15-.Ltmp3, $1  }
0x18: {  	_ =	sdelay $0x3  }
.LBB2_2:
0x19: {  	s15 =	sshll.u32 s14, $0x1  }
0x1a: {  	p0 =	sge.u32 s15, s3  }
.Ltmp4:
0x1b: {  	_ = 	snop;
	(pc) =	sbr.rel @p0 .LBB2_8-.Ltmp4, $1  }
0x1c: {  	_ =	sdelay $0x3  }
0x1d: {  	_ =	swait.ge [sflag:s9], $0x8000  }
0x1e: {  	[sflag:s9] =	ssyncset.done $0x0  }
0x1f: {  	[sflag:s9] =	ssyncadd.s32 $0xFFFF8000  }
0x20: {  	v6 =	vld [tilespmem:$0x0]  }
0x21: {  	v7 =	vld [tilespmem:$0x10]  }
0x22: {  	v8 =	vld [tilespmem:$0x20]  }
0x23: {  	v9 =	vld [tilespmem:$0x30]  }
0x24: {  	v10 =	vld [tilespmem:$0x40]  }
0x25: {  	v11 =	vld [tilespmem:$0x50]  }
0x26: {  	v12 =	vld [tilespmem:$0x60]  }
0x27: {  	v13 =	vld [tilespmem:$0x70]  }
0x28: {  	v14 =	vld [tilespmem:$0x1000]  }
0x29: {  	v15 =	vld [tilespmem:$0x1010]  }
0x2a: {  	v16 =	vld [tilespmem:$0x1020]  }
0x2b: {  	v17 =	vld [tilespmem:$0x1030]  }
0x2c: {  	v18 =	vld [tilespmem:$0x1040]  }
0x2d: {  	v32 =	vld [tilespmem:$0x1050]  }
0x2e: {  	v33 =	vld [tilespmem:$0x1060]  }
0x2f: {  	v34 =	vld [tilespmem:$0x1070]  }
0x30: {  	v35 =	vld [tilespmem:$0x2000]  }
0x31: {  	v36 =	vld [tilespmem:$0x2010]  }
0x32: {  	v37 =	vld [tilespmem:$0x2020]  }
0x33: {  	v38 =	vld [tilespmem:$0x2030]  }
0x34: {  	v39 =	vld [tilespmem:$0x2040]  }
0x35: {  	v40 =	vld [tilespmem:$0x2050]  }
0x36: {  	v41 =	vld [tilespmem:$0x2060]  }
0x37: {  	v42 =	vld [tilespmem:$0x2070]  }
0x38: {  	v43 =	vld [tilespmem:$0x3000]  }
0x39: {  	v44 =	vld [tilespmem:$0x3010]  }
0x3a: {  	v5 =	vld [tilespmem:$0x3020]  }
0x3b: {  	v3 =	vld [tilespmem:$0x3030]  }
0x3c: {  	v2 =	vld [tilespmem:$0x3040]  }
0x3d: {  	v1 =	vld [tilespmem:$0x3050]  }
0x3e: {  	v0 =	vld [tilespmem:$0x3060]  }
0x3f: {  	s18 =	simm.s32 $0x0;
	v4 =	vld [tilespmem:$0x3070]  }
0x40: {  	v19 =	vld [tilespmem:s18+$0x30F0]  }
0x41: {  	v20 =	vld [tilespmem:s18+$0x80]  }
0x42: {  	v21 =	vld [tilespmem:s18+$0x90]  }
0x43: {  	v22 =	vld [tilespmem:s18+$0xA0]  }
0x44: {  	v23 =	vld [tilespmem:s18+$0xB0]  }
0x45: {  	v24 =	vld [tilespmem:s18+$0xC0]  }
0x46: {  	v25 =	vld [tilespmem:s18+$0xD0]  }
0x47: {  	v45 =	vld [tilespmem:s18+$0xE0]  }
0x48: {  	v46 =	vld [tilespmem:s18+$0xF0]  }
0x49: {  	v47 =	vld [tilespmem:s18+$0x1080]  }
0x4a: {  	v48 =	vld [tilespmem:s18+$0x1090]  }
0x4b: {  	v49 =	vld [tilespmem:s18+$0x10A0]  }
0x4c: {  	v50 =	vld [tilespmem:s18+$0x10B0]  }
0x4d: {  	v51 =	vld [tilespmem:s18+$0x10C0]  }
0x4e: {  	v52 =	vld [tilespmem:s18+$0x10D0]  }
0x4f: {  	v53 =	vld [tilespmem:s18+$0x10E0]  }
0x50: {  	v54 =	vld [tilespmem:s18+$0x10F0]  }
0x51: {  	v55 =	vld [tilespmem:s18+$0x2080]  }
0x52: {  	v56 =	vld [tilespmem:s18+$0x2090];
	v4 =	vadd.f32 v19, v4  }
0x53: {  	v60 =	vld [tilespmem:s18+$0x20E0];
	v31 =	vadd.f32 v20, v6;
	v29 =	vadd.f32 v21, v7  }
0x54: {  	v61 =	vld [tilespmem:s18+$0x20F0];
	v30 =	vadd.f32 v22, v8;
	v28 =	vadd.f32 v23, v9  }
0x55: {  	v6 =	vld [tilespmem:s18+$0x20A0];
	v27 =	vadd.f32 v24, v10;
	v26 =	vadd.f32 v25, v11  }
0x56: {  	v7 =	vld [tilespmem:s18+$0x20B0];
	v25 =	vadd.f32 v45, v12;
	v24 =	vadd.f32 v46, v13  }
0x57: {  	v8 =	vld [tilespmem:s18+$0x20C0];
	v23 =	vadd.f32 v47, v14;
	v22 =	vadd.f32 v48, v15  }
0x58: {  	v9 =	vld [tilespmem:s18+$0x20D0];
	v21 =	vadd.f32 v49, v16;
	v20 =	vadd.f32 v50, v17  }
0x59: {  	v62 =	vld [tilespmem:s18+$0x3080];
	v19 =	vadd.f32 v51, v18;
	v18 =	vadd.f32 v52, v32  }
0x5a: {  	v63 =	vld [tilespmem:s18+$0x3090];
	v17 =	vadd.f32 v53, v33;
	v16 =	vadd.f32 v54, v34  }
0x5b: {  	v15 =	vadd.f32 v55, v35;
	v14 =	vadd.f32 v56, v36;
	v36 =	vld [tilespmem:s18+$0x30A0]  }
0x5c: {  	v35 =	vld [tilespmem:s18+$0x30B0];
	v13 =	vadd.f32 v6, v37;
	v12 =	vadd.f32 v7, v38  }
0x5d: {  	v33 =	vld [tilespmem:s18+$0x30C0];
	v11 =	vadd.f32 v8, v39;
	v10 =	vadd.f32 v9, v40  }
0x5e: {  	v32 =	vld [tilespmem:s18+$0x30D0];
	v9 =	vadd.f32 v60, v41;
	v8 =	vadd.f32 v61, v42  }
0x5f: {  	s16 =	simm.s32 $0x80;
	s17 =	simm.s32 $0x400;
	v34 =	vld [tilespmem:s18+$0x30E0];
	v7 =	vadd.f32 v62, v43;
	v6 =	vadd.f32 v63, v44  }
.LBB2_4:
0x60: {  	p0 =	sne.s32 s17, $0x3C00;
	v37 =	vld [tilespmem:s16+$0x30F0];
	v5 =	vadd.f32 v36, v5  }
0x61: {  	v36 =	vld [tilespmem:s16+$0x80];
	v3 =	vadd.f32 v35, v3  }
0x62: {  	v35 =	vld [tilespmem:s16+$0x90];
	v2 =	vadd.f32 v33, v2  }
0x63: {  	v33 =	vld [tilespmem:s16+$0xA0];
	v1 =	vadd.f32 v32, v1  }
0x64: {  	v32 =	vld [tilespmem:s16+$0xB0];
	v0 =	vadd.f32 v34, v0  }
0x65: {  	v34 =	vld [tilespmem:s16+$0xC0];
	v4 =	vadd.f32 v37, v4  }
0x66: {  	v31 =	vadd.f32 v36, v31;
	v36 =	vld [tilespmem:s16+$0xD0]  }
0x67: {  	v29 =	vadd.f32 v35, v29;
	v35 =	vld [tilespmem:s16+$0xE0]  }
0x68: {  	v30 =	vadd.f32 v33, v30;
	v33 =	vld [tilespmem:s16+$0xF0]  }
0x69: {  	v28 =	vadd.f32 v32, v28;
	v32 =	vld [tilespmem:s16+$0x1080]  }
0x6a: {  	v27 =	vadd.f32 v34, v27;
	v34 =	vld [tilespmem:s16+$0x1090]  }
0x6b: {  	v26 =	vadd.f32 v36, v26;
	v36 =	vld [tilespmem:s16+$0x10A0]  }
0x6c: {  	v25 =	vadd.f32 v35, v25;
	v35 =	vld [tilespmem:s16+$0x10B0]  }
0x6d: {  	v24 =	vadd.f32 v33, v24;
	v33 =	vld [tilespmem:s16+$0x10C0]  }
0x6e: {  	v23 =	vadd.f32 v32, v23;
	v32 =	vld [tilespmem:s16+$0x10D0]  }
0x6f: {  	v22 =	vadd.f32 v34, v22;
	v34 =	vld [tilespmem:s16+$0x10E0]  }
0x70: {  	v21 =	vadd.f32 v36, v21;
	v36 =	vld [tilespmem:s16+$0x10F0]  }
0x71: {  	v20 =	vadd.f32 v35, v20;
	v35 =	vld [tilespmem:s16+$0x2080]  }
0x72: {  	v19 =	vadd.f32 v33, v19;
	v33 =	vld [tilespmem:s16+$0x2090]  }
0x73: {  	v18 =	vadd.f32 v32, v18;
	v32 =	vld [tilespmem:s16+$0x20A0]  }
0x74: {  	v17 =	vadd.f32 v34, v17;
	v34 =	vld [tilespmem:s16+$0x20B0]  }
0x75: {  	v16 =	vadd.f32 v36, v16;
	v36 =	vld [tilespmem:s16+$0x20C0]  }
0x76: {  	v15 =	vadd.f32 v35, v15;
	v35 =	vld [tilespmem:s16+$0x20D0]  }
0x77: {  	v14 =	vadd.f32 v33, v14;
	v33 =	vld [tilespmem:s16+$0x20E0]  }
0x78: {  	v13 =	vadd.f32 v32, v13;
	v32 =	vld [tilespmem:s16+$0x20F0]  }
0x79: {  	v12 =	vadd.f32 v34, v12;
	v34 =	vld [tilespmem:s16+$0x3080]  }
0x7a: {  	v11 =	vadd.f32 v36, v11;
	v37 =	vld [tilespmem:s16+$0x3090]  }
.Ltmp5:
0x7b: {  	v10 =	vadd.f32 v35, v10;
	v36 =	vld [tilespmem:s16+$0x30A0];
	(pc) =	sbr.rel @p0 .LBB2_4-.Ltmp5, $4  }
0x7c: {  	v9 =	vadd.f32 v33, v9;
	v35 =	vld [tilespmem:s16+$0x30B0]  }
0x7d: {  	v8 =	vadd.f32 v32, v8;
	v33 =	vld [tilespmem:s16+$0x30C0]  }
0x7e: {  	v7 =	vadd.f32 v34, v7;
	v32 =	vld [tilespmem:s16+$0x30D0]  }
0x7f: {  	v6 =	vadd.f32 v37, v6;
	v34 =	vld [tilespmem:s16+$0x30E0];
	s16 =	sshra.s32 s17, $0x2;
	s17 =	sadd.s32 $0x200, s17  }
0x80: {  	v37 =	vld [tilespmem:s16+$0x30F0]  }
0x81: {  	v38 =	vld [tilespmem:s16+$0x80]  }
0x82: {  	v39 =	vld [tilespmem:s16+$0x90]  }
0x83: {  	v40 =	vld [tilespmem:s16+$0xA0]  }
0x84: {  	v41 =	vld [tilespmem:s16+$0xB0]  }
0x85: {  	v42 =	vld [tilespmem:s16+$0xC0]  }
0x86: {  	v43 =	vld [tilespmem:s16+$0xD0]  }
0x87: {  	v44 =	vld [tilespmem:s16+$0xE0]  }
0x88: {  	v45 =	vld [tilespmem:s16+$0xF0]  }
0x89: {  	v46 =	vld [tilespmem:s16+$0x1080]  }
0x8a: {  	v47 =	vld [tilespmem:s16+$0x1090]  }
0x8b: {  	v48 =	vld [tilespmem:s16+$0x10A0]  }
0x8c: {  	v49 =	vld [tilespmem:s16+$0x10B0]  }
0x8d: {  	v50 =	vld [tilespmem:s16+$0x10C0]  }
0x8e: {  	v51 =	vld [tilespmem:s16+$0x10D0]  }
0x8f: {  	v52 =	vld [tilespmem:s16+$0x10E0]  }
0x90: {  	v53 =	vld [tilespmem:s16+$0x10F0]  }
0x91: {  	v54 =	vld [tilespmem:s16+$0x2080]  }
0x92: {  	v55 =	vld [tilespmem:s16+$0x2090]  }
0x93: {  	v56 =	vld [tilespmem:s16+$0x20A0]  }
0x94: {  	v57 =	vld [tilespmem:s16+$0x20B0]  }
0x95: {  	v58 =	vld [tilespmem:s16+$0x20C0]  }
0x96: {  	v59 =	vld [tilespmem:s16+$0x20D0]  }
0x97: {  	v60 =	vld [tilespmem:s16+$0x20E0]  }
0x98: {  	[tilespmem:$0x1FFF0] =	vst v37;
	v37 =	vld [tilespmem:s16+$0x30A0]  }
0x99: {  	v61 =	vld [tilespmem:s16+$0x20F0]  }
0x9a: {  	v62 =	vld [tilespmem:s16+$0x3080]  }
0x9b: {  	v63 =	vld [tilespmem:s16+$0x3090]  }
0x9c: {  	v5 =	vadd.f32 v36, v5;
	v36 =	vld [tilespmem:$0x6060]  }
0x9d: {  	[tilespmem:$0x1FFC0] =	vst v37;
	v37 =	vld [tilespmem:s16+$0x30B0]  }
0x9e: {  	v31 =	vadd.f32 v38, v31;
	v38 =	vld [tilespmem:s16+$0x30D0]  }
0x9f: {  	v29 =	vadd.f32 v39, v29;
	v39 =	vld [tilespmem:s16+$0x30E0]  }
0xa0: {  	v30 =	vadd.f32 v40, v30;
	v40 =	vld [tilespmem:$0x4040]  }
0xa1: {  	v28 =	vadd.f32 v41, v28;
	v41 =	vld [tilespmem:$0x4060]  }
0xa2: {  	v27 =	vadd.f32 v42, v27;
	v42 =	vld [tilespmem:$0x5000];
	[tilespmem:$0x1FFD0] =	vst v37  }
0xa3: {  	v37 =	vld [tilespmem:s16+$0x30C0];
	[tilespmem:$0x10000] =	vst v31  }
0xa4: {  	v26 =	vadd.f32 v43, v26;
	v43 =	vld [tilespmem:$0x5020];
	[tilespmem:$0x10010] =	vst v29  }
0xa5: {  	v25 =	vadd.f32 v44, v25;
	v44 =	vld [tilespmem:$0x5040];
	[tilespmem:$0x10020] =	vst v30  }
0xa6: {  	v24 =	vadd.f32 v45, v24;
	v45 =	vld [tilespmem:$0x5060];
	[tilespmem:$0x10030] =	vst v28  }
0xa7: {  	v23 =	vadd.f32 v46, v23;
	v46 =	vld [tilespmem:$0x6000];
	[tilespmem:$0x10040] =	vst v27  }
0xa8: {  	v22 =	vadd.f32 v47, v22;
	v47 =	vld [tilespmem:$0x6020];
	[tilespmem:$0x10050] =	vst v26  }
0xa9: {  	v21 =	vadd.f32 v48, v21;
	v9 =	vadd.f32 v60, v9;
	v48 =	vld [tilespmem:$0x6040];
	[tilespmem:$0x10060] =	vst v25  }
0xaa: {  	v31 =	vld [tilespmem:$0x4000];
	[tilespmem:$0x10070] =	vst v24  }
0xab: {  	[tilespmem:$0x10160] =	vst v9;
	v9 =	vld [tilespmem:$0x1FFC0]  }
0xac: {  	v29 =	vld [tilespmem:$0x4010];
	[tilespmem:$0x10080] =	vst v23  }
0xad: {  	v20 =	vadd.f32 v49, v20;
	v30 =	vld [tilespmem:$0x4020];
	[tilespmem:$0x10090] =	vst v22  }
0xae: {  	v19 =	vadd.f32 v50, v19;
	v28 =	vld [tilespmem:$0x4030];
	[tilespmem:$0x100A0] =	vst v21  }
0xaf: {  	v18 =	vadd.f32 v51, v18;
	v17 =	vadd.f32 v52, v17;
	v26 =	vld [tilespmem:$0x4050];
	[tilespmem:$0x100B0] =	vst v20  }
0xb0: {  	[tilespmem:$0x100C0] =	vst v19;
	v5 =	vadd.f32 v9, v5;
	v9 =	vadd.f32 v32, v1;
	v1 =	vld [tilespmem:$0x1FFD0]  }
0xb1: {  	v16 =	vadd.f32 v53, v16;
	v24 =	vld [tilespmem:$0x4070];
	[tilespmem:$0x100D0] =	vst v18  }
0xb2: {  	v22 =	vld [tilespmem:$0x5010];
	[tilespmem:$0x100E0] =	vst v17  }
0xb3: {  	v3 =	vadd.f32 v35, v3;
	v14 =	vadd.f32 v55, v14;
	v20 =	vld [tilespmem:$0x5030];
	[tilespmem:$0x100F0] =	vst v16  }
0xb4: {  	v12 =	vadd.f32 v57, v12;
	v18 =	vld [tilespmem:$0x5050];
	[tilespmem:$0x1FFE0] =	vst v37  }
0xb5: {  	v10 =	vadd.f32 v59, v10;
	[tilespmem:$0x10110] =	vst v14;
	v3 =	vadd.f32 v1, v3;
	v1 =	vld [tilespmem:$0x1FFE0]  }
0xb6: {  	v8 =	vadd.f32 v61, v8;
	v16 =	vld [tilespmem:$0x5070];
	[tilespmem:$0x10130] =	vst v12  }
0xb7: {  	v0 =	vadd.f32 v34, v0;
	v7 =	vadd.f32 v62, v7;
	v14 =	vld [tilespmem:$0x6010];
	[tilespmem:$0x10150] =	vst v10  }
0xb8: {  	v2 =	vadd.f32 v33, v2;
	v6 =	vadd.f32 v63, v6;
	v12 =	vld [tilespmem:$0x6030];
	[tilespmem:$0x10170] =	vst v8  }
0xb9: {  	v0 =	vadd.f32 v39, v0;
	v10 =	vld [tilespmem:$0x6050];
	[tilespmem:$0x10180] =	vst v7  }
0xba: {  	v8 =	vld [tilespmem:$0x6070];
	[tilespmem:$0x10190] =	vst v6;
	v6 =	vadd.f32 v1, v2  }
0xbb: {  	v7 =	vld [tilespmem:$0x7000];
	[tilespmem:$0x101E0] =	vst v0  }
0xbc: {  	v15 =	vadd.f32 v54, v15;
	[tilespmem:$0x101C0] =	vst v6;
	v6 =	vld [tilespmem:$0x1FFF0]  }
0xbd: {  	v0 =	vld [tilespmem:$0x7060];
	[tilespmem:$0x101A0] =	vst v5;
	v5 =	vadd.f32 v38, v9  }
0xbe: {  	[tilespmem:$0x10100] =	vst v15;
	v37 =	vld [tilespmem:$0x7010]  }
0xbf: {  	v13 =	vadd.f32 v56, v13;
	[tilespmem:$0x101D0] =	vst v5;
	v5 =	vld [tilespmem:$0x7070]  }
0xc0: {  	v11 =	vadd.f32 v58, v11;
	[tilespmem:$0x101B0] =	vst v3;
	v3 =	vld [tilespmem:$0x7040]  }
0xc1: {  	[tilespmem:$0x10120] =	vst v13;
	v1 =	vld [tilespmem:$0x7020];
	v6 =	vadd.f32 v6, v4  }
0xc2: {  	[tilespmem:$0x10140] =	vst v11;
	v2 =	vld [tilespmem:$0x7030]  }
0xc3: {  	s18 =	simm.s32 $0x0;
	v4 =	vld [tilespmem:$0x7050];
	[tilespmem:$0x101F0] =	vst v6  }
0xc4: {  	v6 =	vld [tilespmem:s18+$0x70F0]  }
0xc5: {  	v9 =	vld [tilespmem:s18+$0x4080]  }
0xc6: {  	v11 =	vld [tilespmem:s18+$0x4090]  }
0xc7: {  	v13 =	vld [tilespmem:s18+$0x40A0]  }
0xc8: {  	v15 =	vld [tilespmem:s18+$0x40B0]  }
0xc9: {  	v17 =	vld [tilespmem:s18+$0x40C0]  }
0xca: {  	v19 =	vld [tilespmem:s18+$0x40D0]  }
0xcb: {  	v21 =	vld [tilespmem:s18+$0x40E0]  }
0xcc: {  	v23 =	vld [tilespmem:s18+$0x40F0]  }
0xcd: {  	v32 =	vld [tilespmem:s18+$0x5080]  }
0xce: {  	v60 =	vld [tilespmem:s18+$0x5090]  }
0xcf: {  	v61 =	vld [tilespmem:s18+$0x50A0]  }
0xd0: {  	v62 =	vld [tilespmem:s18+$0x50B0]  }
0xd1: {  	v63 =	vld [tilespmem:s18+$0x50C0]  }
0xd2: {  	v54 =	vld [tilespmem:s18+$0x50D0]  }
0xd3: {  	v55 =	vld [tilespmem:s18+$0x50E0]  }
0xd4: {  	v56 =	vld [tilespmem:s18+$0x50F0]  }
0xd5: {  	v57 =	vld [tilespmem:s18+$0x6080]  }
0xd6: {  	v58 =	vld [tilespmem:s18+$0x60C0];
	v5 =	vadd.f32 v6, v5  }
0xd7: {  	v59 =	vld [tilespmem:s18+$0x60D0];
	v31 =	vadd.f32 v9, v31;
	v29 =	vadd.f32 v11, v29  }
0xd8: {  	v6 =	vld [tilespmem:s18+$0x6090];
	v30 =	vadd.f32 v13, v30;
	v27 =	vadd.f32 v15, v28  }
0xd9: {  	v9 =	vld [tilespmem:s18+$0x60A0];
	v28 =	vadd.f32 v17, v40;
	v25 =	vadd.f32 v19, v26  }
0xda: {  	v11 =	vld [tilespmem:s18+$0x60B0];
	v26 =	vadd.f32 v21, v41;
	v23 =	vadd.f32 v23, v24  }
0xdb: {  	v24 =	vadd.f32 v32, v42;
	v21 =	vadd.f32 v60, v22;
	v60 =	vld [tilespmem:s18+$0x60E0]  }
0xdc: {  	v22 =	vadd.f32 v61, v43;
	v19 =	vadd.f32 v62, v20;
	v61 =	vld [tilespmem:s18+$0x60F0]  }
0xdd: {  	v20 =	vadd.f32 v63, v44;
	v17 =	vadd.f32 v54, v18;
	v62 =	vld [tilespmem:s18+$0x7080]  }
0xde: {  	v18 =	vadd.f32 v55, v45;
	v15 =	vadd.f32 v56, v16;
	v63 =	vld [tilespmem:s18+$0x7090]  }
0xdf: {  	v16 =	vadd.f32 v57, v46;
	v32 =	vld [tilespmem:s18+$0x70A0];
	v13 =	vadd.f32 v6, v14  }
0xe0: {  	v33 =	vld [tilespmem:s18+$0x70B0];
	v14 =	vadd.f32 v9, v47;
	v11 =	vadd.f32 v11, v12  }
0xe1: {  	v34 =	vld [tilespmem:s18+$0x70C0];
	v12 =	vadd.f32 v58, v48;
	v9 =	vadd.f32 v59, v10  }
0xe2: {  	v35 =	vld [tilespmem:s18+$0x70D0];
	v10 =	vadd.f32 v60, v36;
	v8 =	vadd.f32 v61, v8  }
0xe3: {  	s17 =	simm.s32 $0x400;
	s16 =	simm.s32 $0x80;
	v6 =	vadd.f32 v62, v7;
	v7 =	vadd.f32 v63, v37;
	v36 =	vld [tilespmem:s18+$0x70E0]  }
.LBB2_6:
0xe4: {  	p0 =	sne.s32 s17, $0x3C00;
	v37 =	vld [tilespmem:s16+$0x70F0];
	v1 =	vadd.f32 v32, v1  }
0xe5: {  	v32 =	vld [tilespmem:s16+$0x4080];
	v2 =	vadd.f32 v33, v2  }
0xe6: {  	v33 =	vld [tilespmem:s16+$0x4090];
	v3 =	vadd.f32 v34, v3  }
0xe7: {  	v34 =	vld [tilespmem:s16+$0x40A0];
	v4 =	vadd.f32 v35, v4  }
0xe8: {  	v35 =	vld [tilespmem:s16+$0x40B0];
	v0 =	vadd.f32 v36, v0  }
0xe9: {  	v36 =	vld [tilespmem:s16+$0x40C0];
	v5 =	vadd.f32 v37, v5  }
0xea: {  	v31 =	vadd.f32 v32, v31;
	v32 =	vld [tilespmem:s16+$0x40D0]  }
0xeb: {  	v29 =	vadd.f32 v33, v29;
	v33 =	vld [tilespmem:s16+$0x40E0]  }
0xec: {  	v30 =	vadd.f32 v34, v30;
	v34 =	vld [tilespmem:s16+$0x40F0]  }
0xed: {  	v27 =	vadd.f32 v35, v27;
	v35 =	vld [tilespmem:s16+$0x5080]  }
0xee: {  	v28 =	vadd.f32 v36, v28;
	v36 =	vld [tilespmem:s16+$0x5090]  }
0xef: {  	v25 =	vadd.f32 v32, v25;
	v32 =	vld [tilespmem:s16+$0x50A0]  }
0xf0: {  	v26 =	vadd.f32 v33, v26;
	v33 =	vld [tilespmem:s16+$0x50B0]  }
0xf1: {  	v23 =	vadd.f32 v34, v23;
	v34 =	vld [tilespmem:s16+$0x50C0]  }
0xf2: {  	v24 =	vadd.f32 v35, v24;
	v35 =	vld [tilespmem:s16+$0x50D0]  }
0xf3: {  	v21 =	vadd.f32 v36, v21;
	v36 =	vld [tilespmem:s16+$0x50E0]  }
0xf4: {  	v22 =	vadd.f32 v32, v22;
	v32 =	vld [tilespmem:s16+$0x50F0]  }
0xf5: {  	v19 =	vadd.f32 v33, v19;
	v33 =	vld [tilespmem:s16+$0x6080]  }
0xf6: {  	v20 =	vadd.f32 v34, v20;
	v34 =	vld [tilespmem:s16+$0x6090]  }
0xf7: {  	v17 =	vadd.f32 v35, v17;
	v35 =	vld [tilespmem:s16+$0x60A0]  }
0xf8: {  	v18 =	vadd.f32 v36, v18;
	v36 =	vld [tilespmem:s16+$0x60B0]  }
0xf9: {  	v15 =	vadd.f32 v32, v15;
	v32 =	vld [tilespmem:s16+$0x60C0]  }
0xfa: {  	v16 =	vadd.f32 v33, v16;
	v33 =	vld [tilespmem:s16+$0x60D0]  }
0xfb: {  	v13 =	vadd.f32 v34, v13;
	v34 =	vld [tilespmem:s16+$0x60E0]  }
0xfc: {  	v14 =	vadd.f32 v35, v14;
	v35 =	vld [tilespmem:s16+$0x60F0]  }
0xfd: {  	v11 =	vadd.f32 v36, v11;
	v36 =	vld [tilespmem:s16+$0x7080]  }
0xfe: {  	v12 =	vadd.f32 v32, v12;
	v37 =	vld [tilespmem:s16+$0x7090]  }
.Ltmp6:
0xff: {  	v9 =	vadd.f32 v33, v9;
	v32 =	vld [tilespmem:s16+$0x70A0];
	(pc) =	sbr.rel @p0 .LBB2_6-.Ltmp6, $4  }
0x100: {  	v10 =	vadd.f32 v34, v10;
	v33 =	vld [tilespmem:s16+$0x70B0]  }
0x101: {  	v8 =	vadd.f32 v35, v8;
	v34 =	vld [tilespmem:s16+$0x70C0]  }
0x102: {  	v6 =	vadd.f32 v36, v6;
	v35 =	vld [tilespmem:s16+$0x70D0]  }
0x103: {  	v7 =	vadd.f32 v37, v7;
	v36 =	vld [tilespmem:s16+$0x70E0];
	s16 =	sshra.s32 s17, $0x2;
	s17 =	sadd.s32 $0x200, s17  }
0x104: {  	v37 =	vld [tilespmem:s16+$0x70F0]  }
0x105: {  	v38 =	vld [tilespmem:s16+$0x4080]  }
0x106: {  	v39 =	vld [tilespmem:s16+$0x4090]  }
0x107: {  	v40 =	vld [tilespmem:s16+$0x40A0]  }
0x108: {  	v41 =	vld [tilespmem:s16+$0x40B0]  }
0x109: {  	v42 =	vld [tilespmem:s16+$0x40C0]  }
0x10a: {  	v43 =	vld [tilespmem:s16+$0x40D0]  }
0x10b: {  	v44 =	vld [tilespmem:s16+$0x40E0]  }
0x10c: {  	v45 =	vld [tilespmem:s16+$0x40F0]  }
0x10d: {  	v46 =	vld [tilespmem:s16+$0x5080]  }
0x10e: {  	v47 =	vld [tilespmem:s16+$0x5090]  }
0x10f: {  	v48 =	vld [tilespmem:s16+$0x50A0]  }
0x110: {  	v49 =	vld [tilespmem:s16+$0x50B0]  }
0x111: {  	v50 =	vld [tilespmem:s16+$0x50C0]  }
0x112: {  	v51 =	vld [tilespmem:s16+$0x50D0]  }
0x113: {  	v52 =	vld [tilespmem:s16+$0x50E0]  }
0x114: {  	v53 =	vld [tilespmem:s16+$0x50F0]  }
0x115: {  	v54 =	vld [tilespmem:s16+$0x6080]  }
0x116: {  	v55 =	vld [tilespmem:s16+$0x6090]  }
0x117: {  	v56 =	vld [tilespmem:s16+$0x60A0]  }
0x118: {  	[tilespmem:$0x1FFB0] =	vst v37;
	v37 =	vld [tilespmem:s16+$0x70A0]  }
0x119: {  	v57 =	vld [tilespmem:s16+$0x60B0]  }
0x11a: {  	v58 =	vld [tilespmem:s16+$0x60C0]  }
0x11b: {  	v59 =	vld [tilespmem:s16+$0x60D0]  }
0x11c: {  	v60 =	vld [tilespmem:s16+$0x60E0]  }
0x11d: {  	[tilespmem:$0x1FF80] =	vst v37;
	v37 =	vld [tilespmem:s16+$0x70B0]  }
0x11e: {  	v61 =	vld [tilespmem:s16+$0x60F0]  }
0x11f: {  	v62 =	vld [tilespmem:s16+$0x7080]  }
0x120: {  	v63 =	vld [tilespmem:s16+$0x7090]  }
0x121: {  	v31 =	vadd.f32 v38, v31;
	v38 =	vld [tilespmem:s16+$0x70D0]  }
0x122: {  	v29 =	vadd.f32 v39, v29;
	v39 =	vld [tilespmem:s16+$0x70E0];
	[tilespmem:$0x1FF90] =	vst v37  }
0x123: {  	v30 =	vadd.f32 v40, v30;
	v37 =	vld [tilespmem:s16+$0x70C0];
	[tilespmem:$0x10200] =	vst v31  }
0x124: {  	v27 =	vadd.f32 v41, v27;
	[tilespmem:$0x10210] =	vst v29  }
0x125: {  	v28 =	vadd.f32 v42, v28;
	[tilespmem:$0x10220] =	vst v30  }
0x126: {  	v25 =	vadd.f32 v43, v25;
	[tilespmem:$0x10230] =	vst v27  }
0x127: {  	v26 =	vadd.f32 v44, v26;
	[tilespmem:$0x10240] =	vst v28  }
0x128: {  	v23 =	vadd.f32 v45, v23;
	[tilespmem:$0x10250] =	vst v25  }
0x129: {  	v24 =	vadd.f32 v46, v24;
	[tilespmem:$0x10260] =	vst v26  }
0x12a: {  	v21 =	vadd.f32 v47, v21;
	[tilespmem:$0x10270] =	vst v23  }
0x12b: {  	v22 =	vadd.f32 v48, v22;
	[tilespmem:$0x10280] =	vst v24  }
0x12c: {  	v19 =	vadd.f32 v49, v19;
	[tilespmem:$0x10290] =	vst v21  }
0x12d: {  	v20 =	vadd.f32 v50, v20;
	[tilespmem:$0x102A0] =	vst v22  }
0x12e: {  	v17 =	vadd.f32 v51, v17;
	[tilespmem:$0x102B0] =	vst v19  }
0x12f: {  	v18 =	vadd.f32 v52, v18;
	[tilespmem:$0x102C0] =	vst v20  }
0x130: {  	v15 =	vadd.f32 v53, v15;
	[tilespmem:$0x102D0] =	vst v17  }
0x131: {  	v16 =	vadd.f32 v54, v16;
	[tilespmem:$0x102E0] =	vst v18  }
0x132: {  	v13 =	vadd.f32 v55, v13;
	[tilespmem:$0x102F0] =	vst v15  }
0x133: {  	v14 =	vadd.f32 v56, v14;
	[tilespmem:$0x10300] =	vst v16  }
0x134: {  	v11 =	vadd.f32 v57, v11;
	[tilespmem:$0x10310] =	vst v13  }
0x135: {  	v12 =	vadd.f32 v58, v12;
	[tilespmem:$0x10320] =	vst v14  }
0x136: {  	v9 =	vadd.f32 v59, v9;
	[tilespmem:$0x10330] =	vst v11  }
0x137: {  	v10 =	vadd.f32 v60, v10;
	[tilespmem:$0x10340] =	vst v12  }
0x138: {  	v8 =	vadd.f32 v61, v8;
	[tilespmem:$0x10350] =	vst v9  }
0x139: {  	[tilespmem:$0x10360] =	vst v10;
	v60 =	vld [tilespmem:$0x1FF90]  }
0x13a: {  	v4 =	vadd.f32 v35, v4;
	v6 =	vadd.f32 v62, v6;
	v59 =	vld [tilespmem:$0x1FF80];
	[tilespmem:$0x10370] =	vst v8  }
0x13b: {  	v0 =	vadd.f32 v36, v0;
	v7 =	vadd.f32 v63, v7;
	v63 =	vld [tilespmem:$0x1FFB0];
	[tilespmem:$0x1FFA0] =	vst v37  }
0x13c: {  	v2 =	vadd.f32 v33, v2;
	v62 =	vadd.f32 v38, v4;
	[tilespmem:$0x10380] =	vst v6;
	v61 =	vld [tilespmem:$0x1FFA0]  }
0x13d: {  	v1 =	vadd.f32 v32, v1;
	v0 =	vadd.f32 v39, v0;
	[tilespmem:$0x10390] =	vst v7  }
0x13e: {  	[tilespmem:$0x103D0] =	vst v62;
	v2 =	vadd.f32 v60, v2  }
0x13f: {  	v3 =	vadd.f32 v34, v3;
	[tilespmem:$0x103E0] =	vst v0;
	v1 =	vadd.f32 v59, v1  }
0x140: {  	[tilespmem:$0x103B0] =	vst v2;
	v2 =	vadd.f32 v63, v5  }
0x141: {  	[tilespmem:$0x103A0] =	vst v1;
	v3 =	vadd.f32 v61, v3  }
0x142: {  	s31 =	sshll.u32 s14, $0xD;
	[tilespmem:$0x103F0] =	vst v2  }
0x143: {  	s16 =	sadd.s32 s31, s6;
	[tilespmem:$0x103C0] =	vst v3  }
0x144: {  	[hbm4b:s16+s2] =	stream.linear.scatter [tilespmem:s10], [sflag:$0x3], $0x400, $0x38;
	[tilespmem:$0x10400] =	vst v63  }
0x145: {  	s16 =	sadd.s32 $0x2, s15  }
0x146: {  	_ =	swait.ge [sflag:s11], $0x400;
	p0 =	sge.u32 s16, s3  }
0x147: {  	[sflag:s11] =	ssyncset.done $0x0;
	s16 =	sshll.u32 @!p0 s16, $0x11  }
0x148: {  	s17 =	simm.s32 @!p0 $0x0;
	[sflag:s11] =	ssyncadd.s32 $0xFFFFFC00;
	s16 =	sadd.s32 @!p0 s16, s4  }
0x149: {  	[tilespmem:s17], [sflag:$0x1] =	stream.linear.gather @!p0 [hbm4b:s16+s17], $0x8000, $0x38;
	[tilespmem:$0x10400] =	vst v63  }
.LBB2_8:
0x14a: {  	s16 =	sor.u32 $0x1, s15  }
0x14b: {  	p0 =	sge.u32 s16, s3  }
.Ltmp7:
0x14c: {  	_ = 	snop;
	(pc) =	sbr.rel @p0 .LBB2_14-.Ltmp7, $1  }
0x14d: {  	_ =	sdelay $0x3  }
0x14e: {  	_ =	swait.ge [sflag:s12], $0x8000  }
0x14f: {  	[sflag:s12] =	ssyncset.done $0x0  }
0x150: {  	[sflag:s12] =	ssyncadd.s32 $0xFFFF8000  }
0x151: {  	v6 =	vld [tilespmem:$0x8000]  }
0x152: {  	v7 =	vld [tilespmem:$0x8010]  }
0x153: {  	v8 =	vld [tilespmem:$0x8020]  }
0x154: {  	v9 =	vld [tilespmem:$0x8030]  }
0x155: {  	v10 =	vld [tilespmem:$0x8040]  }
0x156: {  	v11 =	vld [tilespmem:$0x8050]  }
0x157: {  	v12 =	vld [tilespmem:$0x8060]  }
0x158: {  	v13 =	vld [tilespmem:$0x8070]  }
0x159: {  	v14 =	vld [tilespmem:$0x9000]  }
0x15a: {  	v15 =	vld [tilespmem:$0x9010]  }
0x15b: {  	v16 =	vld [tilespmem:$0x9020]  }
0x15c: {  	v17 =	vld [tilespmem:$0x9030]  }
0x15d: {  	v18 =	vld [tilespmem:$0x9040]  }
0x15e: {  	v32 =	vld [tilespmem:$0x9050]  }
0x15f: {  	v33 =	vld [tilespmem:$0x9060]  }
0x160: {  	v34 =	vld [tilespmem:$0x9070]  }
0x161: {  	v35 =	vld [tilespmem:$0xA000]  }
0x162: {  	v36 =	vld [tilespmem:$0xA010]  }
0x163: {  	v37 =	vld [tilespmem:$0xA020]  }
0x164: {  	v38 =	vld [tilespmem:$0xA030]  }
0x165: {  	v39 =	vld [tilespmem:$0xA040]  }
0x166: {  	v40 =	vld [tilespmem:$0xA050]  }
0x167: {  	v41 =	vld [tilespmem:$0xA060]  }
0x168: {  	v42 =	vld [tilespmem:$0xA070]  }
0x169: {  	v43 =	vld [tilespmem:$0xB000]  }
0x16a: {  	v44 =	vld [tilespmem:$0xB010]  }
0x16b: {  	v5 =	vld [tilespmem:$0xB020]  }
0x16c: {  	v3 =	vld [tilespmem:$0xB030]  }
0x16d: {  	v2 =	vld [tilespmem:$0xB040]  }
0x16e: {  	v1 =	vld [tilespmem:$0xB050]  }
0x16f: {  	v0 =	vld [tilespmem:$0xB060]  }
0x170: {  	s19 =	simm.s32 $0x0;
	v4 =	vld [tilespmem:$0xB070]  }
0x171: {  	v19 =	vld [tilespmem:s19+$0xB0F0]  }
0x172: {  	v20 =	vld [tilespmem:s19+$0x8080]  }
0x173: {  	v21 =	vld [tilespmem:s19+$0x8090]  }
0x174: {  	v22 =	vld [tilespmem:s19+$0x80A0]  }
0x175: {  	v23 =	vld [tilespmem:s19+$0x80B0]  }
0x176: {  	v24 =	vld [tilespmem:s19+$0x80C0]  }
0x177: {  	v25 =	vld [tilespmem:s19+$0x80D0]  }
0x178: {  	v45 =	vld [tilespmem:s19+$0x80E0]  }
0x179: {  	v46 =	vld [tilespmem:s19+$0x80F0]  }
0x17a: {  	v47 =	vld [tilespmem:s19+$0x9080]  }
0x17b: {  	v48 =	vld [tilespmem:s19+$0x9090]  }
0x17c: {  	v49 =	vld [tilespmem:s19+$0x90A0]  }
0x17d: {  	v50 =	vld [tilespmem:s19+$0x90B0]  }
0x17e: {  	v51 =	vld [tilespmem:s19+$0x90C0]  }
0x17f: {  	v52 =	vld [tilespmem:s19+$0x90D0]  }
0x180: {  	v53 =	vld [tilespmem:s19+$0x90E0]  }
0x181: {  	v54 =	vld [tilespmem:s19+$0x90F0]  }
0x182: {  	v55 =	vld [tilespmem:s19+$0xA080]  }
0x183: {  	v56 =	vld [tilespmem:s19+$0xA090];
	v4 =	vadd.f32 v19, v4  }
0x184: {  	v60 =	vld [tilespmem:s19+$0xA0E0];
	v31 =	vadd.f32 v20, v6;
	v29 =	vadd.f32 v21, v7  }
0x185: {  	v61 =	vld [tilespmem:s19+$0xA0F0];
	v30 =	vadd.f32 v22, v8;
	v28 =	vadd.f32 v23, v9  }
0x186: {  	v6 =	vld [tilespmem:s19+$0xA0A0];
	v27 =	vadd.f32 v24, v10;
	v26 =	vadd.f32 v25, v11  }
0x187: {  	v7 =	vld [tilespmem:s19+$0xA0B0];
	v25 =	vadd.f32 v45, v12;
	v24 =	vadd.f32 v46, v13  }
0x188: {  	v8 =	vld [tilespmem:s19+$0xA0C0];
	v23 =	vadd.f32 v47, v14;
	v22 =	vadd.f32 v48, v15  }
0x189: {  	v9 =	vld [tilespmem:s19+$0xA0D0];
	v21 =	vadd.f32 v49, v16;
	v20 =	vadd.f32 v50, v17  }
0x18a: {  	v62 =	vld [tilespmem:s19+$0xB080];
	v19 =	vadd.f32 v51, v18;
	v18 =	vadd.f32 v52, v32  }
0x18b: {  	v63 =	vld [tilespmem:s19+$0xB090];
	v17 =	vadd.f32 v53, v33;
	v16 =	vadd.f32 v54, v34  }
0x18c: {  	v15 =	vadd.f32 v55, v35;
	v14 =	vadd.f32 v56, v36;
	v36 =	vld [tilespmem:s19+$0xB0A0]  }
0x18d: {  	v35 =	vld [tilespmem:s19+$0xB0B0];
	v13 =	vadd.f32 v6, v37;
	v12 =	vadd.f32 v7, v38  }
0x18e: {  	v33 =	vld [tilespmem:s19+$0xB0C0];
	v11 =	vadd.f32 v8, v39;
	v10 =	vadd.f32 v9, v40  }
0x18f: {  	v32 =	vld [tilespmem:s19+$0xB0D0];
	v9 =	vadd.f32 v60, v41;
	v8 =	vadd.f32 v61, v42  }
0x190: {  	s17 =	simm.s32 $0x80;
	s18 =	simm.s32 $0x400;
	v34 =	vld [tilespmem:s19+$0xB0E0];
	v7 =	vadd.f32 v62, v43;
	v6 =	vadd.f32 v63, v44  }
.LBB2_10:
0x191: {  	p0 =	sne.s32 s18, $0x3C00;
	v37 =	vld [tilespmem:s17+$0xB0F0];
	v5 =	vadd.f32 v36, v5  }
0x192: {  	v36 =	vld [tilespmem:s17+$0x8080];
	v3 =	vadd.f32 v35, v3  }
0x193: {  	v35 =	vld [tilespmem:s17+$0x8090];
	v2 =	vadd.f32 v33, v2  }
0x194: {  	v33 =	vld [tilespmem:s17+$0x80A0];
	v1 =	vadd.f32 v32, v1  }
0x195: {  	v32 =	vld [tilespmem:s17+$0x80B0];
	v0 =	vadd.f32 v34, v0  }
0x196: {  	v34 =	vld [tilespmem:s17+$0x80C0];
	v4 =	vadd.f32 v37, v4  }
0x197: {  	v31 =	vadd.f32 v36, v31;
	v36 =	vld [tilespmem:s17+$0x80D0]  }
0x198: {  	v29 =	vadd.f32 v35, v29;
	v35 =	vld [tilespmem:s17+$0x80E0]  }
0x199: {  	v30 =	vadd.f32 v33, v30;
	v33 =	vld [tilespmem:s17+$0x80F0]  }
0x19a: {  	v28 =	vadd.f32 v32, v28;
	v32 =	vld [tilespmem:s17+$0x9080]  }
0x19b: {  	v27 =	vadd.f32 v34, v27;
	v34 =	vld [tilespmem:s17+$0x9090]  }
0x19c: {  	v26 =	vadd.f32 v36, v26;
	v36 =	vld [tilespmem:s17+$0x90A0]  }
0x19d: {  	v25 =	vadd.f32 v35, v25;
	v35 =	vld [tilespmem:s17+$0x90B0]  }
0x19e: {  	v24 =	vadd.f32 v33, v24;
	v33 =	vld [tilespmem:s17+$0x90C0]  }
0x19f: {  	v23 =	vadd.f32 v32, v23;
	v32 =	vld [tilespmem:s17+$0x90D0]  }
0x1a0: {  	v22 =	vadd.f32 v34, v22;
	v34 =	vld [tilespmem:s17+$0x90E0]  }
0x1a1: {  	v21 =	vadd.f32 v36, v21;
	v36 =	vld [tilespmem:s17+$0x90F0]  }
0x1a2: {  	v20 =	vadd.f32 v35, v20;
	v35 =	vld [tilespmem:s17+$0xA080]  }
0x1a3: {  	v19 =	vadd.f32 v33, v19;
	v33 =	vld [tilespmem:s17+$0xA090]  }
0x1a4: {  	v18 =	vadd.f32 v32, v18;
	v32 =	vld [tilespmem:s17+$0xA0A0]  }
0x1a5: {  	v17 =	vadd.f32 v34, v17;
	v34 =	vld [tilespmem:s17+$0xA0B0]  }
0x1a6: {  	v16 =	vadd.f32 v36, v16;
	v36 =	vld [tilespmem:s17+$0xA0C0]  }
0x1a7: {  	v15 =	vadd.f32 v35, v15;
	v35 =	vld [tilespmem:s17+$0xA0D0]  }
0x1a8: {  	v14 =	vadd.f32 v33, v14;
	v33 =	vld [tilespmem:s17+$0xA0E0]  }
0x1a9: {  	v13 =	vadd.f32 v32, v13;
	v32 =	vld [tilespmem:s17+$0xA0F0]  }
0x1aa: {  	v12 =	vadd.f32 v34, v12;
	v34 =	vld [tilespmem:s17+$0xB080]  }
0x1ab: {  	v11 =	vadd.f32 v36, v11;
	v37 =	vld [tilespmem:s17+$0xB090]  }
.Ltmp8:
0x1ac: {  	v10 =	vadd.f32 v35, v10;
	v36 =	vld [tilespmem:s17+$0xB0A0];
	(pc) =	sbr.rel @p0 .LBB2_10-.Ltmp8, $4  }
0x1ad: {  	v9 =	vadd.f32 v33, v9;
	v35 =	vld [tilespmem:s17+$0xB0B0]  }
0x1ae: {  	v8 =	vadd.f32 v32, v8;
	v33 =	vld [tilespmem:s17+$0xB0C0]  }
0x1af: {  	v7 =	vadd.f32 v34, v7;
	v32 =	vld [tilespmem:s17+$0xB0D0]  }
0x1b0: {  	v6 =	vadd.f32 v37, v6;
	v34 =	vld [tilespmem:s17+$0xB0E0];
	s17 =	sshra.s32 s18, $0x2;
	s18 =	sadd.s32 $0x200, s18  }
0x1b1: {  	v37 =	vld [tilespmem:s17+$0xB0F0]  }
0x1b2: {  	v38 =	vld [tilespmem:s17+$0x8080]  }
0x1b3: {  	v39 =	vld [tilespmem:s17+$0x8090]  }
0x1b4: {  	v40 =	vld [tilespmem:s17+$0x80A0]  }
0x1b5: {  	v41 =	vld [tilespmem:s17+$0x80B0]  }
0x1b6: {  	v42 =	vld [tilespmem:s17+$0x80C0]  }
0x1b7: {  	v43 =	vld [tilespmem:s17+$0x80D0]  }
0x1b8: {  	v44 =	vld [tilespmem:s17+$0x80E0]  }
0x1b9: {  	v45 =	vld [tilespmem:s17+$0x80F0]  }
0x1ba: {  	v46 =	vld [tilespmem:s17+$0x9080]  }
0x1bb: {  	v47 =	vld [tilespmem:s17+$0x9090]  }
0x1bc: {  	v48 =	vld [tilespmem:s17+$0x90A0]  }
0x1bd: {  	v49 =	vld [tilespmem:s17+$0x90B0]  }
0x1be: {  	v50 =	vld [tilespmem:s17+$0x90C0]  }
0x1bf: {  	v51 =	vld [tilespmem:s17+$0x90D0]  }
0x1c0: {  	v52 =	vld [tilespmem:s17+$0x90E0]  }
0x1c1: {  	v53 =	vld [tilespmem:s17+$0x90F0]  }
0x1c2: {  	v54 =	vld [tilespmem:s17+$0xA080]  }
0x1c3: {  	v55 =	vld [tilespmem:s17+$0xA090]  }
0x1c4: {  	v56 =	vld [tilespmem:s17+$0xA0A0]  }
0x1c5: {  	v57 =	vld [tilespmem:s17+$0xA0B0]  }
0x1c6: {  	v58 =	vld [tilespmem:s17+$0xA0C0]  }
0x1c7: {  	v59 =	vld [tilespmem:s17+$0xA0D0]  }
0x1c8: {  	v60 =	vld [tilespmem:s17+$0xA0E0]  }
0x1c9: {  	[tilespmem:$0x1FF70] =	vst v37;
	v37 =	vld [tilespmem:s17+$0xB0A0]  }
0x1ca: {  	v61 =	vld [tilespmem:s17+$0xA0F0]  }
0x1cb: {  	v62 =	vld [tilespmem:s17+$0xB080]  }
0x1cc: {  	v63 =	vld [tilespmem:s17+$0xB090]  }
0x1cd: {  	v5 =	vadd.f32 v36, v5;
	v36 =	vld [tilespmem:$0xE060]  }
0x1ce: {  	[tilespmem:$0x1FF40] =	vst v37;
	v37 =	vld [tilespmem:s17+$0xB0B0]  }
0x1cf: {  	v31 =	vadd.f32 v38, v31;
	v38 =	vld [tilespmem:s17+$0xB0D0]  }
0x1d0: {  	v29 =	vadd.f32 v39, v29;
	v39 =	vld [tilespmem:s17+$0xB0E0]  }
0x1d1: {  	v30 =	vadd.f32 v40, v30;
	v40 =	vld [tilespmem:$0xC040]  }
0x1d2: {  	v28 =	vadd.f32 v41, v28;
	v41 =	vld [tilespmem:$0xC060]  }
0x1d3: {  	v27 =	vadd.f32 v42, v27;
	v42 =	vld [tilespmem:$0xD000];
	[tilespmem:$0x1FF50] =	vst v37  }
0x1d4: {  	v37 =	vld [tilespmem:s17+$0xB0C0];
	[tilespmem:$0x10000] =	vst v31  }
0x1d5: {  	v26 =	vadd.f32 v43, v26;
	v43 =	vld [tilespmem:$0xD020];
	[tilespmem:$0x10010] =	vst v29  }
0x1d6: {  	v25 =	vadd.f32 v44, v25;
	v44 =	vld [tilespmem:$0xD040];
	[tilespmem:$0x10020] =	vst v30  }
0x1d7: {  	v24 =	vadd.f32 v45, v24;
	v45 =	vld [tilespmem:$0xD060];
	[tilespmem:$0x10030] =	vst v28  }
0x1d8: {  	v23 =	vadd.f32 v46, v23;
	v46 =	vld [tilespmem:$0xE000];
	[tilespmem:$0x10040] =	vst v27  }
0x1d9: {  	v22 =	vadd.f32 v47, v22;
	v47 =	vld [tilespmem:$0xE020];
	[tilespmem:$0x10050] =	vst v26  }
0x1da: {  	v21 =	vadd.f32 v48, v21;
	v9 =	vadd.f32 v60, v9;
	v48 =	vld [tilespmem:$0xE040];
	[tilespmem:$0x10060] =	vst v25  }
0x1db: {  	v31 =	vld [tilespmem:$0xC000];
	[tilespmem:$0x10070] =	vst v24  }
0x1dc: {  	[tilespmem:$0x10160] =	vst v9;
	v9 =	vld [tilespmem:$0x1FF40]  }
0x1dd: {  	v29 =	vld [tilespmem:$0xC010];
	[tilespmem:$0x10080] =	vst v23  }
0x1de: {  	v20 =	vadd.f32 v49, v20;
	v30 =	vld [tilespmem:$0xC020];
	[tilespmem:$0x10090] =	vst v22  }
0x1df: {  	v19 =	vadd.f32 v50, v19;
	v28 =	vld [tilespmem:$0xC030];
	[tilespmem:$0x100A0] =	vst v21  }
0x1e0: {  	v18 =	vadd.f32 v51, v18;
	v17 =	vadd.f32 v52, v17;
	v26 =	vld [tilespmem:$0xC050];
	[tilespmem:$0x100B0] =	vst v20  }
0x1e1: {  	[tilespmem:$0x100C0] =	vst v19;
	v5 =	vadd.f32 v9, v5;
	v9 =	vadd.f32 v32, v1;
	v1 =	vld [tilespmem:$0x1FF50]  }
0x1e2: {  	v16 =	vadd.f32 v53, v16;
	v24 =	vld [tilespmem:$0xC070];
	[tilespmem:$0x100D0] =	vst v18  }
0x1e3: {  	v22 =	vld [tilespmem:$0xD010];
	[tilespmem:$0x100E0] =	vst v17  }
0x1e4: {  	v3 =	vadd.f32 v35, v3;
	v14 =	vadd.f32 v55, v14;
	v20 =	vld [tilespmem:$0xD030];
	[tilespmem:$0x100F0] =	vst v16  }
0x1e5: {  	v12 =	vadd.f32 v57, v12;
	v18 =	vld [tilespmem:$0xD050];
	[tilespmem:$0x1FF60] =	vst v37  }
0x1e6: {  	v10 =	vadd.f32 v59, v10;
	[tilespmem:$0x10110] =	vst v14;
	v3 =	vadd.f32 v1, v3;
	v1 =	vld [tilespmem:$0x1FF60]  }
0x1e7: {  	v8 =	vadd.f32 v61, v8;
	v16 =	vld [tilespmem:$0xD070];
	[tilespmem:$0x10130] =	vst v12  }
0x1e8: {  	v0 =	vadd.f32 v34, v0;
	v7 =	vadd.f32 v62, v7;
	v14 =	vld [tilespmem:$0xE010];
	[tilespmem:$0x10150] =	vst v10  }
0x1e9: {  	v2 =	vadd.f32 v33, v2;
	v6 =	vadd.f32 v63, v6;
	v12 =	vld [tilespmem:$0xE030];
	[tilespmem:$0x10170] =	vst v8  }
0x1ea: {  	v0 =	vadd.f32 v39, v0;
	v10 =	vld [tilespmem:$0xE050];
	[tilespmem:$0x10180] =	vst v7  }
0x1eb: {  	v8 =	vld [tilespmem:$0xE070];
	[tilespmem:$0x10190] =	vst v6;
	v6 =	vadd.f32 v1, v2  }
0x1ec: {  	v7 =	vld [tilespmem:$0xF000];
	[tilespmem:$0x101E0] =	vst v0  }
0x1ed: {  	v15 =	vadd.f32 v54, v15;
	[tilespmem:$0x101C0] =	vst v6;
	v6 =	vld [tilespmem:$0x1FF70]  }
0x1ee: {  	v0 =	vld [tilespmem:$0xF060];
	[tilespmem:$0x101A0] =	vst v5;
	v5 =	vadd.f32 v38, v9  }
0x1ef: {  	[tilespmem:$0x10100] =	vst v15;
	v37 =	vld [tilespmem:$0xF010]  }
0x1f0: {  	v13 =	vadd.f32 v56, v13;
	[tilespmem:$0x101D0] =	vst v5;
	v5 =	vld [tilespmem:$0xF070]  }
0x1f1: {  	v11 =	vadd.f32 v58, v11;
	[tilespmem:$0x101B0] =	vst v3;
	v3 =	vld [tilespmem:$0xF040]  }
0x1f2: {  	[tilespmem:$0x10120] =	vst v13;
	v1 =	vld [tilespmem:$0xF020];
	v6 =	vadd.f32 v6, v4  }
0x1f3: {  	[tilespmem:$0x10140] =	vst v11;
	v2 =	vld [tilespmem:$0xF030]  }
0x1f4: {  	s19 =	simm.s32 $0x0;
	v4 =	vld [tilespmem:$0xF050];
	[tilespmem:$0x101F0] =	vst v6  }
0x1f5: {  	v6 =	vld [tilespmem:s19+$0xF0F0]  }
0x1f6: {  	v9 =	vld [tilespmem:s19+$0xC080]  }
0x1f7: {  	v11 =	vld [tilespmem:s19+$0xC090]  }
0x1f8: {  	v13 =	vld [tilespmem:s19+$0xC0A0]  }
0x1f9: {  	v15 =	vld [tilespmem:s19+$0xC0B0]  }
0x1fa: {  	v17 =	vld [tilespmem:s19+$0xC0C0]  }
0x1fb: {  	v19 =	vld [tilespmem:s19+$0xC0D0]  }
0x1fc: {  	v21 =	vld [tilespmem:s19+$0xC0E0]  }
0x1fd: {  	v23 =	vld [tilespmem:s19+$0xC0F0]  }
0x1fe: {  	v32 =	vld [tilespmem:s19+$0xD080]  }
0x1ff: {  	v60 =	vld [tilespmem:s19+$0xD090]  }
0x200: {  	v61 =	vld [tilespmem:s19+$0xD0A0]  }
0x201: {  	v62 =	vld [tilespmem:s19+$0xD0B0]  }
0x202: {  	v63 =	vld [tilespmem:s19+$0xD0C0]  }
0x203: {  	v54 =	vld [tilespmem:s19+$0xD0D0]  }
0x204: {  	v55 =	vld [tilespmem:s19+$0xD0E0]  }
0x205: {  	v56 =	vld [tilespmem:s19+$0xD0F0]  }
0x206: {  	v57 =	vld [tilespmem:s19+$0xE080]  }
0x207: {  	v58 =	vld [tilespmem:s19+$0xE0C0];
	v5 =	vadd.f32 v6, v5  }
0x208: {  	v59 =	vld [tilespmem:s19+$0xE0D0];
	v31 =	vadd.f32 v9, v31;
	v29 =	vadd.f32 v11, v29  }
0x209: {  	v6 =	vld [tilespmem:s19+$0xE090];
	v30 =	vadd.f32 v13, v30;
	v27 =	vadd.f32 v15, v28  }
0x20a: {  	v9 =	vld [tilespmem:s19+$0xE0A0];
	v28 =	vadd.f32 v17, v40;
	v25 =	vadd.f32 v19, v26  }
0x20b: {  	v11 =	vld [tilespmem:s19+$0xE0B0];
	v26 =	vadd.f32 v21, v41;
	v23 =	vadd.f32 v23, v24  }
0x20c: {  	v24 =	vadd.f32 v32, v42;
	v21 =	vadd.f32 v60, v22;
	v60 =	vld [tilespmem:s19+$0xE0E0]  }
0x20d: {  	v22 =	vadd.f32 v61, v43;
	v19 =	vadd.f32 v62, v20;
	v61 =	vld [tilespmem:s19+$0xE0F0]  }
0x20e: {  	v20 =	vadd.f32 v63, v44;
	v17 =	vadd.f32 v54, v18;
	v62 =	vld [tilespmem:s19+$0xF080]  }
0x20f: {  	v18 =	vadd.f32 v55, v45;
	v15 =	vadd.f32 v56, v16;
	v63 =	vld [tilespmem:s19+$0xF090]  }
0x210: {  	v16 =	vadd.f32 v57, v46;
	v32 =	vld [tilespmem:s19+$0xF0A0];
	v13 =	vadd.f32 v6, v14  }
0x211: {  	v33 =	vld [tilespmem:s19+$0xF0B0];
	v14 =	vadd.f32 v9, v47;
	v11 =	vadd.f32 v11, v12  }
0x212: {  	v34 =	vld [tilespmem:s19+$0xF0C0];
	v12 =	vadd.f32 v58, v48;
	v9 =	vadd.f32 v59, v10  }
0x213: {  	v35 =	vld [tilespmem:s19+$0xF0D0];
	v10 =	vadd.f32 v60, v36;
	v8 =	vadd.f32 v61, v8  }
0x214: {  	s18 =	simm.s32 $0x400;
	s17 =	simm.s32 $0x80;
	v6 =	vadd.f32 v62, v7;
	v7 =	vadd.f32 v63, v37;
	v36 =	vld [tilespmem:s19+$0xF0E0]  }
.LBB2_12:
0x215: {  	p0 =	sne.s32 s18, $0x3C00;
	v37 =	vld [tilespmem:s17+$0xF0F0];
	v1 =	vadd.f32 v32, v1  }
0x216: {  	v32 =	vld [tilespmem:s17+$0xC080];
	v2 =	vadd.f32 v33, v2  }
0x217: {  	v33 =	vld [tilespmem:s17+$0xC090];
	v3 =	vadd.f32 v34, v3  }
0x218: {  	v34 =	vld [tilespmem:s17+$0xC0A0];
	v4 =	vadd.f32 v35, v4  }
0x219: {  	v35 =	vld [tilespmem:s17+$0xC0B0];
	v0 =	vadd.f32 v36, v0  }
0x21a: {  	v36 =	vld [tilespmem:s17+$0xC0C0];
	v5 =	vadd.f32 v37, v5  }
0x21b: {  	v31 =	vadd.f32 v32, v31;
	v32 =	vld [tilespmem:s17+$0xC0D0]  }
0x21c: {  	v29 =	vadd.f32 v33, v29;
	v33 =	vld [tilespmem:s17+$0xC0E0]  }
0x21d: {  	v30 =	vadd.f32 v34, v30;
	v34 =	vld [tilespmem:s17+$0xC0F0]  }
0x21e: {  	v27 =	vadd.f32 v35, v27;
	v35 =	vld [tilespmem:s17+$0xD080]  }
0x21f: {  	v28 =	vadd.f32 v36, v28;
	v36 =	vld [tilespmem:s17+$0xD090]  }
0x220: {  	v25 =	vadd.f32 v32, v25;
	v32 =	vld [tilespmem:s17+$0xD0A0]  }
0x221: {  	v26 =	vadd.f32 v33, v26;
	v33 =	vld [tilespmem:s17+$0xD0B0]  }
0x222: {  	v23 =	vadd.f32 v34, v23;
	v34 =	vld [tilespmem:s17+$0xD0C0]  }
0x223: {  	v24 =	vadd.f32 v35, v24;
	v35 =	vld [tilespmem:s17+$0xD0D0]  }
0x224: {  	v21 =	vadd.f32 v36, v21;
	v36 =	vld [tilespmem:s17+$0xD0E0]  }
0x225: {  	v22 =	vadd.f32 v32, v22;
	v32 =	vld [tilespmem:s17+$0xD0F0]  }
0x226: {  	v19 =	vadd.f32 v33, v19;
	v33 =	vld [tilespmem:s17+$0xE080]  }
0x227: {  	v20 =	vadd.f32 v34, v20;
	v34 =	vld [tilespmem:s17+$0xE090]  }
0x228: {  	v17 =	vadd.f32 v35, v17;
	v35 =	vld [tilespmem:s17+$0xE0A0]  }
0x229: {  	v18 =	vadd.f32 v36, v18;
	v36 =	vld [tilespmem:s17+$0xE0B0]  }
0x22a: {  	v15 =	vadd.f32 v32, v15;
	v32 =	vld [tilespmem:s17+$0xE0C0]  }
0x22b: {  	v16 =	vadd.f32 v33, v16;
	v33 =	vld [tilespmem:s17+$0xE0D0]  }
0x22c: {  	v13 =	vadd.f32 v34, v13;
	v34 =	vld [tilespmem:s17+$0xE0E0]  }
0x22d: {  	v14 =	vadd.f32 v35, v14;
	v35 =	vld [tilespmem:s17+$0xE0F0]  }
0x22e: {  	v11 =	vadd.f32 v36, v11;
	v36 =	vld [tilespmem:s17+$0xF080]  }
0x22f: {  	v12 =	vadd.f32 v32, v12;
	v37 =	vld [tilespmem:s17+$0xF090]  }
.Ltmp9:
0x230: {  	v9 =	vadd.f32 v33, v9;
	v32 =	vld [tilespmem:s17+$0xF0A0];
	(pc) =	sbr.rel @p0 .LBB2_12-.Ltmp9, $4  }
0x231: {  	v10 =	vadd.f32 v34, v10;
	v33 =	vld [tilespmem:s17+$0xF0B0]  }
0x232: {  	v8 =	vadd.f32 v35, v8;
	v34 =	vld [tilespmem:s17+$0xF0C0]  }
0x233: {  	v6 =	vadd.f32 v36, v6;
	v35 =	vld [tilespmem:s17+$0xF0D0]  }
0x234: {  	v7 =	vadd.f32 v37, v7;
	v36 =	vld [tilespmem:s17+$0xF0E0];
	s17 =	sshra.s32 s18, $0x2;
	s18 =	sadd.s32 $0x200, s18  }
0x235: {  	v37 =	vld [tilespmem:s17+$0xF0F0]  }
0x236: {  	v38 =	vld [tilespmem:s17+$0xC080]  }
0x237: {  	v39 =	vld [tilespmem:s17+$0xC090]  }
0x238: {  	v40 =	vld [tilespmem:s17+$0xC0A0]  }
0x239: {  	v41 =	vld [tilespmem:s17+$0xC0B0]  }
0x23a: {  	v42 =	vld [tilespmem:s17+$0xC0C0]  }
0x23b: {  	v43 =	vld [tilespmem:s17+$0xC0D0]  }
0x23c: {  	v44 =	vld [tilespmem:s17+$0xC0E0]  }
0x23d: {  	v45 =	vld [tilespmem:s17+$0xC0F0]  }
0x23e: {  	v46 =	vld [tilespmem:s17+$0xD080]  }
0x23f: {  	v47 =	vld [tilespmem:s17+$0xD090]  }
0x240: {  	v48 =	vld [tilespmem:s17+$0xD0A0]  }
0x241: {  	v49 =	vld [tilespmem:s17+$0xD0B0]  }
0x242: {  	v50 =	vld [tilespmem:s17+$0xD0C0]  }
0x243: {  	v51 =	vld [tilespmem:s17+$0xD0D0]  }
0x244: {  	v52 =	vld [tilespmem:s17+$0xD0E0]  }
0x245: {  	v53 =	vld [tilespmem:s17+$0xD0F0]  }
0x246: {  	v54 =	vld [tilespmem:s17+$0xE080]  }
0x247: {  	v55 =	vld [tilespmem:s17+$0xE090]  }
0x248: {  	v56 =	vld [tilespmem:s17+$0xE0A0]  }
0x249: {  	[tilespmem:$0x1FF30] =	vst v37;
	v37 =	vld [tilespmem:s17+$0xF0A0]  }
0x24a: {  	v57 =	vld [tilespmem:s17+$0xE0B0]  }
0x24b: {  	v58 =	vld [tilespmem:s17+$0xE0C0]  }
0x24c: {  	v59 =	vld [tilespmem:s17+$0xE0D0]  }
0x24d: {  	v60 =	vld [tilespmem:s17+$0xE0E0]  }
0x24e: {  	[tilespmem:$0x1FF00] =	vst v37;
	v37 =	vld [tilespmem:s17+$0xF0B0]  }
0x24f: {  	v61 =	vld [tilespmem:s17+$0xE0F0]  }
0x250: {  	v62 =	vld [tilespmem:s17+$0xF080]  }
0x251: {  	v63 =	vld [tilespmem:s17+$0xF090]  }
0x252: {  	v31 =	vadd.f32 v38, v31;
	v38 =	vld [tilespmem:s17+$0xF0D0]  }
0x253: {  	v29 =	vadd.f32 v39, v29;
	v39 =	vld [tilespmem:s17+$0xF0E0];
	[tilespmem:$0x1FF10] =	vst v37  }
0x254: {  	v30 =	vadd.f32 v40, v30;
	v37 =	vld [tilespmem:s17+$0xF0C0];
	[tilespmem:$0x10200] =	vst v31  }
0x255: {  	v27 =	vadd.f32 v41, v27;
	[tilespmem:$0x10210] =	vst v29  }
0x256: {  	v28 =	vadd.f32 v42, v28;
	[tilespmem:$0x10220] =	vst v30  }
0x257: {  	v25 =	vadd.f32 v43, v25;
	[tilespmem:$0x10230] =	vst v27  }
0x258: {  	v26 =	vadd.f32 v44, v26;
	[tilespmem:$0x10240] =	vst v28  }
0x259: {  	v23 =	vadd.f32 v45, v23;
	[tilespmem:$0x10250] =	vst v25  }
0x25a: {  	v24 =	vadd.f32 v46, v24;
	[tilespmem:$0x10260] =	vst v26  }
0x25b: {  	v21 =	vadd.f32 v47, v21;
	[tilespmem:$0x10270] =	vst v23  }
0x25c: {  	v22 =	vadd.f32 v48, v22;
	[tilespmem:$0x10280] =	vst v24  }
0x25d: {  	v19 =	vadd.f32 v49, v19;
	[tilespmem:$0x10290] =	vst v21  }
0x25e: {  	v20 =	vadd.f32 v50, v20;
	[tilespmem:$0x102A0] =	vst v22  }
0x25f: {  	v17 =	vadd.f32 v51, v17;
	[tilespmem:$0x102B0] =	vst v19  }
0x260: {  	v18 =	vadd.f32 v52, v18;
	[tilespmem:$0x102C0] =	vst v20  }
0x261: {  	v15 =	vadd.f32 v53, v15;
	[tilespmem:$0x102D0] =	vst v17  }
0x262: {  	v16 =	vadd.f32 v54, v16;
	[tilespmem:$0x102E0] =	vst v18  }
0x263: {  	v13 =	vadd.f32 v55, v13;
	[tilespmem:$0x102F0] =	vst v15  }
0x264: {  	v14 =	vadd.f32 v56, v14;
	[tilespmem:$0x10300] =	vst v16  }
0x265: {  	v11 =	vadd.f32 v57, v11;
	[tilespmem:$0x10310] =	vst v13  }
0x266: {  	v12 =	vadd.f32 v58, v12;
	[tilespmem:$0x10320] =	vst v14  }
0x267: {  	v9 =	vadd.f32 v59, v9;
	[tilespmem:$0x10330] =	vst v11  }
0x268: {  	v10 =	vadd.f32 v60, v10;
	[tilespmem:$0x10340] =	vst v12  }
0x269: {  	v8 =	vadd.f32 v61, v8;
	[tilespmem:$0x10350] =	vst v9  }
0x26a: {  	[tilespmem:$0x10360] =	vst v10;
	v60 =	vld [tilespmem:$0x1FF10]  }
0x26b: {  	v4 =	vadd.f32 v35, v4;
	v6 =	vadd.f32 v62, v6;
	v59 =	vld [tilespmem:$0x1FF00];
	[tilespmem:$0x10370] =	vst v8  }
0x26c: {  	v0 =	vadd.f32 v36, v0;
	v7 =	vadd.f32 v63, v7;
	v63 =	vld [tilespmem:$0x1FF30];
	[tilespmem:$0x1FF20] =	vst v37  }
0x26d: {  	v2 =	vadd.f32 v33, v2;
	v62 =	vadd.f32 v38, v4;
	[tilespmem:$0x10380] =	vst v6;
	v61 =	vld [tilespmem:$0x1FF20]  }
0x26e: {  	v1 =	vadd.f32 v32, v1;
	v0 =	vadd.f32 v39, v0;
	[tilespmem:$0x10390] =	vst v7  }
0x26f: {  	[tilespmem:$0x103D0] =	vst v62;
	v2 =	vadd.f32 v60, v2  }
0x270: {  	v3 =	vadd.f32 v34, v3;
	[tilespmem:$0x103E0] =	vst v0;
	v1 =	vadd.f32 v59, v1  }
0x271: {  	[tilespmem:$0x103B0] =	vst v2;
	v2 =	vadd.f32 v63, v5  }
0x272: {  	[tilespmem:$0x103A0] =	vst v1;
	v3 =	vadd.f32 v61, v3  }
0x273: {  	s16 =	sshll.u32 s16, $0xC;
	[tilespmem:$0x103F0] =	vst v2  }
0x274: {  	s15 =	sadd.s32 $0x3, s15;
	s16 =	sadd.s32 s16, s6;
	[tilespmem:$0x103C0] =	vst v3  }
0x275: {  	[hbm4b:s16+s2] =	stream.linear.scatter [tilespmem:s10], [sflag:$0x3], $0x400, $0x38;
	[tilespmem:$0x10400] =	vst v63  }
.Ltmp10:
0x276: {  	p0 =	sge.u32 s15, s3;
	(pc) =	sbr.rel .LBB2_14-.Ltmp10, $4  }
0x277: {  	s15 =	sshll.u32 @!p0 s15, $0x11;
	_ =	swait.ge [sflag:s11], $0x400  }
0x278: {  	s15 =	sadd.s32 @!p0 s15, s4;
	[sflag:s11] =	ssyncset.done $0x0  }
0x279: {  	s17 =	simm.s32 @!p0 $0x8000;
	s16 =	simm.s32 @!p0 $0x0;
	[sflag:s11] =	ssyncadd.s32 $0xFFFFFC00  }
0x27a: {  	[tilespmem:s17], [sflag:$0x2] =	stream.linear.gather @!p0 [hbm4b:s15+s16], $0x8000, $0x38;
	[tilespmem:$0x10400] =	vst v63  }
.LBB2_16:
0x27b: {  	_ =	sfence.sel $0x180000  }
0x27c: {  	[bflag:$0x0] =	sbarrier.arrive $0xFFFF  }
0x27d: {  	p0 =	sne.s32 s0, $0x0;
	_ =	strace $0x90000047  }
0x27e: {  	s0 =	sadd.s32 @!p0 $0x100000, s1;
	[bflag:$0x2] =	sbarrier.arrive $0xFFFF  }
0x27f: {  	[sflag:s0] =	ssyncadd.tile.s32 @!p0 $0x1;
	_ =	shalt  }
.Lfunc_end2:
_tile_overlayer_lowered:
.L_overlay_start_2:
0x280: {  	(tag) =	ssettag $0x2  }
0x281: {  	s0 =	rddreg [dreg:$0x0];
	s2 =	stileid.u32  }
0x282: {  	s1 =	rddreg [dreg:$0x1];
	p0 =	sne.s32 s2, $0x0  }
0x283: {  	s3 =	rddreg [dreg:$0x2];
	[bflag:$0x3] =	sbarrier.arrive $0xFFFF;
	s2 =	simm.s32 @!p0 $0x1C03  }
0x284: {  	[timem:s3], [sflag:s2] =	dma.local @!p0 [hbm:s0], s1  }
0x285: {  	s0 =	simm.s32 @!p0 $0x3  }
0x286: {  	_ =	swait.ge @!p0 [sflag:s0], s1  }
0x287: {  	s1 =	ssub.s32 @!p0 $0x0, s1;
	[sflag:s0] =	ssyncset.done @!p0 $0x0  }
0x288: {  	[sflag:s0] =	ssyncadd.s32 @!p0 s1  }
0x289: {  	[bflag:$0x3] =	sbarrier.arrive $0xFFFF  }
0x28a: {  	_ =	shalt  }

</sc_bundles>
